<compile_context>
chip_gen: v7x
topology: tpu7x:2x2x1
jax: 0.10.2.dev20260603
libtpu: 0.0.44.dev20260713+nightly
codegen_flags: <defaults>
</compile_context>

<pallas_src>
import functools

import jax
import jax.numpy as jnp
from jax import lax
from jax.experimental import pallas as pl
from jax.experimental.pallas import tpu as pltpu
from jax.experimental.pallas import tpu_sc as plsc

GS = 7.0
CELL = 1.0 / 7.0
NCHUNK = 49
D = 30


def _sqrt(x):
    i = plsc.bitcast(x, jnp.int32)
    r = plsc.bitcast(jnp.int32(0x5F3759DF) - (i >> 1), jnp.float32)
    hx = 0.5 * x
    for _ in range(4):
        r = r * (1.5 - hx * r * r)
    return x * r


def _body(inp_hbm, box_hbm, lab_hbm, out_hbm, pred_v, boxes_v, lab_v,
          onx_v, ony_v, ow_v, oh_v, cellid_v, c2o_v, part_v, shared_v,
          all_v, out_v, sem_p, sem_b):
    cid = lax.axis_index("c")
    sid = lax.axis_index("s")
    iota = lax.iota(jnp.int32, 16)

    base_chunk = 3 * sid
    cps_pred = [
        pltpu.async_copy(
            inp_hbm.at[pl.ds(f * 784 + base_chunk * 16, 64)],
            pred_v.at[pl.ds(f * 64, 64)], sem_p)
        for f in range(D)
    ]
    cp_box = pltpu.async_copy(box_hbm, boxes_v, sem_b)
    cp_lab = pltpu.async_copy(lab_hbm, lab_v, sem_b)

    minus1 = jnp.full((16,), -1, jnp.int32)
    for r in range(4):
        plsc.store_scatter(c2o_v, [(base_chunk + r) * 16 + iota], minus1)
    cp_box.wait()
    cp_lab.wait()

    for ch in range(8):
        ids = ch * 16 + iota
        x1 = boxes_v[pl.ds(0 * 128 + ch * 16, 16)] / 448.0
        y1 = boxes_v[pl.ds(1 * 128 + ch * 16, 16)] / 448.0
        x2 = boxes_v[pl.ds(2 * 128 + ch * 16, 16)] / 448.0
        y2 = boxes_v[pl.ds(3 * 128 + ch * 16, 16)] / 448.0
        cx = (x1 + x2) * 0.5
        cy = (y1 + y2) * 0.5
        ux = cx / CELL
        uy = cy / CELL
        tx = ux.astype(jnp.int32).astype(jnp.float32)
        ty = uy.astype(jnp.int32).astype(jnp.float32)
        fij_x = tx + jnp.where(ux > tx, 1.0, 0.0) - 1.0
        fij_y = ty + jnp.where(uy > ty, 1.0, 0.0) - 1.0
        nx = (cx - fij_x * CELL) * GS
        ny = (cy - fij_y * CELL) * GS
        gi = fij_x.astype(jnp.int32)
        gj = fij_y.astype(jnp.int32)
        batch = ids >> 3
        cell = batch * 49 + gj * 7 + gi
        onx_v[pl.ds(ch * 16, 16)] = nx
        ony_v[pl.ds(ch * 16, 16)] = ny
        ow_v[pl.ds(ch * 16, 16)] = x2 - x1
        oh_v[pl.ds(ch * 16, 16)] = y2 - y1
        cellid_v[pl.ds(ch * 16, 16)] = cell

    for o in range(8):
        cells_o = plsc.load_gather(cellid_v, [iota * 8 + o])
        plsc.store_scatter(c2o_v, [cells_o], iota * 8 + o)

    for cp in cps_pred:
        cp.wait()
    acc_xywh = jnp.zeros((16,), jnp.float32)
    acc_obj = jnp.zeros((16,), jnp.float32)
    acc_noobj = jnp.zeros((16,), jnp.float32)
    acc_cls = jnp.zeros((16,), jnp.float32)
    for r in range(4):
        cells = (base_chunk + r) * 16 + iota
        ok = iota >= 0
        if r == 3:
            ok = ok & (sid == 15)
        wv = plsc.load_gather(c2o_v, [cells])
        valid = wv >= 0
        widx = jnp.maximum(wv, 0)
        t0 = plsc.load_gather(onx_v, [widx])
        t1 = plsc.load_gather(ony_v, [widx])
        t2 = plsc.load_gather(ow_v, [widx])
        t3 = plsc.load_gather(oh_v, [widx])
        labw = plsc.load_gather(lab_v, [widx])
        p = [pred_v[pl.ds(f * 64 + r * 16, 16)] for f in range(D)]

        thw = 0.5 * t2
        thh = 0.5 * t3
        txc = t0 / GS
        tyc = t1 / GS
        txmin, txmax = txc - thw, txc + thw
        tymin, tymax = tyc - thh, tyc + thh
        ta = (txmax - txmin) * (tymax - tymin)
        ious = []
        for b in range(2):
            px, py, pw, ph = p[5 * b], p[5 * b + 1], p[5 * b + 2], p[5 * b + 3]
            pxc = px / GS
            pyc = py / GS
            pxmin, pxmax = pxc - 0.5 * pw, pxc + 0.5 * pw
            pymin, pymax = pyc - 0.5 * ph, pyc + 0.5 * ph
            iw = jnp.maximum(
                jnp.minimum(pxmax, txmax) - jnp.maximum(pxmin, txmin), 0.0)
            ih = jnp.maximum(
                jnp.minimum(pymax, tymax) - jnp.maximum(pymin, tymin), 0.0)
            inter = iw * ih
            pa = (pxmax - pxmin) * (pymax - pymin)
            ious.append(inter / (pa + ta - inter))
        iou0, iou1 = ious
        sel0 = (iou0 >= iou1) | (iou0 != iou0)
        maxiou = jnp.where(sel0, iou0, iou1)
        rp0 = jnp.where(sel0, p[0], p[5])
        rp1 = jnp.where(sel0, p[1], p[6])
        rp2 = jnp.where(sel0, p[2], p[7])
        rp3 = jnp.where(sel0, p[3], p[8])
        rp4 = jnp.where(sel0, p[4], p[9])

        d0 = rp0 - t0
        d1 = rp1 - t1
        xy_t = d0 * d0 + d1 * d1
        d2 = _sqrt(rp2) - _sqrt(t2)
        d3 = _sqrt(rp3) - _sqrt(t3)
        wh_t = d2 * d2 + d3 * d3
        d4 = rp4 - maxiou
        obj_t = d4 * d4
        cls_sq = jnp.zeros((16,), jnp.float32)
        for c in range(20):
            cls_sq = cls_sq + p[10 + c] * p[10 + c]
        p_lab = plsc.load_gather(pred_v, [(10 + labw) * 64 + r * 16 + iota])
        cls_t = cls_sq - 2.0 * p_lab + 1.0
        okv = ok & valid
        acc_xywh = acc_xywh + jnp.where(okv, xy_t + wh_t, 0.0)
        acc_obj = acc_obj + jnp.where(okv, obj_t, 0.0)
        acc_cls = acc_cls + jnp.where(okv, cls_t, 0.0)
        acc_noobj = acc_noobj + jnp.where(
            ok & (~valid), p[4] * p[4] + p[9] * p[9], 0.0)

    part_v[...] = jnp.where(
        iota == 0, jnp.sum(acc_xywh),
        jnp.where(iota == 1, jnp.sum(acc_obj),
                  jnp.where(iota == 2, jnp.sum(acc_noobj),
                            jnp.where(iota == 3, jnp.sum(acc_cls), 0.0))))
    pltpu.sync_copy(part_v, shared_v.at[pl.ds(sid * 16, 16)])
    plsc.subcore_barrier()

    @pl.when((cid == 0) & (sid == 0))
    def _finalize():
        pltpu.sync_copy(shared_v, all_v)
        tot = jnp.zeros((16,), jnp.float32)
        for s in range(16):
            tot = tot + all_v[pl.ds(s * 16, 16)]
        sx = jnp.sum(jnp.where(iota == 0, tot, 0.0))
        so = jnp.sum(jnp.where(iota == 1, tot, 0.0))
        sn = jnp.sum(jnp.where(iota == 2, tot, 0.0))
        sc = jnp.sum(jnp.where(iota == 3, tot, 0.0))
        loss_boxes = 5.0 * sx * 0.0625
        loss_object = (so + 0.5 * sn) * 0.0625
        loss_class = sc * 0.0625
        outv = jnp.where(
            iota == 0, loss_boxes,
            jnp.where(iota == 1, loss_object,
                      jnp.where(iota == 2, loss_class, 0.0)))
        out_v[...] = outv
        pltpu.sync_copy(out_v, out_hbm)


_sc_call = functools.partial(
    pl.kernel,
    out_type=jax.ShapeDtypeStruct((16,), jnp.float32),
    mesh=plsc.VectorSubcoreMesh(
        core_axis_name="c", subcore_axis_name="s", num_cores=1,
        num_subcores=16),
    scratch_types=[
        pltpu.VMEM((64 * D,), jnp.float32),
        pltpu.VMEM((512,), jnp.float32),
        pltpu.VMEM((128,), jnp.int32),
        pltpu.VMEM((128,), jnp.float32),
        pltpu.VMEM((128,), jnp.float32),
        pltpu.VMEM((128,), jnp.float32),
        pltpu.VMEM((128,), jnp.float32),
        pltpu.VMEM((128,), jnp.int32),
        pltpu.VMEM((784,), jnp.int32),
        pltpu.VMEM((16,), jnp.float32),
        pltpu.VMEM_SHARED((256,), jnp.float32),
        pltpu.VMEM((256,), jnp.float32),
        pltpu.VMEM((16,), jnp.float32),
        pltpu.SemaphoreType.DMA,
        pltpu.SemaphoreType.DMA,
    ],
    compiler_params=pltpu.CompilerParams(needs_layout_passes=False),
)(_body)


@jax.jit
def kernel(inputs, boxes, labels):
    inp_t = inputs.reshape(784, D).T.reshape(-1)
    box_t = boxes.reshape(128, 4).T.reshape(-1)
    out = _sc_call(inp_t, box_t, labels.reshape(-1).astype(jnp.int32))
    return (out[0], out[1], out[2])

# --- scband reference (transcript-rebuilt; emitter-appended) ---
"""Pipeline reference for scband-yolov1-loss-51711406244499 (READ-ONLY COPY).

The authoritative reference and input builder live on the scoring server;
editing this copy changes nothing except your own understanding.
"""

import jax, jax.numpy as jnp
import numpy as np

GS = 7
NB = 2
NC = 20
LAMBDA_COORD = 5.0
LAMBDA_NOOBJ = 0.5
W_IMG = 448.0
H_IMG = 448.0


def transform_targets(boxes_all, labels_all):
    # traceable re-implementation of Yolov1Loss._transform_targets
    boxes_all = jnp.asarray(boxes_all, dtype=jnp.float32)
    labels_all = jnp.asarray(labels_all)
    bs, nobj, _ = boxes_all.shape
    cell = 1.0 / GS
    D = 5 * NB + NC
    scale = jnp.array([W_IMG, H_IMG, W_IMG, H_IMG], dtype=jnp.float32)
    norm = boxes_all / scale
    xys = (norm[..., :2] + norm[..., 2:]) / 2.0
    whs = norm[..., 2:] - norm[..., :2]
    T0 = jnp.zeros((bs, GS, GS, D), dtype=jnp.float32)
    batch = jnp.arange(bs)

    def body(o, T):
        xy = xys[:, o, :]
        wh = whs[:, o, :]
        ij = jnp.ceil(xy / cell) - 1.0
        tl = ij * cell
        nxy = (xy - tl) / cell
        i = ij[:, 0].astype(jnp.int32)
        j = ij[:, 1].astype(jnp.int32)
        box_row = jnp.concatenate(
            [nxy, wh, jnp.ones((bs, 1), dtype=jnp.float32)], axis=-1
        )
        lab = jax.nn.one_hot(labels_all[:, o], NC, dtype=jnp.float32)
        row = jnp.concatenate([jnp.tile(box_row, (1, NB)), lab], axis=-1)
        return T.at[batch, j, i, :].set(row)

    return jax.lax.fori_loop(0, nobj, body, T0)


def compute_iou(b1, b2):
    # b1: [G, N, 4], b2: [G, M, 4] -> [G, N, M]
    lt = jnp.maximum(b1[:, :, None, :2], b2[:, None, :, :2])
    rb = jnp.minimum(b1[:, :, None, 2:], b2[:, None, :, 2:])
    wh = jnp.maximum(rb - lt, 0.0)
    inter = wh[..., 0] * wh[..., 1]
    a1 = (b1[..., 2] - b1[..., 0]) * (b1[..., 3] - b1[..., 1])
    a2 = (b2[..., 2] - b2[..., 0]) * (b2[..., 3] - b2[..., 1])
    union = a1[:, :, None] + a2[:, None, :] - inter
    return inter / union


def yolo_loss(inputs, T_np):
    bs = inputs.shape[0]
    D = 5 * NB + NC
    T = jnp.asarray(T_np)
    conf = T[..., 4]
    coord_mask = (conf > 0).reshape(-1)
    noobj_mask = (conf == 0).reshape(-1)
    flat_p = inputs.reshape(-1, D)
    flat_t = T.reshape(-1, D)
    boxes_preds = flat_p[:, :5 * NB].reshape(-1, NB, 5)
    class_preds = flat_p[:, 5 * NB:]
    boxes_targets = flat_t[:, :5 * NB].reshape(-1, NB, 5)
    class_targets = flat_t[:, 5 * NB:]
    conf_cols = np.array([4 + b * 5 for b in range(NB)])
    loss_noobj = jnp.sum(
        jnp.where(
            noobj_mask[:, None],
            (flat_p[:, conf_cols] - flat_t[:, conf_cols]) ** 2,
            0.0,
        )
    )
    # responsible-box selection (vectorized over cells; original loops with step=NB)
    p_xy = boxes_preds[..., :2] / GS
    p_wh = boxes_preds[..., 2:4]
    p_xyxy = jnp.concatenate([p_xy - 0.5 * p_wh, p_xy + 0.5 * p_wh], axis=-1)
    t_first = boxes_targets[:, :1, :]
    t_xy = t_first[..., :2] / GS
    t_wh = t_first[..., 2:4]
    t_xyxy = jnp.concatenate([t_xy - 0.5 * t_wh, t_xy + 0.5 * t_wh], axis=-1)
    iou = compute_iou(p_xyxy, t_xyxy)[..., 0]  # [G, NB]
    max_iou = jnp.max(iou, axis=1)
    max_idx = jnp.argmax(iou, axis=1)
    resp_preds = jnp.take_along_axis(boxes_preds, max_idx[:, None, None], axis=1)[:, 0, :]
    resp_targets = jnp.take_along_axis(boxes_targets, max_idx[:, None, None], axis=1)[:, 0, :]
    loss_xy = jnp.sum(
        jnp.where(
            coord_mask,
            jnp.sum((resp_preds[:, :2] - resp_targets[:, :2]) ** 2, axis=1),
            0.0,
        )
    )
    loss_wh = jnp.sum(
        jnp.where(
            coord_mask,
            jnp.sum(
                (jnp.sqrt(resp_preds[:, 2:4]) - jnp.sqrt(resp_targets[:, 2:4])) ** 2,
                axis=1,
            ),
            0.0,
        )
    )
    loss_boxes = LAMBDA_COORD * (loss_xy + loss_wh) / bs
    loss_obj = jnp.sum(
        jnp.where(coord_mask, (resp_preds[:, 4] - max_iou) ** 2, 0.0)
    )
    loss_object = (loss_obj + LAMBDA_NOOBJ * loss_noobj) / bs
    loss_class = jnp.sum(
        jnp.where(coord_mask[:, None], (class_preds - class_targets) ** 2, 0.0)
    ) / bs
    return loss_boxes, loss_object, loss_class


def setup_inputs(seed: int = 0):
    key = jax.random.key(seed)
    k1, k2, k3, k4 = jax.random.split(key, 4)
    bs, nobj = 16, 8
    inputs = jax.random.uniform(k1, (bs, GS, GS, 5 * NB + NC), dtype=jnp.float32)
    xy1 = jax.random.uniform(k2, (bs, nobj, 2), dtype=jnp.float32) * 380.0 + 10.0
    wh = jax.random.uniform(k3, (bs, nobj, 2), dtype=jnp.float32) * 40.0 + 8.0
    boxes = jnp.concatenate([xy1, xy1 + wh], axis=-1)
    labels = jax.random.randint(k4, (bs, nobj), 0, NC)
    return {"inputs": inputs, "boxes": boxes, "labels": labels}


def reference(inputs, boxes, labels):
    T = transform_targets(boxes, labels)
    return yolo_loss(inputs, T)

if __name__ == "__main__":
    import jax
    _d = setup_inputs()
    print(jax.jit(kernel)(*tuple(_d.values())))

</pallas_src>

<mosaic_0001>
#map = affine_map<(d0, d1) -> (0)>
module attributes {stable_mosaic.version = 14 : i64} {
  func.func @_body(%arg0: i32, %arg1: i32, %arg2: memref<23520xf32, #tpu.memory_space<hbm>>, %arg3: memref<512xf32, #tpu.memory_space<hbm>>, %arg4: memref<128xi32, #tpu.memory_space<hbm>>, %arg5: memref<16xf32, #tpu.memory_space<hbm>>, %arg6: memref<1920xf32, #tpu.memory_space<vmem>>, %arg7: memref<512xf32, #tpu.memory_space<vmem>>, %arg8: memref<128xi32, #tpu.memory_space<vmem>>, %arg9: memref<128xf32, #tpu.memory_space<vmem>>, %arg10: memref<128xf32, #tpu.memory_space<vmem>>, %arg11: memref<128xf32, #tpu.memory_space<vmem>>, %arg12: memref<128xf32, #tpu.memory_space<vmem>>, %arg13: memref<128xi32, #tpu.memory_space<vmem>>, %arg14: memref<784xi32, #tpu.memory_space<vmem>>, %arg15: memref<16xf32, #tpu.memory_space<vmem>>, %arg16: memref<256xf32, #tpu.memory_space<vmem_shared>>, %arg17: memref<256xf32, #tpu.memory_space<vmem>>, %arg18: memref<16xf32, #tpu.memory_space<vmem>>, %arg19: memref<!tpu.dma_semaphore, #tpu.memory_space<semaphore_mem>>, %arg20: memref<!tpu.dma_semaphore, #tpu.memory_space<semaphore_mem>>) attributes {dimension_semantics = [#tpu.dimension_semantics<core_parallel>, #tpu.dimension_semantics<subcore_parallel>], iteration_bounds = array<i64: 1, 16>, scalar_prefetch = 0 : i64, scratch_operands = 15 : i64, tpu.core_type = #tpu.core_type<sc_vector_subcore>, window_params = [{transform_indices = #map}, {transform_indices = #map}, {transform_indices = #map}, {transform_indices = #map}]} {
    %iota3A = tpu.iota {dimensions = array<i32: 0>} : vector<16xi32>
    %mul3A = arith.constant 3 : i32
    %mul3A_0 = arith.muli %mul3A, %arg1 : i32
    %mul3A_1 = arith.constant 16 : i32
    %mul3A_2 = arith.muli %mul3A_0, %mul3A_1 : i32
    %add3A = arith.constant 0 : i32
    %add3A_3 = arith.addi %add3A, %mul3A_2 : i32
    %dma_start3A = arith.constant 0 : i32
    %dma_start3A_4 = tpu.memref_slice %arg6[%dma_start3A] : memref<1920xf32, #tpu.memory_space<vmem>> -> memref<64xf32, #tpu.memory_space<vmem>>
    %dma_start3A_5 = tpu.memref_slice %arg2[%add3A_3] : memref<23520xf32, #tpu.memory_space<hbm>> -> memref<64xf32, #tpu.memory_space<hbm>>
    %dma_start3A_6 = arith.constant 0 : i32
    %dma_start3A_7 = tpu.memref_slice %arg6[%dma_start3A_6] : memref<1920xf32, #tpu.memory_space<vmem>> -> memref<64xf32, #tpu.memory_space<vmem>>
    %dma_start3A_8 = tpu.memref_slice %arg2[%add3A_3] : memref<23520xf32, #tpu.memory_space<hbm>> -> memref<64xf32, #tpu.memory_space<hbm>>
    tpu.enqueue_dma source(%dma_start3A_8 : memref<64xf32, #tpu.memory_space<hbm>>) target(%dma_start3A_7 : memref<64xf32, #tpu.memory_space<vmem>>) target_semaphore(%arg19 : memref<!tpu.dma_semaphore, #tpu.memory_space<semaphore_mem>>)
    %mul3A_9 = arith.constant 16 : i32
    %mul3A_10 = arith.muli %mul3A_0, %mul3A_9 : i32
    %add3A_11 = arith.constant 784 : i32
    %add3A_12 = arith.addi %add3A_11, %mul3A_10 : i32
    %dma_start3A_13 = arith.constant 64 : i32
    %dma_start3A_14 = tpu.memref_slice %arg6[%dma_start3A_13] : memref<1920xf32, #tpu.memory_space<vmem>> -> memref<64xf32, #tpu.memory_space<vmem>>
    %dma_start3A_15 = tpu.memref_slice %arg2[%add3A_12] : memref<23520xf32, #tpu.memory_space<hbm>> -> memref<64xf32, #tpu.memory_space<hbm>>
    %dma_start3A_16 = arith.constant 64 : i32
    %dma_start3A_17 = tpu.memref_slice %arg6[%dma_start3A_16] : memref<1920xf32, #tpu.memory_space<vmem>> -> memref<64xf32, #tpu.memory_space<vmem>>
    %dma_start3A_18 = tpu.memref_slice %arg2[%add3A_12] : memref<23520xf32, #tpu.memory_space<hbm>> -> memref<64xf32, #tpu.memory_space<hbm>>
    tpu.enqueue_dma source(%dma_start3A_18 : memref<64xf32, #tpu.memory_space<hbm>>) target(%dma_start3A_17 : memref<64xf32, #tpu.memory_space<vmem>>) target_semaphore(%arg19 : memref<!tpu.dma_semaphore, #tpu.memory_space<semaphore_mem>>)
    %mul3A_19 = arith.constant 16 : i32
    %mul3A_20 = arith.muli %mul3A_0, %mul3A_19 : i32
    %add3A_21 = arith.constant 1568 : i32
    %add3A_22 = arith.addi %add3A_21, %mul3A_20 : i32
    %dma_start3A_23 = arith.constant 128 : i32
    %dma_start3A_24 = tpu.memref_slice %arg6[%dma_start3A_23] : memref<1920xf32, #tpu.memory_space<vmem>> -> memref<64xf32, #tpu.memory_space<vmem>>
    %dma_start3A_25 = tpu.memref_slice %arg2[%add3A_22] : memref<23520xf32, #tpu.memory_space<hbm>> -> memref<64xf32, #tpu.memory_space<hbm>>
    %dma_start3A_26 = arith.constant 128 : i32
    %dma_start3A_27 = tpu.memref_slice %arg6[%dma_start3A_26] : memref<1920xf32, #tpu.memory_space<vmem>> -> memref<64xf32, #tpu.memory_space<vmem>>
    %dma_start3A_28 = tpu.memref_slice %arg2[%add3A_22] : memref<23520xf32, #tpu.memory_space<hbm>> -> memref<64xf32, #tpu.memory_space<hbm>>
    tpu.enqueue_dma source(%dma_start3A_28 : memref<64xf32, #tpu.memory_space<hbm>>) target(%dma_start3A_27 : memref<64xf32, #tpu.memory_space<vmem>>) target_semaphore(%arg19 : memref<!tpu.dma_semaphore, #tpu.memory_space<semaphore_mem>>)
    %mul3A_29 = arith.constant 16 : i32
    %mul3A_30 = arith.muli %mul3A_0, %mul3A_29 : i32
    %add3A_31 = arith.constant 2352 : i32
    %add3A_32 = arith.addi %add3A_31, %mul3A_30 : i32
    %dma_start3A_33 = arith.constant 192 : i32
    %dma_start3A_34 = tpu.memref_slice %arg6[%dma_start3A_33] : memref<1920xf32, #tpu.memory_space<vmem>> -> memref<64xf32, #tpu.memory_space<vmem>>
    %dma_start3A_35 = tpu.memref_slice %arg2[%add3A_32] : memref<23520xf32, #tpu.memory_space<hbm>> -> memref<64xf32, #tpu.memory_space<hbm>>
    %dma_start3A_36 = arith.constant 192 : i32
    %dma_start3A_37 = tpu.memref_slice %arg6[%dma_start3A_36] : memref<1920xf32, #tpu.memory_space<vmem>> -> memref<64xf32, #tpu.memory_space<vmem>>
    %dma_start3A_38 = tpu.memref_slice %arg2[%add3A_32] : memref<23520xf32, #tpu.memory_space<hbm>> -> memref<64xf32, #tpu.memory_space<hbm>>
    tpu.enqueue_dma source(%dma_start3A_38 : memref<64xf32, #tpu.memory_space<hbm>>) target(%dma_start3A_37 : memref<64xf32, #tpu.memory_space<vmem>>) target_semaphore(%arg19 : memref<!tpu.dma_semaphore, #tpu.memory_space<semaphore_mem>>)
    %mul3A_39 = arith.constant 16 : i32
    %mul3A_40 = arith.muli %mul3A_0, %mul3A_39 : i32
    %add3A_41 = arith.constant 3136 : i32
    %add3A_42 = arith.addi %add3A_41, %mul3A_40 : i32
    %dma_start3A_43 = arith.constant 256 : i32
    %dma_start3A_44 = tpu.memref_slice %arg6[%dma_start3A_43] : memref<1920xf32, #tpu.memory_space<vmem>> -> memref<64xf32, #tpu.memory_space<vmem>>
    %dma_start3A_45 = tpu.memref_slice %arg2[%add3A_42] : memref<23520xf32, #tpu.memory_space<hbm>> -> memref<64xf32, #tpu.memory_space<hbm>>
    %dma_start3A_46 = arith.constant 256 : i32
    %dma_start3A_47 = tpu.memref_slice %arg6[%dma_start3A_46] : memref<1920xf32, #tpu.memory_space<vmem>> -> memref<64xf32, #tpu.memory_space<vmem>>
    %dma_start3A_48 = tpu.memref_slice %arg2[%add3A_42] : memref<23520xf32, #tpu.memory_space<hbm>> -> memref<64xf32, #tpu.memory_space<hbm>>
    tpu.enqueue_dma source(%dma_start3A_48 : memref<64xf32, #tpu.memory_space<hbm>>) target(%dma_start3A_47 : memref<64xf32, #tpu.memory_space<vmem>>) target_semaphore(%arg19 : memref<!tpu.dma_semaphore, #tpu.memory_space<semaphore_mem>>)
    %mul3A_49 = arith.constant 16 : i32
    %mul3A_50 = arith.muli %mul3A_0, %mul3A_49 : i32
    %add3A_51 = arith.constant 3920 : i32
    %add3A_52 = arith.addi %add3A_51, %mul3A_50 : i32
    %dma_start3A_53 = arith.constant 320 : i32
    %dma_start3A_54 = tpu.memref_slice %arg6[%dma_start3A_53] : memref<1920xf32, #tpu.memory_space<vmem>> -> memref<64xf32, #tpu.memory_space<vmem>>
    %dma_start3A_55 = tpu.memref_slice %arg2[%add3A_52] : memref<23520xf32, #tpu.memory_space<hbm>> -> memref<64xf32, #tpu.memory_space<hbm>>
    %dma_start3A_56 = arith.constant 320 : i32
    %dma_start3A_57 = tpu.memref_slice %arg6[%dma_start3A_56] : memref<1920xf32, #tpu.memory_space<vmem>> -> memref<64xf32, #tpu.memory_space<vmem>>
    %dma_start3A_58 = tpu.memref_slice %arg2[%add3A_52] : memref<23520xf32, #tpu.memory_space<hbm>> -> memref<64xf32, #tpu.memory_space<hbm>>
    tpu.enqueue_dma source(%dma_start3A_58 : memref<64xf32, #tpu.memory_space<hbm>>) target(%dma_start3A_57 : memref<64xf32, #tpu.memory_space<vmem>>) target_semaphore(%arg19 : memref<!tpu.dma_semaphore, #tpu.memory_space<semaphore_mem>>)
    %mul3A_59 = arith.constant 16 : i32
    %mul3A_60 = arith.muli %mul3A_0, %mul3A_59 : i32
    %add3A_61 = arith.constant 4704 : i32
    %add3A_62 = arith.addi %add3A_61, %mul3A_60 : i32
    %dma_start3A_63 = arith.constant 384 : i32
    %dma_start3A_64 = tpu.memref_slice %arg6[%dma_start3A_63] : memref<1920xf32, #tpu.memory_space<vmem>> -> memref<64xf32, #tpu.memory_space<vmem>>
    %dma_start3A_65 = tpu.memref_slice %arg2[%add3A_62] : memref<23520xf32, #tpu.memory_space<hbm>> -> memref<64xf32, #tpu.memory_space<hbm>>
    %dma_start3A_66 = arith.constant 384 : i32
    %dma_start3A_67 = tpu.memref_slice %arg6[%dma_start3A_66] : memref<1920xf32, #tpu.memory_space<vmem>> -> memref<64xf32, #tpu.memory_space<vmem>>
    %dma_start3A_68 = tpu.memref_slice %arg2[%add3A_62] : memref<23520xf32, #tpu.memory_space<hbm>> -> memref<64xf32, #tpu.memory_space<hbm>>
    tpu.enqueue_dma source(%dma_start3A_68 : memref<64xf32, #tpu.memory_space<hbm>>) target(%dma_start3A_67 : memref<64xf32, #tpu.memory_space<vmem>>) target_semaphore(%arg19 : memref<!tpu.dma_semaphore, #tpu.memory_space<semaphore_mem>>)
    %mul3A_69 = arith.constant 16 : i32
    %mul3A_70 = arith.muli %mul3A_0, %mul3A_69 : i32
    %add3A_71 = arith.constant 5488 : i32
    %add3A_72 = arith.addi %add3A_71, %mul3A_70 : i32
    %dma_start3A_73 = arith.constant 448 : i32
    %dma_start3A_74 = tpu.memref_slice %arg6[%dma_start3A_73] : memref<1920xf32, #tpu.memory_space<vmem>> -> memref<64xf32, #tpu.memory_space<vmem>>
    %dma_start3A_75 = tpu.memref_slice %arg2[%add3A_72] : memref<23520xf32, #tpu.memory_space<hbm>> -> memref<64xf32, #tpu.memory_space<hbm>>
    %dma_start3A_76 = arith.constant 448 : i32
    %dma_start3A_77 = tpu.memref_slice %arg6[%dma_start3A_76] : memref<1920xf32, #tpu.memory_space<vmem>> -> memref<64xf32, #tpu.memory_space<vmem>>
    %dma_start3A_78 = tpu.memref_slice %arg2[%add3A_72] : memref<23520xf32, #tpu.memory_space<hbm>> -> memref<64xf32, #tpu.memory_space<hbm>>
    tpu.enqueue_dma source(%dma_start3A_78 : memref<64xf32, #tpu.memory_space<hbm>>) target(%dma_start3A_77 : memref<64xf32, #tpu.memory_space<vmem>>) target_semaphore(%arg19 : memref<!tpu.dma_semaphore, #tpu.memory_space<semaphore_mem>>)
    %mul3A_79 = arith.constant 16 : i32
    %mul3A_80 = arith.muli %mul3A_0, %mul3A_79 : i32
    %add3A_81 = arith.constant 6272 : i32
    %add3A_82 = arith.addi %add3A_81, %mul3A_80 : i32
    %dma_start3A_83 = arith.constant 512 : i32
    %dma_start3A_84 = tpu.memref_slice %arg6[%dma_start3A_83] : memref<1920xf32, #tpu.memory_space<vmem>> -> memref<64xf32, #tpu.memory_space<vmem>>
    %dma_start3A_85 = tpu.memref_slice %arg2[%add3A_82] : memref<23520xf32, #tpu.memory_space<hbm>> -> memref<64xf32, #tpu.memory_space<hbm>>
    %dma_start3A_86 = arith.constant 512 : i32
    %dma_start3A_87 = tpu.memref_slice %arg6[%dma_start3A_86] : memref<1920xf32, #tpu.memory_space<vmem>> -> memref<64xf32, #tpu.memory_space<vmem>>
    %dma_start3A_88 = tpu.memref_slice %arg2[%add3A_82] : memref<23520xf32, #tpu.memory_space<hbm>> -> memref<64xf32, #tpu.memory_space<hbm>>
    tpu.enqueue_dma source(%dma_start3A_88 : memref<64xf32, #tpu.memory_space<hbm>>) target(%dma_start3A_87 : memref<64xf32, #tpu.memory_space<vmem>>) target_semaphore(%arg19 : memref<!tpu.dma_semaphore, #tpu.memory_space<semaphore_mem>>)
    %mul3A_89 = arith.constant 16 : i32
    %mul3A_90 = arith.muli %mul3A_0, %mul3A_89 : i32
    %add3A_91 = arith.constant 7056 : i32
    %add3A_92 = arith.addi %add3A_91, %mul3A_90 : i32
    %dma_start3A_93 = arith.constant 576 : i32
    %dma_start3A_94 = tpu.memref_slice %arg6[%dma_start3A_93] : memref<1920xf32, #tpu.memory_space<vmem>> -> memref<64xf32, #tpu.memory_space<vmem>>
    %dma_start3A_95 = tpu.memref_slice %arg2[%add3A_92] : memref<23520xf32, #tpu.memory_space<hbm>> -> memref<64xf32, #tpu.memory_space<hbm>>
    %dma_start3A_96 = arith.constant 576 : i32
    %dma_start3A_97 = tpu.memref_slice %arg6[%dma_start3A_96] : memref<1920xf32, #tpu.memory_space<vmem>> -> memref<64xf32, #tpu.memory_space<vmem>>
    %dma_start3A_98 = tpu.memref_slice %arg2[%add3A_92] : memref<23520xf32, #tpu.memory_space<hbm>> -> memref<64xf32, #tpu.memory_space<hbm>>
    tpu.enqueue_dma source(%dma_start3A_98 : memref<64xf32, #tpu.memory_space<hbm>>) target(%dma_start3A_97 : memref<64xf32, #tpu.memory_space<vmem>>) target_semaphore(%arg19 : memref<!tpu.dma_semaphore, #tpu.memory_space<semaphore_mem>>)
    %mul3A_99 = arith.constant 16 : i32
    %mul3A_100 = arith.muli %mul3A_0, %mul3A_99 : i32
    %add3A_101 = arith.constant 7840 : i32
    %add3A_102 = arith.addi %add3A_101, %mul3A_100 : i32
    %dma_start3A_103 = arith.constant 640 : i32
    %dma_start3A_104 = tpu.memref_slice %arg6[%dma_start3A_103] : memref<1920xf32, #tpu.memory_space<vmem>> -> memref<64xf32, #tpu.memory_space<vmem>>
    %dma_start3A_105 = tpu.memref_slice %arg2[%add3A_102] : memref<23520xf32, #tpu.memory_space<hbm>> -> memref<64xf32, #tpu.memory_space<hbm>>
    %dma_start3A_106 = arith.constant 640 : i32
    %dma_start3A_107 = tpu.memref_slice %arg6[%dma_start3A_106] : memref<1920xf32, #tpu.memory_space<vmem>> -> memref<64xf32, #tpu.memory_space<vmem>>
    %dma_start3A_108 = tpu.memref_slice %arg2[%add3A_102] : memref<23520xf32, #tpu.memory_space<hbm>> -> memref<64xf32, #tpu.memory_space<hbm>>
    tpu.enqueue_dma source(%dma_start3A_108 : memref<64xf32, #tpu.memory_space<hbm>>) target(%dma_start3A_107 : memref<64xf32, #tpu.memory_space<vmem>>) target_semaphore(%arg19 : memref<!tpu.dma_semaphore, #tpu.memory_space<semaphore_mem>>)
    %mul3A_109 = arith.constant 16 : i32
    %mul3A_110 = arith.muli %mul3A_0, %mul3A_109 : i32
    %add3A_111 = arith.constant 8624 : i32
    %add3A_112 = arith.addi %add3A_111, %mul3A_110 : i32
    %dma_start3A_113 = arith.constant 704 : i32
    %dma_start3A_114 = tpu.memref_slice %arg6[%dma_start3A_113] : memref<1920xf32, #tpu.memory_space<vmem>> -> memref<64xf32, #tpu.memory_space<vmem>>
    %dma_start3A_115 = tpu.memref_slice %arg2[%add3A_112] : memref<23520xf32, #tpu.memory_space<hbm>> -> memref<64xf32, #tpu.memory_space<hbm>>
    %dma_start3A_116 = arith.constant 704 : i32
    %dma_start3A_117 = tpu.memref_slice %arg6[%dma_start3A_116] : memref<1920xf32, #tpu.memory_space<vmem>> -> memref<64xf32, #tpu.memory_space<vmem>>
    %dma_start3A_118 = tpu.memref_slice %arg2[%add3A_112] : memref<23520xf32, #tpu.memory_space<hbm>> -> memref<64xf32, #tpu.memory_space<hbm>>
    tpu.enqueue_dma source(%dma_start3A_118 : memref<64xf32, #tpu.memory_space<hbm>>) target(%dma_start3A_117 : memref<64xf32, #tpu.memory_space<vmem>>) target_semaphore(%arg19 : memref<!tpu.dma_semaphore, #tpu.memory_space<semaphore_mem>>)
    %mul3A_119 = arith.constant 16 : i32
    %mul3A_120 = arith.muli %mul3A_0, %mul3A_119 : i32
    %add3A_121 = arith.constant 9408 : i32
    %add3A_122 = arith.addi %add3A_121, %mul3A_120 : i32
    %dma_start3A_123 = arith.constant 768 : i32
    %dma_start3A_124 = tpu.memref_slice %arg6[%dma_start3A_123] : memref<1920xf32, #tpu.memory_space<vmem>> -> memref<64xf32, #tpu.memory_space<vmem>>
    %dma_start3A_125 = tpu.memref_slice %arg2[%add3A_122] : memref<23520xf32, #tpu.memory_space<hbm>> -> memref<64xf32, #tpu.memory_space<hbm>>
    %dma_start3A_126 = arith.constant 768 : i32
    %dma_start3A_127 = tpu.memref_slice %arg6[%dma_start3A_126] : memref<1920xf32, #tpu.memory_space<vmem>> -> memref<64xf32, #tpu.memory_space<vmem>>
    %dma_start3A_128 = tpu.memref_slice %arg2[%add3A_122] : memref<23520xf32, #tpu.memory_space<hbm>> -> memref<64xf32, #tpu.memory_space<hbm>>
    tpu.enqueue_dma source(%dma_start3A_128 : memref<64xf32, #tpu.memory_space<hbm>>) target(%dma_start3A_127 : memref<64xf32, #tpu.memory_space<vmem>>) target_semaphore(%arg19 : memref<!tpu.dma_semaphore, #tpu.memory_space<semaphore_mem>>)
    %mul3A_129 = arith.constant 16 : i32
    %mul3A_130 = arith.muli %mul3A_0, %mul3A_129 : i32
    %add3A_131 = arith.constant 10192 : i32
    %add3A_132 = arith.addi %add3A_131, %mul3A_130 : i32
    %dma_start3A_133 = arith.constant 832 : i32
    %dma_start3A_134 = tpu.memref_slice %arg6[%dma_start3A_133] : memref<1920xf32, #tpu.memory_space<vmem>> -> memref<64xf32, #tpu.memory_space<vmem>>
    %dma_start3A_135 = tpu.memref_slice %arg2[%add3A_132] : memref<23520xf32, #tpu.memory_space<hbm>> -> memref<64xf32, #tpu.memory_space<hbm>>
    %dma_start3A_136 = arith.constant 832 : i32
    %dma_start3A_137 = tpu.memref_slice %arg6[%dma_start3A_136] : memref<1920xf32, #tpu.memory_space<vmem>> -> memref<64xf32, #tpu.memory_space<vmem>>
    %dma_start3A_138 = tpu.memref_slice %arg2[%add3A_132] : memref<23520xf32, #tpu.memory_space<hbm>> -> memref<64xf32, #tpu.memory_space<hbm>>
    tpu.enqueue_dma source(%dma_start3A_138 : memref<64xf32, #tpu.memory_space<hbm>>) target(%dma_start3A_137 : memref<64xf32, #tpu.memory_space<vmem>>) target_semaphore(%arg19 : memref<!tpu.dma_semaphore, #tpu.memory_space<semaphore_mem>>)
    %mul3A_139 = arith.constant 16 : i32
    %mul3A_140 = arith.muli %mul3A_0, %mul3A_139 : i32
    %add3A_141 = arith.constant 10976 : i32
    %add3A_142 = arith.addi %add3A_141, %mul3A_140 : i32
    %dma_start3A_143 = arith.constant 896 : i32
    %dma_start3A_144 = tpu.memref_slice %arg6[%dma_start3A_143] : memref<1920xf32, #tpu.memory_space<vmem>> -> memref<64xf32, #tpu.memory_space<vmem>>
    %dma_start3A_145 = tpu.memref_slice %arg2[%add3A_142] : memref<23520xf32, #tpu.memory_space<hbm>> -> memref<64xf32, #tpu.memory_space<hbm>>
    %dma_start3A_146 = arith.constant 896 : i32
    %dma_start3A_147 = tpu.memref_slice %arg6[%dma_start3A_146] : memref<1920xf32, #tpu.memory_space<vmem>> -> memref<64xf32, #tpu.memory_space<vmem>>
    %dma_start3A_148 = tpu.memref_slice %arg2[%add3A_142] : memref<23520xf32, #tpu.memory_space<hbm>> -> memref<64xf32, #tpu.memory_space<hbm>>
    tpu.enqueue_dma source(%dma_start3A_148 : memref<64xf32, #tpu.memory_space<hbm>>) target(%dma_start3A_147 : memref<64xf32, #tpu.memory_space<vmem>>) target_semaphore(%arg19 : memref<!tpu.dma_semaphore, #tpu.memory_space<semaphore_mem>>)
    %mul3A_149 = arith.constant 16 : i32
    %mul3A_150 = arith.muli %mul3A_0, %mul3A_149 : i32
    %add3A_151 = arith.constant 11760 : i32
    %add3A_152 = arith.addi %add3A_151, %mul3A_150 : i32
    %dma_start3A_153 = arith.constant 960 : i32
    %dma_start3A_154 = tpu.memref_slice %arg6[%dma_start3A_153] : memref<1920xf32, #tpu.memory_space<vmem>> -> memref<64xf32, #tpu.memory_space<vmem>>
    %dma_start3A_155 = tpu.memref_slice %arg2[%add3A_152] : memref<23520xf32, #tpu.memory_space<hbm>> -> memref<64xf32, #tpu.memory_space<hbm>>
    %dma_start3A_156 = arith.constant 960 : i32
    %dma_start3A_157 = tpu.memref_slice %arg6[%dma_start3A_156] : memref<1920xf32, #tpu.memory_space<vmem>> -> memref<64xf32, #tpu.memory_space<vmem>>
    %dma_start3A_158 = tpu.memref_slice %arg2[%add3A_152] : memref<23520xf32, #tpu.memory_space<hbm>> -> memref<64xf32, #tpu.memory_space<hbm>>
    tpu.enqueue_dma source(%dma_start3A_158 : memref<64xf32, #tpu.memory_space<hbm>>) target(%dma_start3A_157 : memref<64xf32, #tpu.memory_space<vmem>>) target_semaphore(%arg19 : memref<!tpu.dma_semaphore, #tpu.memory_space<semaphore_mem>>)
    %mul3A_159 = arith.constant 16 : i32
    %mul3A_160 = arith.muli %mul3A_0, %mul3A_159 : i32
    %add3A_161 = arith.constant 12544 : i32
    %add3A_162 = arith.addi %add3A_161, %mul3A_160 : i32
    %dma_start3A_163 = arith.constant 1024 : i32
    %dma_start3A_164 = tpu.memref_slice %arg6[%dma_start3A_163] : memref<1920xf32, #tpu.memory_space<vmem>> -> memref<64xf32, #tpu.memory_space<vmem>>
    %dma_start3A_165 = tpu.memref_slice %arg2[%add3A_162] : memref<23520xf32, #tpu.memory_space<hbm>> -> memref<64xf32, #tpu.memory_space<hbm>>
    %dma_start3A_166 = arith.constant 1024 : i32
    %dma_start3A_167 = tpu.memref_slice %arg6[%dma_start3A_166] : memref<1920xf32, #tpu.memory_space<vmem>> -> memref<64xf32, #tpu.memory_space<vmem>>
    %dma_start3A_168 = tpu.memref_slice %arg2[%add3A_162] : memref<23520xf32, #tpu.memory_space<hbm>> -> memref<64xf32, #tpu.memory_space<hbm>>
    tpu.enqueue_dma source(%dma_start3A_168 : memref<64xf32, #tpu.memory_space<hbm>>) target(%dma_start3A_167 : memref<64xf32, #tpu.memory_space<vmem>>) target_semaphore(%arg19 : memref<!tpu.dma_semaphore, #tpu.memory_space<semaphore_mem>>)
    %mul3A_169 = arith.constant 16 : i32
    %mul3A_170 = arith.muli %mul3A_0, %mul3A_169 : i32
    %add3A_171 = arith.constant 13328 : i32
    %add3A_172 = arith.addi %add3A_171, %mul3A_170 : i32
    %dma_start3A_173 = arith.constant 1088 : i32
    %dma_start3A_174 = tpu.memref_slice %arg6[%dma_start3A_173] : memref<1920xf32, #tpu.memory_space<vmem>> -> memref<64xf32, #tpu.memory_space<vmem>>
    %dma_start3A_175 = tpu.memref_slice %arg2[%add3A_172] : memref<23520xf32, #tpu.memory_space<hbm>> -> memref<64xf32, #tpu.memory_space<hbm>>
    %dma_start3A_176 = arith.constant 1088 : i32
    %dma_start3A_177 = tpu.memref_slice %arg6[%dma_start3A_176] : memref<1920xf32, #tpu.memory_space<vmem>> -> memref<64xf32, #tpu.memory_space<vmem>>
    %dma_start3A_178 = tpu.memref_slice %arg2[%add3A_172] : memref<23520xf32, #tpu.memory_space<hbm>> -> memref<64xf32, #tpu.memory_space<hbm>>
    tpu.enqueue_dma source(%dma_start3A_178 : memref<64xf32, #tpu.memory_space<hbm>>) target(%dma_start3A_177 : memref<64xf32, #tpu.memory_space<vmem>>) target_semaphore(%arg19 : memref<!tpu.dma_semaphore, #tpu.memory_space<semaphore_mem>>)
    %mul3A_179 = arith.constant 16 : i32
    %mul3A_180 = arith.muli %mul3A_0, %mul3A_179 : i32
    %add3A_181 = arith.constant 14112 : i32
    %add3A_182 = arith.addi %add3A_181, %mul3A_180 : i32
    %dma_start3A_183 = arith.constant 1152 : i32
    %dma_start3A_184 = tpu.memref_slice %arg6[%dma_start3A_183] : memref<1920xf32, #tpu.memory_space<vmem>> -> memref<64xf32, #tpu.memory_space<vmem>>
    %dma_start3A_185 = tpu.memref_slice %arg2[%add3A_182] : memref<23520xf32, #tpu.memory_space<hbm>> -> memref<64xf32, #tpu.memory_space<hbm>>
    %dma_start3A_186 = arith.constant 1152 : i32
    %dma_start3A_187 = tpu.memref_slice %arg6[%dma_start3A_186] : memref<1920xf32, #tpu.memory_space<vmem>> -> memref<64xf32, #tpu.memory_space<vmem>>
    %dma_start3A_188 = tpu.memref_slice %arg2[%add3A_182] : memref<23520xf32, #tpu.memory_space<hbm>> -> memref<64xf32, #tpu.memory_space<hbm>>
    tpu.enqueue_dma source(%dma_start3A_188 : memref<64xf32, #tpu.memory_space<hbm>>) target(%dma_start3A_187 : memref<64xf32, #tpu.memory_space<vmem>>) target_semaphore(%arg19 : memref<!tpu.dma_semaphore, #tpu.memory_space<semaphore_mem>>)
    %mul3A_189 = arith.constant 16 : i32
    %mul3A_190 = arith.muli %mul3A_0, %mul3A_189 : i32
    %add3A_191 = arith.constant 14896 : i32
    %add3A_192 = arith.addi %add3A_191, %mul3A_190 : i32
    %dma_start3A_193 = arith.constant 1216 : i32
    %dma_start3A_194 = tpu.memref_slice %arg6[%dma_start3A_193] : memref<1920xf32, #tpu.memory_space<vmem>> -> memref<64xf32, #tpu.memory_space<vmem>>
    %dma_start3A_195 = tpu.memref_slice %arg2[%add3A_192] : memref<23520xf32, #tpu.memory_space<hbm>> -> memref<64xf32, #tpu.memory_space<hbm>>
    %dma_start3A_196 = arith.constant 1216 : i32
    %dma_start3A_197 = tpu.memref_slice %arg6[%dma_start3A_196] : memref<1920xf32, #tpu.memory_space<vmem>> -> memref<64xf32, #tpu.memory_space<vmem>>
    %dma_start3A_198 = tpu.memref_slice %arg2[%add3A_192] : memref<23520xf32, #tpu.memory_space<hbm>> -> memref<64xf32, #tpu.memory_space<hbm>>
    tpu.enqueue_dma source(%dma_start3A_198 : memref<64xf32, #tpu.memory_space<hbm>>) target(%dma_start3A_197 : memref<64xf32, #tpu.memory_space<vmem>>) target_semaphore(%arg19 : memref<!tpu.dma_semaphore, #tpu.memory_space<semaphore_mem>>)
    %mul3A_199 = arith.constant 16 : i32
    %mul3A_200 = arith.muli %mul3A_0, %mul3A_199 : i32
    %add3A_201 = arith.constant 15680 : i32
    %add3A_202 = arith.addi %add3A_201, %mul3A_200 : i32
    %dma_start3A_203 = arith.constant 1280 : i32
    %dma_start3A_204 = tpu.memref_slice %arg6[%dma_start3A_203] : memref<1920xf32, #tpu.memory_space<vmem>> -> memref<64xf32, #tpu.memory_space<vmem>>
    %dma_start3A_205 = tpu.memref_slice %arg2[%add3A_202] : memref<23520xf32, #tpu.memory_space<hbm>> -> memref<64xf32, #tpu.memory_space<hbm>>
    %dma_start3A_206 = arith.constant 1280 : i32
    %dma_start3A_207 = tpu.memref_slice %arg6[%dma_start3A_206] : memref<1920xf32, #tpu.memory_space<vmem>> -> memref<64xf32, #tpu.memory_space<vmem>>
    %dma_start3A_208 = tpu.memref_slice %arg2[%add3A_202] : memref<23520xf32, #tpu.memory_space<hbm>> -> memref<64xf32, #tpu.memory_space<hbm>>
    tpu.enqueue_dma source(%dma_start3A_208 : memref<64xf32, #tpu.memory_space<hbm>>) target(%dma_start3A_207 : memref<64xf32, #tpu.memory_space<vmem>>) target_semaphore(%arg19 : memref<!tpu.dma_semaphore, #tpu.memory_space<semaphore_mem>>)
    %mul3A_209 = arith.constant 16 : i32
    %mul3A_210 = arith.muli %mul3A_0, %mul3A_209 : i32
    %add3A_211 = arith.constant 16464 : i32
    %add3A_212 = arith.addi %add3A_211, %mul3A_210 : i32
    %dma_start3A_213 = arith.constant 1344 : i32
    %dma_start3A_214 = tpu.memref_slice %arg6[%dma_start3A_213] : memref<1920xf32, #tpu.memory_space<vmem>> -> memref<64xf32, #tpu.memory_space<vmem>>
    %dma_start3A_215 = tpu.memref_slice %arg2[%add3A_212] : memref<23520xf32, #tpu.memory_space<hbm>> -> memref<64xf32, #tpu.memory_space<hbm>>
    %dma_start3A_216 = arith.constant 1344 : i32
    %dma_start3A_217 = tpu.memref_slice %arg6[%dma_start3A_216] : memref<1920xf32, #tpu.memory_space<vmem>> -> memref<64xf32, #tpu.memory_space<vmem>>
    %dma_start3A_218 = tpu.memref_slice %arg2[%add3A_212] : memref<23520xf32, #tpu.memory_space<hbm>> -> memref<64xf32, #tpu.memory_space<hbm>>
    tpu.enqueue_dma source(%dma_start3A_218 : memref<64xf32, #tpu.memory_space<hbm>>) target(%dma_start3A_217 : memref<64xf32, #tpu.memory_space<vmem>>) target_semaphore(%arg19 : memref<!tpu.dma_semaphore, #tpu.memory_space<semaphore_mem>>)
    %mul3A_219 = arith.constant 16 : i32
    %mul3A_220 = arith.muli %mul3A_0, %mul3A_219 : i32
    %add3A_221 = arith.constant 17248 : i32
    %add3A_222 = arith.addi %add3A_221, %mul3A_220 : i32
    %dma_start3A_223 = arith.constant 1408 : i32
    %dma_start3A_224 = tpu.memref_slice %arg6[%dma_start3A_223] : memref<1920xf32, #tpu.memory_space<vmem>> -> memref<64xf32, #tpu.memory_space<vmem>>
    %dma_start3A_225 = tpu.memref_slice %arg2[%add3A_222] : memref<23520xf32, #tpu.memory_space<hbm>> -> memref<64xf32, #tpu.memory_space<hbm>>
    %dma_start3A_226 = arith.constant 1408 : i32
    %dma_start3A_227 = tpu.memref_slice %arg6[%dma_start3A_226] : memref<1920xf32, #tpu.memory_space<vmem>> -> memref<64xf32, #tpu.memory_space<vmem>>
    %dma_start3A_228 = tpu.memref_slice %arg2[%add3A_222] : memref<23520xf32, #tpu.memory_space<hbm>> -> memref<64xf32, #tpu.memory_space<hbm>>
    tpu.enqueue_dma source(%dma_start3A_228 : memref<64xf32, #tpu.memory_space<hbm>>) target(%dma_start3A_227 : memref<64xf32, #tpu.memory_space<vmem>>) target_semaphore(%arg19 : memref<!tpu.dma_semaphore, #tpu.memory_space<semaphore_mem>>)
    %mul3A_229 = arith.constant 16 : i32
    %mul3A_230 = arith.muli %mul3A_0, %mul3A_229 : i32
    %add3A_231 = arith.constant 18032 : i32
    %add3A_232 = arith.addi %add3A_231, %mul3A_230 : i32
    %dma_start3A_233 = arith.constant 1472 : i32
    %dma_start3A_234 = tpu.memref_slice %arg6[%dma_start3A_233] : memref<1920xf32, #tpu.memory_space<vmem>> -> memref<64xf32, #tpu.memory_space<vmem>>
    %dma_start3A_235 = tpu.memref_slice %arg2[%add3A_232] : memref<23520xf32, #tpu.memory_space<hbm>> -> memref<64xf32, #tpu.memory_space<hbm>>
    %dma_start3A_236 = arith.constant 1472 : i32
    %dma_start3A_237 = tpu.memref_slice %arg6[%dma_start3A_236] : memref<1920xf32, #tpu.memory_space<vmem>> -> memref<64xf32, #tpu.memory_space<vmem>>
    %dma_start3A_238 = tpu.memref_slice %arg2[%add3A_232] : memref<23520xf32, #tpu.memory_space<hbm>> -> memref<64xf32, #tpu.memory_space<hbm>>
    tpu.enqueue_dma source(%dma_start3A_238 : memref<64xf32, #tpu.memory_space<hbm>>) target(%dma_start3A_237 : memref<64xf32, #tpu.memory_space<vmem>>) target_semaphore(%arg19 : memref<!tpu.dma_semaphore, #tpu.memory_space<semaphore_mem>>)
    %mul3A_239 = arith.constant 16 : i32
    %mul3A_240 = arith.muli %mul3A_0, %mul3A_239 : i32
    %add3A_241 = arith.constant 18816 : i32
    %add3A_242 = arith.addi %add3A_241, %mul3A_240 : i32
    %dma_start3A_243 = arith.constant 1536 : i32
    %dma_start3A_244 = tpu.memref_slice %arg6[%dma_start3A_243] : memref<1920xf32, #tpu.memory_space<vmem>> -> memref<64xf32, #tpu.memory_space<vmem>>
    %dma_start3A_245 = tpu.memref_slice %arg2[%add3A_242] : memref<23520xf32, #tpu.memory_space<hbm>> -> memref<64xf32, #tpu.memory_space<hbm>>
    %dma_start3A_246 = arith.constant 1536 : i32
    %dma_start3A_247 = tpu.memref_slice %arg6[%dma_start3A_246] : memref<1920xf32, #tpu.memory_space<vmem>> -> memref<64xf32, #tpu.memory_space<vmem>>
    %dma_start3A_248 = tpu.memref_slice %arg2[%add3A_242] : memref<23520xf32, #tpu.memory_space<hbm>> -> memref<64xf32, #tpu.memory_space<hbm>>
    tpu.enqueue_dma source(%dma_start3A_248 : memref<64xf32, #tpu.memory_space<hbm>>) target(%dma_start3A_247 : memref<64xf32, #tpu.memory_space<vmem>>) target_semaphore(%arg19 : memref<!tpu.dma_semaphore, #tpu.memory_space<semaphore_mem>>)
    %mul3A_249 = arith.constant 16 : i32
    %mul3A_250 = arith.muli %mul3A_0, %mul3A_249 : i32
    %add3A_251 = arith.constant 19600 : i32
    %add3A_252 = arith.addi %add3A_251, %mul3A_250 : i32
    %dma_start3A_253 = arith.constant 1600 : i32
    %dma_start3A_254 = tpu.memref_slice %arg6[%dma_start3A_253] : memref<1920xf32, #tpu.memory_space<vmem>> -> memref<64xf32, #tpu.memory_space<vmem>>
    %dma_start3A_255 = tpu.memref_slice %arg2[%add3A_252] : memref<23520xf32, #tpu.memory_space<hbm>> -> memref<64xf32, #tpu.memory_space<hbm>>
    %dma_start3A_256 = arith.constant 1600 : i32
    %dma_start3A_257 = tpu.memref_slice %arg6[%dma_start3A_256] : memref<1920xf32, #tpu.memory_space<vmem>> -> memref<64xf32, #tpu.memory_space<vmem>>
    %dma_start3A_258 = tpu.memref_slice %arg2[%add3A_252] : memref<23520xf32, #tpu.memory_space<hbm>> -> memref<64xf32, #tpu.memory_space<hbm>>
    tpu.enqueue_dma source(%dma_start3A_258 : memref<64xf32, #tpu.memory_space<hbm>>) target(%dma_start3A_257 : memref<64xf32, #tpu.memory_space<vmem>>) target_semaphore(%arg19 : memref<!tpu.dma_semaphore, #tpu.memory_space<semaphore_mem>>)
    %mul3A_259 = arith.constant 16 : i32
    %mul3A_260 = arith.muli %mul3A_0, %mul3A_259 : i32
    %add3A_261 = arith.constant 20384 : i32
    %add3A_262 = arith.addi %add3A_261, %mul3A_260 : i32
    %dma_start3A_263 = arith.constant 1664 : i32
    %dma_start3A_264 = tpu.memref_slice %arg6[%dma_start3A_263] : memref<1920xf32, #tpu.memory_space<vmem>> -> memref<64xf32, #tpu.memory_space<vmem>>
    %dma_start3A_265 = tpu.memref_slice %arg2[%add3A_262] : memref<23520xf32, #tpu.memory_space<hbm>> -> memref<64xf32, #tpu.memory_space<hbm>>
    %dma_start3A_266 = arith.constant 1664 : i32
    %dma_start3A_267 = tpu.memref_slice %arg6[%dma_start3A_266] : memref<1920xf32, #tpu.memory_space<vmem>> -> memref<64xf32, #tpu.memory_space<vmem>>
    %dma_start3A_268 = tpu.memref_slice %arg2[%add3A_262] : memref<23520xf32, #tpu.memory_space<hbm>> -> memref<64xf32, #tpu.memory_space<hbm>>
    tpu.enqueue_dma source(%dma_start3A_268 : memref<64xf32, #tpu.memory_space<hbm>>) target(%dma_start3A_267 : memref<64xf32, #tpu.memory_space<vmem>>) target_semaphore(%arg19 : memref<!tpu.dma_semaphore, #tpu.memory_space<semaphore_mem>>)
    %mul3A_269 = arith.constant 16 : i32
    %mul3A_270 = arith.muli %mul3A_0, %mul3A_269 : i32
    %add3A_271 = arith.constant 21168 : i32
    %add3A_272 = arith.addi %add3A_271, %mul3A_270 : i32
    %dma_start3A_273 = arith.constant 1728 : i32
    %dma_start3A_274 = tpu.memref_slice %arg6[%dma_start3A_273] : memref<1920xf32, #tpu.memory_space<vmem>> -> memref<64xf32, #tpu.memory_space<vmem>>
    %dma_start3A_275 = tpu.memref_slice %arg2[%add3A_272] : memref<23520xf32, #tpu.memory_space<hbm>> -> memref<64xf32, #tpu.memory_space<hbm>>
    %dma_start3A_276 = arith.constant 1728 : i32
    %dma_start3A_277 = tpu.memref_slice %arg6[%dma_start3A_276] : memref<1920xf32, #tpu.memory_space<vmem>> -> memref<64xf32, #tpu.memory_space<vmem>>
    %dma_start3A_278 = tpu.memref_slice %arg2[%add3A_272] : memref<23520xf32, #tpu.memory_space<hbm>> -> memref<64xf32, #tpu.memory_space<hbm>>
    tpu.enqueue_dma source(%dma_start3A_278 : memref<64xf32, #tpu.memory_space<hbm>>) target(%dma_start3A_277 : memref<64xf32, #tpu.memory_space<vmem>>) target_semaphore(%arg19 : memref<!tpu.dma_semaphore, #tpu.memory_space<semaphore_mem>>)
    %mul3A_279 = arith.constant 16 : i32
    %mul3A_280 = arith.muli %mul3A_0, %mul3A_279 : i32
    %add3A_281 = arith.constant 21952 : i32
    %add3A_282 = arith.addi %add3A_281, %mul3A_280 : i32
    %dma_start3A_283 = arith.constant 1792 : i32
    %dma_start3A_284 = tpu.memref_slice %arg6[%dma_start3A_283] : memref<1920xf32, #tpu.memory_space<vmem>> -> memref<64xf32, #tpu.memory_space<vmem>>
    %dma_start3A_285 = tpu.memref_slice %arg2[%add3A_282] : memref<23520xf32, #tpu.memory_space<hbm>> -> memref<64xf32, #tpu.memory_space<hbm>>
    %dma_start3A_286 = arith.constant 1792 : i32
    %dma_start3A_287 = tpu.memref_slice %arg6[%dma_start3A_286] : memref<1920xf32, #tpu.memory_space<vmem>> -> memref<64xf32, #tpu.memory_space<vmem>>
    %dma_start3A_288 = tpu.memref_slice %arg2[%add3A_282] : memref<23520xf32, #tpu.memory_space<hbm>> -> memref<64xf32, #tpu.memory_space<hbm>>
    tpu.enqueue_dma source(%dma_start3A_288 : memref<64xf32, #tpu.memory_space<hbm>>) target(%dma_start3A_287 : memref<64xf32, #tpu.memory_space<vmem>>) target_semaphore(%arg19 : memref<!tpu.dma_semaphore, #tpu.memory_space<semaphore_mem>>)
    %mul3A_289 = arith.constant 16 : i32
    %mul3A_290 = arith.muli %mul3A_0, %mul3A_289 : i32
    %add3A_291 = arith.constant 22736 : i32
    %add3A_292 = arith.addi %add3A_291, %mul3A_290 : i32
    %dma_start3A_293 = arith.constant 1856 : i32
    %dma_start3A_294 = tpu.memref_slice %arg6[%dma_start3A_293] : memref<1920xf32, #tpu.memory_space<vmem>> -> memref<64xf32, #tpu.memory_space<vmem>>
    %dma_start3A_295 = tpu.memref_slice %arg2[%add3A_292] : memref<23520xf32, #tpu.memory_space<hbm>> -> memref<64xf32, #tpu.memory_space<hbm>>
    %dma_start3A_296 = arith.constant 1856 : i32
    %dma_start3A_297 = tpu.memref_slice %arg6[%dma_start3A_296] : memref<1920xf32, #tpu.memory_space<vmem>> -> memref<64xf32, #tpu.memory_space<vmem>>
    %dma_start3A_298 = tpu.memref_slice %arg2[%add3A_292] : memref<23520xf32, #tpu.memory_space<hbm>> -> memref<64xf32, #tpu.memory_space<hbm>>
    tpu.enqueue_dma source(%dma_start3A_298 : memref<64xf32, #tpu.memory_space<hbm>>) target(%dma_start3A_297 : memref<64xf32, #tpu.memory_space<vmem>>) target_semaphore(%arg19 : memref<!tpu.dma_semaphore, #tpu.memory_space<semaphore_mem>>)
    tpu.enqueue_dma source(%arg3 : memref<512xf32, #tpu.memory_space<hbm>>) target(%arg7 : memref<512xf32, #tpu.memory_space<vmem>>) target_semaphore(%arg20 : memref<!tpu.dma_semaphore, #tpu.memory_space<semaphore_mem>>)
    tpu.enqueue_dma source(%arg4 : memref<128xi32, #tpu.memory_space<hbm>>) target(%arg8 : memref<128xi32, #tpu.memory_space<vmem>>) target_semaphore(%arg20 : memref<!tpu.dma_semaphore, #tpu.memory_space<semaphore_mem>>)
    %broadcast_in_dim3A = arith.constant -1 : i32
    %broadcast_in_dim3A_299 = vector.broadcast %broadcast_in_dim3A : i32 to vector<16xi32>
    %add3A_300 = arith.constant 0 : i32
    %add3A_301 = arith.addi %mul3A_0, %add3A_300 : i32
    %mul3A_302 = arith.constant 16 : i32
    %mul3A_303 = arith.muli %add3A_301, %mul3A_302 : i32
    %add3A_304 = vector.broadcast %mul3A_303 : i32 to vector<16xi32>
    %add3A_305 = arith.addi %add3A_304, %iota3A : vector<16xi32>
    tpu.vector_store_idx %arg14[%add3A_305], %broadcast_in_dim3A_299 : memref<784xi32, #tpu.memory_space<vmem>>[vector<16xi32>], vector<16xi32>,
    %add3A_306 = arith.constant 1 : i32
    %add3A_307 = arith.addi %mul3A_0, %add3A_306 : i32
    %mul3A_308 = arith.constant 16 : i32
    %mul3A_309 = arith.muli %add3A_307, %mul3A_308 : i32
    %add3A_310 = vector.broadcast %mul3A_309 : i32 to vector<16xi32>
    %add3A_311 = arith.addi %add3A_310, %iota3A : vector<16xi32>
    tpu.vector_store_idx %arg14[%add3A_311], %broadcast_in_dim3A_299 : memref<784xi32, #tpu.memory_space<vmem>>[vector<16xi32>], vector<16xi32>,
    %add3A_312 = arith.constant 2 : i32
    %add3A_313 = arith.addi %mul3A_0, %add3A_312 : i32
    %mul3A_314 = arith.constant 16 : i32
    %mul3A_315 = arith.muli %add3A_313, %mul3A_314 : i32
    %add3A_316 = vector.broadcast %mul3A_315 : i32 to vector<16xi32>
    %add3A_317 = arith.addi %add3A_316, %iota3A : vector<16xi32>
    tpu.vector_store_idx %arg14[%add3A_317], %broadcast_in_dim3A_299 : memref<784xi32, #tpu.memory_space<vmem>>[vector<16xi32>], vector<16xi32>,
    %add3A_318 = arith.constant 3 : i32
    %add3A_319 = arith.addi %mul3A_0, %add3A_318 : i32
    %mul3A_320 = arith.constant 16 : i32
    %mul3A_321 = arith.muli %add3A_319, %mul3A_320 : i32
    %add3A_322 = vector.broadcast %mul3A_321 : i32 to vector<16xi32>
    %add3A_323 = arith.addi %add3A_322, %iota3A : vector<16xi32>
    tpu.vector_store_idx %arg14[%add3A_323], %broadcast_in_dim3A_299 : memref<784xi32, #tpu.memory_space<vmem>>[vector<16xi32>], vector<16xi32>,
    tpu.wait_dma2 semaphore(%arg20 : memref<!tpu.dma_semaphore, #tpu.memory_space<semaphore_mem>>) src(%arg3 : memref<512xf32, #tpu.memory_space<hbm>>) dst(%arg7 : memref<512xf32, #tpu.memory_space<vmem>>)
    tpu.wait_dma2 semaphore(%arg20 : memref<!tpu.dma_semaphore, #tpu.memory_space<semaphore_mem>>) src(%arg4 : memref<128xi32, #tpu.memory_space<hbm>>) dst(%arg8 : memref<128xi32, #tpu.memory_space<vmem>>)
    %add3A_324 = arith.constant 0 : i32
    %add3A_325 = vector.broadcast %add3A_324 : i32 to vector<16xi32>
    %add3A_326 = arith.addi %add3A_325, %iota3A : vector<16xi32>
    %get3A = arith.constant 0 : index
    %get3A_327 = tpu.vector_load %arg7[%get3A] {strides = array<i32>} : memref<512xf32, #tpu.memory_space<vmem>>, vector<16xf32>,
    %div3A = arith.constant 4.480000e+02 : f32
    %div3A_328 = vector.broadcast %div3A : f32 to vector<16xf32>
    %div3A_329 = arith.divf %get3A_327, %div3A_328 : vector<16xf32>
    %get3A_330 = arith.constant 128 : index
    %get3A_331 = tpu.vector_load %arg7[%get3A_330] {strides = array<i32>} : memref<512xf32, #tpu.memory_space<vmem>>, vector<16xf32>,
    %div3A_332 = arith.constant 4.480000e+02 : f32
    %div3A_333 = vector.broadcast %div3A_332 : f32 to vector<16xf32>
    %div3A_334 = arith.divf %get3A_331, %div3A_333 : vector<16xf32>
    %get3A_335 = arith.constant 256 : index
    %get3A_336 = tpu.vector_load %arg7[%get3A_335] {strides = array<i32>} : memref<512xf32, #tpu.memory_space<vmem>>, vector<16xf32>,
    %div3A_337 = arith.constant 4.480000e+02 : f32
    %div3A_338 = vector.broadcast %div3A_337 : f32 to vector<16xf32>
    %div3A_339 = arith.divf %get3A_336, %div3A_338 : vector<16xf32>
    %get3A_340 = arith.constant 384 : index
    %get3A_341 = tpu.vector_load %arg7[%get3A_340] {strides = array<i32>} : memref<512xf32, #tpu.memory_space<vmem>>, vector<16xf32>,
    %div3A_342 = arith.constant 4.480000e+02 : f32
    %div3A_343 = vector.broadcast %div3A_342 : f32 to vector<16xf32>
    %div3A_344 = arith.divf %get3A_341, %div3A_343 : vector<16xf32>
    %add3A_345 = arith.addf %div3A_329, %div3A_339 : vector<16xf32>
    %mul3A_346 = arith.constant 5.000000e-01 : f32
    %mul3A_347 = vector.broadcast %mul3A_346 : f32 to vector<16xf32>
    %mul3A_348 = arith.mulf %add3A_345, %mul3A_347 : vector<16xf32>
    %add3A_349 = arith.addf %div3A_334, %div3A_344 : vector<16xf32>
    %mul3A_350 = arith.constant 5.000000e-01 : f32
    %mul3A_351 = vector.broadcast %mul3A_350 : f32 to vector<16xf32>
    %mul3A_352 = arith.mulf %add3A_349, %mul3A_351 : vector<16xf32>
    %div3A_353 = arith.constant 0.142857149 : f32
    %div3A_354 = vector.broadcast %div3A_353 : f32 to vector<16xf32>
    %div3A_355 = arith.divf %mul3A_348, %div3A_354 : vector<16xf32>
    %div3A_356 = arith.constant 0.142857149 : f32
    %div3A_357 = vector.broadcast %div3A_356 : f32 to vector<16xf32>
    %div3A_358 = arith.divf %mul3A_352, %div3A_357 : vector<16xf32>
    %convert_element_type3A = arith.fptosi %div3A_355 : vector<16xf32> to vector<16xi32>
    %convert_element_type3A_359 = arith.sitofp %convert_element_type3A : vector<16xi32> to vector<16xf32>
    %convert_element_type3A_360 = arith.fptosi %div3A_358 : vector<16xf32> to vector<16xi32>
    %convert_element_type3A_361 = arith.sitofp %convert_element_type3A_360 : vector<16xi32> to vector<16xf32>
    %gt3A = arith.cmpf ogt, %div3A_355, %convert_element_type3A_359 : vector<16xf32>
    %jit3A = arith.constant 1.000000e+00 : f32
    %jit3A_362 = arith.constant 0.000000e+00 : f32
    %broadcast_in_dim3A_363 = vector.broadcast %jit3A : f32 to vector<16xf32>
    %broadcast_in_dim3A_364 = vector.broadcast %jit3A_362 : f32 to vector<16xf32>
    %select_n3A = arith.select %gt3A, %broadcast_in_dim3A_363, %broadcast_in_dim3A_364 : vector<16xi1>, vector<16xf32>
    %add3A_365 = arith.addf %convert_element_type3A_359, %select_n3A : vector<16xf32>
    %sub3A = arith.constant 1.000000e+00 : f32
    %sub3A_366 = vector.broadcast %sub3A : f32 to vector<16xf32>
    %sub3A_367 = arith.subf %add3A_365, %sub3A_366 : vector<16xf32>
    %gt3A_368 = arith.cmpf ogt, %div3A_358, %convert_element_type3A_361 : vector<16xf32>
    %jit3A_369 = arith.constant 1.000000e+00 : f32
    %jit3A_370 = arith.constant 0.000000e+00 : f32
    %broadcast_in_dim3A_371 = vector.broadcast %jit3A_369 : f32 to vector<16xf32>
    %broadcast_in_dim3A_372 = vector.broadcast %jit3A_370 : f32 to vector<16xf32>
    %select_n3A_373 = arith.select %gt3A_368, %broadcast_in_dim3A_371, %broadcast_in_dim3A_372 : vector<16xi1>, vector<16xf32>
    %add3A_374 = arith.addf %convert_element_type3A_361, %select_n3A_373 : vector<16xf32>
    %sub3A_375 = arith.constant 1.000000e+00 : f32
    %sub3A_376 = vector.broadcast %sub3A_375 : f32 to vector<16xf32>
    %sub3A_377 = arith.subf %add3A_374, %sub3A_376 : vector<16xf32>
    %mul3A_378 = arith.constant 0.142857149 : f32
    %mul3A_379 = vector.broadcast %mul3A_378 : f32 to vector<16xf32>
    %mul3A_380 = arith.mulf %sub3A_367, %mul3A_379 : vector<16xf32>
    %sub3A_381 = arith.subf %mul3A_348, %mul3A_380 : vector<16xf32>
    %mul3A_382 = arith.constant 7.000000e+00 : f32
    %mul3A_383 = vector.broadcast %mul3A_382 : f32 to vector<16xf32>
    %mul3A_384 = arith.mulf %sub3A_381, %mul3A_383 : vector<16xf32>
    %mul3A_385 = arith.constant 0.142857149 : f32
    %mul3A_386 = vector.broadcast %mul3A_385 : f32 to vector<16xf32>
    %mul3A_387 = arith.mulf %sub3A_377, %mul3A_386 : vector<16xf32>
    %sub3A_388 = arith.subf %mul3A_352, %mul3A_387 : vector<16xf32>
    %mul3A_389 = arith.constant 7.000000e+00 : f32
    %mul3A_390 = vector.broadcast %mul3A_389 : f32 to vector<16xf32>
    %mul3A_391 = arith.mulf %sub3A_388, %mul3A_390 : vector<16xf32>
    %convert_element_type3A_392 = arith.fptosi %sub3A_367 : vector<16xf32> to vector<16xi32>
    %convert_element_type3A_393 = arith.fptosi %sub3A_377 : vector<16xf32> to vector<16xi32>
    %shift_right_arithmetic3A = arith.constant 3 : i32
    %shift_right_arithmetic3A_394 = vector.broadcast %shift_right_arithmetic3A : i32 to vector<16xi32>
    %shift_right_arithmetic3A_395 = arith.shrsi %add3A_326, %shift_right_arithmetic3A_394 : vector<16xi32>
    %mul3A_396 = arith.constant 49 : i32
    %mul3A_397 = vector.broadcast %mul3A_396 : i32 to vector<16xi32>
    %mul3A_398 = arith.muli %shift_right_arithmetic3A_395, %mul3A_397 : vector<16xi32>
    %mul3A_399 = arith.constant 7 : i32
    %mul3A_400 = vector.broadcast %mul3A_399 : i32 to vector<16xi32>
    %mul3A_401 = arith.muli %convert_element_type3A_393, %mul3A_400 : vector<16xi32>
    %add3A_402 = arith.addi %mul3A_398, %mul3A_401 : vector<16xi32>
    %add3A_403 = arith.addi %add3A_402, %convert_element_type3A_392 : vector<16xi32>
    %swap3A = arith.constant 0 : index
    %swap3A_404 = tpu.vector_load %arg9[%swap3A] {strides = array<i32>} : memref<128xf32, #tpu.memory_space<vmem>>, vector<16xf32>,
    tpu.vector_store %arg9[%swap3A], %mul3A_384 {strides = array<i32>} : memref<128xf32, #tpu.memory_space<vmem>>, vector<16xf32>,
    %swap3A_405 = arith.constant 0 : index
    %swap3A_406 = tpu.vector_load %arg10[%swap3A_405] {strides = array<i32>} : memref<128xf32, #tpu.memory_space<vmem>>, vector<16xf32>,
    tpu.vector_store %arg10[%swap3A_405], %mul3A_391 {strides = array<i32>} : memref<128xf32, #tpu.memory_space<vmem>>, vector<16xf32>,
    %sub3A_407 = arith.subf %div3A_339, %div3A_329 : vector<16xf32>
    %swap3A_408 = arith.constant 0 : index
    %swap3A_409 = tpu.vector_load %arg11[%swap3A_408] {strides = array<i32>} : memref<128xf32, #tpu.memory_space<vmem>>, vector<16xf32>,
    tpu.vector_store %arg11[%swap3A_408], %sub3A_407 {strides = array<i32>} : memref<128xf32, #tpu.memory_space<vmem>>, vector<16xf32>,
    %sub3A_410 = arith.subf %div3A_344, %div3A_334 : vector<16xf32>
    %swap3A_411 = arith.constant 0 : index
    %swap3A_412 = tpu.vector_load %arg12[%swap3A_411] {strides = array<i32>} : memref<128xf32, #tpu.memory_space<vmem>>, vector<16xf32>,
    tpu.vector_store %arg12[%swap3A_411], %sub3A_410 {strides = array<i32>} : memref<128xf32, #tpu.memory_space<vmem>>, vector<16xf32>,
    %swap3A_413 = arith.constant 0 : index
    %swap3A_414 = tpu.vector_load %arg13[%swap3A_413] {strides = array<i32>} : memref<128xi32, #tpu.memory_space<vmem>>, vector<16xi32>,
    tpu.vector_store %arg13[%swap3A_413], %add3A_403 {strides = array<i32>} : memref<128xi32, #tpu.memory_space<vmem>>, vector<16xi32>,
    %add3A_415 = arith.constant 16 : i32
    %add3A_416 = vector.broadcast %add3A_415 : i32 to vector<16xi32>
    %add3A_417 = arith.addi %add3A_416, %iota3A : vector<16xi32>
    %get3A_418 = arith.constant 16 : index
    %get3A_419 = tpu.vector_load %arg7[%get3A_418] {strides = array<i32>} : memref<512xf32, #tpu.memory_space<vmem>>, vector<16xf32>,
    %div3A_420 = arith.constant 4.480000e+02 : f32
    %div3A_421 = vector.broadcast %div3A_420 : f32 to vector<16xf32>
    %div3A_422 = arith.divf %get3A_419, %div3A_421 : vector<16xf32>
    %get3A_423 = arith.constant 144 : index
    %get3A_424 = tpu.vector_load %arg7[%get3A_423] {strides = array<i32>} : memref<512xf32, #tpu.memory_space<vmem>>, vector<16xf32>,
    %div3A_425 = arith.constant 4.480000e+02 : f32
    %div3A_426 = vector.broadcast %div3A_425 : f32 to vector<16xf32>
    %div3A_427 = arith.divf %get3A_424, %div3A_426 : vector<16xf32>
    %get3A_428 = arith.constant 272 : index
    %get3A_429 = tpu.vector_load %arg7[%get3A_428] {strides = array<i32>} : memref<512xf32, #tpu.memory_space<vmem>>, vector<16xf32>,
    %div3A_430 = arith.constant 4.480000e+02 : f32
    %div3A_431 = vector.broadcast %div3A_430 : f32 to vector<16xf32>
    %div3A_432 = arith.divf %get3A_429, %div3A_431 : vector<16xf32>
    %get3A_433 = arith.constant 400 : index
    %get3A_434 = tpu.vector_load %arg7[%get3A_433] {strides = array<i32>} : memref<512xf32, #tpu.memory_space<vmem>>, vector<16xf32>,
    %div3A_435 = arith.constant 4.480000e+02 : f32
    %div3A_436 = vector.broadcast %div3A_435 : f32 to vector<16xf32>
    %div3A_437 = arith.divf %get3A_434, %div3A_436 : vector<16xf32>
    %add3A_438 = arith.addf %div3A_422, %div3A_432 : vector<16xf32>
    %mul3A_439 = arith.constant 5.000000e-01 : f32
    %mul3A_440 = vector.broadcast %mul3A_439 : f32 to vector<16xf32>
    %mul3A_441 = arith.mulf %add3A_438, %mul3A_440 : vector<16xf32>
    %add3A_442 = arith.addf %div3A_427, %div3A_437 : vector<16xf32>
    %mul3A_443 = arith.constant 5.000000e-01 : f32
    %mul3A_444 = vector.broadcast %mul3A_443 : f32 to vector<16xf32>
    %mul3A_445 = arith.mulf %add3A_442, %mul3A_444 : vector<16xf32>
    %div3A_446 = arith.constant 0.142857149 : f32
    %div3A_447 = vector.broadcast %div3A_446 : f32 to vector<16xf32>
    %div3A_448 = arith.divf %mul3A_441, %div3A_447 : vector<16xf32>
    %div3A_449 = arith.constant 0.142857149 : f32
    %div3A_450 = vector.broadcast %div3A_449 : f32 to vector<16xf32>
    %div3A_451 = arith.divf %mul3A_445, %div3A_450 : vector<16xf32>
    %convert_element_type3A_452 = arith.fptosi %div3A_448 : vector<16xf32> to vector<16xi32>
    %convert_element_type3A_453 = arith.sitofp %convert_element_type3A_452 : vector<16xi32> to vector<16xf32>
    %convert_element_type3A_454 = arith.fptosi %div3A_451 : vector<16xf32> to vector<16xi32>
    %convert_element_type3A_455 = arith.sitofp %convert_element_type3A_454 : vector<16xi32> to vector<16xf32>
    %gt3A_456 = arith.cmpf ogt, %div3A_448, %convert_element_type3A_453 : vector<16xf32>
    %jit3A_457 = arith.constant 1.000000e+00 : f32
    %jit3A_458 = arith.constant 0.000000e+00 : f32
    %broadcast_in_dim3A_459 = vector.broadcast %jit3A_457 : f32 to vector<16xf32>
    %broadcast_in_dim3A_460 = vector.broadcast %jit3A_458 : f32 to vector<16xf32>
    %select_n3A_461 = arith.select %gt3A_456, %broadcast_in_dim3A_459, %broadcast_in_dim3A_460 : vector<16xi1>, vector<16xf32>
    %add3A_462 = arith.addf %convert_element_type3A_453, %select_n3A_461 : vector<16xf32>
    %sub3A_463 = arith.constant 1.000000e+00 : f32
    %sub3A_464 = vector.broadcast %sub3A_463 : f32 to vector<16xf32>
    %sub3A_465 = arith.subf %add3A_462, %sub3A_464 : vector<16xf32>
    %gt3A_466 = arith.cmpf ogt, %div3A_451, %convert_element_type3A_455 : vector<16xf32>
    %jit3A_467 = arith.constant 1.000000e+00 : f32
    %jit3A_468 = arith.constant 0.000000e+00 : f32
    %broadcast_in_dim3A_469 = vector.broadcast %jit3A_467 : f32 to vector<16xf32>
    %broadcast_in_dim3A_470 = vector.broadcast %jit3A_468 : f32 to vector<16xf32>
    %select_n3A_471 = arith.select %gt3A_466, %broadcast_in_dim3A_469, %broadcast_in_dim3A_470 : vector<16xi1>, vector<16xf32>
    %add3A_472 = arith.addf %convert_element_type3A_455, %select_n3A_471 : vector<16xf32>
    %sub3A_473 = arith.constant 1.000000e+00 : f32
    %sub3A_474 = vector.broadcast %sub3A_473 : f32 to vector<16xf32>
    %sub3A_475 = arith.subf %add3A_472, %sub3A_474 : vector<16xf32>
    %mul3A_476 = arith.constant 0.142857149 : f32
    %mul3A_477 = vector.broadcast %mul3A_476 : f32 to vector<16xf32>
    %mul3A_478 = arith.mulf %sub3A_465, %mul3A_477 : vector<16xf32>
    %sub3A_479 = arith.subf %mul3A_441, %mul3A_478 : vector<16xf32>
    %mul3A_480 = arith.constant 7.000000e+00 : f32
    %mul3A_481 = vector.broadcast %mul3A_480 : f32 to vector<16xf32>
    %mul3A_482 = arith.mulf %sub3A_479, %mul3A_481 : vector<16xf32>
    %mul3A_483 = arith.constant 0.142857149 : f32
    %mul3A_484 = vector.broadcast %mul3A_483 : f32 to vector<16xf32>
    %mul3A_485 = arith.mulf %sub3A_475, %mul3A_484 : vector<16xf32>
    %sub3A_486 = arith.subf %mul3A_445, %mul3A_485 : vector<16xf32>
    %mul3A_487 = arith.constant 7.000000e+00 : f32
    %mul3A_488 = vector.broadcast %mul3A_487 : f32 to vector<16xf32>
    %mul3A_489 = arith.mulf %sub3A_486, %mul3A_488 : vector<16xf32>
    %convert_element_type3A_490 = arith.fptosi %sub3A_465 : vector<16xf32> to vector<16xi32>
    %convert_element_type3A_491 = arith.fptosi %sub3A_475 : vector<16xf32> to vector<16xi32>
    %shift_right_arithmetic3A_492 = arith.constant 3 : i32
    %shift_right_arithmetic3A_493 = vector.broadcast %shift_right_arithmetic3A_492 : i32 to vector<16xi32>
    %shift_right_arithmetic3A_494 = arith.shrsi %add3A_417, %shift_right_arithmetic3A_493 : vector<16xi32>
    %mul3A_495 = arith.constant 49 : i32
    %mul3A_496 = vector.broadcast %mul3A_495 : i32 to vector<16xi32>
    %mul3A_497 = arith.muli %shift_right_arithmetic3A_494, %mul3A_496 : vector<16xi32>
    %mul3A_498 = arith.constant 7 : i32
    %mul3A_499 = vector.broadcast %mul3A_498 : i32 to vector<16xi32>
    %mul3A_500 = arith.muli %convert_element_type3A_491, %mul3A_499 : vector<16xi32>
    %add3A_501 = arith.addi %mul3A_497, %mul3A_500 : vector<16xi32>
    %add3A_502 = arith.addi %add3A_501, %convert_element_type3A_490 : vector<16xi32>
    %swap3A_503 = arith.constant 16 : index
    %swap3A_504 = tpu.vector_load %arg9[%swap3A_503] {strides = array<i32>} : memref<128xf32, #tpu.memory_space<vmem>>, vector<16xf32>,
    tpu.vector_store %arg9[%swap3A_503], %mul3A_482 {strides = array<i32>} : memref<128xf32, #tpu.memory_space<vmem>>, vector<16xf32>,
    %swap3A_505 = arith.constant 16 : index
    %swap3A_506 = tpu.vector_load %arg10[%swap3A_505] {strides = array<i32>} : memref<128xf32, #tpu.memory_space<vmem>>, vector<16xf32>,
    tpu.vector_store %arg10[%swap3A_505], %mul3A_489 {strides = array<i32>} : memref<128xf32, #tpu.memory_space<vmem>>, vector<16xf32>,
    %sub3A_507 = arith.subf %div3A_432, %div3A_422 : vector<16xf32>
    %swap3A_508 = arith.constant 16 : index
    %swap3A_509 = tpu.vector_load %arg11[%swap3A_508] {strides = array<i32>} : memref<128xf32, #tpu.memory_space<vmem>>, vector<16xf32>,
    tpu.vector_store %arg11[%swap3A_508], %sub3A_507 {strides = array<i32>} : memref<128xf32, #tpu.memory_space<vmem>>, vector<16xf32>,
    %sub3A_510 = arith.subf %div3A_437, %div3A_427 : vector<16xf32>
    %swap3A_511 = arith.constant 16 : index
    %swap3A_512 = tpu.vector_load %arg12[%swap3A_511] {strides = array<i32>} : memref<128xf32, #tpu.memory_space<vmem>>, vector<16xf32>,
    tpu.vector_store %arg12[%swap3A_511], %sub3A_510 {strides = array<i32>} : memref<128xf32, #tpu.memory_space<vmem>>, vector<16xf32>,
    %swap3A_513 = arith.constant 16 : index
    %swap3A_514 = tpu.vector_load %arg13[%swap3A_513] {strides = array<i32>} : memref<128xi32, #tpu.memory_space<vmem>>, vector<16xi32>,
    tpu.vector_store %arg13[%swap3A_513], %add3A_502 {strides = array<i32>} : memref<128xi32, #tpu.memory_space<vmem>>, vector<16xi32>,
    %add3A_515 = arith.constant 32 : i32
    %add3A_516 = vector.broadcast %add3A_515 : i32 to vector<16xi32>
    %add3A_517 = arith.addi %add3A_516, %iota3A : vector<16xi32>
    %get3A_518 = arith.constant 32 : index
    %get3A_519 = tpu.vector_load %arg7[%get3A_518] {strides = array<i32>} : memref<512xf32, #tpu.memory_space<vmem>>, vector<16xf32>,
    %div3A_520 = arith.constant 4.480000e+02 : f32
    %div3A_521 = vector.broadcast %div3A_520 : f32 to vector<16xf32>
    %div3A_522 = arith.divf %get3A_519, %div3A_521 : vector<16xf32>
    %get3A_523 = arith.constant 160 : index
    %get3A_524 = tpu.vector_load %arg7[%get3A_523] {strides = array<i32>} : memref<512xf32, #tpu.memory_space<vmem>>, vector<16xf32>,
    %div3A_525 = arith.constant 4.480000e+02 : f32
    %div3A_526 = vector.broadcast %div3A_525 : f32 to vector<16xf32>
    %div3A_527 = arith.divf %get3A_524, %div3A_526 : vector<16xf32>
    %get3A_528 = arith.constant 288 : index
    %get3A_529 = tpu.vector_load %arg7[%get3A_528] {strides = array<i32>} : memref<512xf32, #tpu.memory_space<vmem>>, vector<16xf32>,
    %div3A_530 = arith.constant 4.480000e+02 : f32
    %div3A_531 = vector.broadcast %div3A_530 : f32 to vector<16xf32>
    %div3A_532 = arith.divf %get3A_529, %div3A_531 : vector<16xf32>
    %get3A_533 = arith.constant 416 : index
    %get3A_534 = tpu.vector_load %arg7[%get3A_533] {strides = array<i32>} : memref<512xf32, #tpu.memory_space<vmem>>, vector<16xf32>,
    %div3A_535 = arith.constant 4.480000e+02 : f32
    %div3A_536 = vector.broadcast %div3A_535 : f32 to vector<16xf32>
    %div3A_537 = arith.divf %get3A_534, %div3A_536 : vector<16xf32>
    %add3A_538 = arith.addf %div3A_522, %div3A_532 : vector<16xf32>
    %mul3A_539 = arith.constant 5.000000e-01 : f32
    %mul3A_540 = vector.broadcast %mul3A_539 : f32 to vector<16xf32>
    %mul3A_541 = arith.mulf %add3A_538, %mul3A_540 : vector<16xf32>
    %add3A_542 = arith.addf %div3A_527, %div3A_537 : vector<16xf32>
    %mul3A_543 = arith.constant 5.000000e-01 : f32
    %mul3A_544 = vector.broadcast %mul3A_543 : f32 to vector<16xf32>
    %mul3A_545 = arith.mulf %add3A_542, %mul3A_544 : vector<16xf32>
    %div3A_546 = arith.constant 0.142857149 : f32
    %div3A_547 = vector.broadcast %div3A_546 : f32 to vector<16xf32>
    %div3A_548 = arith.divf %mul3A_541, %div3A_547 : vector<16xf32>
    %div3A_549 = arith.constant 0.142857149 : f32
    %div3A_550 = vector.broadcast %div3A_549 : f32 to vector<16xf32>
    %div3A_551 = arith.divf %mul3A_545, %div3A_550 : vector<16xf32>
    %convert_element_type3A_552 = arith.fptosi %div3A_548 : vector<16xf32> to vector<16xi32>
    %convert_element_type3A_553 = arith.sitofp %convert_element_type3A_552 : vector<16xi32> to vector<16xf32>
    %convert_element_type3A_554 = arith.fptosi %div3A_551 : vector<16xf32> to vector<16xi32>
    %convert_element_type3A_555 = arith.sitofp %convert_element_type3A_554 : vector<16xi32> to vector<16xf32>
    %gt3A_556 = arith.cmpf ogt, %div3A_548, %convert_element_type3A_553 : vector<16xf32>
    %jit3A_557 = arith.constant 1.000000e+00 : f32
    %jit3A_558 = arith.constant 0.000000e+00 : f32
    %broadcast_in_dim3A_559 = vector.broadcast %jit3A_557 : f32 to vector<16xf32>
    %broadcast_in_dim3A_560 = vector.broadcast %jit3A_558 : f32 to vector<16xf32>
    %select_n3A_561 = arith.select %gt3A_556, %broadcast_in_dim3A_559, %broadcast_in_dim3A_560 : vector<16xi1>, vector<16xf32>
    %add3A_562 = arith.addf %convert_element_type3A_553, %select_n3A_561 : vector<16xf32>
    %sub3A_563 = arith.constant 1.000000e+00 : f32
    %sub3A_564 = vector.broadcast %sub3A_563 : f32 to vector<16xf32>
    %sub3A_565 = arith.subf %add3A_562, %sub3A_564 : vector<16xf32>
    %gt3A_566 = arith.cmpf ogt, %div3A_551, %convert_element_type3A_555 : vector<16xf32>
    %jit3A_567 = arith.constant 1.000000e+00 : f32
    %jit3A_568 = arith.constant 0.000000e+00 : f32
    %broadcast_in_dim3A_569 = vector.broadcast %jit3A_567 : f32 to vector<16xf32>
    %broadcast_in_dim3A_570 = vector.broadcast %jit3A_568 : f32 to vector<16xf32>
    %select_n3A_571 = arith.select %gt3A_566, %broadcast_in_dim3A_569, %broadcast_in_dim3A_570 : vector<16xi1>, vector<16xf32>
    %add3A_572 = arith.addf %convert_element_type3A_555, %select_n3A_571 : vector<16xf32>
    %sub3A_573 = arith.constant 1.000000e+00 : f32
    %sub3A_574 = vector.broadcast %sub3A_573 : f32 to vector<16xf32>
    %sub3A_575 = arith.subf %add3A_572, %sub3A_574 : vector<16xf32>
    %mul3A_576 = arith.constant 0.142857149 : f32
    %mul3A_577 = vector.broadcast %mul3A_576 : f32 to vector<16xf32>
    %mul3A_578 = arith.mulf %sub3A_565, %mul3A_577 : vector<16xf32>
    %sub3A_579 = arith.subf %mul3A_541, %mul3A_578 : vector<16xf32>
    %mul3A_580 = arith.constant 7.000000e+00 : f32
    %mul3A_581 = vector.broadcast %mul3A_580 : f32 to vector<16xf32>
    %mul3A_582 = arith.mulf %sub3A_579, %mul3A_581 : vector<16xf32>
    %mul3A_583 = arith.constant 0.142857149 : f32
    %mul3A_584 = vector.broadcast %mul3A_583 : f32 to vector<16xf32>
    %mul3A_585 = arith.mulf %sub3A_575, %mul3A_584 : vector<16xf32>
    %sub3A_586 = arith.subf %mul3A_545, %mul3A_585 : vector<16xf32>
    %mul3A_587 = arith.constant 7.000000e+00 : f32
    %mul3A_588 = vector.broadcast %mul3A_587 : f32 to vector<16xf32>
    %mul3A_589 = arith.mulf %sub3A_586, %mul3A_588 : vector<16xf32>
    %convert_element_type3A_590 = arith.fptosi %sub3A_565 : vector<16xf32> to vector<16xi32>
    %convert_element_type3A_591 = arith.fptosi %sub3A_575 : vector<16xf32> to vector<16xi32>
    %shift_right_arithmetic3A_592 = arith.constant 3 : i32
    %shift_right_arithmetic3A_593 = vector.broadcast %shift_right_arithmetic3A_592 : i32 to vector<16xi32>
    %shift_right_arithmetic3A_594 = arith.shrsi %add3A_517, %shift_right_arithmetic3A_593 : vector<16xi32>
    %mul3A_595 = arith.constant 49 : i32
    %mul3A_596 = vector.broadcast %mul3A_595 : i32 to vector<16xi32>
    %mul3A_597 = arith.muli %shift_right_arithmetic3A_594, %mul3A_596 : vector<16xi32>
    %mul3A_598 = arith.constant 7 : i32
    %mul3A_599 = vector.broadcast %mul3A_598 : i32 to vector<16xi32>
    %mul3A_600 = arith.muli %convert_element_type3A_591, %mul3A_599 : vector<16xi32>
    %add3A_601 = arith.addi %mul3A_597, %mul3A_600 : vector<16xi32>
    %add3A_602 = arith.addi %add3A_601, %convert_element_type3A_590 : vector<16xi32>
    %swap3A_603 = arith.constant 32 : index
    %swap3A_604 = tpu.vector_load %arg9[%swap3A_603] {strides = array<i32>} : memref<128xf32, #tpu.memory_space<vmem>>, vector<16xf32>,
    tpu.vector_store %arg9[%swap3A_603], %mul3A_582 {strides = array<i32>} : memref<128xf32, #tpu.memory_space<vmem>>, vector<16xf32>,
    %swap3A_605 = arith.constant 32 : index
    %swap3A_606 = tpu.vector_load %arg10[%swap3A_605] {strides = array<i32>} : memref<128xf32, #tpu.memory_space<vmem>>, vector<16xf32>,
    tpu.vector_store %arg10[%swap3A_605], %mul3A_589 {strides = array<i32>} : memref<128xf32, #tpu.memory_space<vmem>>, vector<16xf32>,
    %sub3A_607 = arith.subf %div3A_532, %div3A_522 : vector<16xf32>
    %swap3A_608 = arith.constant 32 : index
    %swap3A_609 = tpu.vector_load %arg11[%swap3A_608] {strides = array<i32>} : memref<128xf32, #tpu.memory_space<vmem>>, vector<16xf32>,
    tpu.vector_store %arg11[%swap3A_608], %sub3A_607 {strides = array<i32>} : memref<128xf32, #tpu.memory_space<vmem>>, vector<16xf32>,
    %sub3A_610 = arith.subf %div3A_537, %div3A_527 : vector<16xf32>
    %swap3A_611 = arith.constant 32 : index
    %swap3A_612 = tpu.vector_load %arg12[%swap3A_611] {strides = array<i32>} : memref<128xf32, #tpu.memory_space<vmem>>, vector<16xf32>,
    tpu.vector_store %arg12[%swap3A_611], %sub3A_610 {strides = array<i32>} : memref<128xf32, #tpu.memory_space<vmem>>, vector<16xf32>,
    %swap3A_613 = arith.constant 32 : index
    %swap3A_614 = tpu.vector_load %arg13[%swap3A_613] {strides = array<i32>} : memref<128xi32, #tpu.memory_space<vmem>>, vector<16xi32>,
    tpu.vector_store %arg13[%swap3A_613], %add3A_602 {strides = array<i32>} : memref<128xi32, #tpu.memory_space<vmem>>, vector<16xi32>,
    %add3A_615 = arith.constant 48 : i32
    %add3A_616 = vector.broadcast %add3A_615 : i32 to vector<16xi32>
    %add3A_617 = arith.addi %add3A_616, %iota3A : vector<16xi32>
    %get3A_618 = arith.constant 48 : index
    %get3A_619 = tpu.vector_load %arg7[%get3A_618] {strides = array<i32>} : memref<512xf32, #tpu.memory_space<vmem>>, vector<16xf32>,
    %div3A_620 = arith.constant 4.480000e+02 : f32
    %div3A_621 = vector.broadcast %div3A_620 : f32 to vector<16xf32>
    %div3A_622 = arith.divf %get3A_619, %div3A_621 : vector<16xf32>
    %get3A_623 = arith.constant 176 : index
    %get3A_624 = tpu.vector_load %arg7[%get3A_623] {strides = array<i32>} : memref<512xf32, #tpu.memory_space<vmem>>, vector<16xf32>,
    %div3A_625 = arith.constant 4.480000e+02 : f32
    %div3A_626 = vector.broadcast %div3A_625 : f32 to vector<16xf32>
    %div3A_627 = arith.divf %get3A_624, %div3A_626 : vector<16xf32>
    %get3A_628 = arith.constant 304 : index
    %get3A_629 = tpu.vector_load %arg7[%get3A_628] {strides = array<i32>} : memref<512xf32, #tpu.memory_space<vmem>>, vector<16xf32>,
    %div3A_630 = arith.constant 4.480000e+02 : f32
    %div3A_631 = vector.broadcast %div3A_630 : f32 to vector<16xf32>
    %div3A_632 = arith.divf %get3A_629, %div3A_631 : vector<16xf32>
    %get3A_633 = arith.constant 432 : index
    %get3A_634 = tpu.vector_load %arg7[%get3A_633] {strides = array<i32>} : memref<512xf32, #tpu.memory_space<vmem>>, vector<16xf32>,
    %div3A_635 = arith.constant 4.480000e+02 : f32
    %div3A_636 = vector.broadcast %div3A_635 : f32 to vector<16xf32>
    %div3A_637 = arith.divf %get3A_634, %div3A_636 : vector<16xf32>
    %add3A_638 = arith.addf %div3A_622, %div3A_632 : vector<16xf32>
    %mul3A_639 = arith.constant 5.000000e-01 : f32
    %mul3A_640 = vector.broadcast %mul3A_639 : f32 to vector<16xf32>
    %mul3A_641 = arith.mulf %add3A_638, %mul3A_640 : vector<16xf32>
    %add3A_642 = arith.addf %div3A_627, %div3A_637 : vector<16xf32>
    %mul3A_643 = arith.constant 5.000000e-01 : f32
    %mul3A_644 = vector.broadcast %mul3A_643 : f32 to vector<16xf32>
    %mul3A_645 = arith.mulf %add3A_642, %mul3A_644 : vector<16xf32>
    %div3A_646 = arith.constant 0.142857149 : f32
    %div3A_647 = vector.broadcast %div3A_646 : f32 to vector<16xf32>
    %div3A_648 = arith.divf %mul3A_641, %div3A_647 : vector<16xf32>
    %div3A_649 = arith.constant 0.142857149 : f32
    %div3A_650 = vector.broadcast %div3A_649 : f32 to vector<16xf32>
    %div3A_651 = arith.divf %mul3A_645, %div3A_650 : vector<16xf32>
    %convert_element_type3A_652 = arith.fptosi %div3A_648 : vector<16xf32> to vector<16xi32>
    %convert_element_type3A_653 = arith.sitofp %convert_element_type3A_652 : vector<16xi32> to vector<16xf32>
    %convert_element_type3A_654 = arith.fptosi %div3A_651 : vector<16xf32> to vector<16xi32>
    %convert_element_type3A_655 = arith.sitofp %convert_element_type3A_654 : vector<16xi32> to vector<16xf32>
    %gt3A_656 = arith.cmpf ogt, %div3A_648, %convert_element_type3A_653 : vector<16xf32>
    %jit3A_657 = arith.constant 1.000000e+00 : f32
    %jit3A_658 = arith.constant 0.000000e+00 : f32
    %broadcast_in_dim3A_659 = vector.broadcast %jit3A_657 : f32 to vector<16xf32>
    %broadcast_in_dim3A_660 = vector.broadcast %jit3A_658 : f32 to vector<16xf32>
    %select_n3A_661 = arith.select %gt3A_656, %broadcast_in_dim3A_659, %broadcast_in_dim3A_660 : vector<16xi1>, vector<16xf32>
    %add3A_662 = arith.addf %convert_element_type3A_653, %select_n3A_661 : vector<16xf32>
    %sub3A_663 = arith.constant 1.000000e+00 : f32
    %sub3A_664 = vector.broadcast %sub3A_663 : f32 to vector<16xf32>
    %sub3A_665 = arith.subf %add3A_662, %sub3A_664 : vector<16xf32>
    %gt3A_666 = arith.cmpf ogt, %div3A_651, %convert_element_type3A_655 : vector<16xf32>
    %jit3A_667 = arith.constant 1.000000e+00 : f32
    %jit3A_668 = arith.constant 0.000000e+00 : f32
    %broadcast_in_dim3A_669 = vector.broadcast %jit3A_667 : f32 to vector<16xf32>
    %broadcast_in_dim3A_670 = vector.broadcast %jit3A_668 : f32 to vector<16xf32>
    %select_n3A_671 = arith.select %gt3A_666, %broadcast_in_dim3A_669, %broadcast_in_dim3A_670 : vector<16xi1>, vector<16xf32>
    %add3A_672 = arith.addf %convert_element_type3A_655, %select_n3A_671 : vector<16xf32>
    %sub3A_673 = arith.constant 1.000000e+00 : f32
    %sub3A_674 = vector.broadcast %sub3A_673 : f32 to vector<16xf32>
    %sub3A_675 = arith.subf %add3A_672, %sub3A_674 : vector<16xf32>
    %mul3A_676 = arith.constant 0.142857149 : f32
    %mul3A_677 = vector.broadcast %mul3A_676 : f32 to vector<16xf32>
    %mul3A_678 = arith.mulf %sub3A_665, %mul3A_677 : vector<16xf32>
    %sub3A_679 = arith.subf %mul3A_641, %mul3A_678 : vector<16xf32>
    %mul3A_680 = arith.constant 7.000000e+00 : f32
    %mul3A_681 = vector.broadcast %mul3A_680 : f32 to vector<16xf32>
    %mul3A_682 = arith.mulf %sub3A_679, %mul3A_681 : vector<16xf32>
    %mul3A_683 = arith.constant 0.142857149 : f32
    %mul3A_684 = vector.broadcast %mul3A_683 : f32 to vector<16xf32>
    %mul3A_685 = arith.mulf %sub3A_675, %mul3A_684 : vector<16xf32>
    %sub3A_686 = arith.subf %mul3A_645, %mul3A_685 : vector<16xf32>
    %mul3A_687 = arith.constant 7.000000e+00 : f32
    %mul3A_688 = vector.broadcast %mul3A_687 : f32 to vector<16xf32>
    %mul3A_689 = arith.mulf %sub3A_686, %mul3A_688 : vector<16xf32>
    %convert_element_type3A_690 = arith.fptosi %sub3A_665 : vector<16xf32> to vector<16xi32>
    %convert_element_type3A_691 = arith.fptosi %sub3A_675 : vector<16xf32> to vector<16xi32>
    %shift_right_arithmetic3A_692 = arith.constant 3 : i32
    %shift_right_arithmetic3A_693 = vector.broadcast %shift_right_arithmetic3A_692 : i32 to vector<16xi32>
    %shift_right_arithmetic3A_694 = arith.shrsi %add3A_617, %shift_right_arithmetic3A_693 : vector<16xi32>
    %mul3A_695 = arith.constant 49 : i32
    %mul3A_696 = vector.broadcast %mul3A_695 : i32 to vector<16xi32>
    %mul3A_697 = arith.muli %shift_right_arithmetic3A_694, %mul3A_696 : vector<16xi32>
    %mul3A_698 = arith.constant 7 : i32
    %mul3A_699 = vector.broadcast %mul3A_698 : i32 to vector<16xi32>
    %mul3A_700 = arith.muli %convert_element_type3A_691, %mul3A_699 : vector<16xi32>
    %add3A_701 = arith.addi %mul3A_697, %mul3A_700 : vector<16xi32>
    %add3A_702 = arith.addi %add3A_701, %convert_element_type3A_690 : vector<16xi32>
    %swap3A_703 = arith.constant 48 : index
    %swap3A_704 = tpu.vector_load %arg9[%swap3A_703] {strides = array<i32>} : memref<128xf32, #tpu.memory_space<vmem>>, vector<16xf32>,
    tpu.vector_store %arg9[%swap3A_703], %mul3A_682 {strides = array<i32>} : memref<128xf32, #tpu.memory_space<vmem>>, vector<16xf32>,
    %swap3A_705 = arith.constant 48 : index
    %swap3A_706 = tpu.vector_load %arg10[%swap3A_705] {strides = array<i32>} : memref<128xf32, #tpu.memory_space<vmem>>, vector<16xf32>,
    tpu.vector_store %arg10[%swap3A_705], %mul3A_689 {strides = array<i32>} : memref<128xf32, #tpu.memory_space<vmem>>, vector<16xf32>,
    %sub3A_707 = arith.subf %div3A_632, %div3A_622 : vector<16xf32>
    %swap3A_708 = arith.constant 48 : index
    %swap3A_709 = tpu.vector_load %arg11[%swap3A_708] {strides = array<i32>} : memref<128xf32, #tpu.memory_space<vmem>>, vector<16xf32>,
    tpu.vector_store %arg11[%swap3A_708], %sub3A_707 {strides = array<i32>} : memref<128xf32, #tpu.memory_space<vmem>>, vector<16xf32>,
    %sub3A_710 = arith.subf %div3A_637, %div3A_627 : vector<16xf32>
    %swap3A_711 = arith.constant 48 : index
    %swap3A_712 = tpu.vector_load %arg12[%swap3A_711] {strides = array<i32>} : memref<128xf32, #tpu.memory_space<vmem>>, vector<16xf32>,
    tpu.vector_store %arg12[%swap3A_711], %sub3A_710 {strides = array<i32>} : memref<128xf32, #tpu.memory_space<vmem>>, vector<16xf32>,
    %swap3A_713 = arith.constant 48 : index
    %swap3A_714 = tpu.vector_load %arg13[%swap3A_713] {strides = array<i32>} : memref<128xi32, #tpu.memory_space<vmem>>, vector<16xi32>,
    tpu.vector_store %arg13[%swap3A_713], %add3A_702 {strides = array<i32>} : memref<128xi32, #tpu.memory_space<vmem>>, vector<16xi32>,
    %add3A_715 = arith.constant 64 : i32
    %add3A_716 = vector.broadcast %add3A_715 : i32 to vector<16xi32>
    %add3A_717 = arith.addi %add3A_716, %iota3A : vector<16xi32>
    %get3A_718 = arith.constant 64 : index
    %get3A_719 = tpu.vector_load %arg7[%get3A_718] {strides = array<i32>} : memref<512xf32, #tpu.memory_space<vmem>>, vector<16xf32>,
    %div3A_720 = arith.constant 4.480000e+02 : f32
    %div3A_721 = vector.broadcast %div3A_720 : f32 to vector<16xf32>
    %div3A_722 = arith.divf %get3A_719, %div3A_721 : vector<16xf32>
    %get3A_723 = arith.constant 192 : index
    %get3A_724 = tpu.vector_load %arg7[%get3A_723] {strides = array<i32>} : memref<512xf32, #tpu.memory_space<vmem>>, vector<16xf32>,
    %div3A_725 = arith.constant 4.480000e+02 : f32
    %div3A_726 = vector.broadcast %div3A_725 : f32 to vector<16xf32>
    %div3A_727 = arith.divf %get3A_724, %div3A_726 : vector<16xf32>
    %get3A_728 = arith.constant 320 : index
    %get3A_729 = tpu.vector_load %arg7[%get3A_728] {strides = array<i32>} : memref<512xf32, #tpu.memory_space<vmem>>, vector<16xf32>,
    %div3A_730 = arith.constant 4.480000e+02 : f32
    %div3A_731 = vector.broadcast %div3A_730 : f32 to vector<16xf32>
    %div3A_732 = arith.divf %get3A_729, %div3A_731 : vector<16xf32>
    %get3A_733 = arith.constant 448 : index
    %get3A_734 = tpu.vector_load %arg7[%get3A_733] {strides = array<i32>} : memref<512xf32, #tpu.memory_space<vmem>>, vector<16xf32>,
    %div3A_735 = arith.constant 4.480000e+02 : f32
    %div3A_736 = vector.broadcast %div3A_735 : f32 to vector<16xf32>
    %div3A_737 = arith.divf %get3A_734, %div3A_736 : vector<16xf32>
    %add3A_738 = arith.addf %div3A_722, %div3A_732 : vector<16xf32>
    %mul3A_739 = arith.constant 5.000000e-01 : f32
    %mul3A_740 = vector.broadcast %mul3A_739 : f32 to vector<16xf32>
    %mul3A_741 = arith.mulf %add3A_738, %mul3A_740 : vector<16xf32>
    %add3A_742 = arith.addf %div3A_727, %div3A_737 : vector<16xf32>
    %mul3A_743 = arith.constant 5.000000e-01 : f32
    %mul3A_744 = vector.broadcast %mul3A_743 : f32 to vector<16xf32>
    %mul3A_745 = arith.mulf %add3A_742, %mul3A_744 : vector<16xf32>
    %div3A_746 = arith.constant 0.142857149 : f32
    %div3A_747 = vector.broadcast %div3A_746 : f32 to vector<16xf32>
    %div3A_748 = arith.divf %mul3A_741, %div3A_747 : vector<16xf32>
    %div3A_749 = arith.constant 0.142857149 : f32
    %div3A_750 = vector.broadcast %div3A_749 : f32 to vector<16xf32>
    %div3A_751 = arith.divf %mul3A_745, %div3A_750 : vector<16xf32>
    %convert_element_type3A_752 = arith.fptosi %div3A_748 : vector<16xf32> to vector<16xi32>
    %convert_element_type3A_753 = arith.sitofp %convert_element_type3A_752 : vector<16xi32> to vector<16xf32>
    %convert_element_type3A_754 = arith.fptosi %div3A_751 : vector<16xf32> to vector<16xi32>
    %convert_element_type3A_755 = arith.sitofp %convert_element_type3A_754 : vector<16xi32> to vector<16xf32>
    %gt3A_756 = arith.cmpf ogt, %div3A_748, %convert_element_type3A_753 : vector<16xf32>
    %jit3A_757 = arith.constant 1.000000e+00 : f32
    %jit3A_758 = arith.constant 0.000000e+00 : f32
    %broadcast_in_dim3A_759 = vector.broadcast %jit3A_757 : f32 to vector<16xf32>
    %broadcast_in_dim3A_760 = vector.broadcast %jit3A_758 : f32 to vector<16xf32>
    %select_n3A_761 = arith.select %gt3A_756, %broadcast_in_dim3A_759, %broadcast_in_dim3A_760 : vector<16xi1>, vector<16xf32>
    %add3A_762 = arith.addf %convert_element_type3A_753, %select_n3A_761 : vector<16xf32>
    %sub3A_763 = arith.constant 1.000000e+00 : f32
    %sub3A_764 = vector.broadcast %sub3A_763 : f32 to vector<16xf32>
    %sub3A_765 = arith.subf %add3A_762, %sub3A_764 : vector<16xf32>
    %gt3A_766 = arith.cmpf ogt, %div3A_751, %convert_element_type3A_755 : vector<16xf32>
    %jit3A_767 = arith.constant 1.000000e+00 : f32
    %jit3A_768 = arith.constant 0.000000e+00 : f32
    %broadcast_in_dim3A_769 = vector.broadcast %jit3A_767 : f32 to vector<16xf32>
    %broadcast_in_dim3A_770 = vector.broadcast %jit3A_768 : f32 to vector<16xf32>
    %select_n3A_771 = arith.select %gt3A_766, %broadcast_in_dim3A_769, %broadcast_in_dim3A_770 : vector<16xi1>, vector<16xf32>
    %add3A_772 = arith.addf %convert_element_type3A_755, %select_n3A_771 : vector<16xf32>
    %sub3A_773 = arith.constant 1.000000e+00 : f32
    %sub3A_774 = vector.broadcast %sub3A_773 : f32 to vector<16xf32>
    %sub3A_775 = arith.subf %add3A_772, %sub3A_774 : vector<16xf32>
    %mul3A_776 = arith.constant 0.142857149 : f32
    %mul3A_777 = vector.broadcast %mul3A_776 : f32 to vector<16xf32>
    %mul3A_778 = arith.mulf %sub3A_765, %mul3A_777 : vector<16xf32>
    %sub3A_779 = arith.subf %mul3A_741, %mul3A_778 : vector<16xf32>
    %mul3A_780 = arith.constant 7.000000e+00 : f32
    %mul3A_781 = vector.broadcast %mul3A_780 : f32 to vector<16xf32>
    %mul3A_782 = arith.mulf %sub3A_779, %mul3A_781 : vector<16xf32>
    %mul3A_783 = arith.constant 0.142857149 : f32
    %mul3A_784 = vector.broadcast %mul3A_783 : f32 to vector<16xf32>
    %mul3A_785 = arith.mulf %sub3A_775, %mul3A_784 : vector<16xf32>
    %sub3A_786 = arith.subf %mul3A_745, %mul3A_785 : vector<16xf32>
    %mul3A_787 = arith.constant 7.000000e+00 : f32
    %mul3A_788 = vector.broadcast %mul3A_787 : f32 to vector<16xf32>
    %mul3A_789 = arith.mulf %sub3A_786, %mul3A_788 : vector<16xf32>
    %convert_element_type3A_790 = arith.fptosi %sub3A_765 : vector<16xf32> to vector<16xi32>
    %convert_element_type3A_791 = arith.fptosi %sub3A_775 : vector<16xf32> to vector<16xi32>
    %shift_right_arithmetic3A_792 = arith.constant 3 : i32
    %shift_right_arithmetic3A_793 = vector.broadcast %shift_right_arithmetic3A_792 : i32 to vector<16xi32>
    %shift_right_arithmetic3A_794 = arith.shrsi %add3A_717, %shift_right_arithmetic3A_793 : vector<16xi32>
    %mul3A_795 = arith.constant 49 : i32
    %mul3A_796 = vector.broadcast %mul3A_795 : i32 to vector<16xi32>
    %mul3A_797 = arith.muli %shift_right_arithmetic3A_794, %mul3A_796 : vector<16xi32>
    %mul3A_798 = arith.constant 7 : i32
    %mul3A_799 = vector.broadcast %mul3A_798 : i32 to vector<16xi32>
    %mul3A_800 = arith.muli %convert_element_type3A_791, %mul3A_799 : vector<16xi32>
    %add3A_801 = arith.addi %mul3A_797, %mul3A_800 : vector<16xi32>
    %add3A_802 = arith.addi %add3A_801, %convert_element_type3A_790 : vector<16xi32>
    %swap3A_803 = arith.constant 64 : index
    %swap3A_804 = tpu.vector_load %arg9[%swap3A_803] {strides = array<i32>} : memref<128xf32, #tpu.memory_space<vmem>>, vector<16xf32>,
    tpu.vector_store %arg9[%swap3A_803], %mul3A_782 {strides = array<i32>} : memref<128xf32, #tpu.memory_space<vmem>>, vector<16xf32>,
    %swap3A_805 = arith.constant 64 : index
    %swap3A_806 = tpu.vector_load %arg10[%swap3A_805] {strides = array<i32>} : memref<128xf32, #tpu.memory_space<vmem>>, vector<16xf32>,
    tpu.vector_store %arg10[%swap3A_805], %mul3A_789 {strides = array<i32>} : memref<128xf32, #tpu.memory_space<vmem>>, vector<16xf32>,
    %sub3A_807 = arith.subf %div3A_732, %div3A_722 : vector<16xf32>
    %swap3A_808 = arith.constant 64 : index
    %swap3A_809 = tpu.vector_load %arg11[%swap3A_808] {strides = array<i32>} : memref<128xf32, #tpu.memory_space<vmem>>, vector<16xf32>,
    tpu.vector_store %arg11[%swap3A_808], %sub3A_807 {strides = array<i32>} : memref<128xf32, #tpu.memory_space<vmem>>, vector<16xf32>,
    %sub3A_810 = arith.subf %div3A_737, %div3A_727 : vector<16xf32>
    %swap3A_811 = arith.constant 64 : index
    %swap3A_812 = tpu.vector_load %arg12[%swap3A_811] {strides = array<i32>} : memref<128xf32, #tpu.memory_space<vmem>>, vector<16xf32>,
    tpu.vector_store %arg12[%swap3A_811], %sub3A_810 {strides = array<i32>} : memref<128xf32, #tpu.memory_space<vmem>>, vector<16xf32>,
    %swap3A_813 = arith.constant 64 : index
    %swap3A_814 = tpu.vector_load %arg13[%swap3A_813] {strides = array<i32>} : memref<128xi32, #tpu.memory_space<vmem>>, vector<16xi32>,
    tpu.vector_store %arg13[%swap3A_813], %add3A_802 {strides = array<i32>} : memref<128xi32, #tpu.memory_space<vmem>>, vector<16xi32>,
    %add3A_815 = arith.constant 80 : i32
    %add3A_816 = vector.broadcast %add3A_815 : i32 to vector<16xi32>
    %add3A_817 = arith.addi %add3A_816, %iota3A : vector<16xi32>
    %get3A_818 = arith.constant 80 : index
    %get3A_819 = tpu.vector_load %arg7[%get3A_818] {strides = array<i32>} : memref<512xf32, #tpu.memory_space<vmem>>, vector<16xf32>,
    %div3A_820 = arith.constant 4.480000e+02 : f32
    %div3A_821 = vector.broadcast %div3A_820 : f32 to vector<16xf32>
    %div3A_822 = arith.divf %get3A_819, %div3A_821 : vector<16xf32>
    %get3A_823 = arith.constant 208 : index
    %get3A_824 = tpu.vector_load %arg7[%get3A_823] {strides = array<i32>} : memref<512xf32, #tpu.memory_space<vmem>>, vector<16xf32>,
    %div3A_825 = arith.constant 4.480000e+02 : f32
    %div3A_826 = vector.broadcast %div3A_825 : f32 to vector<16xf32>
    %div3A_827 = arith.divf %get3A_824, %div3A_826 : vector<16xf32>
    %get3A_828 = arith.constant 336 : index
    %get3A_829 = tpu.vector_load %arg7[%get3A_828] {strides = array<i32>} : memref<512xf32, #tpu.memory_space<vmem>>, vector<16xf32>,
    %div3A_830 = arith.constant 4.480000e+02 : f32
    %div3A_831 = vector.broadcast %div3A_830 : f32 to vector<16xf32>
    %div3A_832 = arith.divf %get3A_829, %div3A_831 : vector<16xf32>
    %get3A_833 = arith.constant 464 : index
    %get3A_834 = tpu.vector_load %arg7[%get3A_833] {strides = array<i32>} : memref<512xf32, #tpu.memory_space<vmem>>, vector<16xf32>,
    %div3A_835 = arith.constant 4.480000e+02 : f32
    %div3A_836 = vector.broadcast %div3A_835 : f32 to vector<16xf32>
    %div3A_837 = arith.divf %get3A_834, %div3A_836 : vector<16xf32>
    %add3A_838 = arith.addf %div3A_822, %div3A_832 : vector<16xf32>
    %mul3A_839 = arith.constant 5.000000e-01 : f32
    %mul3A_840 = vector.broadcast %mul3A_839 : f32 to vector<16xf32>
    %mul3A_841 = arith.mulf %add3A_838, %mul3A_840 : vector<16xf32>
    %add3A_842 = arith.addf %div3A_827, %div3A_837 : vector<16xf32>
    %mul3A_843 = arith.constant 5.000000e-01 : f32
    %mul3A_844 = vector.broadcast %mul3A_843 : f32 to vector<16xf32>
    %mul3A_845 = arith.mulf %add3A_842, %mul3A_844 : vector<16xf32>
    %div3A_846 = arith.constant 0.142857149 : f32
    %div3A_847 = vector.broadcast %div3A_846 : f32 to vector<16xf32>
    %div3A_848 = arith.divf %mul3A_841, %div3A_847 : vector<16xf32>
    %div3A_849 = arith.constant 0.142857149 : f32
    %div3A_850 = vector.broadcast %div3A_849 : f32 to vector<16xf32>
    %div3A_851 = arith.divf %mul3A_845, %div3A_850 : vector<16xf32>
    %convert_element_type3A_852 = arith.fptosi %div3A_848 : vector<16xf32> to vector<16xi32>
    %convert_element_type3A_853 = arith.sitofp %convert_element_type3A_852 : vector<16xi32> to vector<16xf32>
    %convert_element_type3A_854 = arith.fptosi %div3A_851 : vector<16xf32> to vector<16xi32>
    %convert_element_type3A_855 = arith.sitofp %convert_element_type3A_854 : vector<16xi32> to vector<16xf32>
    %gt3A_856 = arith.cmpf ogt, %div3A_848, %convert_element_type3A_853 : vector<16xf32>
    %jit3A_857 = arith.constant 1.000000e+00 : f32
    %jit3A_858 = arith.constant 0.000000e+00 : f32
    %broadcast_in_dim3A_859 = vector.broadcast %jit3A_857 : f32 to vector<16xf32>
    %broadcast_in_dim3A_860 = vector.broadcast %jit3A_858 : f32 to vector<16xf32>
    %select_n3A_861 = arith.select %gt3A_856, %broadcast_in_dim3A_859, %broadcast_in_dim3A_860 : vector<16xi1>, vector<16xf32>
    %add3A_862 = arith.addf %convert_element_type3A_853, %select_n3A_861 : vector<16xf32>
    %sub3A_863 = arith.constant 1.000000e+00 : f32
    %sub3A_864 = vector.broadcast %sub3A_863 : f32 to vector<16xf32>
    %sub3A_865 = arith.subf %add3A_862, %sub3A_864 : vector<16xf32>
    %gt3A_866 = arith.cmpf ogt, %div3A_851, %convert_element_type3A_855 : vector<16xf32>
    %jit3A_867 = arith.constant 1.000000e+00 : f32
    %jit3A_868 = arith.constant 0.000000e+00 : f32
    %broadcast_in_dim3A_869 = vector.broadcast %jit3A_867 : f32 to vector<16xf32>
    %broadcast_in_dim3A_870 = vector.broadcast %jit3A_868 : f32 to vector<16xf32>
    %select_n3A_871 = arith.select %gt3A_866, %broadcast_in_dim3A_869, %broadcast_in_dim3A_870 : vector<16xi1>, vector<16xf32>
    %add3A_872 = arith.addf %convert_element_type3A_855, %select_n3A_871 : vector<16xf32>
    %sub3A_873 = arith.constant 1.000000e+00 : f32
    %sub3A_874 = vector.broadcast %sub3A_873 : f32 to vector<16xf32>
    %sub3A_875 = arith.subf %add3A_872, %sub3A_874 : vector<16xf32>
    %mul3A_876 = arith.constant 0.142857149 : f32
    %mul3A_877 = vector.broadcast %mul3A_876 : f32 to vector<16xf32>
    %mul3A_878 = arith.mulf %sub3A_865, %mul3A_877 : vector<16xf32>
    %sub3A_879 = arith.subf %mul3A_841, %mul3A_878 : vector<16xf32>
    %mul3A_880 = arith.constant 7.000000e+00 : f32
    %mul3A_881 = vector.broadcast %mul3A_880 : f32 to vector<16xf32>
    %mul3A_882 = arith.mulf %sub3A_879, %mul3A_881 : vector<16xf32>
    %mul3A_883 = arith.constant 0.142857149 : f32
    %mul3A_884 = vector.broadcast %mul3A_883 : f32 to vector<16xf32>
    %mul3A_885 = arith.mulf %sub3A_875, %mul3A_884 : vector<16xf32>
    %sub3A_886 = arith.subf %mul3A_845, %mul3A_885 : vector<16xf32>
    %mul3A_887 = arith.constant 7.000000e+00 : f32
    %mul3A_888 = vector.broadcast %mul3A_887 : f32 to vector<16xf32>
    %mul3A_889 = arith.mulf %sub3A_886, %mul3A_888 : vector<16xf32>
    %convert_element_type3A_890 = arith.fptosi %sub3A_865 : vector<16xf32> to vector<16xi32>
    %convert_element_type3A_891 = arith.fptosi %sub3A_875 : vector<16xf32> to vector<16xi32>
    %shift_right_arithmetic3A_892 = arith.constant 3 : i32
    %shift_right_arithmetic3A_893 = vector.broadcast %shift_right_arithmetic3A_892 : i32 to vector<16xi32>
    %shift_right_arithmetic3A_894 = arith.shrsi %add3A_817, %shift_right_arithmetic3A_893 : vector<16xi32>
    %mul3A_895 = arith.constant 49 : i32
    %mul3A_896 = vector.broadcast %mul3A_895 : i32 to vector<16xi32>
    %mul3A_897 = arith.muli %shift_right_arithmetic3A_894, %mul3A_896 : vector<16xi32>
    %mul3A_898 = arith.constant 7 : i32
    %mul3A_899 = vector.broadcast %mul3A_898 : i32 to vector<16xi32>
    %mul3A_900 = arith.muli %convert_element_type3A_891, %mul3A_899 : vector<16xi32>
    %add3A_901 = arith.addi %mul3A_897, %mul3A_900 : vector<16xi32>
    %add3A_902 = arith.addi %add3A_901, %convert_element_type3A_890 : vector<16xi32>
    %swap3A_903 = arith.constant 80 : index
    %swap3A_904 = tpu.vector_load %arg9[%swap3A_903] {strides = array<i32>} : memref<128xf32, #tpu.memory_space<vmem>>, vector<16xf32>,
    tpu.vector_store %arg9[%swap3A_903], %mul3A_882 {strides = array<i32>} : memref<128xf32, #tpu.memory_space<vmem>>, vector<16xf32>,
    %swap3A_905 = arith.constant 80 : index
    %swap3A_906 = tpu.vector_load %arg10[%swap3A_905] {strides = array<i32>} : memref<128xf32, #tpu.memory_space<vmem>>, vector<16xf32>,
    tpu.vector_store %arg10[%swap3A_905], %mul3A_889 {strides = array<i32>} : memref<128xf32, #tpu.memory_space<vmem>>, vector<16xf32>,
    %sub3A_907 = arith.subf %div3A_832, %div3A_822 : vector<16xf32>
    %swap3A_908 = arith.constant 80 : index
    %swap3A_909 = tpu.vector_load %arg11[%swap3A_908] {strides = array<i32>} : memref<128xf32, #tpu.memory_space<vmem>>, vector<16xf32>,
    tpu.vector_store %arg11[%swap3A_908], %sub3A_907 {strides = array<i32>} : memref<128xf32, #tpu.memory_space<vmem>>, vector<16xf32>,
    %sub3A_910 = arith.subf %div3A_837, %div3A_827 : vector<16xf32>
    %swap3A_911 = arith.constant 80 : index
    %swap3A_912 = tpu.vector_load %arg12[%swap3A_911] {strides = array<i32>} : memref<128xf32, #tpu.memory_space<vmem>>, vector<16xf32>,
    tpu.vector_store %arg12[%swap3A_911], %sub3A_910 {strides = array<i32>} : memref<128xf32, #tpu.memory_space<vmem>>, vector<16xf32>,
    %swap3A_913 = arith.constant 80 : index
    %swap3A_914 = tpu.vector_load %arg13[%swap3A_913] {strides = array<i32>} : memref<128xi32, #tpu.memory_space<vmem>>, vector<16xi32>,
    tpu.vector_store %arg13[%swap3A_913], %add3A_902 {strides = array<i32>} : memref<128xi32, #tpu.memory_space<vmem>>, vector<16xi32>,
    %add3A_915 = arith.constant 96 : i32
    %add3A_916 = vector.broadcast %add3A_915 : i32 to vector<16xi32>
    %add3A_917 = arith.addi %add3A_916, %iota3A : vector<16xi32>
    %get3A_918 = arith.constant 96 : index
    %get3A_919 = tpu.vector_load %arg7[%get3A_918] {strides = array<i32>} : memref<512xf32, #tpu.memory_space<vmem>>, vector<16xf32>,
    %div3A_920 = arith.constant 4.480000e+02 : f32
    %div3A_921 = vector.broadcast %div3A_920 : f32 to vector<16xf32>
    %div3A_922 = arith.divf %get3A_919, %div3A_921 : vector<16xf32>
    %get3A_923 = arith.constant 224 : index
    %get3A_924 = tpu.vector_load %arg7[%get3A_923] {strides = array<i32>} : memref<512xf32, #tpu.memory_space<vmem>>, vector<16xf32>,
    %div3A_925 = arith.constant 4.480000e+02 : f32
    %div3A_926 = vector.broadcast %div3A_925 : f32 to vector<16xf32>
    %div3A_927 = arith.divf %get3A_924, %div3A_926 : vector<16xf32>
    %get3A_928 = arith.constant 352 : index
    %get3A_929 = tpu.vector_load %arg7[%get3A_928] {strides = array<i32>} : memref<512xf32, #tpu.memory_space<vmem>>, vector<16xf32>,
    %div3A_930 = arith.constant 4.480000e+02 : f32
    %div3A_931 = vector.broadcast %div3A_930 : f32 to vector<16xf32>
    %div3A_932 = arith.divf %get3A_929, %div3A_931 : vector<16xf32>
    %get3A_933 = arith.constant 480 : index
    %get3A_934 = tpu.vector_load %arg7[%get3A_933] {strides = array<i32>} : memref<512xf32, #tpu.memory_space<vmem>>, vector<16xf32>,
    %div3A_935 = arith.constant 4.480000e+02 : f32
    %div3A_936 = vector.broadcast %div3A_935 : f32 to vector<16xf32>
    %div3A_937 = arith.divf %get3A_934, %div3A_936 : vector<16xf32>
    %add3A_938 = arith.addf %div3A_922, %div3A_932 : vector<16xf32>
    %mul3A_939 = arith.constant 5.000000e-01 : f32
    %mul3A_940 = vector.broadcast %mul3A_939 : f32 to vector<16xf32>
    %mul3A_941 = arith.mulf %add3A_938, %mul3A_940 : vector<16xf32>
    %add3A_942 = arith.addf %div3A_927, %div3A_937 : vector<16xf32>
    %mul3A_943 = arith.constant 5.000000e-01 : f32
    %mul3A_944 = vector.broadcast %mul3A_943 : f32 to vector<16xf32>
    %mul3A_945 = arith.mulf %add3A_942, %mul3A_944 : vector<16xf32>
    %div3A_946 = arith.constant 0.142857149 : f32
    %div3A_947 = vector.broadcast %div3A_946 : f32 to vector<16xf32>
    %div3A_948 = arith.divf %mul3A_941, %div3A_947 : vector<16xf32>
    %div3A_949 = arith.constant 0.142857149 : f32
    %div3A_950 = vector.broadcast %div3A_949 : f32 to vector<16xf32>
    %div3A_951 = arith.divf %mul3A_945, %div3A_950 : vector<16xf32>
    %convert_element_type3A_952 = arith.fptosi %div3A_948 : vector<16xf32> to vector<16xi32>
    %convert_element_type3A_953 = arith.sitofp %convert_element_type3A_952 : vector<16xi32> to vector<16xf32>
    %convert_element_type3A_954 = arith.fptosi %div3A_951 : vector<16xf32> to vector<16xi32>
    %convert_element_type3A_955 = arith.sitofp %convert_element_type3A_954 : vector<16xi32> to vector<16xf32>
    %gt3A_956 = arith.cmpf ogt, %div3A_948, %convert_element_type3A_953 : vector<16xf32>
    %jit3A_957 = arith.constant 1.000000e+00 : f32
    %jit3A_958 = arith.constant 0.000000e+00 : f32
    %broadcast_in_dim3A_959 = vector.broadcast %jit3A_957 : f32 to vector<16xf32>
    %broadcast_in_dim3A_960 = vector.broadcast %jit3A_958 : f32 to vector<16xf32>
    %select_n3A_961 = arith.select %gt3A_956, %broadcast_in_dim3A_959, %broadcast_in_dim3A_960 : vector<16xi1>, vector<16xf32>
    %add3A_962 = arith.addf %convert_element_type3A_953, %select_n3A_961 : vector<16xf32>
    %sub3A_963 = arith.constant 1.000000e+00 : f32
    %sub3A_964 = vector.broadcast %sub3A_963 : f32 to vector<16xf32>
    %sub3A_965 = arith.subf %add3A_962, %sub3A_964 : vector<16xf32>
    %gt3A_966 = arith.cmpf ogt, %div3A_951, %convert_element_type3A_955 : vector<16xf32>
    %jit3A_967 = arith.constant 1.000000e+00 : f32
    %jit3A_968 = arith.constant 0.000000e+00 : f32
    %broadcast_in_dim3A_969 = vector.broadcast %jit3A_967 : f32 to vector<16xf32>
    %broadcast_in_dim3A_970 = vector.broadcast %jit3A_968 : f32 to vector<16xf32>
    %select_n3A_971 = arith.select %gt3A_966, %broadcast_in_dim3A_969, %broadcast_in_dim3A_970 : vector<16xi1>, vector<16xf32>
    %add3A_972 = arith.addf %convert_element_type3A_955, %select_n3A_971 : vector<16xf32>
    %sub3A_973 = arith.constant 1.000000e+00 : f32
    %sub3A_974 = vector.broadcast %sub3A_973 : f32 to vector<16xf32>
    %sub3A_975 = arith.subf %add3A_972, %sub3A_974 : vector<16xf32>
    %mul3A_976 = arith.constant 0.142857149 : f32
    %mul3A_977 = vector.broadcast %mul3A_976 : f32 to vector<16xf32>
    %mul3A_978 = arith.mulf %sub3A_965, %mul3A_977 : vector<16xf32>
    %sub3A_979 = arith.subf %mul3A_941, %mul3A_978 : vector<16xf32>
    %mul3A_980 = arith.constant 7.000000e+00 : f32
    %mul3A_981 = vector.broadcast %mul3A_980 : f32 to vector<16xf32>
    %mul3A_982 = arith.mulf %sub3A_979, %mul3A_981 : vector<16xf32>
    %mul3A_983 = arith.constant 0.142857149 : f32
    %mul3A_984 = vector.broadcast %mul3A_983 : f32 to vector<16xf32>
    %mul3A_985 = arith.mulf %sub3A_975, %mul3A_984 : vector<16xf32>
    %sub3A_986 = arith.subf %mul3A_945, %mul3A_985 : vector<16xf32>
    %mul3A_987 = arith.constant 7.000000e+00 : f32
    %mul3A_988 = vector.broadcast %mul3A_987 : f32 to vector<16xf32>
    %mul3A_989 = arith.mulf %sub3A_986, %mul3A_988 : vector<16xf32>
    %convert_element_type3A_990 = arith.fptosi %sub3A_965 : vector<16xf32> to vector<16xi32>
    %convert_element_type3A_991 = arith.fptosi %sub3A_975 : vector<16xf32> to vector<16xi32>
    %shift_right_arithmetic3A_992 = arith.constant 3 : i32
    %shift_right_arithmetic3A_993 = vector.broadcast %shift_right_arithmetic3A_992 : i32 to vector<16xi32>
    %shift_right_arithmetic3A_994 = arith.shrsi %add3A_917, %shift_right_arithmetic3A_993 : vector<16xi32>
    %mul3A_995 = arith.constant 49 : i32
    %mul3A_996 = vector.broadcast %mul3A_995 : i32 to vector<16xi32>
    %mul3A_997 = arith.muli %shift_right_arithmetic3A_994, %mul3A_996 : vector<16xi32>
    %mul3A_998 = arith.constant 7 : i32
    %mul3A_999 = vector.broadcast %mul3A_998 : i32 to vector<16xi32>
    %mul3A_1000 = arith.muli %convert_element_type3A_991, %mul3A_999 : vector<16xi32>
    %add3A_1001 = arith.addi %mul3A_997, %mul3A_1000 : vector<16xi32>
    %add3A_1002 = arith.addi %add3A_1001, %convert_element_type3A_990 : vector<16xi32>
    %swap3A_1003 = arith.constant 96 : index
    %swap3A_1004 = tpu.vector_load %arg9[%swap3A_1003] {strides = array<i32>} : memref<128xf32, #tpu.memory_space<vmem>>, vector<16xf32>,
    tpu.vector_store %arg9[%swap3A_1003], %mul3A_982 {strides = array<i32>} : memref<128xf32, #tpu.memory_space<vmem>>, vector<16xf32>,
    %swap3A_1005 = arith.constant 96 : index
    %swap3A_1006 = tpu.vector_load %arg10[%swap3A_1005] {strides = array<i32>} : memref<128xf32, #tpu.memory_space<vmem>>, vector<16xf32>,
    tpu.vector_store %arg10[%swap3A_1005], %mul3A_989 {strides = array<i32>} : memref<128xf32, #tpu.memory_space<vmem>>, vector<16xf32>,
    %sub3A_1007 = arith.subf %div3A_932, %div3A_922 : vector<16xf32>
    %swap3A_1008 = arith.constant 96 : index
    %swap3A_1009 = tpu.vector_load %arg11[%swap3A_1008] {strides = array<i32>} : memref<128xf32, #tpu.memory_space<vmem>>, vector<16xf32>,
    tpu.vector_store %arg11[%swap3A_1008], %sub3A_1007 {strides = array<i32>} : memref<128xf32, #tpu.memory_space<vmem>>, vector<16xf32>,
    %sub3A_1010 = arith.subf %div3A_937, %div3A_927 : vector<16xf32>
    %swap3A_1011 = arith.constant 96 : index
    %swap3A_1012 = tpu.vector_load %arg12[%swap3A_1011] {strides = array<i32>} : memref<128xf32, #tpu.memory_space<vmem>>, vector<16xf32>,
    tpu.vector_store %arg12[%swap3A_1011], %sub3A_1010 {strides = array<i32>} : memref<128xf32, #tpu.memory_space<vmem>>, vector<16xf32>,
    %swap3A_1013 = arith.constant 96 : index
    %swap3A_1014 = tpu.vector_load %arg13[%swap3A_1013] {strides = array<i32>} : memref<128xi32, #tpu.memory_space<vmem>>, vector<16xi32>,
    tpu.vector_store %arg13[%swap3A_1013], %add3A_1002 {strides = array<i32>} : memref<128xi32, #tpu.memory_space<vmem>>, vector<16xi32>,
    %add3A_1015 = arith.constant 112 : i32
    %add3A_1016 = vector.broadcast %add3A_1015 : i32 to vector<16xi32>
    %add3A_1017 = arith.addi %add3A_1016, %iota3A : vector<16xi32>
    %get3A_1018 = arith.constant 112 : index
    %get3A_1019 = tpu.vector_load %arg7[%get3A_1018] {strides = array<i32>} : memref<512xf32, #tpu.memory_space<vmem>>, vector<16xf32>,
    %div3A_1020 = arith.constant 4.480000e+02 : f32
    %div3A_1021 = vector.broadcast %div3A_1020 : f32 to vector<16xf32>
    %div3A_1022 = arith.divf %get3A_1019, %div3A_1021 : vector<16xf32>
    %get3A_1023 = arith.constant 240 : index
    %get3A_1024 = tpu.vector_load %arg7[%get3A_1023] {strides = array<i32>} : memref<512xf32, #tpu.memory_space<vmem>>, vector<16xf32>,
    %div3A_1025 = arith.constant 4.480000e+02 : f32
    %div3A_1026 = vector.broadcast %div3A_1025 : f32 to vector<16xf32>
    %div3A_1027 = arith.divf %get3A_1024, %div3A_1026 : vector<16xf32>
    %get3A_1028 = arith.constant 368 : index
    %get3A_1029 = tpu.vector_load %arg7[%get3A_1028] {strides = array<i32>} : memref<512xf32, #tpu.memory_space<vmem>>, vector<16xf32>,
    %div3A_1030 = arith.constant 4.480000e+02 : f32
    %div3A_1031 = vector.broadcast %div3A_1030 : f32 to vector<16xf32>
    %div3A_1032 = arith.divf %get3A_1029, %div3A_1031 : vector<16xf32>
    %get3A_1033 = arith.constant 496 : index
    %get3A_1034 = tpu.vector_load %arg7[%get3A_1033] {strides = array<i32>} : memref<512xf32, #tpu.memory_space<vmem>>, vector<16xf32>,
    %div3A_1035 = arith.constant 4.480000e+02 : f32
    %div3A_1036 = vector.broadcast %div3A_1035 : f32 to vector<16xf32>
    %div3A_1037 = arith.divf %get3A_1034, %div3A_1036 : vector<16xf32>
    %add3A_1038 = arith.addf %div3A_1022, %div3A_1032 : vector<16xf32>
    %mul3A_1039 = arith.constant 5.000000e-01 : f32
    %mul3A_1040 = vector.broadcast %mul3A_1039 : f32 to vector<16xf32>
    %mul3A_1041 = arith.mulf %add3A_1038, %mul3A_1040 : vector<16xf32>
    %add3A_1042 = arith.addf %div3A_1027, %div3A_1037 : vector<16xf32>
    %mul3A_1043 = arith.constant 5.000000e-01 : f32
    %mul3A_1044 = vector.broadcast %mul3A_1043 : f32 to vector<16xf32>
    %mul3A_1045 = arith.mulf %add3A_1042, %mul3A_1044 : vector<16xf32>
    %div3A_1046 = arith.constant 0.142857149 : f32
    %div3A_1047 = vector.broadcast %div3A_1046 : f32 to vector<16xf32>
    %div3A_1048 = arith.divf %mul3A_1041, %div3A_1047 : vector<16xf32>
    %div3A_1049 = arith.constant 0.142857149 : f32
    %div3A_1050 = vector.broadcast %div3A_1049 : f32 to vector<16xf32>
    %div3A_1051 = arith.divf %mul3A_1045, %div3A_1050 : vector<16xf32>
    %convert_element_type3A_1052 = arith.fptosi %div3A_1048 : vector<16xf32> to vector<16xi32>
    %convert_element_type3A_1053 = arith.sitofp %convert_element_type3A_1052 : vector<16xi32> to vector<16xf32>
    %convert_element_type3A_1054 = arith.fptosi %div3A_1051 : vector<16xf32> to vector<16xi32>
    %convert_element_type3A_1055 = arith.sitofp %convert_element_type3A_1054 : vector<16xi32> to vector<16xf32>
    %gt3A_1056 = arith.cmpf ogt, %div3A_1048, %convert_element_type3A_1053 : vector<16xf32>
    %jit3A_1057 = arith.constant 1.000000e+00 : f32
    %jit3A_1058 = arith.constant 0.000000e+00 : f32
    %broadcast_in_dim3A_1059 = vector.broadcast %jit3A_1057 : f32 to vector<16xf32>
    %broadcast_in_dim3A_1060 = vector.broadcast %jit3A_1058 : f32 to vector<16xf32>
    %select_n3A_1061 = arith.select %gt3A_1056, %broadcast_in_dim3A_1059, %broadcast_in_dim3A_1060 : vector<16xi1>, vector<16xf32>
    %add3A_1062 = arith.addf %convert_element_type3A_1053, %select_n3A_1061 : vector<16xf32>
    %sub3A_1063 = arith.constant 1.000000e+00 : f32
    %sub3A_1064 = vector.broadcast %sub3A_1063 : f32 to vector<16xf32>
    %sub3A_1065 = arith.subf %add3A_1062, %sub3A_1064 : vector<16xf32>
    %gt3A_1066 = arith.cmpf ogt, %div3A_1051, %convert_element_type3A_1055 : vector<16xf32>
    %jit3A_1067 = arith.constant 1.000000e+00 : f32
    %jit3A_1068 = arith.constant 0.000000e+00 : f32
    %broadcast_in_dim3A_1069 = vector.broadcast %jit3A_1067 : f32 to vector<16xf32>
    %broadcast_in_dim3A_1070 = vector.broadcast %jit3A_1068 : f32 to vector<16xf32>
    %select_n3A_1071 = arith.select %gt3A_1066, %broadcast_in_dim3A_1069, %broadcast_in_dim3A_1070 : vector<16xi1>, vector<16xf32>
    %add3A_1072 = arith.addf %convert_element_type3A_1055, %select_n3A_1071 : vector<16xf32>
    %sub3A_1073 = arith.constant 1.000000e+00 : f32
    %sub3A_1074 = vector.broadcast %sub3A_1073 : f32 to vector<16xf32>
    %sub3A_1075 = arith.subf %add3A_1072, %sub3A_1074 : vector<16xf32>
    %mul3A_1076 = arith.constant 0.142857149 : f32
    %mul3A_1077 = vector.broadcast %mul3A_1076 : f32 to vector<16xf32>
    %mul3A_1078 = arith.mulf %sub3A_1065, %mul3A_1077 : vector<16xf32>
    %sub3A_1079 = arith.subf %mul3A_1041, %mul3A_1078 : vector<16xf32>
    %mul3A_1080 = arith.constant 7.000000e+00 : f32
    %mul3A_1081 = vector.broadcast %mul3A_1080 : f32 to vector<16xf32>
    %mul3A_1082 = arith.mulf %sub3A_1079, %mul3A_1081 : vector<16xf32>
    %mul3A_1083 = arith.constant 0.142857149 : f32
    %mul3A_1084 = vector.broadcast %mul3A_1083 : f32 to vector<16xf32>
    %mul3A_1085 = arith.mulf %sub3A_1075, %mul3A_1084 : vector<16xf32>
    %sub3A_1086 = arith.subf %mul3A_1045, %mul3A_1085 : vector<16xf32>
    %mul3A_1087 = arith.constant 7.000000e+00 : f32
    %mul3A_1088 = vector.broadcast %mul3A_1087 : f32 to vector<16xf32>
    %mul3A_1089 = arith.mulf %sub3A_1086, %mul3A_1088 : vector<16xf32>
    %convert_element_type3A_1090 = arith.fptosi %sub3A_1065 : vector<16xf32> to vector<16xi32>
    %convert_element_type3A_1091 = arith.fptosi %sub3A_1075 : vector<16xf32> to vector<16xi32>
    %shift_right_arithmetic3A_1092 = arith.constant 3 : i32
    %shift_right_arithmetic3A_1093 = vector.broadcast %shift_right_arithmetic3A_1092 : i32 to vector<16xi32>
    %shift_right_arithmetic3A_1094 = arith.shrsi %add3A_1017, %shift_right_arithmetic3A_1093 : vector<16xi32>
    %mul3A_1095 = arith.constant 49 : i32
    %mul3A_1096 = vector.broadcast %mul3A_1095 : i32 to vector<16xi32>
    %mul3A_1097 = arith.muli %shift_right_arithmetic3A_1094, %mul3A_1096 : vector<16xi32>
    %mul3A_1098 = arith.constant 7 : i32
    %mul3A_1099 = vector.broadcast %mul3A_1098 : i32 to vector<16xi32>
    %mul3A_1100 = arith.muli %convert_element_type3A_1091, %mul3A_1099 : vector<16xi32>
    %add3A_1101 = arith.addi %mul3A_1097, %mul3A_1100 : vector<16xi32>
    %add3A_1102 = arith.addi %add3A_1101, %convert_element_type3A_1090 : vector<16xi32>
    %swap3A_1103 = arith.constant 112 : index
    %swap3A_1104 = tpu.vector_load %arg9[%swap3A_1103] {strides = array<i32>} : memref<128xf32, #tpu.memory_space<vmem>>, vector<16xf32>,
    tpu.vector_store %arg9[%swap3A_1103], %mul3A_1082 {strides = array<i32>} : memref<128xf32, #tpu.memory_space<vmem>>, vector<16xf32>,
    %swap3A_1105 = arith.constant 112 : index
    %swap3A_1106 = tpu.vector_load %arg10[%swap3A_1105] {strides = array<i32>} : memref<128xf32, #tpu.memory_space<vmem>>, vector<16xf32>,
    tpu.vector_store %arg10[%swap3A_1105], %mul3A_1089 {strides = array<i32>} : memref<128xf32, #tpu.memory_space<vmem>>, vector<16xf32>,
    %sub3A_1107 = arith.subf %div3A_1032, %div3A_1022 : vector<16xf32>
    %swap3A_1108 = arith.constant 112 : index
    %swap3A_1109 = tpu.vector_load %arg11[%swap3A_1108] {strides = array<i32>} : memref<128xf32, #tpu.memory_space<vmem>>, vector<16xf32>,
    tpu.vector_store %arg11[%swap3A_1108], %sub3A_1107 {strides = array<i32>} : memref<128xf32, #tpu.memory_space<vmem>>, vector<16xf32>,
    %sub3A_1110 = arith.subf %div3A_1037, %div3A_1027 : vector<16xf32>
    %swap3A_1111 = arith.constant 112 : index
    %swap3A_1112 = tpu.vector_load %arg12[%swap3A_1111] {strides = array<i32>} : memref<128xf32, #tpu.memory_space<vmem>>, vector<16xf32>,
    tpu.vector_store %arg12[%swap3A_1111], %sub3A_1110 {strides = array<i32>} : memref<128xf32, #tpu.memory_space<vmem>>, vector<16xf32>,
    %swap3A_1113 = arith.constant 112 : index
    %swap3A_1114 = tpu.vector_load %arg13[%swap3A_1113] {strides = array<i32>} : memref<128xi32, #tpu.memory_space<vmem>>, vector<16xi32>,
    tpu.vector_store %arg13[%swap3A_1113], %add3A_1102 {strides = array<i32>} : memref<128xi32, #tpu.memory_space<vmem>>, vector<16xi32>,
    %mul3A_1115 = arith.constant 8 : i32
    %mul3A_1116 = vector.broadcast %mul3A_1115 : i32 to vector<16xi32>
    %mul3A_1117 = arith.muli %iota3A, %mul3A_1116 : vector<16xi32>
    %add3A_1118 = arith.constant 0 : i32
    %add3A_1119 = vector.broadcast %add3A_1118 : i32 to vector<16xi32>
    %add3A_1120 = arith.addi %mul3A_1117, %add3A_1119 : vector<16xi32>
    %gather3A = tpu.vector_load_idx %arg13[%add3A_1120] : memref<128xi32, #tpu.memory_space<vmem>>[vector<16xi32>], vector<16xi32>,
    %mul3A_1121 = arith.constant 8 : i32
    %mul3A_1122 = vector.broadcast %mul3A_1121 : i32 to vector<16xi32>
    %mul3A_1123 = arith.muli %iota3A, %mul3A_1122 : vector<16xi32>
    %add3A_1124 = arith.constant 0 : i32
    %add3A_1125 = vector.broadcast %add3A_1124 : i32 to vector<16xi32>
    %add3A_1126 = arith.addi %mul3A_1123, %add3A_1125 : vector<16xi32>
    tpu.vector_store_idx %arg14[%gather3A], %add3A_1126 : memref<784xi32, #tpu.memory_space<vmem>>[vector<16xi32>], vector<16xi32>,
    %mul3A_1127 = arith.constant 8 : i32
    %mul3A_1128 = vector.broadcast %mul3A_1127 : i32 to vector<16xi32>
    %mul3A_1129 = arith.muli %iota3A, %mul3A_1128 : vector<16xi32>
    %add3A_1130 = arith.constant 1 : i32
    %add3A_1131 = vector.broadcast %add3A_1130 : i32 to vector<16xi32>
    %add3A_1132 = arith.addi %mul3A_1129, %add3A_1131 : vector<16xi32>
    %gather3A_1133 = tpu.vector_load_idx %arg13[%add3A_1132] : memref<128xi32, #tpu.memory_space<vmem>>[vector<16xi32>], vector<16xi32>,
    %mul3A_1134 = arith.constant 8 : i32
    %mul3A_1135 = vector.broadcast %mul3A_1134 : i32 to vector<16xi32>
    %mul3A_1136 = arith.muli %iota3A, %mul3A_1135 : vector<16xi32>
    %add3A_1137 = arith.constant 1 : i32
    %add3A_1138 = vector.broadcast %add3A_1137 : i32 to vector<16xi32>
    %add3A_1139 = arith.addi %mul3A_1136, %add3A_1138 : vector<16xi32>
    tpu.vector_store_idx %arg14[%gather3A_1133], %add3A_1139 : memref<784xi32, #tpu.memory_space<vmem>>[vector<16xi32>], vector<16xi32>,
    %mul3A_1140 = arith.constant 8 : i32
    %mul3A_1141 = vector.broadcast %mul3A_1140 : i32 to vector<16xi32>
    %mul3A_1142 = arith.muli %iota3A, %mul3A_1141 : vector<16xi32>
    %add3A_1143 = arith.constant 2 : i32
    %add3A_1144 = vector.broadcast %add3A_1143 : i32 to vector<16xi32>
    %add3A_1145 = arith.addi %mul3A_1142, %add3A_1144 : vector<16xi32>
    %gather3A_1146 = tpu.vector_load_idx %arg13[%add3A_1145] : memref<128xi32, #tpu.memory_space<vmem>>[vector<16xi32>], vector<16xi32>,
    %mul3A_1147 = arith.constant 8 : i32
    %mul3A_1148 = vector.broadcast %mul3A_1147 : i32 to vector<16xi32>
    %mul3A_1149 = arith.muli %iota3A, %mul3A_1148 : vector<16xi32>
    %add3A_1150 = arith.constant 2 : i32
    %add3A_1151 = vector.broadcast %add3A_1150 : i32 to vector<16xi32>
    %add3A_1152 = arith.addi %mul3A_1149, %add3A_1151 : vector<16xi32>
    tpu.vector_store_idx %arg14[%gather3A_1146], %add3A_1152 : memref<784xi32, #tpu.memory_space<vmem>>[vector<16xi32>], vector<16xi32>,
    %mul3A_1153 = arith.constant 8 : i32
    %mul3A_1154 = vector.broadcast %mul3A_1153 : i32 to vector<16xi32>
    %mul3A_1155 = arith.muli %iota3A, %mul3A_1154 : vector<16xi32>
    %add3A_1156 = arith.constant 3 : i32
    %add3A_1157 = vector.broadcast %add3A_1156 : i32 to vector<16xi32>
    %add3A_1158 = arith.addi %mul3A_1155, %add3A_1157 : vector<16xi32>
    %gather3A_1159 = tpu.vector_load_idx %arg13[%add3A_1158] : memref<128xi32, #tpu.memory_space<vmem>>[vector<16xi32>], vector<16xi32>,
    %mul3A_1160 = arith.constant 8 : i32
    %mul3A_1161 = vector.broadcast %mul3A_1160 : i32 to vector<16xi32>
    %mul3A_1162 = arith.muli %iota3A, %mul3A_1161 : vector<16xi32>
    %add3A_1163 = arith.constant 3 : i32
    %add3A_1164 = vector.broadcast %add3A_1163 : i32 to vector<16xi32>
    %add3A_1165 = arith.addi %mul3A_1162, %add3A_1164 : vector<16xi32>
    tpu.vector_store_idx %arg14[%gather3A_1159], %add3A_1165 : memref<784xi32, #tpu.memory_space<vmem>>[vector<16xi32>], vector<16xi32>,
    %mul3A_1166 = arith.constant 8 : i32
    %mul3A_1167 = vector.broadcast %mul3A_1166 : i32 to vector<16xi32>
    %mul3A_1168 = arith.muli %iota3A, %mul3A_1167 : vector<16xi32>
    %add3A_1169 = arith.constant 4 : i32
    %add3A_1170 = vector.broadcast %add3A_1169 : i32 to vector<16xi32>
    %add3A_1171 = arith.addi %mul3A_1168, %add3A_1170 : vector<16xi32>
    %gather3A_1172 = tpu.vector_load_idx %arg13[%add3A_1171] : memref<128xi32, #tpu.memory_space<vmem>>[vector<16xi32>], vector<16xi32>,
    %mul3A_1173 = arith.constant 8 : i32
    %mul3A_1174 = vector.broadcast %mul3A_1173 : i32 to vector<16xi32>
    %mul3A_1175 = arith.muli %iota3A, %mul3A_1174 : vector<16xi32>
    %add3A_1176 = arith.constant 4 : i32
    %add3A_1177 = vector.broadcast %add3A_1176 : i32 to vector<16xi32>
    %add3A_1178 = arith.addi %mul3A_1175, %add3A_1177 : vector<16xi32>
    tpu.vector_store_idx %arg14[%gather3A_1172], %add3A_1178 : memref<784xi32, #tpu.memory_space<vmem>>[vector<16xi32>], vector<16xi32>,
    %mul3A_1179 = arith.constant 8 : i32
    %mul3A_1180 = vector.broadcast %mul3A_1179 : i32 to vector<16xi32>
    %mul3A_1181 = arith.muli %iota3A, %mul3A_1180 : vector<16xi32>
    %add3A_1182 = arith.constant 5 : i32
    %add3A_1183 = vector.broadcast %add3A_1182 : i32 to vector<16xi32>
    %add3A_1184 = arith.addi %mul3A_1181, %add3A_1183 : vector<16xi32>
    %gather3A_1185 = tpu.vector_load_idx %arg13[%add3A_1184] : memref<128xi32, #tpu.memory_space<vmem>>[vector<16xi32>], vector<16xi32>,
    %mul3A_1186 = arith.constant 8 : i32
    %mul3A_1187 = vector.broadcast %mul3A_1186 : i32 to vector<16xi32>
    %mul3A_1188 = arith.muli %iota3A, %mul3A_1187 : vector<16xi32>
    %add3A_1189 = arith.constant 5 : i32
    %add3A_1190 = vector.broadcast %add3A_1189 : i32 to vector<16xi32>
    %add3A_1191 = arith.addi %mul3A_1188, %add3A_1190 : vector<16xi32>
    tpu.vector_store_idx %arg14[%gather3A_1185], %add3A_1191 : memref<784xi32, #tpu.memory_space<vmem>>[vector<16xi32>], vector<16xi32>,
    %mul3A_1192 = arith.constant 8 : i32
    %mul3A_1193 = vector.broadcast %mul3A_1192 : i32 to vector<16xi32>
    %mul3A_1194 = arith.muli %iota3A, %mul3A_1193 : vector<16xi32>
    %add3A_1195 = arith.constant 6 : i32
    %add3A_1196 = vector.broadcast %add3A_1195 : i32 to vector<16xi32>
    %add3A_1197 = arith.addi %mul3A_1194, %add3A_1196 : vector<16xi32>
    %gather3A_1198 = tpu.vector_load_idx %arg13[%add3A_1197] : memref<128xi32, #tpu.memory_space<vmem>>[vector<16xi32>], vector<16xi32>,
    %mul3A_1199 = arith.constant 8 : i32
    %mul3A_1200 = vector.broadcast %mul3A_1199 : i32 to vector<16xi32>
    %mul3A_1201 = arith.muli %iota3A, %mul3A_1200 : vector<16xi32>
    %add3A_1202 = arith.constant 6 : i32
    %add3A_1203 = vector.broadcast %add3A_1202 : i32 to vector<16xi32>
    %add3A_1204 = arith.addi %mul3A_1201, %add3A_1203 : vector<16xi32>
    tpu.vector_store_idx %arg14[%gather3A_1198], %add3A_1204 : memref<784xi32, #tpu.memory_space<vmem>>[vector<16xi32>], vector<16xi32>,
    %mul3A_1205 = arith.constant 8 : i32
    %mul3A_1206 = vector.broadcast %mul3A_1205 : i32 to vector<16xi32>
    %mul3A_1207 = arith.muli %iota3A, %mul3A_1206 : vector<16xi32>
    %add3A_1208 = arith.constant 7 : i32
    %add3A_1209 = vector.broadcast %add3A_1208 : i32 to vector<16xi32>
    %add3A_1210 = arith.addi %mul3A_1207, %add3A_1209 : vector<16xi32>
    %gather3A_1211 = tpu.vector_load_idx %arg13[%add3A_1210] : memref<128xi32, #tpu.memory_space<vmem>>[vector<16xi32>], vector<16xi32>,
    %mul3A_1212 = arith.constant 8 : i32
    %mul3A_1213 = vector.broadcast %mul3A_1212 : i32 to vector<16xi32>
    %mul3A_1214 = arith.muli %iota3A, %mul3A_1213 : vector<16xi32>
    %add3A_1215 = arith.constant 7 : i32
    %add3A_1216 = vector.broadcast %add3A_1215 : i32 to vector<16xi32>
    %add3A_1217 = arith.addi %mul3A_1214, %add3A_1216 : vector<16xi32>
    tpu.vector_store_idx %arg14[%gather3A_1211], %add3A_1217 : memref<784xi32, #tpu.memory_space<vmem>>[vector<16xi32>], vector<16xi32>,
    %dma_wait3A = arith.constant 0 : i32
    %dma_wait3A_1218 = tpu.memref_slice %arg6[%dma_wait3A] : memref<1920xf32, #tpu.memory_space<vmem>> -> memref<64xf32, #tpu.memory_space<vmem>>
    %dma_wait3A_1219 = tpu.memref_slice %arg2[%add3A_3] : memref<23520xf32, #tpu.memory_space<hbm>> -> memref<64xf32, #tpu.memory_space<hbm>>
    %dma_wait3A_1220 = arith.constant 0 : i32
    %dma_wait3A_1221 = tpu.memref_slice %arg6[%dma_wait3A_1220] : memref<1920xf32, #tpu.memory_space<vmem>> -> memref<64xf32, #tpu.memory_space<vmem>>
    %dma_wait3A_1222 = tpu.memref_slice %arg2[%add3A_3] : memref<23520xf32, #tpu.memory_space<hbm>> -> memref<64xf32, #tpu.memory_space<hbm>>
    tpu.wait_dma2 semaphore(%arg19 : memref<!tpu.dma_semaphore, #tpu.memory_space<semaphore_mem>>) src(%dma_wait3A_1222 : memref<64xf32, #tpu.memory_space<hbm>>) dst(%dma_wait3A_1221 : memref<64xf32, #tpu.memory_space<vmem>>)
    %dma_wait3A_1223 = arith.constant 64 : i32
    %dma_wait3A_1224 = tpu.memref_slice %arg6[%dma_wait3A_1223] : memref<1920xf32, #tpu.memory_space<vmem>> -> memref<64xf32, #tpu.memory_space<vmem>>
    %dma_wait3A_1225 = tpu.memref_slice %arg2[%add3A_12] : memref<23520xf32, #tpu.memory_space<hbm>> -> memref<64xf32, #tpu.memory_space<hbm>>
    %dma_wait3A_1226 = arith.constant 64 : i32
    %dma_wait3A_1227 = tpu.memref_slice %arg6[%dma_wait3A_1226] : memref<1920xf32, #tpu.memory_space<vmem>> -> memref<64xf32, #tpu.memory_space<vmem>>
    %dma_wait3A_1228 = tpu.memref_slice %arg2[%add3A_12] : memref<23520xf32, #tpu.memory_space<hbm>> -> memref<64xf32, #tpu.memory_space<hbm>>
    tpu.wait_dma2 semaphore(%arg19 : memref<!tpu.dma_semaphore, #tpu.memory_space<semaphore_mem>>) src(%dma_wait3A_1228 : memref<64xf32, #tpu.memory_space<hbm>>) dst(%dma_wait3A_1227 : memref<64xf32, #tpu.memory_space<vmem>>)
    %dma_wait3A_1229 = arith.constant 128 : i32
    %dma_wait3A_1230 = tpu.memref_slice %arg6[%dma_wait3A_1229] : memref<1920xf32, #tpu.memory_space<vmem>> -> memref<64xf32, #tpu.memory_space<vmem>>
    %dma_wait3A_1231 = tpu.memref_slice %arg2[%add3A_22] : memref<23520xf32, #tpu.memory_space<hbm>> -> memref<64xf32, #tpu.memory_space<hbm>>
    %dma_wait3A_1232 = arith.constant 128 : i32
    %dma_wait3A_1233 = tpu.memref_slice %arg6[%dma_wait3A_1232] : memref<1920xf32, #tpu.memory_space<vmem>> -> memref<64xf32, #tpu.memory_space<vmem>>
    %dma_wait3A_1234 = tpu.memref_slice %arg2[%add3A_22] : memref<23520xf32, #tpu.memory_space<hbm>> -> memref<64xf32, #tpu.memory_space<hbm>>
    tpu.wait_dma2 semaphore(%arg19 : memref<!tpu.dma_semaphore, #tpu.memory_space<semaphore_mem>>) src(%dma_wait3A_1234 : memref<64xf32, #tpu.memory_space<hbm>>) dst(%dma_wait3A_1233 : memref<64xf32, #tpu.memory_space<vmem>>)
    %dma_wait3A_1235 = arith.constant 192 : i32
    %dma_wait3A_1236 = tpu.memref_slice %arg6[%dma_wait3A_1235] : memref<1920xf32, #tpu.memory_space<vmem>> -> memref<64xf32, #tpu.memory_space<vmem>>
    %dma_wait3A_1237 = tpu.memref_slice %arg2[%add3A_32] : memref<23520xf32, #tpu.memory_space<hbm>> -> memref<64xf32, #tpu.memory_space<hbm>>
    %dma_wait3A_1238 = arith.constant 192 : i32
    %dma_wait3A_1239 = tpu.memref_slice %arg6[%dma_wait3A_1238] : memref<1920xf32, #tpu.memory_space<vmem>> -> memref<64xf32, #tpu.memory_space<vmem>>
    %dma_wait3A_1240 = tpu.memref_slice %arg2[%add3A_32] : memref<23520xf32, #tpu.memory_space<hbm>> -> memref<64xf32, #tpu.memory_space<hbm>>
    tpu.wait_dma2 semaphore(%arg19 : memref<!tpu.dma_semaphore, #tpu.memory_space<semaphore_mem>>) src(%dma_wait3A_1240 : memref<64xf32, #tpu.memory_space<hbm>>) dst(%dma_wait3A_1239 : memref<64xf32, #tpu.memory_space<vmem>>)
    %dma_wait3A_1241 = arith.constant 256 : i32
    %dma_wait3A_1242 = tpu.memref_slice %arg6[%dma_wait3A_1241] : memref<1920xf32, #tpu.memory_space<vmem>> -> memref<64xf32, #tpu.memory_space<vmem>>
    %dma_wait3A_1243 = tpu.memref_slice %arg2[%add3A_42] : memref<23520xf32, #tpu.memory_space<hbm>> -> memref<64xf32, #tpu.memory_space<hbm>>
    %dma_wait3A_1244 = arith.constant 256 : i32
    %dma_wait3A_1245 = tpu.memref_slice %arg6[%dma_wait3A_1244] : memref<1920xf32, #tpu.memory_space<vmem>> -> memref<64xf32, #tpu.memory_space<vmem>>
    %dma_wait3A_1246 = tpu.memref_slice %arg2[%add3A_42] : memref<23520xf32, #tpu.memory_space<hbm>> -> memref<64xf32, #tpu.memory_space<hbm>>
    tpu.wait_dma2 semaphore(%arg19 : memref<!tpu.dma_semaphore, #tpu.memory_space<semaphore_mem>>) src(%dma_wait3A_1246 : memref<64xf32, #tpu.memory_space<hbm>>) dst(%dma_wait3A_1245 : memref<64xf32, #tpu.memory_space<vmem>>)
    %dma_wait3A_1247 = arith.constant 320 : i32
    %dma_wait3A_1248 = tpu.memref_slice %arg6[%dma_wait3A_1247] : memref<1920xf32, #tpu.memory_space<vmem>> -> memref<64xf32, #tpu.memory_space<vmem>>
    %dma_wait3A_1249 = tpu.memref_slice %arg2[%add3A_52] : memref<23520xf32, #tpu.memory_space<hbm>> -> memref<64xf32, #tpu.memory_space<hbm>>
    %dma_wait3A_1250 = arith.constant 320 : i32
    %dma_wait3A_1251 = tpu.memref_slice %arg6[%dma_wait3A_1250] : memref<1920xf32, #tpu.memory_space<vmem>> -> memref<64xf32, #tpu.memory_space<vmem>>
    %dma_wait3A_1252 = tpu.memref_slice %arg2[%add3A_52] : memref<23520xf32, #tpu.memory_space<hbm>> -> memref<64xf32, #tpu.memory_space<hbm>>
    tpu.wait_dma2 semaphore(%arg19 : memref<!tpu.dma_semaphore, #tpu.memory_space<semaphore_mem>>) src(%dma_wait3A_1252 : memref<64xf32, #tpu.memory_space<hbm>>) dst(%dma_wait3A_1251 : memref<64xf32, #tpu.memory_space<vmem>>)
    %dma_wait3A_1253 = arith.constant 384 : i32
    %dma_wait3A_1254 = tpu.memref_slice %arg6[%dma_wait3A_1253] : memref<1920xf32, #tpu.memory_space<vmem>> -> memref<64xf32, #tpu.memory_space<vmem>>
    %dma_wait3A_1255 = tpu.memref_slice %arg2[%add3A_62] : memref<23520xf32, #tpu.memory_space<hbm>> -> memref<64xf32, #tpu.memory_space<hbm>>
    %dma_wait3A_1256 = arith.constant 384 : i32
    %dma_wait3A_1257 = tpu.memref_slice %arg6[%dma_wait3A_1256] : memref<1920xf32, #tpu.memory_space<vmem>> -> memref<64xf32, #tpu.memory_space<vmem>>
    %dma_wait3A_1258 = tpu.memref_slice %arg2[%add3A_62] : memref<23520xf32, #tpu.memory_space<hbm>> -> memref<64xf32, #tpu.memory_space<hbm>>
    tpu.wait_dma2 semaphore(%arg19 : memref<!tpu.dma_semaphore, #tpu.memory_space<semaphore_mem>>) src(%dma_wait3A_1258 : memref<64xf32, #tpu.memory_space<hbm>>) dst(%dma_wait3A_1257 : memref<64xf32, #tpu.memory_space<vmem>>)
    %dma_wait3A_1259 = arith.constant 448 : i32
    %dma_wait3A_1260 = tpu.memref_slice %arg6[%dma_wait3A_1259] : memref<1920xf32, #tpu.memory_space<vmem>> -> memref<64xf32, #tpu.memory_space<vmem>>
    %dma_wait3A_1261 = tpu.memref_slice %arg2[%add3A_72] : memref<23520xf32, #tpu.memory_space<hbm>> -> memref<64xf32, #tpu.memory_space<hbm>>
    %dma_wait3A_1262 = arith.constant 448 : i32
    %dma_wait3A_1263 = tpu.memref_slice %arg6[%dma_wait3A_1262] : memref<1920xf32, #tpu.memory_space<vmem>> -> memref<64xf32, #tpu.memory_space<vmem>>
    %dma_wait3A_1264 = tpu.memref_slice %arg2[%add3A_72] : memref<23520xf32, #tpu.memory_space<hbm>> -> memref<64xf32, #tpu.memory_space<hbm>>
    tpu.wait_dma2 semaphore(%arg19 : memref<!tpu.dma_semaphore, #tpu.memory_space<semaphore_mem>>) src(%dma_wait3A_1264 : memref<64xf32, #tpu.memory_space<hbm>>) dst(%dma_wait3A_1263 : memref<64xf32, #tpu.memory_space<vmem>>)
    %dma_wait3A_1265 = arith.constant 512 : i32
    %dma_wait3A_1266 = tpu.memref_slice %arg6[%dma_wait3A_1265] : memref<1920xf32, #tpu.memory_space<vmem>> -> memref<64xf32, #tpu.memory_space<vmem>>
    %dma_wait3A_1267 = tpu.memref_slice %arg2[%add3A_82] : memref<23520xf32, #tpu.memory_space<hbm>> -> memref<64xf32, #tpu.memory_space<hbm>>
    %dma_wait3A_1268 = arith.constant 512 : i32
    %dma_wait3A_1269 = tpu.memref_slice %arg6[%dma_wait3A_1268] : memref<1920xf32, #tpu.memory_space<vmem>> -> memref<64xf32, #tpu.memory_space<vmem>>
    %dma_wait3A_1270 = tpu.memref_slice %arg2[%add3A_82] : memref<23520xf32, #tpu.memory_space<hbm>> -> memref<64xf32, #tpu.memory_space<hbm>>
    tpu.wait_dma2 semaphore(%arg19 : memref<!tpu.dma_semaphore, #tpu.memory_space<semaphore_mem>>) src(%dma_wait3A_1270 : memref<64xf32, #tpu.memory_space<hbm>>) dst(%dma_wait3A_1269 : memref<64xf32, #tpu.memory_space<vmem>>)
    %dma_wait3A_1271 = arith.constant 576 : i32
    %dma_wait3A_1272 = tpu.memref_slice %arg6[%dma_wait3A_1271] : memref<1920xf32, #tpu.memory_space<vmem>> -> memref<64xf32, #tpu.memory_space<vmem>>
    %dma_wait3A_1273 = tpu.memref_slice %arg2[%add3A_92] : memref<23520xf32, #tpu.memory_space<hbm>> -> memref<64xf32, #tpu.memory_space<hbm>>
    %dma_wait3A_1274 = arith.constant 576 : i32
    %dma_wait3A_1275 = tpu.memref_slice %arg6[%dma_wait3A_1274] : memref<1920xf32, #tpu.memory_space<vmem>> -> memref<64xf32, #tpu.memory_space<vmem>>
    %dma_wait3A_1276 = tpu.memref_slice %arg2[%add3A_92] : memref<23520xf32, #tpu.memory_space<hbm>> -> memref<64xf32, #tpu.memory_space<hbm>>
    tpu.wait_dma2 semaphore(%arg19 : memref<!tpu.dma_semaphore, #tpu.memory_space<semaphore_mem>>) src(%dma_wait3A_1276 : memref<64xf32, #tpu.memory_space<hbm>>) dst(%dma_wait3A_1275 : memref<64xf32, #tpu.memory_space<vmem>>)
    %dma_wait3A_1277 = arith.constant 640 : i32
    %dma_wait3A_1278 = tpu.memref_slice %arg6[%dma_wait3A_1277] : memref<1920xf32, #tpu.memory_space<vmem>> -> memref<64xf32, #tpu.memory_space<vmem>>
    %dma_wait3A_1279 = tpu.memref_slice %arg2[%add3A_102] : memref<23520xf32, #tpu.memory_space<hbm>> -> memref<64xf32, #tpu.memory_space<hbm>>
    %dma_wait3A_1280 = arith.constant 640 : i32
    %dma_wait3A_1281 = tpu.memref_slice %arg6[%dma_wait3A_1280] : memref<1920xf32, #tpu.memory_space<vmem>> -> memref<64xf32, #tpu.memory_space<vmem>>
    %dma_wait3A_1282 = tpu.memref_slice %arg2[%add3A_102] : memref<23520xf32, #tpu.memory_space<hbm>> -> memref<64xf32, #tpu.memory_space<hbm>>
    tpu.wait_dma2 semaphore(%arg19 : memref<!tpu.dma_semaphore, #tpu.memory_space<semaphore_mem>>) src(%dma_wait3A_1282 : memref<64xf32, #tpu.memory_space<hbm>>) dst(%dma_wait3A_1281 : memref<64xf32, #tpu.memory_space<vmem>>)
    %dma_wait3A_1283 = arith.constant 704 : i32
    %dma_wait3A_1284 = tpu.memref_slice %arg6[%dma_wait3A_1283] : memref<1920xf32, #tpu.memory_space<vmem>> -> memref<64xf32, #tpu.memory_space<vmem>>
    %dma_wait3A_1285 = tpu.memref_slice %arg2[%add3A_112] : memref<23520xf32, #tpu.memory_space<hbm>> -> memref<64xf32, #tpu.memory_space<hbm>>
    %dma_wait3A_1286 = arith.constant 704 : i32
    %dma_wait3A_1287 = tpu.memref_slice %arg6[%dma_wait3A_1286] : memref<1920xf32, #tpu.memory_space<vmem>> -> memref<64xf32, #tpu.memory_space<vmem>>
    %dma_wait3A_1288 = tpu.memref_slice %arg2[%add3A_112] : memref<23520xf32, #tpu.memory_space<hbm>> -> memref<64xf32, #tpu.memory_space<hbm>>
    tpu.wait_dma2 semaphore(%arg19 : memref<!tpu.dma_semaphore, #tpu.memory_space<semaphore_mem>>) src(%dma_wait3A_1288 : memref<64xf32, #tpu.memory_space<hbm>>) dst(%dma_wait3A_1287 : memref<64xf32, #tpu.memory_space<vmem>>)
    %dma_wait3A_1289 = arith.constant 768 : i32
    %dma_wait3A_1290 = tpu.memref_slice %arg6[%dma_wait3A_1289] : memref<1920xf32, #tpu.memory_space<vmem>> -> memref<64xf32, #tpu.memory_space<vmem>>
    %dma_wait3A_1291 = tpu.memref_slice %arg2[%add3A_122] : memref<23520xf32, #tpu.memory_space<hbm>> -> memref<64xf32, #tpu.memory_space<hbm>>
    %dma_wait3A_1292 = arith.constant 768 : i32
    %dma_wait3A_1293 = tpu.memref_slice %arg6[%dma_wait3A_1292] : memref<1920xf32, #tpu.memory_space<vmem>> -> memref<64xf32, #tpu.memory_space<vmem>>
    %dma_wait3A_1294 = tpu.memref_slice %arg2[%add3A_122] : memref<23520xf32, #tpu.memory_space<hbm>> -> memref<64xf32, #tpu.memory_space<hbm>>
    tpu.wait_dma2 semaphore(%arg19 : memref<!tpu.dma_semaphore, #tpu.memory_space<semaphore_mem>>) src(%dma_wait3A_1294 : memref<64xf32, #tpu.memory_space<hbm>>) dst(%dma_wait3A_1293 : memref<64xf32, #tpu.memory_space<vmem>>)
    %dma_wait3A_1295 = arith.constant 832 : i32
    %dma_wait3A_1296 = tpu.memref_slice %arg6[%dma_wait3A_1295] : memref<1920xf32, #tpu.memory_space<vmem>> -> memref<64xf32, #tpu.memory_space<vmem>>
    %dma_wait3A_1297 = tpu.memref_slice %arg2[%add3A_132] : memref<23520xf32, #tpu.memory_space<hbm>> -> memref<64xf32, #tpu.memory_space<hbm>>
    %dma_wait3A_1298 = arith.constant 832 : i32
    %dma_wait3A_1299 = tpu.memref_slice %arg6[%dma_wait3A_1298] : memref<1920xf32, #tpu.memory_space<vmem>> -> memref<64xf32, #tpu.memory_space<vmem>>
    %dma_wait3A_1300 = tpu.memref_slice %arg2[%add3A_132] : memref<23520xf32, #tpu.memory_space<hbm>> -> memref<64xf32, #tpu.memory_space<hbm>>
    tpu.wait_dma2 semaphore(%arg19 : memref<!tpu.dma_semaphore, #tpu.memory_space<semaphore_mem>>) src(%dma_wait3A_1300 : memref<64xf32, #tpu.memory_space<hbm>>) dst(%dma_wait3A_1299 : memref<64xf32, #tpu.memory_space<vmem>>)
    %dma_wait3A_1301 = arith.constant 896 : i32
    %dma_wait3A_1302 = tpu.memref_slice %arg6[%dma_wait3A_1301] : memref<1920xf32, #tpu.memory_space<vmem>> -> memref<64xf32, #tpu.memory_space<vmem>>
    %dma_wait3A_1303 = tpu.memref_slice %arg2[%add3A_142] : memref<23520xf32, #tpu.memory_space<hbm>> -> memref<64xf32, #tpu.memory_space<hbm>>
    %dma_wait3A_1304 = arith.constant 896 : i32
    %dma_wait3A_1305 = tpu.memref_slice %arg6[%dma_wait3A_1304] : memref<1920xf32, #tpu.memory_space<vmem>> -> memref<64xf32, #tpu.memory_space<vmem>>
    %dma_wait3A_1306 = tpu.memref_slice %arg2[%add3A_142] : memref<23520xf32, #tpu.memory_space<hbm>> -> memref<64xf32, #tpu.memory_space<hbm>>
    tpu.wait_dma2 semaphore(%arg19 : memref<!tpu.dma_semaphore, #tpu.memory_space<semaphore_mem>>) src(%dma_wait3A_1306 : memref<64xf32, #tpu.memory_space<hbm>>) dst(%dma_wait3A_1305 : memref<64xf32, #tpu.memory_space<vmem>>)
    %dma_wait3A_1307 = arith.constant 960 : i32
    %dma_wait3A_1308 = tpu.memref_slice %arg6[%dma_wait3A_1307] : memref<1920xf32, #tpu.memory_space<vmem>> -> memref<64xf32, #tpu.memory_space<vmem>>
    %dma_wait3A_1309 = tpu.memref_slice %arg2[%add3A_152] : memref<23520xf32, #tpu.memory_space<hbm>> -> memref<64xf32, #tpu.memory_space<hbm>>
    %dma_wait3A_1310 = arith.constant 960 : i32
    %dma_wait3A_1311 = tpu.memref_slice %arg6[%dma_wait3A_1310] : memref<1920xf32, #tpu.memory_space<vmem>> -> memref<64xf32, #tpu.memory_space<vmem>>
    %dma_wait3A_1312 = tpu.memref_slice %arg2[%add3A_152] : memref<23520xf32, #tpu.memory_space<hbm>> -> memref<64xf32, #tpu.memory_space<hbm>>
    tpu.wait_dma2 semaphore(%arg19 : memref<!tpu.dma_semaphore, #tpu.memory_space<semaphore_mem>>) src(%dma_wait3A_1312 : memref<64xf32, #tpu.memory_space<hbm>>) dst(%dma_wait3A_1311 : memref<64xf32, #tpu.memory_space<vmem>>)
    %dma_wait3A_1313 = arith.constant 1024 : i32
    %dma_wait3A_1314 = tpu.memref_slice %arg6[%dma_wait3A_1313] : memref<1920xf32, #tpu.memory_space<vmem>> -> memref<64xf32, #tpu.memory_space<vmem>>
    %dma_wait3A_1315 = tpu.memref_slice %arg2[%add3A_162] : memref<23520xf32, #tpu.memory_space<hbm>> -> memref<64xf32, #tpu.memory_space<hbm>>
    %dma_wait3A_1316 = arith.constant 1024 : i32
    %dma_wait3A_1317 = tpu.memref_slice %arg6[%dma_wait3A_1316] : memref<1920xf32, #tpu.memory_space<vmem>> -> memref<64xf32, #tpu.memory_space<vmem>>
    %dma_wait3A_1318 = tpu.memref_slice %arg2[%add3A_162] : memref<23520xf32, #tpu.memory_space<hbm>> -> memref<64xf32, #tpu.memory_space<hbm>>
    tpu.wait_dma2 semaphore(%arg19 : memref<!tpu.dma_semaphore, #tpu.memory_space<semaphore_mem>>) src(%dma_wait3A_1318 : memref<64xf32, #tpu.memory_space<hbm>>) dst(%dma_wait3A_1317 : memref<64xf32, #tpu.memory_space<vmem>>)
    %dma_wait3A_1319 = arith.constant 1088 : i32
    %dma_wait3A_1320 = tpu.memref_slice %arg6[%dma_wait3A_1319] : memref<1920xf32, #tpu.memory_space<vmem>> -> memref<64xf32, #tpu.memory_space<vmem>>
    %dma_wait3A_1321 = tpu.memref_slice %arg2[%add3A_172] : memref<23520xf32, #tpu.memory_space<hbm>> -> memref<64xf32, #tpu.memory_space<hbm>>
    %dma_wait3A_1322 = arith.constant 1088 : i32
    %dma_wait3A_1323 = tpu.memref_slice %arg6[%dma_wait3A_1322] : memref<1920xf32, #tpu.memory_space<vmem>> -> memref<64xf32, #tpu.memory_space<vmem>>
    %dma_wait3A_1324 = tpu.memref_slice %arg2[%add3A_172] : memref<23520xf32, #tpu.memory_space<hbm>> -> memref<64xf32, #tpu.memory_space<hbm>>
    tpu.wait_dma2 semaphore(%arg19 : memref<!tpu.dma_semaphore, #tpu.memory_space<semaphore_mem>>) src(%dma_wait3A_1324 : memref<64xf32, #tpu.memory_space<hbm>>) dst(%dma_wait3A_1323 : memref<64xf32, #tpu.memory_space<vmem>>)
    %dma_wait3A_1325 = arith.constant 1152 : i32
    %dma_wait3A_1326 = tpu.memref_slice %arg6[%dma_wait3A_1325] : memref<1920xf32, #tpu.memory_space<vmem>> -> memref<64xf32, #tpu.memory_space<vmem>>
    %dma_wait3A_1327 = tpu.memref_slice %arg2[%add3A_182] : memref<23520xf32, #tpu.memory_space<hbm>> -> memref<64xf32, #tpu.memory_space<hbm>>
    %dma_wait3A_1328 = arith.constant 1152 : i32
    %dma_wait3A_1329 = tpu.memref_slice %arg6[%dma_wait3A_1328] : memref<1920xf32, #tpu.memory_space<vmem>> -> memref<64xf32, #tpu.memory_space<vmem>>
    %dma_wait3A_1330 = tpu.memref_slice %arg2[%add3A_182] : memref<23520xf32, #tpu.memory_space<hbm>> -> memref<64xf32, #tpu.memory_space<hbm>>
    tpu.wait_dma2 semaphore(%arg19 : memref<!tpu.dma_semaphore, #tpu.memory_space<semaphore_mem>>) src(%dma_wait3A_1330 : memref<64xf32, #tpu.memory_space<hbm>>) dst(%dma_wait3A_1329 : memref<64xf32, #tpu.memory_space<vmem>>)
    %dma_wait3A_1331 = arith.constant 1216 : i32
    %dma_wait3A_1332 = tpu.memref_slice %arg6[%dma_wait3A_1331] : memref<1920xf32, #tpu.memory_space<vmem>> -> memref<64xf32, #tpu.memory_space<vmem>>
    %dma_wait3A_1333 = tpu.memref_slice %arg2[%add3A_192] : memref<23520xf32, #tpu.memory_space<hbm>> -> memref<64xf32, #tpu.memory_space<hbm>>
    %dma_wait3A_1334 = arith.constant 1216 : i32
    %dma_wait3A_1335 = tpu.memref_slice %arg6[%dma_wait3A_1334] : memref<1920xf32, #tpu.memory_space<vmem>> -> memref<64xf32, #tpu.memory_space<vmem>>
    %dma_wait3A_1336 = tpu.memref_slice %arg2[%add3A_192] : memref<23520xf32, #tpu.memory_space<hbm>> -> memref<64xf32, #tpu.memory_space<hbm>>
    tpu.wait_dma2 semaphore(%arg19 : memref<!tpu.dma_semaphore, #tpu.memory_space<semaphore_mem>>) src(%dma_wait3A_1336 : memref<64xf32, #tpu.memory_space<hbm>>) dst(%dma_wait3A_1335 : memref<64xf32, #tpu.memory_space<vmem>>)
    %dma_wait3A_1337 = arith.constant 1280 : i32
    %dma_wait3A_1338 = tpu.memref_slice %arg6[%dma_wait3A_1337] : memref<1920xf32, #tpu.memory_space<vmem>> -> memref<64xf32, #tpu.memory_space<vmem>>
    %dma_wait3A_1339 = tpu.memref_slice %arg2[%add3A_202] : memref<23520xf32, #tpu.memory_space<hbm>> -> memref<64xf32, #tpu.memory_space<hbm>>
    %dma_wait3A_1340 = arith.constant 1280 : i32
    %dma_wait3A_1341 = tpu.memref_slice %arg6[%dma_wait3A_1340] : memref<1920xf32, #tpu.memory_space<vmem>> -> memref<64xf32, #tpu.memory_space<vmem>>
    %dma_wait3A_1342 = tpu.memref_slice %arg2[%add3A_202] : memref<23520xf32, #tpu.memory_space<hbm>> -> memref<64xf32, #tpu.memory_space<hbm>>
    tpu.wait_dma2 semaphore(%arg19 : memref<!tpu.dma_semaphore, #tpu.memory_space<semaphore_mem>>) src(%dma_wait3A_1342 : memref<64xf32, #tpu.memory_space<hbm>>) dst(%dma_wait3A_1341 : memref<64xf32, #tpu.memory_space<vmem>>)
    %dma_wait3A_1343 = arith.constant 1344 : i32
    %dma_wait3A_1344 = tpu.memref_slice %arg6[%dma_wait3A_1343] : memref<1920xf32, #tpu.memory_space<vmem>> -> memref<64xf32, #tpu.memory_space<vmem>>
    %dma_wait3A_1345 = tpu.memref_slice %arg2[%add3A_212] : memref<23520xf32, #tpu.memory_space<hbm>> -> memref<64xf32, #tpu.memory_space<hbm>>
    %dma_wait3A_1346 = arith.constant 1344 : i32
    %dma_wait3A_1347 = tpu.memref_slice %arg6[%dma_wait3A_1346] : memref<1920xf32, #tpu.memory_space<vmem>> -> memref<64xf32, #tpu.memory_space<vmem>>
    %dma_wait3A_1348 = tpu.memref_slice %arg2[%add3A_212] : memref<23520xf32, #tpu.memory_space<hbm>> -> memref<64xf32, #tpu.memory_space<hbm>>
    tpu.wait_dma2 semaphore(%arg19 : memref<!tpu.dma_semaphore, #tpu.memory_space<semaphore_mem>>) src(%dma_wait3A_1348 : memref<64xf32, #tpu.memory_space<hbm>>) dst(%dma_wait3A_1347 : memref<64xf32, #tpu.memory_space<vmem>>)
    %dma_wait3A_1349 = arith.constant 1408 : i32
    %dma_wait3A_1350 = tpu.memref_slice %arg6[%dma_wait3A_1349] : memref<1920xf32, #tpu.memory_space<vmem>> -> memref<64xf32, #tpu.memory_space<vmem>>
    %dma_wait3A_1351 = tpu.memref_slice %arg2[%add3A_222] : memref<23520xf32, #tpu.memory_space<hbm>> -> memref<64xf32, #tpu.memory_space<hbm>>
    %dma_wait3A_1352 = arith.constant 1408 : i32
    %dma_wait3A_1353 = tpu.memref_slice %arg6[%dma_wait3A_1352] : memref<1920xf32, #tpu.memory_space<vmem>> -> memref<64xf32, #tpu.memory_space<vmem>>
    %dma_wait3A_1354 = tpu.memref_slice %arg2[%add3A_222] : memref<23520xf32, #tpu.memory_space<hbm>> -> memref<64xf32, #tpu.memory_space<hbm>>
    tpu.wait_dma2 semaphore(%arg19 : memref<!tpu.dma_semaphore, #tpu.memory_space<semaphore_mem>>) src(%dma_wait3A_1354 : memref<64xf32, #tpu.memory_space<hbm>>) dst(%dma_wait3A_1353 : memref<64xf32, #tpu.memory_space<vmem>>)
    %dma_wait3A_1355 = arith.constant 1472 : i32
    %dma_wait3A_1356 = tpu.memref_slice %arg6[%dma_wait3A_1355] : memref<1920xf32, #tpu.memory_space<vmem>> -> memref<64xf32, #tpu.memory_space<vmem>>
    %dma_wait3A_1357 = tpu.memref_slice %arg2[%add3A_232] : memref<23520xf32, #tpu.memory_space<hbm>> -> memref<64xf32, #tpu.memory_space<hbm>>
    %dma_wait3A_1358 = arith.constant 1472 : i32
    %dma_wait3A_1359 = tpu.memref_slice %arg6[%dma_wait3A_1358] : memref<1920xf32, #tpu.memory_space<vmem>> -> memref<64xf32, #tpu.memory_space<vmem>>
    %dma_wait3A_1360 = tpu.memref_slice %arg2[%add3A_232] : memref<23520xf32, #tpu.memory_space<hbm>> -> memref<64xf32, #tpu.memory_space<hbm>>
    tpu.wait_dma2 semaphore(%arg19 : memref<!tpu.dma_semaphore, #tpu.memory_space<semaphore_mem>>) src(%dma_wait3A_1360 : memref<64xf32, #tpu.memory_space<hbm>>) dst(%dma_wait3A_1359 : memref<64xf32, #tpu.memory_space<vmem>>)
    %dma_wait3A_1361 = arith.constant 1536 : i32
    %dma_wait3A_1362 = tpu.memref_slice %arg6[%dma_wait3A_1361] : memref<1920xf32, #tpu.memory_space<vmem>> -> memref<64xf32, #tpu.memory_space<vmem>>
    %dma_wait3A_1363 = tpu.memref_slice %arg2[%add3A_242] : memref<23520xf32, #tpu.memory_space<hbm>> -> memref<64xf32, #tpu.memory_space<hbm>>
    %dma_wait3A_1364 = arith.constant 1536 : i32
    %dma_wait3A_1365 = tpu.memref_slice %arg6[%dma_wait3A_1364] : memref<1920xf32, #tpu.memory_space<vmem>> -> memref<64xf32, #tpu.memory_space<vmem>>
    %dma_wait3A_1366 = tpu.memref_slice %arg2[%add3A_242] : memref<23520xf32, #tpu.memory_space<hbm>> -> memref<64xf32, #tpu.memory_space<hbm>>
    tpu.wait_dma2 semaphore(%arg19 : memref<!tpu.dma_semaphore, #tpu.memory_space<semaphore_mem>>) src(%dma_wait3A_1366 : memref<64xf32, #tpu.memory_space<hbm>>) dst(%dma_wait3A_1365 : memref<64xf32, #tpu.memory_space<vmem>>)
    %dma_wait3A_1367 = arith.constant 1600 : i32
    %dma_wait3A_1368 = tpu.memref_slice %arg6[%dma_wait3A_1367] : memref<1920xf32, #tpu.memory_space<vmem>> -> memref<64xf32, #tpu.memory_space<vmem>>
    %dma_wait3A_1369 = tpu.memref_slice %arg2[%add3A_252] : memref<23520xf32, #tpu.memory_space<hbm>> -> memref<64xf32, #tpu.memory_space<hbm>>
    %dma_wait3A_1370 = arith.constant 1600 : i32
    %dma_wait3A_1371 = tpu.memref_slice %arg6[%dma_wait3A_1370] : memref<1920xf32, #tpu.memory_space<vmem>> -> memref<64xf32, #tpu.memory_space<vmem>>
    %dma_wait3A_1372 = tpu.memref_slice %arg2[%add3A_252] : memref<23520xf32, #tpu.memory_space<hbm>> -> memref<64xf32, #tpu.memory_space<hbm>>
    tpu.wait_dma2 semaphore(%arg19 : memref<!tpu.dma_semaphore, #tpu.memory_space<semaphore_mem>>) src(%dma_wait3A_1372 : memref<64xf32, #tpu.memory_space<hbm>>) dst(%dma_wait3A_1371 : memref<64xf32, #tpu.memory_space<vmem>>)
    %dma_wait3A_1373 = arith.constant 1664 : i32
    %dma_wait3A_1374 = tpu.memref_slice %arg6[%dma_wait3A_1373] : memref<1920xf32, #tpu.memory_space<vmem>> -> memref<64xf32, #tpu.memory_space<vmem>>
    %dma_wait3A_1375 = tpu.memref_slice %arg2[%add3A_262] : memref<23520xf32, #tpu.memory_space<hbm>> -> memref<64xf32, #tpu.memory_space<hbm>>
    %dma_wait3A_1376 = arith.constant 1664 : i32
    %dma_wait3A_1377 = tpu.memref_slice %arg6[%dma_wait3A_1376] : memref<1920xf32, #tpu.memory_space<vmem>> -> memref<64xf32, #tpu.memory_space<vmem>>
    %dma_wait3A_1378 = tpu.memref_slice %arg2[%add3A_262] : memref<23520xf32, #tpu.memory_space<hbm>> -> memref<64xf32, #tpu.memory_space<hbm>>
    tpu.wait_dma2 semaphore(%arg19 : memref<!tpu.dma_semaphore, #tpu.memory_space<semaphore_mem>>) src(%dma_wait3A_1378 : memref<64xf32, #tpu.memory_space<hbm>>) dst(%dma_wait3A_1377 : memref<64xf32, #tpu.memory_space<vmem>>)
    %dma_wait3A_1379 = arith.constant 1728 : i32
    %dma_wait3A_1380 = tpu.memref_slice %arg6[%dma_wait3A_1379] : memref<1920xf32, #tpu.memory_space<vmem>> -> memref<64xf32, #tpu.memory_space<vmem>>
    %dma_wait3A_1381 = tpu.memref_slice %arg2[%add3A_272] : memref<23520xf32, #tpu.memory_space<hbm>> -> memref<64xf32, #tpu.memory_space<hbm>>
    %dma_wait3A_1382 = arith.constant 1728 : i32
    %dma_wait3A_1383 = tpu.memref_slice %arg6[%dma_wait3A_1382] : memref<1920xf32, #tpu.memory_space<vmem>> -> memref<64xf32, #tpu.memory_space<vmem>>
    %dma_wait3A_1384 = tpu.memref_slice %arg2[%add3A_272] : memref<23520xf32, #tpu.memory_space<hbm>> -> memref<64xf32, #tpu.memory_space<hbm>>
    tpu.wait_dma2 semaphore(%arg19 : memref<!tpu.dma_semaphore, #tpu.memory_space<semaphore_mem>>) src(%dma_wait3A_1384 : memref<64xf32, #tpu.memory_space<hbm>>) dst(%dma_wait3A_1383 : memref<64xf32, #tpu.memory_space<vmem>>)
    %dma_wait3A_1385 = arith.constant 1792 : i32
    %dma_wait3A_1386 = tpu.memref_slice %arg6[%dma_wait3A_1385] : memref<1920xf32, #tpu.memory_space<vmem>> -> memref<64xf32, #tpu.memory_space<vmem>>
    %dma_wait3A_1387 = tpu.memref_slice %arg2[%add3A_282] : memref<23520xf32, #tpu.memory_space<hbm>> -> memref<64xf32, #tpu.memory_space<hbm>>
    %dma_wait3A_1388 = arith.constant 1792 : i32
    %dma_wait3A_1389 = tpu.memref_slice %arg6[%dma_wait3A_1388] : memref<1920xf32, #tpu.memory_space<vmem>> -> memref<64xf32, #tpu.memory_space<vmem>>
    %dma_wait3A_1390 = tpu.memref_slice %arg2[%add3A_282] : memref<23520xf32, #tpu.memory_space<hbm>> -> memref<64xf32, #tpu.memory_space<hbm>>
    tpu.wait_dma2 semaphore(%arg19 : memref<!tpu.dma_semaphore, #tpu.memory_space<semaphore_mem>>) src(%dma_wait3A_1390 : memref<64xf32, #tpu.memory_space<hbm>>) dst(%dma_wait3A_1389 : memref<64xf32, #tpu.memory_space<vmem>>)
    %dma_wait3A_1391 = arith.constant 1856 : i32
    %dma_wait3A_1392 = tpu.memref_slice %arg6[%dma_wait3A_1391] : memref<1920xf32, #tpu.memory_space<vmem>> -> memref<64xf32, #tpu.memory_space<vmem>>
    %dma_wait3A_1393 = tpu.memref_slice %arg2[%add3A_292] : memref<23520xf32, #tpu.memory_space<hbm>> -> memref<64xf32, #tpu.memory_space<hbm>>
    %dma_wait3A_1394 = arith.constant 1856 : i32
    %dma_wait3A_1395 = tpu.memref_slice %arg6[%dma_wait3A_1394] : memref<1920xf32, #tpu.memory_space<vmem>> -> memref<64xf32, #tpu.memory_space<vmem>>
    %dma_wait3A_1396 = tpu.memref_slice %arg2[%add3A_292] : memref<23520xf32, #tpu.memory_space<hbm>> -> memref<64xf32, #tpu.memory_space<hbm>>
    tpu.wait_dma2 semaphore(%arg19 : memref<!tpu.dma_semaphore, #tpu.memory_space<semaphore_mem>>) src(%dma_wait3A_1396 : memref<64xf32, #tpu.memory_space<hbm>>) dst(%dma_wait3A_1395 : memref<64xf32, #tpu.memory_space<vmem>>)
    %broadcast_in_dim3A_1397 = arith.constant 0.000000e+00 : f32
    %broadcast_in_dim3A_1398 = vector.broadcast %broadcast_in_dim3A_1397 : f32 to vector<16xf32>
    %broadcast_in_dim3A_1399 = arith.constant 0.000000e+00 : f32
    %broadcast_in_dim3A_1400 = vector.broadcast %broadcast_in_dim3A_1399 : f32 to vector<16xf32>
    %broadcast_in_dim3A_1401 = arith.constant 0.000000e+00 : f32
    %broadcast_in_dim3A_1402 = vector.broadcast %broadcast_in_dim3A_1401 : f32 to vector<16xf32>
    %broadcast_in_dim3A_1403 = arith.constant 0.000000e+00 : f32
    %broadcast_in_dim3A_1404 = vector.broadcast %broadcast_in_dim3A_1403 : f32 to vector<16xf32>
    %add3A_1405 = arith.constant 0 : i32
    %add3A_1406 = arith.addi %mul3A_0, %add3A_1405 : i32
    %mul3A_1407 = arith.constant 16 : i32
    %mul3A_1408 = arith.muli %add3A_1406, %mul3A_1407 : i32
    %add3A_1409 = vector.broadcast %mul3A_1408 : i32 to vector<16xi32>
    %add3A_1410 = arith.addi %add3A_1409, %iota3A : vector<16xi32>
    %ge3A = arith.constant 0 : i32
    %ge3A_1411 = vector.broadcast %ge3A : i32 to vector<16xi32>
    %ge3A_1412 = arith.cmpi sge, %iota3A, %ge3A_1411 : vector<16xi32>
    %gather3A_1413 = tpu.vector_load_idx %arg14[%add3A_1410] : memref<784xi32, #tpu.memory_space<vmem>>[vector<16xi32>], vector<16xi32>,
    %ge3A_1414 = arith.constant 0 : i32
    %ge3A_1415 = vector.broadcast %ge3A_1414 : i32 to vector<16xi32>
    %ge3A_1416 = arith.cmpi sge, %gather3A_1413, %ge3A_1415 : vector<16xi32>
    %max3A = arith.constant 0 : i32
    %max3A_1417 = vector.broadcast %max3A : i32 to vector<16xi32>
    %max3A_1418 = arith.maxsi %gather3A_1413, %max3A_1417 : vector<16xi32>
    %gather3A_1419 = tpu.vector_load_idx %arg9[%max3A_1418] : memref<128xf32, #tpu.memory_space<vmem>>[vector<16xi32>], vector<16xf32>,
    %gather3A_1420 = tpu.vector_load_idx %arg10[%max3A_1418] : memref<128xf32, #tpu.memory_space<vmem>>[vector<16xi32>], vector<16xf32>,
    %gather3A_1421 = tpu.vector_load_idx %arg11[%max3A_1418] : memref<128xf32, #tpu.memory_space<vmem>>[vector<16xi32>], vector<16xf32>,
    %gather3A_1422 = tpu.vector_load_idx %arg12[%max3A_1418] : memref<128xf32, #tpu.memory_space<vmem>>[vector<16xi32>], vector<16xf32>,
    %gather3A_1423 = tpu.vector_load_idx %arg8[%max3A_1418] : memref<128xi32, #tpu.memory_space<vmem>>[vector<16xi32>], vector<16xi32>,
    %get3A_1424 = arith.constant 0 : index
    %get3A_1425 = tpu.vector_load %arg6[%get3A_1424] {strides = array<i32>} : memref<1920xf32, #tpu.memory_space<vmem>>, vector<16xf32>,
    %get3A_1426 = arith.constant 64 : index
    %get3A_1427 = tpu.vector_load %arg6[%get3A_1426] {strides = array<i32>} : memref<1920xf32, #tpu.memory_space<vmem>>, vector<16xf32>,
    %get3A_1428 = arith.constant 128 : index
    %get3A_1429 = tpu.vector_load %arg6[%get3A_1428] {strides = array<i32>} : memref<1920xf32, #tpu.memory_space<vmem>>, vector<16xf32>,
    %get3A_1430 = arith.constant 192 : index
    %get3A_1431 = tpu.vector_load %arg6[%get3A_1430] {strides = array<i32>} : memref<1920xf32, #tpu.memory_space<vmem>>, vector<16xf32>,
    %get3A_1432 = arith.constant 256 : index
    %get3A_1433 = tpu.vector_load %arg6[%get3A_1432] {strides = array<i32>} : memref<1920xf32, #tpu.memory_space<vmem>>, vector<16xf32>,
    %get3A_1434 = arith.constant 320 : index
    %get3A_1435 = tpu.vector_load %arg6[%get3A_1434] {strides = array<i32>} : memref<1920xf32, #tpu.memory_space<vmem>>, vector<16xf32>,
    %get3A_1436 = arith.constant 384 : index
    %get3A_1437 = tpu.vector_load %arg6[%get3A_1436] {strides = array<i32>} : memref<1920xf32, #tpu.memory_space<vmem>>, vector<16xf32>,
    %get3A_1438 = arith.constant 448 : index
    %get3A_1439 = tpu.vector_load %arg6[%get3A_1438] {strides = array<i32>} : memref<1920xf32, #tpu.memory_space<vmem>>, vector<16xf32>,
    %get3A_1440 = arith.constant 512 : index
    %get3A_1441 = tpu.vector_load %arg6[%get3A_1440] {strides = array<i32>} : memref<1920xf32, #tpu.memory_space<vmem>>, vector<16xf32>,
    %get3A_1442 = arith.constant 576 : index
    %get3A_1443 = tpu.vector_load %arg6[%get3A_1442] {strides = array<i32>} : memref<1920xf32, #tpu.memory_space<vmem>>, vector<16xf32>,
    %get3A_1444 = arith.constant 640 : index
    %get3A_1445 = tpu.vector_load %arg6[%get3A_1444] {strides = array<i32>} : memref<1920xf32, #tpu.memory_space<vmem>>, vector<16xf32>,
    %get3A_1446 = arith.constant 704 : index
    %get3A_1447 = tpu.vector_load %arg6[%get3A_1446] {strides = array<i32>} : memref<1920xf32, #tpu.memory_space<vmem>>, vector<16xf32>,
    %get3A_1448 = arith.constant 768 : index
    %get3A_1449 = tpu.vector_load %arg6[%get3A_1448] {strides = array<i32>} : memref<1920xf32, #tpu.memory_space<vmem>>, vector<16xf32>,
    %get3A_1450 = arith.constant 832 : index
    %get3A_1451 = tpu.vector_load %arg6[%get3A_1450] {strides = array<i32>} : memref<1920xf32, #tpu.memory_space<vmem>>, vector<16xf32>,
    %get3A_1452 = arith.constant 896 : index
    %get3A_1453 = tpu.vector_load %arg6[%get3A_1452] {strides = array<i32>} : memref<1920xf32, #tpu.memory_space<vmem>>, vector<16xf32>,
    %get3A_1454 = arith.constant 960 : index
    %get3A_1455 = tpu.vector_load %arg6[%get3A_1454] {strides = array<i32>} : memref<1920xf32, #tpu.memory_space<vmem>>, vector<16xf32>,
    %get3A_1456 = arith.constant 1024 : index
    %get3A_1457 = tpu.vector_load %arg6[%get3A_1456] {strides = array<i32>} : memref<1920xf32, #tpu.memory_space<vmem>>, vector<16xf32>,
    %get3A_1458 = arith.constant 1088 : index
    %get3A_1459 = tpu.vector_load %arg6[%get3A_1458] {strides = array<i32>} : memref<1920xf32, #tpu.memory_space<vmem>>, vector<16xf32>,
    %get3A_1460 = arith.constant 1152 : index
    %get3A_1461 = tpu.vector_load %arg6[%get3A_1460] {strides = array<i32>} : memref<1920xf32, #tpu.memory_space<vmem>>, vector<16xf32>,
    %get3A_1462 = arith.constant 1216 : index
    %get3A_1463 = tpu.vector_load %arg6[%get3A_1462] {strides = array<i32>} : memref<1920xf32, #tpu.memory_space<vmem>>, vector<16xf32>,
    %get3A_1464 = arith.constant 1280 : index
    %get3A_1465 = tpu.vector_load %arg6[%get3A_1464] {strides = array<i32>} : memref<1920xf32, #tpu.memory_space<vmem>>, vector<16xf32>,
    %get3A_1466 = arith.constant 1344 : index
    %get3A_1467 = tpu.vector_load %arg6[%get3A_1466] {strides = array<i32>} : memref<1920xf32, #tpu.memory_space<vmem>>, vector<16xf32>,
    %get3A_1468 = arith.constant 1408 : index
    %get3A_1469 = tpu.vector_load %arg6[%get3A_1468] {strides = array<i32>} : memref<1920xf32, #tpu.memory_space<vmem>>, vector<16xf32>,
    %get3A_1470 = arith.constant 1472 : index
    %get3A_1471 = tpu.vector_load %arg6[%get3A_1470] {strides = array<i32>} : memref<1920xf32, #tpu.memory_space<vmem>>, vector<16xf32>,
    %get3A_1472 = arith.constant 1536 : index
    %get3A_1473 = tpu.vector_load %arg6[%get3A_1472] {strides = array<i32>} : memref<1920xf32, #tpu.memory_space<vmem>>, vector<16xf32>,
    %get3A_1474 = arith.constant 1600 : index
    %get3A_1475 = tpu.vector_load %arg6[%get3A_1474] {strides = array<i32>} : memref<1920xf32, #tpu.memory_space<vmem>>, vector<16xf32>,
    %get3A_1476 = arith.constant 1664 : index
    %get3A_1477 = tpu.vector_load %arg6[%get3A_1476] {strides = array<i32>} : memref<1920xf32, #tpu.memory_space<vmem>>, vector<16xf32>,
    %get3A_1478 = arith.constant 1728 : index
    %get3A_1479 = tpu.vector_load %arg6[%get3A_1478] {strides = array<i32>} : memref<1920xf32, #tpu.memory_space<vmem>>, vector<16xf32>,
    %get3A_1480 = arith.constant 1792 : index
    %get3A_1481 = tpu.vector_load %arg6[%get3A_1480] {strides = array<i32>} : memref<1920xf32, #tpu.memory_space<vmem>>, vector<16xf32>,
    %get3A_1482 = arith.constant 1856 : index
    %get3A_1483 = tpu.vector_load %arg6[%get3A_1482] {strides = array<i32>} : memref<1920xf32, #tpu.memory_space<vmem>>, vector<16xf32>,
    %mul3A_1484 = arith.constant 5.000000e-01 : f32
    %mul3A_1485 = vector.broadcast %mul3A_1484 : f32 to vector<16xf32>
    %mul3A_1486 = arith.mulf %mul3A_1485, %gather3A_1421 : vector<16xf32>
    %mul3A_1487 = arith.constant 5.000000e-01 : f32
    %mul3A_1488 = vector.broadcast %mul3A_1487 : f32 to vector<16xf32>
    %mul3A_1489 = arith.mulf %mul3A_1488, %gather3A_1422 : vector<16xf32>
    %div3A_1490 = arith.constant 7.000000e+00 : f32
    %div3A_1491 = vector.broadcast %div3A_1490 : f32 to vector<16xf32>
    %div3A_1492 = arith.divf %gather3A_1419, %div3A_1491 : vector<16xf32>
    %div3A_1493 = arith.constant 7.000000e+00 : f32
    %div3A_1494 = vector.broadcast %div3A_1493 : f32 to vector<16xf32>
    %div3A_1495 = arith.divf %gather3A_1420, %div3A_1494 : vector<16xf32>
    %sub3A_1496 = arith.subf %div3A_1492, %mul3A_1486 : vector<16xf32>
    %add3A_1497 = arith.addf %div3A_1492, %mul3A_1486 : vector<16xf32>
    %sub3A_1498 = arith.subf %div3A_1495, %mul3A_1489 : vector<16xf32>
    %add3A_1499 = arith.addf %div3A_1495, %mul3A_1489 : vector<16xf32>
    %sub3A_1500 = arith.subf %add3A_1497, %sub3A_1496 : vector<16xf32>
    %sub3A_1501 = arith.subf %add3A_1499, %sub3A_1498 : vector<16xf32>
    %mul3A_1502 = arith.mulf %sub3A_1500, %sub3A_1501 : vector<16xf32>
    %div3A_1503 = arith.constant 7.000000e+00 : f32
    %div3A_1504 = vector.broadcast %div3A_1503 : f32 to vector<16xf32>
    %div3A_1505 = arith.divf %get3A_1425, %div3A_1504 : vector<16xf32>
    %div3A_1506 = arith.constant 7.000000e+00 : f32
    %div3A_1507 = vector.broadcast %div3A_1506 : f32 to vector<16xf32>
    %div3A_1508 = arith.divf %get3A_1427, %div3A_1507 : vector<16xf32>
    %mul3A_1509 = arith.constant 5.000000e-01 : f32
    %mul3A_1510 = vector.broadcast %mul3A_1509 : f32 to vector<16xf32>
    %mul3A_1511 = arith.mulf %mul3A_1510, %get3A_1429 : vector<16xf32>
    %sub3A_1512 = arith.subf %div3A_1505, %mul3A_1511 : vector<16xf32>
    %mul3A_1513 = arith.constant 5.000000e-01 : f32
    %mul3A_1514 = vector.broadcast %mul3A_1513 : f32 to vector<16xf32>
    %mul3A_1515 = arith.mulf %mul3A_1514, %get3A_1429 : vector<16xf32>
    %add3A_1516 = arith.addf %div3A_1505, %mul3A_1515 : vector<16xf32>
    %mul3A_1517 = arith.constant 5.000000e-01 : f32
    %mul3A_1518 = vector.broadcast %mul3A_1517 : f32 to vector<16xf32>
    %mul3A_1519 = arith.mulf %mul3A_1518, %get3A_1431 : vector<16xf32>
    %sub3A_1520 = arith.subf %div3A_1508, %mul3A_1519 : vector<16xf32>
    %mul3A_1521 = arith.constant 5.000000e-01 : f32
    %mul3A_1522 = vector.broadcast %mul3A_1521 : f32 to vector<16xf32>
    %mul3A_1523 = arith.mulf %mul3A_1522, %get3A_1431 : vector<16xf32>
    %add3A_1524 = arith.addf %div3A_1508, %mul3A_1523 : vector<16xf32>
    %min3A = arith.minimumf %add3A_1516, %add3A_1497 : vector<16xf32>
    %max3A_1525 = arith.maximumf %sub3A_1512, %sub3A_1496 : vector<16xf32>
    %sub3A_1526 = arith.subf %min3A, %max3A_1525 : vector<16xf32>
    %max3A_1527 = arith.constant 0.000000e+00 : f32
    %max3A_1528 = vector.broadcast %max3A_1527 : f32 to vector<16xf32>
    %max3A_1529 = arith.maximumf %sub3A_1526, %max3A_1528 : vector<16xf32>
    %min3A_1530 = arith.minimumf %add3A_1524, %add3A_1499 : vector<16xf32>
    %max3A_1531 = arith.maximumf %sub3A_1520, %sub3A_1498 : vector<16xf32>
    %sub3A_1532 = arith.subf %min3A_1530, %max3A_1531 : vector<16xf32>
    %max3A_1533 = arith.constant 0.000000e+00 : f32
    %max3A_1534 = vector.broadcast %max3A_1533 : f32 to vector<16xf32>
    %max3A_1535 = arith.maximumf %sub3A_1532, %max3A_1534 : vector<16xf32>
    %mul3A_1536 = arith.mulf %max3A_1529, %max3A_1535 : vector<16xf32>
    %sub3A_1537 = arith.subf %add3A_1516, %sub3A_1512 : vector<16xf32>
    %sub3A_1538 = arith.subf %add3A_1524, %sub3A_1520 : vector<16xf32>
    %mul3A_1539 = arith.mulf %sub3A_1537, %sub3A_1538 : vector<16xf32>
    %add3A_1540 = arith.addf %mul3A_1539, %mul3A_1502 : vector<16xf32>
    %sub3A_1541 = arith.subf %add3A_1540, %mul3A_1536 : vector<16xf32>
    %div3A_1542 = arith.divf %mul3A_1536, %sub3A_1541 : vector<16xf32>
    %div3A_1543 = arith.constant 7.000000e+00 : f32
    %div3A_1544 = vector.broadcast %div3A_1543 : f32 to vector<16xf32>
    %div3A_1545 = arith.divf %get3A_1435, %div3A_1544 : vector<16xf32>
    %div3A_1546 = arith.constant 7.000000e+00 : f32
    %div3A_1547 = vector.broadcast %div3A_1546 : f32 to vector<16xf32>
    %div3A_1548 = arith.divf %get3A_1437, %div3A_1547 : vector<16xf32>
    %mul3A_1549 = arith.constant 5.000000e-01 : f32
    %mul3A_1550 = vector.broadcast %mul3A_1549 : f32 to vector<16xf32>
    %mul3A_1551 = arith.mulf %mul3A_1550, %get3A_1439 : vector<16xf32>
    %sub3A_1552 = arith.subf %div3A_1545, %mul3A_1551 : vector<16xf32>
    %mul3A_1553 = arith.constant 5.000000e-01 : f32
    %mul3A_1554 = vector.broadcast %mul3A_1553 : f32 to vector<16xf32>
    %mul3A_1555 = arith.mulf %mul3A_1554, %get3A_1439 : vector<16xf32>
    %add3A_1556 = arith.addf %div3A_1545, %mul3A_1555 : vector<16xf32>
    %mul3A_1557 = arith.constant 5.000000e-01 : f32
    %mul3A_1558 = vector.broadcast %mul3A_1557 : f32 to vector<16xf32>
    %mul3A_1559 = arith.mulf %mul3A_1558, %get3A_1441 : vector<16xf32>
    %sub3A_1560 = arith.subf %div3A_1548, %mul3A_1559 : vector<16xf32>
    %mul3A_1561 = arith.constant 5.000000e-01 : f32
    %mul3A_1562 = vector.broadcast %mul3A_1561 : f32 to vector<16xf32>
    %mul3A_1563 = arith.mulf %mul3A_1562, %get3A_1441 : vector<16xf32>
    %add3A_1564 = arith.addf %div3A_1548, %mul3A_1563 : vector<16xf32>
    %min3A_1565 = arith.minimumf %add3A_1556, %add3A_1497 : vector<16xf32>
    %max3A_1566 = arith.maximumf %sub3A_1552, %sub3A_1496 : vector<16xf32>
    %sub3A_1567 = arith.subf %min3A_1565, %max3A_1566 : vector<16xf32>
    %max3A_1568 = arith.constant 0.000000e+00 : f32
    %max3A_1569 = vector.broadcast %max3A_1568 : f32 to vector<16xf32>
    %max3A_1570 = arith.maximumf %sub3A_1567, %max3A_1569 : vector<16xf32>
    %min3A_1571 = arith.minimumf %add3A_1564, %add3A_1499 : vector<16xf32>
    %max3A_1572 = arith.maximumf %sub3A_1560, %sub3A_1498 : vector<16xf32>
    %sub3A_1573 = arith.subf %min3A_1571, %max3A_1572 : vector<16xf32>
    %max3A_1574 = arith.constant 0.000000e+00 : f32
    %max3A_1575 = vector.broadcast %max3A_1574 : f32 to vector<16xf32>
    %max3A_1576 = arith.maximumf %sub3A_1573, %max3A_1575 : vector<16xf32>
    %mul3A_1577 = arith.mulf %max3A_1570, %max3A_1576 : vector<16xf32>
    %sub3A_1578 = arith.subf %add3A_1556, %sub3A_1552 : vector<16xf32>
    %sub3A_1579 = arith.subf %add3A_1564, %sub3A_1560 : vector<16xf32>
    %mul3A_1580 = arith.mulf %sub3A_1578, %sub3A_1579 : vector<16xf32>
    %add3A_1581 = arith.addf %mul3A_1580, %mul3A_1502 : vector<16xf32>
    %sub3A_1582 = arith.subf %add3A_1581, %mul3A_1577 : vector<16xf32>
    %div3A_1583 = arith.divf %mul3A_1577, %sub3A_1582 : vector<16xf32>
    %ge3A_1584 = arith.cmpf oge, %div3A_1542, %div3A_1583 : vector<16xf32>
    %ne3A = arith.cmpf one, %div3A_1542, %div3A_1542 : vector<16xf32>
    %or3A = arith.ori %ge3A_1584, %ne3A : vector<16xi1>
    %select_n3A_1585 = arith.select %or3A, %div3A_1542, %div3A_1583 : vector<16xi1>, vector<16xf32>
    %select_n3A_1586 = arith.select %or3A, %get3A_1425, %get3A_1435 : vector<16xi1>, vector<16xf32>
    %select_n3A_1587 = arith.select %or3A, %get3A_1427, %get3A_1437 : vector<16xi1>, vector<16xf32>
    %select_n3A_1588 = arith.select %or3A, %get3A_1429, %get3A_1439 : vector<16xi1>, vector<16xf32>
    %select_n3A_1589 = arith.select %or3A, %get3A_1431, %get3A_1441 : vector<16xi1>, vector<16xf32>
    %select_n3A_1590 = arith.select %or3A, %get3A_1433, %get3A_1443 : vector<16xi1>, vector<16xf32>
    %sub3A_1591 = arith.subf %select_n3A_1586, %gather3A_1419 : vector<16xf32>
    %sub3A_1592 = arith.subf %select_n3A_1587, %gather3A_1420 : vector<16xf32>
    %mul3A_1593 = arith.mulf %sub3A_1591, %sub3A_1591 : vector<16xf32>
    %mul3A_1594 = arith.mulf %sub3A_1592, %sub3A_1592 : vector<16xf32>
    %add3A_1595 = arith.addf %mul3A_1593, %mul3A_1594 : vector<16xf32>
    %bitcast3A = vector.bitcast %select_n3A_1588 : vector<16xf32> to vector<16xi32>
    %shift_right_arithmetic3A_1596 = arith.constant 1 : i32
    %shift_right_arithmetic3A_1597 = vector.broadcast %shift_right_arithmetic3A_1596 : i32 to vector<16xi32>
    %shift_right_arithmetic3A_1598 = arith.shrsi %bitcast3A, %shift_right_arithmetic3A_1597 : vector<16xi32>
    %sub3A_1599 = arith.constant 1597463007 : i32
    %sub3A_1600 = vector.broadcast %sub3A_1599 : i32 to vector<16xi32>
    %sub3A_1601 = arith.subi %sub3A_1600, %shift_right_arithmetic3A_1598 : vector<16xi32>
    %bitcast3A_1602 = vector.bitcast %sub3A_1601 : vector<16xi32> to vector<16xf32>
    %mul3A_1603 = arith.constant 5.000000e-01 : f32
    %mul3A_1604 = vector.broadcast %mul3A_1603 : f32 to vector<16xf32>
    %mul3A_1605 = arith.mulf %mul3A_1604, %select_n3A_1588 : vector<16xf32>
    %mul3A_1606 = arith.mulf %mul3A_1605, %bitcast3A_1602 : vector<16xf32>
    %mul3A_1607 = arith.mulf %mul3A_1606, %bitcast3A_1602 : vector<16xf32>
    %sub3A_1608 = arith.constant 1.500000e+00 : f32
    %sub3A_1609 = vector.broadcast %sub3A_1608 : f32 to vector<16xf32>
    %sub3A_1610 = arith.subf %sub3A_1609, %mul3A_1607 : vector<16xf32>
    %mul3A_1611 = arith.mulf %bitcast3A_1602, %sub3A_1610 : vector<16xf32>
    %mul3A_1612 = arith.mulf %mul3A_1605, %mul3A_1611 : vector<16xf32>
    %mul3A_1613 = arith.mulf %mul3A_1612, %mul3A_1611 : vector<16xf32>
    %sub3A_1614 = arith.constant 1.500000e+00 : f32
    %sub3A_1615 = vector.broadcast %sub3A_1614 : f32 to vector<16xf32>
    %sub3A_1616 = arith.subf %sub3A_1615, %mul3A_1613 : vector<16xf32>
    %mul3A_1617 = arith.mulf %mul3A_1611, %sub3A_1616 : vector<16xf32>
    %mul3A_1618 = arith.mulf %mul3A_1605, %mul3A_1617 : vector<16xf32>
    %mul3A_1619 = arith.mulf %mul3A_1618, %mul3A_1617 : vector<16xf32>
    %sub3A_1620 = arith.constant 1.500000e+00 : f32
    %sub3A_1621 = vector.broadcast %sub3A_1620 : f32 to vector<16xf32>
    %sub3A_1622 = arith.subf %sub3A_1621, %mul3A_1619 : vector<16xf32>
    %mul3A_1623 = arith.mulf %mul3A_1617, %sub3A_1622 : vector<16xf32>
    %mul3A_1624 = arith.mulf %mul3A_1605, %mul3A_1623 : vector<16xf32>
    %mul3A_1625 = arith.mulf %mul3A_1624, %mul3A_1623 : vector<16xf32>
    %sub3A_1626 = arith.constant 1.500000e+00 : f32
    %sub3A_1627 = vector.broadcast %sub3A_1626 : f32 to vector<16xf32>
    %sub3A_1628 = arith.subf %sub3A_1627, %mul3A_1625 : vector<16xf32>
    %mul3A_1629 = arith.mulf %mul3A_1623, %sub3A_1628 : vector<16xf32>
    %mul3A_1630 = arith.mulf %select_n3A_1588, %mul3A_1629 : vector<16xf32>
    %bitcast3A_1631 = vector.bitcast %gather3A_1421 : vector<16xf32> to vector<16xi32>
    %shift_right_arithmetic3A_1632 = arith.constant 1 : i32
    %shift_right_arithmetic3A_1633 = vector.broadcast %shift_right_arithmetic3A_1632 : i32 to vector<16xi32>
    %shift_right_arithmetic3A_1634 = arith.shrsi %bitcast3A_1631, %shift_right_arithmetic3A_1633 : vector<16xi32>
    %sub3A_1635 = arith.constant 1597463007 : i32
    %sub3A_1636 = vector.broadcast %sub3A_1635 : i32 to vector<16xi32>
    %sub3A_1637 = arith.subi %sub3A_1636, %shift_right_arithmetic3A_1634 : vector<16xi32>
    %bitcast3A_1638 = vector.bitcast %sub3A_1637 : vector<16xi32> to vector<16xf32>
    %mul3A_1639 = arith.constant 5.000000e-01 : f32
    %mul3A_1640 = vector.broadcast %mul3A_1639 : f32 to vector<16xf32>
    %mul3A_1641 = arith.mulf %mul3A_1640, %gather3A_1421 : vector<16xf32>
    %mul3A_1642 = arith.mulf %mul3A_1641, %bitcast3A_1638 : vector<16xf32>
    %mul3A_1643 = arith.mulf %mul3A_1642, %bitcast3A_1638 : vector<16xf32>
    %sub3A_1644 = arith.constant 1.500000e+00 : f32
    %sub3A_1645 = vector.broadcast %sub3A_1644 : f32 to vector<16xf32>
    %sub3A_1646 = arith.subf %sub3A_1645, %mul3A_1643 : vector<16xf32>
    %mul3A_1647 = arith.mulf %bitcast3A_1638, %sub3A_1646 : vector<16xf32>
    %mul3A_1648 = arith.mulf %mul3A_1641, %mul3A_1647 : vector<16xf32>
    %mul3A_1649 = arith.mulf %mul3A_1648, %mul3A_1647 : vector<16xf32>
    %sub3A_1650 = arith.constant 1.500000e+00 : f32
    %sub3A_1651 = vector.broadcast %sub3A_1650 : f32 to vector<16xf32>
    %sub3A_1652 = arith.subf %sub3A_1651, %mul3A_1649 : vector<16xf32>
    %mul3A_1653 = arith.mulf %mul3A_1647, %sub3A_1652 : vector<16xf32>
    %mul3A_1654 = arith.mulf %mul3A_1641, %mul3A_1653 : vector<16xf32>
    %mul3A_1655 = arith.mulf %mul3A_1654, %mul3A_1653 : vector<16xf32>
    %sub3A_1656 = arith.constant 1.500000e+00 : f32
    %sub3A_1657 = vector.broadcast %sub3A_1656 : f32 to vector<16xf32>
    %sub3A_1658 = arith.subf %sub3A_1657, %mul3A_1655 : vector<16xf32>
    %mul3A_1659 = arith.mulf %mul3A_1653, %sub3A_1658 : vector<16xf32>
    %mul3A_1660 = arith.mulf %mul3A_1641, %mul3A_1659 : vector<16xf32>
    %mul3A_1661 = arith.mulf %mul3A_1660, %mul3A_1659 : vector<16xf32>
    %sub3A_1662 = arith.constant 1.500000e+00 : f32
    %sub3A_1663 = vector.broadcast %sub3A_1662 : f32 to vector<16xf32>
    %sub3A_1664 = arith.subf %sub3A_1663, %mul3A_1661 : vector<16xf32>
    %mul3A_1665 = arith.mulf %mul3A_1659, %sub3A_1664 : vector<16xf32>
    %mul3A_1666 = arith.mulf %gather3A_1421, %mul3A_1665 : vector<16xf32>
    %sub3A_1667 = arith.subf %mul3A_1630, %mul3A_1666 : vector<16xf32>
    %bitcast3A_1668 = vector.bitcast %select_n3A_1589 : vector<16xf32> to vector<16xi32>
    %shift_right_arithmetic3A_1669 = arith.constant 1 : i32
    %shift_right_arithmetic3A_1670 = vector.broadcast %shift_right_arithmetic3A_1669 : i32 to vector<16xi32>
    %shift_right_arithmetic3A_1671 = arith.shrsi %bitcast3A_1668, %shift_right_arithmetic3A_1670 : vector<16xi32>
    %sub3A_1672 = arith.constant 1597463007 : i32
    %sub3A_1673 = vector.broadcast %sub3A_1672 : i32 to vector<16xi32>
    %sub3A_1674 = arith.subi %sub3A_1673, %shift_right_arithmetic3A_1671 : vector<16xi32>
    %bitcast3A_1675 = vector.bitcast %sub3A_1674 : vector<16xi32> to vector<16xf32>
    %mul3A_1676 = arith.constant 5.000000e-01 : f32
    %mul3A_1677 = vector.broadcast %mul3A_1676 : f32 to vector<16xf32>
    %mul3A_1678 = arith.mulf %mul3A_1677, %select_n3A_1589 : vector<16xf32>
    %mul3A_1679 = arith.mulf %mul3A_1678, %bitcast3A_1675 : vector<16xf32>
    %mul3A_1680 = arith.mulf %mul3A_1679, %bitcast3A_1675 : vector<16xf32>
    %sub3A_1681 = arith.constant 1.500000e+00 : f32
    %sub3A_1682 = vector.broadcast %sub3A_1681 : f32 to vector<16xf32>
    %sub3A_1683 = arith.subf %sub3A_1682, %mul3A_1680 : vector<16xf32>
    %mul3A_1684 = arith.mulf %bitcast3A_1675, %sub3A_1683 : vector<16xf32>
    %mul3A_1685 = arith.mulf %mul3A_1678, %mul3A_1684 : vector<16xf32>
    %mul3A_1686 = arith.mulf %mul3A_1685, %mul3A_1684 : vector<16xf32>
    %sub3A_1687 = arith.constant 1.500000e+00 : f32
    %sub3A_1688 = vector.broadcast %sub3A_1687 : f32 to vector<16xf32>
    %sub3A_1689 = arith.subf %sub3A_1688, %mul3A_1686 : vector<16xf32>
    %mul3A_1690 = arith.mulf %mul3A_1684, %sub3A_1689 : vector<16xf32>
    %mul3A_1691 = arith.mulf %mul3A_1678, %mul3A_1690 : vector<16xf32>
    %mul3A_1692 = arith.mulf %mul3A_1691, %mul3A_1690 : vector<16xf32>
    %sub3A_1693 = arith.constant 1.500000e+00 : f32
    %sub3A_1694 = vector.broadcast %sub3A_1693 : f32 to vector<16xf32>
    %sub3A_1695 = arith.subf %sub3A_1694, %mul3A_1692 : vector<16xf32>
    %mul3A_1696 = arith.mulf %mul3A_1690, %sub3A_1695 : vector<16xf32>
    %mul3A_1697 = arith.mulf %mul3A_1678, %mul3A_1696 : vector<16xf32>
    %mul3A_1698 = arith.mulf %mul3A_1697, %mul3A_1696 : vector<16xf32>
    %sub3A_1699 = arith.constant 1.500000e+00 : f32
    %sub3A_1700 = vector.broadcast %sub3A_1699 : f32 to vector<16xf32>
    %sub3A_1701 = arith.subf %sub3A_1700, %mul3A_1698 : vector<16xf32>
    %mul3A_1702 = arith.mulf %mul3A_1696, %sub3A_1701 : vector<16xf32>
    %mul3A_1703 = arith.mulf %select_n3A_1589, %mul3A_1702 : vector<16xf32>
    %bitcast3A_1704 = vector.bitcast %gather3A_1422 : vector<16xf32> to vector<16xi32>
    %shift_right_arithmetic3A_1705 = arith.constant 1 : i32
    %shift_right_arithmetic3A_1706 = vector.broadcast %shift_right_arithmetic3A_1705 : i32 to vector<16xi32>
    %shift_right_arithmetic3A_1707 = arith.shrsi %bitcast3A_1704, %shift_right_arithmetic3A_1706 : vector<16xi32>
    %sub3A_1708 = arith.constant 1597463007 : i32
    %sub3A_1709 = vector.broadcast %sub3A_1708 : i32 to vector<16xi32>
    %sub3A_1710 = arith.subi %sub3A_1709, %shift_right_arithmetic3A_1707 : vector<16xi32>
    %bitcast3A_1711 = vector.bitcast %sub3A_1710 : vector<16xi32> to vector<16xf32>
    %mul3A_1712 = arith.constant 5.000000e-01 : f32
    %mul3A_1713 = vector.broadcast %mul3A_1712 : f32 to vector<16xf32>
    %mul3A_1714 = arith.mulf %mul3A_1713, %gather3A_1422 : vector<16xf32>
    %mul3A_1715 = arith.mulf %mul3A_1714, %bitcast3A_1711 : vector<16xf32>
    %mul3A_1716 = arith.mulf %mul3A_1715, %bitcast3A_1711 : vector<16xf32>
    %sub3A_1717 = arith.constant 1.500000e+00 : f32
    %sub3A_1718 = vector.broadcast %sub3A_1717 : f32 to vector<16xf32>
    %sub3A_1719 = arith.subf %sub3A_1718, %mul3A_1716 : vector<16xf32>
    %mul3A_1720 = arith.mulf %bitcast3A_1711, %sub3A_1719 : vector<16xf32>
    %mul3A_1721 = arith.mulf %mul3A_1714, %mul3A_1720 : vector<16xf32>
    %mul3A_1722 = arith.mulf %mul3A_1721, %mul3A_1720 : vector<16xf32>
    %sub3A_1723 = arith.constant 1.500000e+00 : f32
    %sub3A_1724 = vector.broadcast %sub3A_1723 : f32 to vector<16xf32>
    %sub3A_1725 = arith.subf %sub3A_1724, %mul3A_1722 : vector<16xf32>
    %mul3A_1726 = arith.mulf %mul3A_1720, %sub3A_1725 : vector<16xf32>
    %mul3A_1727 = arith.mulf %mul3A_1714, %mul3A_1726 : vector<16xf32>
    %mul3A_1728 = arith.mulf %mul3A_1727, %mul3A_1726 : vector<16xf32>
    %sub3A_1729 = arith.constant 1.500000e+00 : f32
    %sub3A_1730 = vector.broadcast %sub3A_1729 : f32 to vector<16xf32>
    %sub3A_1731 = arith.subf %sub3A_1730, %mul3A_1728 : vector<16xf32>
    %mul3A_1732 = arith.mulf %mul3A_1726, %sub3A_1731 : vector<16xf32>
    %mul3A_1733 = arith.mulf %mul3A_1714, %mul3A_1732 : vector<16xf32>
    %mul3A_1734 = arith.mulf %mul3A_1733, %mul3A_1732 : vector<16xf32>
    %sub3A_1735 = arith.constant 1.500000e+00 : f32
    %sub3A_1736 = vector.broadcast %sub3A_1735 : f32 to vector<16xf32>
    %sub3A_1737 = arith.subf %sub3A_1736, %mul3A_1734 : vector<16xf32>
    %mul3A_1738 = arith.mulf %mul3A_1732, %sub3A_1737 : vector<16xf32>
    %mul3A_1739 = arith.mulf %gather3A_1422, %mul3A_1738 : vector<16xf32>
    %sub3A_1740 = arith.subf %mul3A_1703, %mul3A_1739 : vector<16xf32>
    %mul3A_1741 = arith.mulf %sub3A_1667, %sub3A_1667 : vector<16xf32>
    %mul3A_1742 = arith.mulf %sub3A_1740, %sub3A_1740 : vector<16xf32>
    %add3A_1743 = arith.addf %mul3A_1741, %mul3A_1742 : vector<16xf32>
    %sub3A_1744 = arith.subf %select_n3A_1590, %select_n3A_1585 : vector<16xf32>
    %mul3A_1745 = arith.mulf %sub3A_1744, %sub3A_1744 : vector<16xf32>
    %broadcast_in_dim3A_1746 = arith.constant 0.000000e+00 : f32
    %broadcast_in_dim3A_1747 = vector.broadcast %broadcast_in_dim3A_1746 : f32 to vector<16xf32>
    %mul3A_1748 = arith.mulf %get3A_1445, %get3A_1445 : vector<16xf32>
    %add3A_1749 = arith.addf %broadcast_in_dim3A_1747, %mul3A_1748 : vector<16xf32>
    %mul3A_1750 = arith.mulf %get3A_1447, %get3A_1447 : vector<16xf32>
    %add3A_1751 = arith.addf %add3A_1749, %mul3A_1750 : vector<16xf32>
    %mul3A_1752 = arith.mulf %get3A_1449, %get3A_1449 : vector<16xf32>
    %add3A_1753 = arith.addf %add3A_1751, %mul3A_1752 : vector<16xf32>
    %mul3A_1754 = arith.mulf %get3A_1451, %get3A_1451 : vector<16xf32>
    %add3A_1755 = arith.addf %add3A_1753, %mul3A_1754 : vector<16xf32>
    %mul3A_1756 = arith.mulf %get3A_1453, %get3A_1453 : vector<16xf32>
    %add3A_1757 = arith.addf %add3A_1755, %mul3A_1756 : vector<16xf32>
    %mul3A_1758 = arith.mulf %get3A_1455, %get3A_1455 : vector<16xf32>
    %add3A_1759 = arith.addf %add3A_1757, %mul3A_1758 : vector<16xf32>
    %mul3A_1760 = arith.mulf %get3A_1457, %get3A_1457 : vector<16xf32>
    %add3A_1761 = arith.addf %add3A_1759, %mul3A_1760 : vector<16xf32>
    %mul3A_1762 = arith.mulf %get3A_1459, %get3A_1459 : vector<16xf32>
    %add3A_1763 = arith.addf %add3A_1761, %mul3A_1762 : vector<16xf32>
    %mul3A_1764 = arith.mulf %get3A_1461, %get3A_1461 : vector<16xf32>
    %add3A_1765 = arith.addf %add3A_1763, %mul3A_1764 : vector<16xf32>
    %mul3A_1766 = arith.mulf %get3A_1463, %get3A_1463 : vector<16xf32>
    %add3A_1767 = arith.addf %add3A_1765, %mul3A_1766 : vector<16xf32>
    %mul3A_1768 = arith.mulf %get3A_1465, %get3A_1465 : vector<16xf32>
    %add3A_1769 = arith.addf %add3A_1767, %mul3A_1768 : vector<16xf32>
    %mul3A_1770 = arith.mulf %get3A_1467, %get3A_1467 : vector<16xf32>
    %add3A_1771 = arith.addf %add3A_1769, %mul3A_1770 : vector<16xf32>
    %mul3A_1772 = arith.mulf %get3A_1469, %get3A_1469 : vector<16xf32>
    %add3A_1773 = arith.addf %add3A_1771, %mul3A_1772 : vector<16xf32>
    %mul3A_1774 = arith.mulf %get3A_1471, %get3A_1471 : vector<16xf32>
    %add3A_1775 = arith.addf %add3A_1773, %mul3A_1774 : vector<16xf32>
    %mul3A_1776 = arith.mulf %get3A_1473, %get3A_1473 : vector<16xf32>
    %add3A_1777 = arith.addf %add3A_1775, %mul3A_1776 : vector<16xf32>
    %mul3A_1778 = arith.mulf %get3A_1475, %get3A_1475 : vector<16xf32>
    %add3A_1779 = arith.addf %add3A_1777, %mul3A_1778 : vector<16xf32>
    %mul3A_1780 = arith.mulf %get3A_1477, %get3A_1477 : vector<16xf32>
    %add3A_1781 = arith.addf %add3A_1779, %mul3A_1780 : vector<16xf32>
    %mul3A_1782 = arith.mulf %get3A_1479, %get3A_1479 : vector<16xf32>
    %add3A_1783 = arith.addf %add3A_1781, %mul3A_1782 : vector<16xf32>
    %mul3A_1784 = arith.mulf %get3A_1481, %get3A_1481 : vector<16xf32>
    %add3A_1785 = arith.addf %add3A_1783, %mul3A_1784 : vector<16xf32>
    %mul3A_1786 = arith.mulf %get3A_1483, %get3A_1483 : vector<16xf32>
    %add3A_1787 = arith.addf %add3A_1785, %mul3A_1786 : vector<16xf32>
    %add3A_1788 = arith.constant 10 : i32
    %add3A_1789 = vector.broadcast %add3A_1788 : i32 to vector<16xi32>
    %add3A_1790 = arith.addi %add3A_1789, %gather3A_1423 : vector<16xi32>
    %mul3A_1791 = arith.constant 64 : i32
    %mul3A_1792 = vector.broadcast %mul3A_1791 : i32 to vector<16xi32>
    %mul3A_1793 = arith.muli %add3A_1790, %mul3A_1792 : vector<16xi32>
    %add3A_1794 = arith.constant 0 : i32
    %add3A_1795 = vector.broadcast %add3A_1794 : i32 to vector<16xi32>
    %add3A_1796 = arith.addi %mul3A_1793, %add3A_1795 : vector<16xi32>
    %add3A_1797 = arith.addi %add3A_1796, %iota3A : vector<16xi32>
    %gather3A_1798 = tpu.vector_load_idx %arg6[%add3A_1797] : memref<1920xf32, #tpu.memory_space<vmem>>[vector<16xi32>], vector<16xf32>,
    %mul3A_1799 = arith.constant 2.000000e+00 : f32
    %mul3A_1800 = vector.broadcast %mul3A_1799 : f32 to vector<16xf32>
    %mul3A_1801 = arith.mulf %mul3A_1800, %gather3A_1798 : vector<16xf32>
    %sub3A_1802 = arith.subf %add3A_1787, %mul3A_1801 : vector<16xf32>
    %add3A_1803 = arith.constant 1.000000e+00 : f32
    %add3A_1804 = vector.broadcast %add3A_1803 : f32 to vector<16xf32>
    %add3A_1805 = arith.addf %sub3A_1802, %add3A_1804 : vector<16xf32>
    %and3A = arith.andi %ge3A_1412, %ge3A_1416 : vector<16xi1>
    %add3A_1806 = arith.addf %add3A_1595, %add3A_1743 : vector<16xf32>
    %jit3A_1807 = arith.constant 0.000000e+00 : f32
    %broadcast_in_dim3A_1808 = vector.broadcast %jit3A_1807 : f32 to vector<16xf32>
    %select_n3A_1809 = arith.select %and3A, %add3A_1806, %broadcast_in_dim3A_1808 : vector<16xi1>, vector<16xf32>
    %add3A_1810 = arith.addf %broadcast_in_dim3A_1398, %select_n3A_1809 : vector<16xf32>
    %jit3A_1811 = arith.constant 0.000000e+00 : f32
    %broadcast_in_dim3A_1812 = vector.broadcast %jit3A_1811 : f32 to vector<16xf32>
    %select_n3A_1813 = arith.select %and3A, %mul3A_1745, %broadcast_in_dim3A_1812 : vector<16xi1>, vector<16xf32>
    %add3A_1814 = arith.addf %broadcast_in_dim3A_1400, %select_n3A_1813 : vector<16xf32>
    %jit3A_1815 = arith.constant 0.000000e+00 : f32
    %broadcast_in_dim3A_1816 = vector.broadcast %jit3A_1815 : f32 to vector<16xf32>
    %select_n3A_1817 = arith.select %and3A, %add3A_1805, %broadcast_in_dim3A_1816 : vector<16xi1>, vector<16xf32>
    %add3A_1818 = arith.addf %broadcast_in_dim3A_1404, %select_n3A_1817 : vector<16xf32>
    %not3A = arith.constant dense<true> : vector<16xi1>
    %not3A_1819 = arith.xori %ge3A_1416, %not3A : vector<16xi1>
    %and3A_1820 = arith.andi %ge3A_1412, %not3A_1819 : vector<16xi1>
    %mul3A_1821 = arith.mulf %get3A_1433, %get3A_1433 : vector<16xf32>
    %mul3A_1822 = arith.mulf %get3A_1443, %get3A_1443 : vector<16xf32>
    %add3A_1823 = arith.addf %mul3A_1821, %mul3A_1822 : vector<16xf32>
    %jit3A_1824 = arith.constant 0.000000e+00 : f32
    %broadcast_in_dim3A_1825 = vector.broadcast %jit3A_1824 : f32 to vector<16xf32>
    %select_n3A_1826 = arith.select %and3A_1820, %add3A_1823, %broadcast_in_dim3A_1825 : vector<16xi1>, vector<16xf32>
    %add3A_1827 = arith.addf %broadcast_in_dim3A_1402, %select_n3A_1826 : vector<16xf32>
    %add3A_1828 = arith.constant 1 : i32
    %add3A_1829 = arith.addi %mul3A_0, %add3A_1828 : i32
    %mul3A_1830 = arith.constant 16 : i32
    %mul3A_1831 = arith.muli %add3A_1829, %mul3A_1830 : i32
    %add3A_1832 = vector.broadcast %mul3A_1831 : i32 to vector<16xi32>
    %add3A_1833 = arith.addi %add3A_1832, %iota3A : vector<16xi32>
    %ge3A_1834 = arith.constant 0 : i32
    %ge3A_1835 = vector.broadcast %ge3A_1834 : i32 to vector<16xi32>
    %ge3A_1836 = arith.cmpi sge, %iota3A, %ge3A_1835 : vector<16xi32>
    %gather3A_1837 = tpu.vector_load_idx %arg14[%add3A_1833] : memref<784xi32, #tpu.memory_space<vmem>>[vector<16xi32>], vector<16xi32>,
    %ge3A_1838 = arith.constant 0 : i32
    %ge3A_1839 = vector.broadcast %ge3A_1838 : i32 to vector<16xi32>
    %ge3A_1840 = arith.cmpi sge, %gather3A_1837, %ge3A_1839 : vector<16xi32>
    %max3A_1841 = arith.constant 0 : i32
    %max3A_1842 = vector.broadcast %max3A_1841 : i32 to vector<16xi32>
    %max3A_1843 = arith.maxsi %gather3A_1837, %max3A_1842 : vector<16xi32>
    %gather3A_1844 = tpu.vector_load_idx %arg9[%max3A_1843] : memref<128xf32, #tpu.memory_space<vmem>>[vector<16xi32>], vector<16xf32>,
    %gather3A_1845 = tpu.vector_load_idx %arg10[%max3A_1843] : memref<128xf32, #tpu.memory_space<vmem>>[vector<16xi32>], vector<16xf32>,
    %gather3A_1846 = tpu.vector_load_idx %arg11[%max3A_1843] : memref<128xf32, #tpu.memory_space<vmem>>[vector<16xi32>], vector<16xf32>,
    %gather3A_1847 = tpu.vector_load_idx %arg12[%max3A_1843] : memref<128xf32, #tpu.memory_space<vmem>>[vector<16xi32>], vector<16xf32>,
    %gather3A_1848 = tpu.vector_load_idx %arg8[%max3A_1843] : memref<128xi32, #tpu.memory_space<vmem>>[vector<16xi32>], vector<16xi32>,
    %get3A_1849 = arith.constant 16 : index
    %get3A_1850 = tpu.vector_load %arg6[%get3A_1849] {strides = array<i32>} : memref<1920xf32, #tpu.memory_space<vmem>>, vector<16xf32>,
    %get3A_1851 = arith.constant 80 : index
    %get3A_1852 = tpu.vector_load %arg6[%get3A_1851] {strides = array<i32>} : memref<1920xf32, #tpu.memory_space<vmem>>, vector<16xf32>,
    %get3A_1853 = arith.constant 144 : index
    %get3A_1854 = tpu.vector_load %arg6[%get3A_1853] {strides = array<i32>} : memref<1920xf32, #tpu.memory_space<vmem>>, vector<16xf32>,
    %get3A_1855 = arith.constant 208 : index
    %get3A_1856 = tpu.vector_load %arg6[%get3A_1855] {strides = array<i32>} : memref<1920xf32, #tpu.memory_space<vmem>>, vector<16xf32>,
    %get3A_1857 = arith.constant 272 : index
    %get3A_1858 = tpu.vector_load %arg6[%get3A_1857] {strides = array<i32>} : memref<1920xf32, #tpu.memory_space<vmem>>, vector<16xf32>,
    %get3A_1859 = arith.constant 336 : index
    %get3A_1860 = tpu.vector_load %arg6[%get3A_1859] {strides = array<i32>} : memref<1920xf32, #tpu.memory_space<vmem>>, vector<16xf32>,
    %get3A_1861 = arith.constant 400 : index
    %get3A_1862 = tpu.vector_load %arg6[%get3A_1861] {strides = array<i32>} : memref<1920xf32, #tpu.memory_space<vmem>>, vector<16xf32>,
    %get3A_1863 = arith.constant 464 : index
    %get3A_1864 = tpu.vector_load %arg6[%get3A_1863] {strides = array<i32>} : memref<1920xf32, #tpu.memory_space<vmem>>, vector<16xf32>,
    %get3A_1865 = arith.constant 528 : index
    %get3A_1866 = tpu.vector_load %arg6[%get3A_1865] {strides = array<i32>} : memref<1920xf32, #tpu.memory_space<vmem>>, vector<16xf32>,
    %get3A_1867 = arith.constant 592 : index
    %get3A_1868 = tpu.vector_load %arg6[%get3A_1867] {strides = array<i32>} : memref<1920xf32, #tpu.memory_space<vmem>>, vector<16xf32>,
    %get3A_1869 = arith.constant 656 : index
    %get3A_1870 = tpu.vector_load %arg6[%get3A_1869] {strides = array<i32>} : memref<1920xf32, #tpu.memory_space<vmem>>, vector<16xf32>,
    %get3A_1871 = arith.constant 720 : index
    %get3A_1872 = tpu.vector_load %arg6[%get3A_1871] {strides = array<i32>} : memref<1920xf32, #tpu.memory_space<vmem>>, vector<16xf32>,
    %get3A_1873 = arith.constant 784 : index
    %get3A_1874 = tpu.vector_load %arg6[%get3A_1873] {strides = array<i32>} : memref<1920xf32, #tpu.memory_space<vmem>>, vector<16xf32>,
    %get3A_1875 = arith.constant 848 : index
    %get3A_1876 = tpu.vector_load %arg6[%get3A_1875] {strides = array<i32>} : memref<1920xf32, #tpu.memory_space<vmem>>, vector<16xf32>,
    %get3A_1877 = arith.constant 912 : index
    %get3A_1878 = tpu.vector_load %arg6[%get3A_1877] {strides = array<i32>} : memref<1920xf32, #tpu.memory_space<vmem>>, vector<16xf32>,
    %get3A_1879 = arith.constant 976 : index
    %get3A_1880 = tpu.vector_load %arg6[%get3A_1879] {strides = array<i32>} : memref<1920xf32, #tpu.memory_space<vmem>>, vector<16xf32>,
    %get3A_1881 = arith.constant 1040 : index
    %get3A_1882 = tpu.vector_load %arg6[%get3A_1881] {strides = array<i32>} : memref<1920xf32, #tpu.memory_space<vmem>>, vector<16xf32>,
    %get3A_1883 = arith.constant 1104 : index
    %get3A_1884 = tpu.vector_load %arg6[%get3A_1883] {strides = array<i32>} : memref<1920xf32, #tpu.memory_space<vmem>>, vector<16xf32>,
    %get3A_1885 = arith.constant 1168 : index
    %get3A_1886 = tpu.vector_load %arg6[%get3A_1885] {strides = array<i32>} : memref<1920xf32, #tpu.memory_space<vmem>>, vector<16xf32>,
    %get3A_1887 = arith.constant 1232 : index
    %get3A_1888 = tpu.vector_load %arg6[%get3A_1887] {strides = array<i32>} : memref<1920xf32, #tpu.memory_space<vmem>>, vector<16xf32>,
    %get3A_1889 = arith.constant 1296 : index
    %get3A_1890 = tpu.vector_load %arg6[%get3A_1889] {strides = array<i32>} : memref<1920xf32, #tpu.memory_space<vmem>>, vector<16xf32>,
    %get3A_1891 = arith.constant 1360 : index
    %get3A_1892 = tpu.vector_load %arg6[%get3A_1891] {strides = array<i32>} : memref<1920xf32, #tpu.memory_space<vmem>>, vector<16xf32>,
    %get3A_1893 = arith.constant 1424 : index
    %get3A_1894 = tpu.vector_load %arg6[%get3A_1893] {strides = array<i32>} : memref<1920xf32, #tpu.memory_space<vmem>>, vector<16xf32>,
    %get3A_1895 = arith.constant 1488 : index
    %get3A_1896 = tpu.vector_load %arg6[%get3A_1895] {strides = array<i32>} : memref<1920xf32, #tpu.memory_space<vmem>>, vector<16xf32>,
    %get3A_1897 = arith.constant 1552 : index
    %get3A_1898 = tpu.vector_load %arg6[%get3A_1897] {strides = array<i32>} : memref<1920xf32, #tpu.memory_space<vmem>>, vector<16xf32>,
    %get3A_1899 = arith.constant 1616 : index
    %get3A_1900 = tpu.vector_load %arg6[%get3A_1899] {strides = array<i32>} : memref<1920xf32, #tpu.memory_space<vmem>>, vector<16xf32>,
    %get3A_1901 = arith.constant 1680 : index
    %get3A_1902 = tpu.vector_load %arg6[%get3A_1901] {strides = array<i32>} : memref<1920xf32, #tpu.memory_space<vmem>>, vector<16xf32>,
    %get3A_1903 = arith.constant 1744 : index
    %get3A_1904 = tpu.vector_load %arg6[%get3A_1903] {strides = array<i32>} : memref<1920xf32, #tpu.memory_space<vmem>>, vector<16xf32>,
    %get3A_1905 = arith.constant 1808 : index
    %get3A_1906 = tpu.vector_load %arg6[%get3A_1905] {strides = array<i32>} : memref<1920xf32, #tpu.memory_space<vmem>>, vector<16xf32>,
    %get3A_1907 = arith.constant 1872 : index
    %get3A_1908 = tpu.vector_load %arg6[%get3A_1907] {strides = array<i32>} : memref<1920xf32, #tpu.memory_space<vmem>>, vector<16xf32>,
    %mul3A_1909 = arith.constant 5.000000e-01 : f32
    %mul3A_1910 = vector.broadcast %mul3A_1909 : f32 to vector<16xf32>
    %mul3A_1911 = arith.mulf %mul3A_1910, %gather3A_1846 : vector<16xf32>
    %mul3A_1912 = arith.constant 5.000000e-01 : f32
    %mul3A_1913 = vector.broadcast %mul3A_1912 : f32 to vector<16xf32>
    %mul3A_1914 = arith.mulf %mul3A_1913, %gather3A_1847 : vector<16xf32>
    %div3A_1915 = arith.constant 7.000000e+00 : f32
    %div3A_1916 = vector.broadcast %div3A_1915 : f32 to vector<16xf32>
    %div3A_1917 = arith.divf %gather3A_1844, %div3A_1916 : vector<16xf32>
    %div3A_1918 = arith.constant 7.000000e+00 : f32
    %div3A_1919 = vector.broadcast %div3A_1918 : f32 to vector<16xf32>
    %div3A_1920 = arith.divf %gather3A_1845, %div3A_1919 : vector<16xf32>
    %sub3A_1921 = arith.subf %div3A_1917, %mul3A_1911 : vector<16xf32>
    %add3A_1922 = arith.addf %div3A_1917, %mul3A_1911 : vector<16xf32>
    %sub3A_1923 = arith.subf %div3A_1920, %mul3A_1914 : vector<16xf32>
    %add3A_1924 = arith.addf %div3A_1920, %mul3A_1914 : vector<16xf32>
    %sub3A_1925 = arith.subf %add3A_1922, %sub3A_1921 : vector<16xf32>
    %sub3A_1926 = arith.subf %add3A_1924, %sub3A_1923 : vector<16xf32>
    %mul3A_1927 = arith.mulf %sub3A_1925, %sub3A_1926 : vector<16xf32>
    %div3A_1928 = arith.constant 7.000000e+00 : f32
    %div3A_1929 = vector.broadcast %div3A_1928 : f32 to vector<16xf32>
    %div3A_1930 = arith.divf %get3A_1850, %div3A_1929 : vector<16xf32>
    %div3A_1931 = arith.constant 7.000000e+00 : f32
    %div3A_1932 = vector.broadcast %div3A_1931 : f32 to vector<16xf32>
    %div3A_1933 = arith.divf %get3A_1852, %div3A_1932 : vector<16xf32>
    %mul3A_1934 = arith.constant 5.000000e-01 : f32
    %mul3A_1935 = vector.broadcast %mul3A_1934 : f32 to vector<16xf32>
    %mul3A_1936 = arith.mulf %mul3A_1935, %get3A_1854 : vector<16xf32>
    %sub3A_1937 = arith.subf %div3A_1930, %mul3A_1936 : vector<16xf32>
    %mul3A_1938 = arith.constant 5.000000e-01 : f32
    %mul3A_1939 = vector.broadcast %mul3A_1938 : f32 to vector<16xf32>
    %mul3A_1940 = arith.mulf %mul3A_1939, %get3A_1854 : vector<16xf32>
    %add3A_1941 = arith.addf %div3A_1930, %mul3A_1940 : vector<16xf32>
    %mul3A_1942 = arith.constant 5.000000e-01 : f32
    %mul3A_1943 = vector.broadcast %mul3A_1942 : f32 to vector<16xf32>
    %mul3A_1944 = arith.mulf %mul3A_1943, %get3A_1856 : vector<16xf32>
    %sub3A_1945 = arith.subf %div3A_1933, %mul3A_1944 : vector<16xf32>
    %mul3A_1946 = arith.constant 5.000000e-01 : f32
    %mul3A_1947 = vector.broadcast %mul3A_1946 : f32 to vector<16xf32>
    %mul3A_1948 = arith.mulf %mul3A_1947, %get3A_1856 : vector<16xf32>
    %add3A_1949 = arith.addf %div3A_1933, %mul3A_1948 : vector<16xf32>
    %min3A_1950 = arith.minimumf %add3A_1941, %add3A_1922 : vector<16xf32>
    %max3A_1951 = arith.maximumf %sub3A_1937, %sub3A_1921 : vector<16xf32>
    %sub3A_1952 = arith.subf %min3A_1950, %max3A_1951 : vector<16xf32>
    %max3A_1953 = arith.constant 0.000000e+00 : f32
    %max3A_1954 = vector.broadcast %max3A_1953 : f32 to vector<16xf32>
    %max3A_1955 = arith.maximumf %sub3A_1952, %max3A_1954 : vector<16xf32>
    %min3A_1956 = arith.minimumf %add3A_1949, %add3A_1924 : vector<16xf32>
    %max3A_1957 = arith.maximumf %sub3A_1945, %sub3A_1923 : vector<16xf32>
    %sub3A_1958 = arith.subf %min3A_1956, %max3A_1957 : vector<16xf32>
    %max3A_1959 = arith.constant 0.000000e+00 : f32
    %max3A_1960 = vector.broadcast %max3A_1959 : f32 to vector<16xf32>
    %max3A_1961 = arith.maximumf %sub3A_1958, %max3A_1960 : vector<16xf32>
    %mul3A_1962 = arith.mulf %max3A_1955, %max3A_1961 : vector<16xf32>
    %sub3A_1963 = arith.subf %add3A_1941, %sub3A_1937 : vector<16xf32>
    %sub3A_1964 = arith.subf %add3A_1949, %sub3A_1945 : vector<16xf32>
    %mul3A_1965 = arith.mulf %sub3A_1963, %sub3A_1964 : vector<16xf32>
    %add3A_1966 = arith.addf %mul3A_1965, %mul3A_1927 : vector<16xf32>
    %sub3A_1967 = arith.subf %add3A_1966, %mul3A_1962 : vector<16xf32>
    %div3A_1968 = arith.divf %mul3A_1962, %sub3A_1967 : vector<16xf32>
    %div3A_1969 = arith.constant 7.000000e+00 : f32
    %div3A_1970 = vector.broadcast %div3A_1969 : f32 to vector<16xf32>
    %div3A_1971 = arith.divf %get3A_1860, %div3A_1970 : vector<16xf32>
    %div3A_1972 = arith.constant 7.000000e+00 : f32
    %div3A_1973 = vector.broadcast %div3A_1972 : f32 to vector<16xf32>
    %div3A_1974 = arith.divf %get3A_1862, %div3A_1973 : vector<16xf32>
    %mul3A_1975 = arith.constant 5.000000e-01 : f32
    %mul3A_1976 = vector.broadcast %mul3A_1975 : f32 to vector<16xf32>
    %mul3A_1977 = arith.mulf %mul3A_1976, %get3A_1864 : vector<16xf32>
    %sub3A_1978 = arith.subf %div3A_1971, %mul3A_1977 : vector<16xf32>
    %mul3A_1979 = arith.constant 5.000000e-01 : f32
    %mul3A_1980 = vector.broadcast %mul3A_1979 : f32 to vector<16xf32>
    %mul3A_1981 = arith.mulf %mul3A_1980, %get3A_1864 : vector<16xf32>
    %add3A_1982 = arith.addf %div3A_1971, %mul3A_1981 : vector<16xf32>
    %mul3A_1983 = arith.constant 5.000000e-01 : f32
    %mul3A_1984 = vector.broadcast %mul3A_1983 : f32 to vector<16xf32>
    %mul3A_1985 = arith.mulf %mul3A_1984, %get3A_1866 : vector<16xf32>
    %sub3A_1986 = arith.subf %div3A_1974, %mul3A_1985 : vector<16xf32>
    %mul3A_1987 = arith.constant 5.000000e-01 : f32
    %mul3A_1988 = vector.broadcast %mul3A_1987 : f32 to vector<16xf32>
    %mul3A_1989 = arith.mulf %mul3A_1988, %get3A_1866 : vector<16xf32>
    %add3A_1990 = arith.addf %div3A_1974, %mul3A_1989 : vector<16xf32>
    %min3A_1991 = arith.minimumf %add3A_1982, %add3A_1922 : vector<16xf32>
    %max3A_1992 = arith.maximumf %sub3A_1978, %sub3A_1921 : vector<16xf32>
    %sub3A_1993 = arith.subf %min3A_1991, %max3A_1992 : vector<16xf32>
    %max3A_1994 = arith.constant 0.000000e+00 : f32
    %max3A_1995 = vector.broadcast %max3A_1994 : f32 to vector<16xf32>
    %max3A_1996 = arith.maximumf %sub3A_1993, %max3A_1995 : vector<16xf32>
    %min3A_1997 = arith.minimumf %add3A_1990, %add3A_1924 : vector<16xf32>
    %max3A_1998 = arith.maximumf %sub3A_1986, %sub3A_1923 : vector<16xf32>
    %sub3A_1999 = arith.subf %min3A_1997, %max3A_1998 : vector<16xf32>
    %max3A_2000 = arith.constant 0.000000e+00 : f32
    %max3A_2001 = vector.broadcast %max3A_2000 : f32 to vector<16xf32>
    %max3A_2002 = arith.maximumf %sub3A_1999, %max3A_2001 : vector<16xf32>
    %mul3A_2003 = arith.mulf %max3A_1996, %max3A_2002 : vector<16xf32>
    %sub3A_2004 = arith.subf %add3A_1982, %sub3A_1978 : vector<16xf32>
    %sub3A_2005 = arith.subf %add3A_1990, %sub3A_1986 : vector<16xf32>
    %mul3A_2006 = arith.mulf %sub3A_2004, %sub3A_2005 : vector<16xf32>
    %add3A_2007 = arith.addf %mul3A_2006, %mul3A_1927 : vector<16xf32>
    %sub3A_2008 = arith.subf %add3A_2007, %mul3A_2003 : vector<16xf32>
    %div3A_2009 = arith.divf %mul3A_2003, %sub3A_2008 : vector<16xf32>
    %ge3A_2010 = arith.cmpf oge, %div3A_1968, %div3A_2009 : vector<16xf32>
    %ne3A_2011 = arith.cmpf one, %div3A_1968, %div3A_1968 : vector<16xf32>
    %or3A_2012 = arith.ori %ge3A_2010, %ne3A_2011 : vector<16xi1>
    %select_n3A_2013 = arith.select %or3A_2012, %div3A_1968, %div3A_2009 : vector<16xi1>, vector<16xf32>
    %select_n3A_2014 = arith.select %or3A_2012, %get3A_1850, %get3A_1860 : vector<16xi1>, vector<16xf32>
    %select_n3A_2015 = arith.select %or3A_2012, %get3A_1852, %get3A_1862 : vector<16xi1>, vector<16xf32>
    %select_n3A_2016 = arith.select %or3A_2012, %get3A_1854, %get3A_1864 : vector<16xi1>, vector<16xf32>
    %select_n3A_2017 = arith.select %or3A_2012, %get3A_1856, %get3A_1866 : vector<16xi1>, vector<16xf32>
    %select_n3A_2018 = arith.select %or3A_2012, %get3A_1858, %get3A_1868 : vector<16xi1>, vector<16xf32>
    %sub3A_2019 = arith.subf %select_n3A_2014, %gather3A_1844 : vector<16xf32>
    %sub3A_2020 = arith.subf %select_n3A_2015, %gather3A_1845 : vector<16xf32>
    %mul3A_2021 = arith.mulf %sub3A_2019, %sub3A_2019 : vector<16xf32>
    %mul3A_2022 = arith.mulf %sub3A_2020, %sub3A_2020 : vector<16xf32>
    %add3A_2023 = arith.addf %mul3A_2021, %mul3A_2022 : vector<16xf32>
    %bitcast3A_2024 = vector.bitcast %select_n3A_2016 : vector<16xf32> to vector<16xi32>
    %shift_right_arithmetic3A_2025 = arith.constant 1 : i32
    %shift_right_arithmetic3A_2026 = vector.broadcast %shift_right_arithmetic3A_2025 : i32 to vector<16xi32>
    %shift_right_arithmetic3A_2027 = arith.shrsi %bitcast3A_2024, %shift_right_arithmetic3A_2026 : vector<16xi32>
    %sub3A_2028 = arith.constant 1597463007 : i32
    %sub3A_2029 = vector.broadcast %sub3A_2028 : i32 to vector<16xi32>
    %sub3A_2030 = arith.subi %sub3A_2029, %shift_right_arithmetic3A_2027 : vector<16xi32>
    %bitcast3A_2031 = vector.bitcast %sub3A_2030 : vector<16xi32> to vector<16xf32>
    %mul3A_2032 = arith.constant 5.000000e-01 : f32
    %mul3A_2033 = vector.broadcast %mul3A_2032 : f32 to vector<16xf32>
    %mul3A_2034 = arith.mulf %mul3A_2033, %select_n3A_2016 : vector<16xf32>
    %mul3A_2035 = arith.mulf %mul3A_2034, %bitcast3A_2031 : vector<16xf32>
    %mul3A_2036 = arith.mulf %mul3A_2035, %bitcast3A_2031 : vector<16xf32>
    %sub3A_2037 = arith.constant 1.500000e+00 : f32
    %sub3A_2038 = vector.broadcast %sub3A_2037 : f32 to vector<16xf32>
    %sub3A_2039 = arith.subf %sub3A_2038, %mul3A_2036 : vector<16xf32>
    %mul3A_2040 = arith.mulf %bitcast3A_2031, %sub3A_2039 : vector<16xf32>
    %mul3A_2041 = arith.mulf %mul3A_2034, %mul3A_2040 : vector<16xf32>
    %mul3A_2042 = arith.mulf %mul3A_2041, %mul3A_2040 : vector<16xf32>
    %sub3A_2043 = arith.constant 1.500000e+00 : f32
    %sub3A_2044 = vector.broadcast %sub3A_2043 : f32 to vector<16xf32>
    %sub3A_2045 = arith.subf %sub3A_2044, %mul3A_2042 : vector<16xf32>
    %mul3A_2046 = arith.mulf %mul3A_2040, %sub3A_2045 : vector<16xf32>
    %mul3A_2047 = arith.mulf %mul3A_2034, %mul3A_2046 : vector<16xf32>
    %mul3A_2048 = arith.mulf %mul3A_2047, %mul3A_2046 : vector<16xf32>
    %sub3A_2049 = arith.constant 1.500000e+00 : f32
    %sub3A_2050 = vector.broadcast %sub3A_2049 : f32 to vector<16xf32>
    %sub3A_2051 = arith.subf %sub3A_2050, %mul3A_2048 : vector<16xf32>
    %mul3A_2052 = arith.mulf %mul3A_2046, %sub3A_2051 : vector<16xf32>
    %mul3A_2053 = arith.mulf %mul3A_2034, %mul3A_2052 : vector<16xf32>
    %mul3A_2054 = arith.mulf %mul3A_2053, %mul3A_2052 : vector<16xf32>
    %sub3A_2055 = arith.constant 1.500000e+00 : f32
    %sub3A_2056 = vector.broadcast %sub3A_2055 : f32 to vector<16xf32>
    %sub3A_2057 = arith.subf %sub3A_2056, %mul3A_2054 : vector<16xf32>
    %mul3A_2058 = arith.mulf %mul3A_2052, %sub3A_2057 : vector<16xf32>
    %mul3A_2059 = arith.mulf %select_n3A_2016, %mul3A_2058 : vector<16xf32>
    %bitcast3A_2060 = vector.bitcast %gather3A_1846 : vector<16xf32> to vector<16xi32>
    %shift_right_arithmetic3A_2061 = arith.constant 1 : i32
    %shift_right_arithmetic3A_2062 = vector.broadcast %shift_right_arithmetic3A_2061 : i32 to vector<16xi32>
    %shift_right_arithmetic3A_2063 = arith.shrsi %bitcast3A_2060, %shift_right_arithmetic3A_2062 : vector<16xi32>
    %sub3A_2064 = arith.constant 1597463007 : i32
    %sub3A_2065 = vector.broadcast %sub3A_2064 : i32 to vector<16xi32>
    %sub3A_2066 = arith.subi %sub3A_2065, %shift_right_arithmetic3A_2063 : vector<16xi32>
    %bitcast3A_2067 = vector.bitcast %sub3A_2066 : vector<16xi32> to vector<16xf32>
    %mul3A_2068 = arith.constant 5.000000e-01 : f32
    %mul3A_2069 = vector.broadcast %mul3A_2068 : f32 to vector<16xf32>
    %mul3A_2070 = arith.mulf %mul3A_2069, %gather3A_1846 : vector<16xf32>
    %mul3A_2071 = arith.mulf %mul3A_2070, %bitcast3A_2067 : vector<16xf32>
    %mul3A_2072 = arith.mulf %mul3A_2071, %bitcast3A_2067 : vector<16xf32>
    %sub3A_2073 = arith.constant 1.500000e+00 : f32
    %sub3A_2074 = vector.broadcast %sub3A_2073 : f32 to vector<16xf32>
    %sub3A_2075 = arith.subf %sub3A_2074, %mul3A_2072 : vector<16xf32>
    %mul3A_2076 = arith.mulf %bitcast3A_2067, %sub3A_2075 : vector<16xf32>
    %mul3A_2077 = arith.mulf %mul3A_2070, %mul3A_2076 : vector<16xf32>
    %mul3A_2078 = arith.mulf %mul3A_2077, %mul3A_2076 : vector<16xf32>
    %sub3A_2079 = arith.constant 1.500000e+00 : f32
    %sub3A_2080 = vector.broadcast %sub3A_2079 : f32 to vector<16xf32>
    %sub3A_2081 = arith.subf %sub3A_2080, %mul3A_2078 : vector<16xf32>
    %mul3A_2082 = arith.mulf %mul3A_2076, %sub3A_2081 : vector<16xf32>
    %mul3A_2083 = arith.mulf %mul3A_2070, %mul3A_2082 : vector<16xf32>
    %mul3A_2084 = arith.mulf %mul3A_2083, %mul3A_2082 : vector<16xf32>
    %sub3A_2085 = arith.constant 1.500000e+00 : f32
    %sub3A_2086 = vector.broadcast %sub3A_2085 : f32 to vector<16xf32>
    %sub3A_2087 = arith.subf %sub3A_2086, %mul3A_2084 : vector<16xf32>
    %mul3A_2088 = arith.mulf %mul3A_2082, %sub3A_2087 : vector<16xf32>
    %mul3A_2089 = arith.mulf %mul3A_2070, %mul3A_2088 : vector<16xf32>
    %mul3A_2090 = arith.mulf %mul3A_2089, %mul3A_2088 : vector<16xf32>
    %sub3A_2091 = arith.constant 1.500000e+00 : f32
    %sub3A_2092 = vector.broadcast %sub3A_2091 : f32 to vector<16xf32>
    %sub3A_2093 = arith.subf %sub3A_2092, %mul3A_2090 : vector<16xf32>
    %mul3A_2094 = arith.mulf %mul3A_2088, %sub3A_2093 : vector<16xf32>
    %mul3A_2095 = arith.mulf %gather3A_1846, %mul3A_2094 : vector<16xf32>
    %sub3A_2096 = arith.subf %mul3A_2059, %mul3A_2095 : vector<16xf32>
    %bitcast3A_2097 = vector.bitcast %select_n3A_2017 : vector<16xf32> to vector<16xi32>
    %shift_right_arithmetic3A_2098 = arith.constant 1 : i32
    %shift_right_arithmetic3A_2099 = vector.broadcast %shift_right_arithmetic3A_2098 : i32 to vector<16xi32>
    %shift_right_arithmetic3A_2100 = arith.shrsi %bitcast3A_2097, %shift_right_arithmetic3A_2099 : vector<16xi32>
    %sub3A_2101 = arith.constant 1597463007 : i32
    %sub3A_2102 = vector.broadcast %sub3A_2101 : i32 to vector<16xi32>
    %sub3A_2103 = arith.subi %sub3A_2102, %shift_right_arithmetic3A_2100 : vector<16xi32>
    %bitcast3A_2104 = vector.bitcast %sub3A_2103 : vector<16xi32> to vector<16xf32>
    %mul3A_2105 = arith.constant 5.000000e-01 : f32
    %mul3A_2106 = vector.broadcast %mul3A_2105 : f32 to vector<16xf32>
    %mul3A_2107 = arith.mulf %mul3A_2106, %select_n3A_2017 : vector<16xf32>
    %mul3A_2108 = arith.mulf %mul3A_2107, %bitcast3A_2104 : vector<16xf32>
    %mul3A_2109 = arith.mulf %mul3A_2108, %bitcast3A_2104 : vector<16xf32>
    %sub3A_2110 = arith.constant 1.500000e+00 : f32
    %sub3A_2111 = vector.broadcast %sub3A_2110 : f32 to vector<16xf32>
    %sub3A_2112 = arith.subf %sub3A_2111, %mul3A_2109 : vector<16xf32>
    %mul3A_2113 = arith.mulf %bitcast3A_2104, %sub3A_2112 : vector<16xf32>
    %mul3A_2114 = arith.mulf %mul3A_2107, %mul3A_2113 : vector<16xf32>
    %mul3A_2115 = arith.mulf %mul3A_2114, %mul3A_2113 : vector<16xf32>
    %sub3A_2116 = arith.constant 1.500000e+00 : f32
    %sub3A_2117 = vector.broadcast %sub3A_2116 : f32 to vector<16xf32>
    %sub3A_2118 = arith.subf %sub3A_2117, %mul3A_2115 : vector<16xf32>
    %mul3A_2119 = arith.mulf %mul3A_2113, %sub3A_2118 : vector<16xf32>
    %mul3A_2120 = arith.mulf %mul3A_2107, %mul3A_2119 : vector<16xf32>
    %mul3A_2121 = arith.mulf %mul3A_2120, %mul3A_2119 : vector<16xf32>
    %sub3A_2122 = arith.constant 1.500000e+00 : f32
    %sub3A_2123 = vector.broadcast %sub3A_2122 : f32 to vector<16xf32>
    %sub3A_2124 = arith.subf %sub3A_2123, %mul3A_2121 : vector<16xf32>
    %mul3A_2125 = arith.mulf %mul3A_2119, %sub3A_2124 : vector<16xf32>
    %mul3A_2126 = arith.mulf %mul3A_2107, %mul3A_2125 : vector<16xf32>
    %mul3A_2127 = arith.mulf %mul3A_2126, %mul3A_2125 : vector<16xf32>
    %sub3A_2128 = arith.constant 1.500000e+00 : f32
    %sub3A_2129 = vector.broadcast %sub3A_2128 : f32 to vector<16xf32>
    %sub3A_2130 = arith.subf %sub3A_2129, %mul3A_2127 : vector<16xf32>
    %mul3A_2131 = arith.mulf %mul3A_2125, %sub3A_2130 : vector<16xf32>
    %mul3A_2132 = arith.mulf %select_n3A_2017, %mul3A_2131 : vector<16xf32>
    %bitcast3A_2133 = vector.bitcast %gather3A_1847 : vector<16xf32> to vector<16xi32>
    %shift_right_arithmetic3A_2134 = arith.constant 1 : i32
    %shift_right_arithmetic3A_2135 = vector.broadcast %shift_right_arithmetic3A_2134 : i32 to vector<16xi32>
    %shift_right_arithmetic3A_2136 = arith.shrsi %bitcast3A_2133, %shift_right_arithmetic3A_2135 : vector<16xi32>
    %sub3A_2137 = arith.constant 1597463007 : i32
    %sub3A_2138 = vector.broadcast %sub3A_2137 : i32 to vector<16xi32>
    %sub3A_2139 = arith.subi %sub3A_2138, %shift_right_arithmetic3A_2136 : vector<16xi32>
    %bitcast3A_2140 = vector.bitcast %sub3A_2139 : vector<16xi32> to vector<16xf32>
    %mul3A_2141 = arith.constant 5.000000e-01 : f32
    %mul3A_2142 = vector.broadcast %mul3A_2141 : f32 to vector<16xf32>
    %mul3A_2143 = arith.mulf %mul3A_2142, %gather3A_1847 : vector<16xf32>
    %mul3A_2144 = arith.mulf %mul3A_2143, %bitcast3A_2140 : vector<16xf32>
    %mul3A_2145 = arith.mulf %mul3A_2144, %bitcast3A_2140 : vector<16xf32>
    %sub3A_2146 = arith.constant 1.500000e+00 : f32
    %sub3A_2147 = vector.broadcast %sub3A_2146 : f32 to vector<16xf32>
    %sub3A_2148 = arith.subf %sub3A_2147, %mul3A_2145 : vector<16xf32>
    %mul3A_2149 = arith.mulf %bitcast3A_2140, %sub3A_2148 : vector<16xf32>
    %mul3A_2150 = arith.mulf %mul3A_2143, %mul3A_2149 : vector<16xf32>
    %mul3A_2151 = arith.mulf %mul3A_2150, %mul3A_2149 : vector<16xf32>
    %sub3A_2152 = arith.constant 1.500000e+00 : f32
    %sub3A_2153 = vector.broadcast %sub3A_2152 : f32 to vector<16xf32>
    %sub3A_2154 = arith.subf %sub3A_2153, %mul3A_2151 : vector<16xf32>
    %mul3A_2155 = arith.mulf %mul3A_2149, %sub3A_2154 : vector<16xf32>
    %mul3A_2156 = arith.mulf %mul3A_2143, %mul3A_2155 : vector<16xf32>
    %mul3A_2157 = arith.mulf %mul3A_2156, %mul3A_2155 : vector<16xf32>
    %sub3A_2158 = arith.constant 1.500000e+00 : f32
    %sub3A_2159 = vector.broadcast %sub3A_2158 : f32 to vector<16xf32>
    %sub3A_2160 = arith.subf %sub3A_2159, %mul3A_2157 : vector<16xf32>
    %mul3A_2161 = arith.mulf %mul3A_2155, %sub3A_2160 : vector<16xf32>
    %mul3A_2162 = arith.mulf %mul3A_2143, %mul3A_2161 : vector<16xf32>
    %mul3A_2163 = arith.mulf %mul3A_2162, %mul3A_2161 : vector<16xf32>
    %sub3A_2164 = arith.constant 1.500000e+00 : f32
    %sub3A_2165 = vector.broadcast %sub3A_2164 : f32 to vector<16xf32>
    %sub3A_2166 = arith.subf %sub3A_2165, %mul3A_2163 : vector<16xf32>
    %mul3A_2167 = arith.mulf %mul3A_2161, %sub3A_2166 : vector<16xf32>
    %mul3A_2168 = arith.mulf %gather3A_1847, %mul3A_2167 : vector<16xf32>
    %sub3A_2169 = arith.subf %mul3A_2132, %mul3A_2168 : vector<16xf32>
    %mul3A_2170 = arith.mulf %sub3A_2096, %sub3A_2096 : vector<16xf32>
    %mul3A_2171 = arith.mulf %sub3A_2169, %sub3A_2169 : vector<16xf32>
    %add3A_2172 = arith.addf %mul3A_2170, %mul3A_2171 : vector<16xf32>
    %sub3A_2173 = arith.subf %select_n3A_2018, %select_n3A_2013 : vector<16xf32>
    %mul3A_2174 = arith.mulf %sub3A_2173, %sub3A_2173 : vector<16xf32>
    %broadcast_in_dim3A_2175 = arith.constant 0.000000e+00 : f32
    %broadcast_in_dim3A_2176 = vector.broadcast %broadcast_in_dim3A_2175 : f32 to vector<16xf32>
    %mul3A_2177 = arith.mulf %get3A_1870, %get3A_1870 : vector<16xf32>
    %add3A_2178 = arith.addf %broadcast_in_dim3A_2176, %mul3A_2177 : vector<16xf32>
    %mul3A_2179 = arith.mulf %get3A_1872, %get3A_1872 : vector<16xf32>
    %add3A_2180 = arith.addf %add3A_2178, %mul3A_2179 : vector<16xf32>
    %mul3A_2181 = arith.mulf %get3A_1874, %get3A_1874 : vector<16xf32>
    %add3A_2182 = arith.addf %add3A_2180, %mul3A_2181 : vector<16xf32>
    %mul3A_2183 = arith.mulf %get3A_1876, %get3A_1876 : vector<16xf32>
    %add3A_2184 = arith.addf %add3A_2182, %mul3A_2183 : vector<16xf32>
    %mul3A_2185 = arith.mulf %get3A_1878, %get3A_1878 : vector<16xf32>
    %add3A_2186 = arith.addf %add3A_2184, %mul3A_2185 : vector<16xf32>
    %mul3A_2187 = arith.mulf %get3A_1880, %get3A_1880 : vector<16xf32>
    %add3A_2188 = arith.addf %add3A_2186, %mul3A_2187 : vector<16xf32>
    %mul3A_2189 = arith.mulf %get3A_1882, %get3A_1882 : vector<16xf32>
    %add3A_2190 = arith.addf %add3A_2188, %mul3A_2189 : vector<16xf32>
    %mul3A_2191 = arith.mulf %get3A_1884, %get3A_1884 : vector<16xf32>
    %add3A_2192 = arith.addf %add3A_2190, %mul3A_2191 : vector<16xf32>
    %mul3A_2193 = arith.mulf %get3A_1886, %get3A_1886 : vector<16xf32>
    %add3A_2194 = arith.addf %add3A_2192, %mul3A_2193 : vector<16xf32>
    %mul3A_2195 = arith.mulf %get3A_1888, %get3A_1888 : vector<16xf32>
    %add3A_2196 = arith.addf %add3A_2194, %mul3A_2195 : vector<16xf32>
    %mul3A_2197 = arith.mulf %get3A_1890, %get3A_1890 : vector<16xf32>
    %add3A_2198 = arith.addf %add3A_2196, %mul3A_2197 : vector<16xf32>
    %mul3A_2199 = arith.mulf %get3A_1892, %get3A_1892 : vector<16xf32>
    %add3A_2200 = arith.addf %add3A_2198, %mul3A_2199 : vector<16xf32>
    %mul3A_2201 = arith.mulf %get3A_1894, %get3A_1894 : vector<16xf32>
    %add3A_2202 = arith.addf %add3A_2200, %mul3A_2201 : vector<16xf32>
    %mul3A_2203 = arith.mulf %get3A_1896, %get3A_1896 : vector<16xf32>
    %add3A_2204 = arith.addf %add3A_2202, %mul3A_2203 : vector<16xf32>
    %mul3A_2205 = arith.mulf %get3A_1898, %get3A_1898 : vector<16xf32>
    %add3A_2206 = arith.addf %add3A_2204, %mul3A_2205 : vector<16xf32>
    %mul3A_2207 = arith.mulf %get3A_1900, %get3A_1900 : vector<16xf32>
    %add3A_2208 = arith.addf %add3A_2206, %mul3A_2207 : vector<16xf32>
    %mul3A_2209 = arith.mulf %get3A_1902, %get3A_1902 : vector<16xf32>
    %add3A_2210 = arith.addf %add3A_2208, %mul3A_2209 : vector<16xf32>
    %mul3A_2211 = arith.mulf %get3A_1904, %get3A_1904 : vector<16xf32>
    %add3A_2212 = arith.addf %add3A_2210, %mul3A_2211 : vector<16xf32>
    %mul3A_2213 = arith.mulf %get3A_1906, %get3A_1906 : vector<16xf32>
    %add3A_2214 = arith.addf %add3A_2212, %mul3A_2213 : vector<16xf32>
    %mul3A_2215 = arith.mulf %get3A_1908, %get3A_1908 : vector<16xf32>
    %add3A_2216 = arith.addf %add3A_2214, %mul3A_2215 : vector<16xf32>
    %add3A_2217 = arith.constant 10 : i32
    %add3A_2218 = vector.broadcast %add3A_2217 : i32 to vector<16xi32>
    %add3A_2219 = arith.addi %add3A_2218, %gather3A_1848 : vector<16xi32>
    %mul3A_2220 = arith.constant 64 : i32
    %mul3A_2221 = vector.broadcast %mul3A_2220 : i32 to vector<16xi32>
    %mul3A_2222 = arith.muli %add3A_2219, %mul3A_2221 : vector<16xi32>
    %add3A_2223 = arith.constant 16 : i32
    %add3A_2224 = vector.broadcast %add3A_2223 : i32 to vector<16xi32>
    %add3A_2225 = arith.addi %mul3A_2222, %add3A_2224 : vector<16xi32>
    %add3A_2226 = arith.addi %add3A_2225, %iota3A : vector<16xi32>
    %gather3A_2227 = tpu.vector_load_idx %arg6[%add3A_2226] : memref<1920xf32, #tpu.memory_space<vmem>>[vector<16xi32>], vector<16xf32>,
    %mul3A_2228 = arith.constant 2.000000e+00 : f32
    %mul3A_2229 = vector.broadcast %mul3A_2228 : f32 to vector<16xf32>
    %mul3A_2230 = arith.mulf %mul3A_2229, %gather3A_2227 : vector<16xf32>
    %sub3A_2231 = arith.subf %add3A_2216, %mul3A_2230 : vector<16xf32>
    %add3A_2232 = arith.constant 1.000000e+00 : f32
    %add3A_2233 = vector.broadcast %add3A_2232 : f32 to vector<16xf32>
    %add3A_2234 = arith.addf %sub3A_2231, %add3A_2233 : vector<16xf32>
    %and3A_2235 = arith.andi %ge3A_1836, %ge3A_1840 : vector<16xi1>
    %add3A_2236 = arith.addf %add3A_2023, %add3A_2172 : vector<16xf32>
    %jit3A_2237 = arith.constant 0.000000e+00 : f32
    %broadcast_in_dim3A_2238 = vector.broadcast %jit3A_2237 : f32 to vector<16xf32>
    %select_n3A_2239 = arith.select %and3A_2235, %add3A_2236, %broadcast_in_dim3A_2238 : vector<16xi1>, vector<16xf32>
    %add3A_2240 = arith.addf %add3A_1810, %select_n3A_2239 : vector<16xf32>
    %jit3A_2241 = arith.constant 0.000000e+00 : f32
    %broadcast_in_dim3A_2242 = vector.broadcast %jit3A_2241 : f32 to vector<16xf32>
    %select_n3A_2243 = arith.select %and3A_2235, %mul3A_2174, %broadcast_in_dim3A_2242 : vector<16xi1>, vector<16xf32>
    %add3A_2244 = arith.addf %add3A_1814, %select_n3A_2243 : vector<16xf32>
    %jit3A_2245 = arith.constant 0.000000e+00 : f32
    %broadcast_in_dim3A_2246 = vector.broadcast %jit3A_2245 : f32 to vector<16xf32>
    %select_n3A_2247 = arith.select %and3A_2235, %add3A_2234, %broadcast_in_dim3A_2246 : vector<16xi1>, vector<16xf32>
    %add3A_2248 = arith.addf %add3A_1818, %select_n3A_2247 : vector<16xf32>
    %not3A_2249 = arith.constant dense<true> : vector<16xi1>
    %not3A_2250 = arith.xori %ge3A_1840, %not3A_2249 : vector<16xi1>
    %and3A_2251 = arith.andi %ge3A_1836, %not3A_2250 : vector<16xi1>
    %mul3A_2252 = arith.mulf %get3A_1858, %get3A_1858 : vector<16xf32>
    %mul3A_2253 = arith.mulf %get3A_1868, %get3A_1868 : vector<16xf32>
    %add3A_2254 = arith.addf %mul3A_2252, %mul3A_2253 : vector<16xf32>
    %jit3A_2255 = arith.constant 0.000000e+00 : f32
    %broadcast_in_dim3A_2256 = vector.broadcast %jit3A_2255 : f32 to vector<16xf32>
    %select_n3A_2257 = arith.select %and3A_2251, %add3A_2254, %broadcast_in_dim3A_2256 : vector<16xi1>, vector<16xf32>
    %add3A_2258 = arith.addf %add3A_1827, %select_n3A_2257 : vector<16xf32>
    %add3A_2259 = arith.constant 2 : i32
    %add3A_2260 = arith.addi %mul3A_0, %add3A_2259 : i32
    %mul3A_2261 = arith.constant 16 : i32
    %mul3A_2262 = arith.muli %add3A_2260, %mul3A_2261 : i32
    %add3A_2263 = vector.broadcast %mul3A_2262 : i32 to vector<16xi32>
    %add3A_2264 = arith.addi %add3A_2263, %iota3A : vector<16xi32>
    %ge3A_2265 = arith.constant 0 : i32
    %ge3A_2266 = vector.broadcast %ge3A_2265 : i32 to vector<16xi32>
    %ge3A_2267 = arith.cmpi sge, %iota3A, %ge3A_2266 : vector<16xi32>
    %gather3A_2268 = tpu.vector_load_idx %arg14[%add3A_2264] : memref<784xi32, #tpu.memory_space<vmem>>[vector<16xi32>], vector<16xi32>,
    %ge3A_2269 = arith.constant 0 : i32
    %ge3A_2270 = vector.broadcast %ge3A_2269 : i32 to vector<16xi32>
    %ge3A_2271 = arith.cmpi sge, %gather3A_2268, %ge3A_2270 : vector<16xi32>
    %max3A_2272 = arith.constant 0 : i32
    %max3A_2273 = vector.broadcast %max3A_2272 : i32 to vector<16xi32>
    %max3A_2274 = arith.maxsi %gather3A_2268, %max3A_2273 : vector<16xi32>
    %gather3A_2275 = tpu.vector_load_idx %arg9[%max3A_2274] : memref<128xf32, #tpu.memory_space<vmem>>[vector<16xi32>], vector<16xf32>,
    %gather3A_2276 = tpu.vector_load_idx %arg10[%max3A_2274] : memref<128xf32, #tpu.memory_space<vmem>>[vector<16xi32>], vector<16xf32>,
    %gather3A_2277 = tpu.vector_load_idx %arg11[%max3A_2274] : memref<128xf32, #tpu.memory_space<vmem>>[vector<16xi32>], vector<16xf32>,
    %gather3A_2278 = tpu.vector_load_idx %arg12[%max3A_2274] : memref<128xf32, #tpu.memory_space<vmem>>[vector<16xi32>], vector<16xf32>,
    %gather3A_2279 = tpu.vector_load_idx %arg8[%max3A_2274] : memref<128xi32, #tpu.memory_space<vmem>>[vector<16xi32>], vector<16xi32>,
    %get3A_2280 = arith.constant 32 : index
    %get3A_2281 = tpu.vector_load %arg6[%get3A_2280] {strides = array<i32>} : memref<1920xf32, #tpu.memory_space<vmem>>, vector<16xf32>,
    %get3A_2282 = arith.constant 96 : index
    %get3A_2283 = tpu.vector_load %arg6[%get3A_2282] {strides = array<i32>} : memref<1920xf32, #tpu.memory_space<vmem>>, vector<16xf32>,
    %get3A_2284 = arith.constant 160 : index
    %get3A_2285 = tpu.vector_load %arg6[%get3A_2284] {strides = array<i32>} : memref<1920xf32, #tpu.memory_space<vmem>>, vector<16xf32>,
    %get3A_2286 = arith.constant 224 : index
    %get3A_2287 = tpu.vector_load %arg6[%get3A_2286] {strides = array<i32>} : memref<1920xf32, #tpu.memory_space<vmem>>, vector<16xf32>,
    %get3A_2288 = arith.constant 288 : index
    %get3A_2289 = tpu.vector_load %arg6[%get3A_2288] {strides = array<i32>} : memref<1920xf32, #tpu.memory_space<vmem>>, vector<16xf32>,
    %get3A_2290 = arith.constant 352 : index
    %get3A_2291 = tpu.vector_load %arg6[%get3A_2290] {strides = array<i32>} : memref<1920xf32, #tpu.memory_space<vmem>>, vector<16xf32>,
    %get3A_2292 = arith.constant 416 : index
    %get3A_2293 = tpu.vector_load %arg6[%get3A_2292] {strides = array<i32>} : memref<1920xf32, #tpu.memory_space<vmem>>, vector<16xf32>,
    %get3A_2294 = arith.constant 480 : index
    %get3A_2295 = tpu.vector_load %arg6[%get3A_2294] {strides = array<i32>} : memref<1920xf32, #tpu.memory_space<vmem>>, vector<16xf32>,
    %get3A_2296 = arith.constant 544 : index
    %get3A_2297 = tpu.vector_load %arg6[%get3A_2296] {strides = array<i32>} : memref<1920xf32, #tpu.memory_space<vmem>>, vector<16xf32>,
    %get3A_2298 = arith.constant 608 : index
    %get3A_2299 = tpu.vector_load %arg6[%get3A_2298] {strides = array<i32>} : memref<1920xf32, #tpu.memory_space<vmem>>, vector<16xf32>,
    %get3A_2300 = arith.constant 672 : index
    %get3A_2301 = tpu.vector_load %arg6[%get3A_2300] {strides = array<i32>} : memref<1920xf32, #tpu.memory_space<vmem>>, vector<16xf32>,
    %get3A_2302 = arith.constant 736 : index
    %get3A_2303 = tpu.vector_load %arg6[%get3A_2302] {strides = array<i32>} : memref<1920xf32, #tpu.memory_space<vmem>>, vector<16xf32>,
    %get3A_2304 = arith.constant 800 : index
    %get3A_2305 = tpu.vector_load %arg6[%get3A_2304] {strides = array<i32>} : memref<1920xf32, #tpu.memory_space<vmem>>, vector<16xf32>,
    %get3A_2306 = arith.constant 864 : index
    %get3A_2307 = tpu.vector_load %arg6[%get3A_2306] {strides = array<i32>} : memref<1920xf32, #tpu.memory_space<vmem>>, vector<16xf32>,
    %get3A_2308 = arith.constant 928 : index
    %get3A_2309 = tpu.vector_load %arg6[%get3A_2308] {strides = array<i32>} : memref<1920xf32, #tpu.memory_space<vmem>>, vector<16xf32>,
    %get3A_2310 = arith.constant 992 : index
    %get3A_2311 = tpu.vector_load %arg6[%get3A_2310] {strides = array<i32>} : memref<1920xf32, #tpu.memory_space<vmem>>, vector<16xf32>,
    %get3A_2312 = arith.constant 1056 : index
    %get3A_2313 = tpu.vector_load %arg6[%get3A_2312] {strides = array<i32>} : memref<1920xf32, #tpu.memory_space<vmem>>, vector<16xf32>,
    %get3A_2314 = arith.constant 1120 : index
    %get3A_2315 = tpu.vector_load %arg6[%get3A_2314] {strides = array<i32>} : memref<1920xf32, #tpu.memory_space<vmem>>, vector<16xf32>,
    %get3A_2316 = arith.constant 1184 : index
    %get3A_2317 = tpu.vector_load %arg6[%get3A_2316] {strides = array<i32>} : memref<1920xf32, #tpu.memory_space<vmem>>, vector<16xf32>,
    %get3A_2318 = arith.constant 1248 : index
    %get3A_2319 = tpu.vector_load %arg6[%get3A_2318] {strides = array<i32>} : memref<1920xf32, #tpu.memory_space<vmem>>, vector<16xf32>,
    %get3A_2320 = arith.constant 1312 : index
    %get3A_2321 = tpu.vector_load %arg6[%get3A_2320] {strides = array<i32>} : memref<1920xf32, #tpu.memory_space<vmem>>, vector<16xf32>,
    %get3A_2322 = arith.constant 1376 : index
    %get3A_2323 = tpu.vector_load %arg6[%get3A_2322] {strides = array<i32>} : memref<1920xf32, #tpu.memory_space<vmem>>, vector<16xf32>,
    %get3A_2324 = arith.constant 1440 : index
    %get3A_2325 = tpu.vector_load %arg6[%get3A_2324] {strides = array<i32>} : memref<1920xf32, #tpu.memory_space<vmem>>, vector<16xf32>,
    %get3A_2326 = arith.constant 1504 : index
    %get3A_2327 = tpu.vector_load %arg6[%get3A_2326] {strides = array<i32>} : memref<1920xf32, #tpu.memory_space<vmem>>, vector<16xf32>,
    %get3A_2328 = arith.constant 1568 : index
    %get3A_2329 = tpu.vector_load %arg6[%get3A_2328] {strides = array<i32>} : memref<1920xf32, #tpu.memory_space<vmem>>, vector<16xf32>,
    %get3A_2330 = arith.constant 1632 : index
    %get3A_2331 = tpu.vector_load %arg6[%get3A_2330] {strides = array<i32>} : memref<1920xf32, #tpu.memory_space<vmem>>, vector<16xf32>,
    %get3A_2332 = arith.constant 1696 : index
    %get3A_2333 = tpu.vector_load %arg6[%get3A_2332] {strides = array<i32>} : memref<1920xf32, #tpu.memory_space<vmem>>, vector<16xf32>,
    %get3A_2334 = arith.constant 1760 : index
    %get3A_2335 = tpu.vector_load %arg6[%get3A_2334] {strides = array<i32>} : memref<1920xf32, #tpu.memory_space<vmem>>, vector<16xf32>,
    %get3A_2336 = arith.constant 1824 : index
    %get3A_2337 = tpu.vector_load %arg6[%get3A_2336] {strides = array<i32>} : memref<1920xf32, #tpu.memory_space<vmem>>, vector<16xf32>,
    %get3A_2338 = arith.constant 1888 : index
    %get3A_2339 = tpu.vector_load %arg6[%get3A_2338] {strides = array<i32>} : memref<1920xf32, #tpu.memory_space<vmem>>, vector<16xf32>,
    %mul3A_2340 = arith.constant 5.000000e-01 : f32
    %mul3A_2341 = vector.broadcast %mul3A_2340 : f32 to vector<16xf32>
    %mul3A_2342 = arith.mulf %mul3A_2341, %gather3A_2277 : vector<16xf32>
    %mul3A_2343 = arith.constant 5.000000e-01 : f32
    %mul3A_2344 = vector.broadcast %mul3A_2343 : f32 to vector<16xf32>
    %mul3A_2345 = arith.mulf %mul3A_2344, %gather3A_2278 : vector<16xf32>
    %div3A_2346 = arith.constant 7.000000e+00 : f32
    %div3A_2347 = vector.broadcast %div3A_2346 : f32 to vector<16xf32>
    %div3A_2348 = arith.divf %gather3A_2275, %div3A_2347 : vector<16xf32>
    %div3A_2349 = arith.constant 7.000000e+00 : f32
    %div3A_2350 = vector.broadcast %div3A_2349 : f32 to vector<16xf32>
    %div3A_2351 = arith.divf %gather3A_2276, %div3A_2350 : vector<16xf32>
    %sub3A_2352 = arith.subf %div3A_2348, %mul3A_2342 : vector<16xf32>
    %add3A_2353 = arith.addf %div3A_2348, %mul3A_2342 : vector<16xf32>
    %sub3A_2354 = arith.subf %div3A_2351, %mul3A_2345 : vector<16xf32>
    %add3A_2355 = arith.addf %div3A_2351, %mul3A_2345 : vector<16xf32>
    %sub3A_2356 = arith.subf %add3A_2353, %sub3A_2352 : vector<16xf32>
    %sub3A_2357 = arith.subf %add3A_2355, %sub3A_2354 : vector<16xf32>
    %mul3A_2358 = arith.mulf %sub3A_2356, %sub3A_2357 : vector<16xf32>
    %div3A_2359 = arith.constant 7.000000e+00 : f32
    %div3A_2360 = vector.broadcast %div3A_2359 : f32 to vector<16xf32>
    %div3A_2361 = arith.divf %get3A_2281, %div3A_2360 : vector<16xf32>
    %div3A_2362 = arith.constant 7.000000e+00 : f32
    %div3A_2363 = vector.broadcast %div3A_2362 : f32 to vector<16xf32>
    %div3A_2364 = arith.divf %get3A_2283, %div3A_2363 : vector<16xf32>
    %mul3A_2365 = arith.constant 5.000000e-01 : f32
    %mul3A_2366 = vector.broadcast %mul3A_2365 : f32 to vector<16xf32>
    %mul3A_2367 = arith.mulf %mul3A_2366, %get3A_2285 : vector<16xf32>
    %sub3A_2368 = arith.subf %div3A_2361, %mul3A_2367 : vector<16xf32>
    %mul3A_2369 = arith.constant 5.000000e-01 : f32
    %mul3A_2370 = vector.broadcast %mul3A_2369 : f32 to vector<16xf32>
    %mul3A_2371 = arith.mulf %mul3A_2370, %get3A_2285 : vector<16xf32>
    %add3A_2372 = arith.addf %div3A_2361, %mul3A_2371 : vector<16xf32>
    %mul3A_2373 = arith.constant 5.000000e-01 : f32
    %mul3A_2374 = vector.broadcast %mul3A_2373 : f32 to vector<16xf32>
    %mul3A_2375 = arith.mulf %mul3A_2374, %get3A_2287 : vector<16xf32>
    %sub3A_2376 = arith.subf %div3A_2364, %mul3A_2375 : vector<16xf32>
    %mul3A_2377 = arith.constant 5.000000e-01 : f32
    %mul3A_2378 = vector.broadcast %mul3A_2377 : f32 to vector<16xf32>
    %mul3A_2379 = arith.mulf %mul3A_2378, %get3A_2287 : vector<16xf32>
    %add3A_2380 = arith.addf %div3A_2364, %mul3A_2379 : vector<16xf32>
    %min3A_2381 = arith.minimumf %add3A_2372, %add3A_2353 : vector<16xf32>
    %max3A_2382 = arith.maximumf %sub3A_2368, %sub3A_2352 : vector<16xf32>
    %sub3A_2383 = arith.subf %min3A_2381, %max3A_2382 : vector<16xf32>
    %max3A_2384 = arith.constant 0.000000e+00 : f32
    %max3A_2385 = vector.broadcast %max3A_2384 : f32 to vector<16xf32>
    %max3A_2386 = arith.maximumf %sub3A_2383, %max3A_2385 : vector<16xf32>
    %min3A_2387 = arith.minimumf %add3A_2380, %add3A_2355 : vector<16xf32>
    %max3A_2388 = arith.maximumf %sub3A_2376, %sub3A_2354 : vector<16xf32>
    %sub3A_2389 = arith.subf %min3A_2387, %max3A_2388 : vector<16xf32>
    %max3A_2390 = arith.constant 0.000000e+00 : f32
    %max3A_2391 = vector.broadcast %max3A_2390 : f32 to vector<16xf32>
    %max3A_2392 = arith.maximumf %sub3A_2389, %max3A_2391 : vector<16xf32>
    %mul3A_2393 = arith.mulf %max3A_2386, %max3A_2392 : vector<16xf32>
    %sub3A_2394 = arith.subf %add3A_2372, %sub3A_2368 : vector<16xf32>
    %sub3A_2395 = arith.subf %add3A_2380, %sub3A_2376 : vector<16xf32>
    %mul3A_2396 = arith.mulf %sub3A_2394, %sub3A_2395 : vector<16xf32>
    %add3A_2397 = arith.addf %mul3A_2396, %mul3A_2358 : vector<16xf32>
    %sub3A_2398 = arith.subf %add3A_2397, %mul3A_2393 : vector<16xf32>
    %div3A_2399 = arith.divf %mul3A_2393, %sub3A_2398 : vector<16xf32>
    %div3A_2400 = arith.constant 7.000000e+00 : f32
    %div3A_2401 = vector.broadcast %div3A_2400 : f32 to vector<16xf32>
    %div3A_2402 = arith.divf %get3A_2291, %div3A_2401 : vector<16xf32>
    %div3A_2403 = arith.constant 7.000000e+00 : f32
    %div3A_2404 = vector.broadcast %div3A_2403 : f32 to vector<16xf32>
    %div3A_2405 = arith.divf %get3A_2293, %div3A_2404 : vector<16xf32>
    %mul3A_2406 = arith.constant 5.000000e-01 : f32
    %mul3A_2407 = vector.broadcast %mul3A_2406 : f32 to vector<16xf32>
    %mul3A_2408 = arith.mulf %mul3A_2407, %get3A_2295 : vector<16xf32>
    %sub3A_2409 = arith.subf %div3A_2402, %mul3A_2408 : vector<16xf32>
    %mul3A_2410 = arith.constant 5.000000e-01 : f32
    %mul3A_2411 = vector.broadcast %mul3A_2410 : f32 to vector<16xf32>
    %mul3A_2412 = arith.mulf %mul3A_2411, %get3A_2295 : vector<16xf32>
    %add3A_2413 = arith.addf %div3A_2402, %mul3A_2412 : vector<16xf32>
    %mul3A_2414 = arith.constant 5.000000e-01 : f32
    %mul3A_2415 = vector.broadcast %mul3A_2414 : f32 to vector<16xf32>
    %mul3A_2416 = arith.mulf %mul3A_2415, %get3A_2297 : vector<16xf32>
    %sub3A_2417 = arith.subf %div3A_2405, %mul3A_2416 : vector<16xf32>
    %mul3A_2418 = arith.constant 5.000000e-01 : f32
    %mul3A_2419 = vector.broadcast %mul3A_2418 : f32 to vector<16xf32>
    %mul3A_2420 = arith.mulf %mul3A_2419, %get3A_2297 : vector<16xf32>
    %add3A_2421 = arith.addf %div3A_2405, %mul3A_2420 : vector<16xf32>
    %min3A_2422 = arith.minimumf %add3A_2413, %add3A_2353 : vector<16xf32>
    %max3A_2423 = arith.maximumf %sub3A_2409, %sub3A_2352 : vector<16xf32>
    %sub3A_2424 = arith.subf %min3A_2422, %max3A_2423 : vector<16xf32>
    %max3A_2425 = arith.constant 0.000000e+00 : f32
    %max3A_2426 = vector.broadcast %max3A_2425 : f32 to vector<16xf32>
    %max3A_2427 = arith.maximumf %sub3A_2424, %max3A_2426 : vector<16xf32>
    %min3A_2428 = arith.minimumf %add3A_2421, %add3A_2355 : vector<16xf32>
    %max3A_2429 = arith.maximumf %sub3A_2417, %sub3A_2354 : vector<16xf32>
    %sub3A_2430 = arith.subf %min3A_2428, %max3A_2429 : vector<16xf32>
    %max3A_2431 = arith.constant 0.000000e+00 : f32
    %max3A_2432 = vector.broadcast %max3A_2431 : f32 to vector<16xf32>
    %max3A_2433 = arith.maximumf %sub3A_2430, %max3A_2432 : vector<16xf32>
    %mul3A_2434 = arith.mulf %max3A_2427, %max3A_2433 : vector<16xf32>
    %sub3A_2435 = arith.subf %add3A_2413, %sub3A_2409 : vector<16xf32>
    %sub3A_2436 = arith.subf %add3A_2421, %sub3A_2417 : vector<16xf32>
    %mul3A_2437 = arith.mulf %sub3A_2435, %sub3A_2436 : vector<16xf32>
    %add3A_2438 = arith.addf %mul3A_2437, %mul3A_2358 : vector<16xf32>
    %sub3A_2439 = arith.subf %add3A_2438, %mul3A_2434 : vector<16xf32>
    %div3A_2440 = arith.divf %mul3A_2434, %sub3A_2439 : vector<16xf32>
    %ge3A_2441 = arith.cmpf oge, %div3A_2399, %div3A_2440 : vector<16xf32>
    %ne3A_2442 = arith.cmpf one, %div3A_2399, %div3A_2399 : vector<16xf32>
    %or3A_2443 = arith.ori %ge3A_2441, %ne3A_2442 : vector<16xi1>
    %select_n3A_2444 = arith.select %or3A_2443, %div3A_2399, %div3A_2440 : vector<16xi1>, vector<16xf32>
    %select_n3A_2445 = arith.select %or3A_2443, %get3A_2281, %get3A_2291 : vector<16xi1>, vector<16xf32>
    %select_n3A_2446 = arith.select %or3A_2443, %get3A_2283, %get3A_2293 : vector<16xi1>, vector<16xf32>
    %select_n3A_2447 = arith.select %or3A_2443, %get3A_2285, %get3A_2295 : vector<16xi1>, vector<16xf32>
    %select_n3A_2448 = arith.select %or3A_2443, %get3A_2287, %get3A_2297 : vector<16xi1>, vector<16xf32>
    %select_n3A_2449 = arith.select %or3A_2443, %get3A_2289, %get3A_2299 : vector<16xi1>, vector<16xf32>
    %sub3A_2450 = arith.subf %select_n3A_2445, %gather3A_2275 : vector<16xf32>
    %sub3A_2451 = arith.subf %select_n3A_2446, %gather3A_2276 : vector<16xf32>
    %mul3A_2452 = arith.mulf %sub3A_2450, %sub3A_2450 : vector<16xf32>
    %mul3A_2453 = arith.mulf %sub3A_2451, %sub3A_2451 : vector<16xf32>
    %add3A_2454 = arith.addf %mul3A_2452, %mul3A_2453 : vector<16xf32>
    %bitcast3A_2455 = vector.bitcast %select_n3A_2447 : vector<16xf32> to vector<16xi32>
    %shift_right_arithmetic3A_2456 = arith.constant 1 : i32
    %shift_right_arithmetic3A_2457 = vector.broadcast %shift_right_arithmetic3A_2456 : i32 to vector<16xi32>
    %shift_right_arithmetic3A_2458 = arith.shrsi %bitcast3A_2455, %shift_right_arithmetic3A_2457 : vector<16xi32>
    %sub3A_2459 = arith.constant 1597463007 : i32
    %sub3A_2460 = vector.broadcast %sub3A_2459 : i32 to vector<16xi32>
    %sub3A_2461 = arith.subi %sub3A_2460, %shift_right_arithmetic3A_2458 : vector<16xi32>
    %bitcast3A_2462 = vector.bitcast %sub3A_2461 : vector<16xi32> to vector<16xf32>
    %mul3A_2463 = arith.constant 5.000000e-01 : f32
    %mul3A_2464 = vector.broadcast %mul3A_2463 : f32 to vector<16xf32>
    %mul3A_2465 = arith.mulf %mul3A_2464, %select_n3A_2447 : vector<16xf32>
    %mul3A_2466 = arith.mulf %mul3A_2465, %bitcast3A_2462 : vector<16xf32>
    %mul3A_2467 = arith.mulf %mul3A_2466, %bitcast3A_2462 : vector<16xf32>
    %sub3A_2468 = arith.constant 1.500000e+00 : f32
    %sub3A_2469 = vector.broadcast %sub3A_2468 : f32 to vector<16xf32>
    %sub3A_2470 = arith.subf %sub3A_2469, %mul3A_2467 : vector<16xf32>
    %mul3A_2471 = arith.mulf %bitcast3A_2462, %sub3A_2470 : vector<16xf32>
    %mul3A_2472 = arith.mulf %mul3A_2465, %mul3A_2471 : vector<16xf32>
    %mul3A_2473 = arith.mulf %mul3A_2472, %mul3A_2471 : vector<16xf32>
    %sub3A_2474 = arith.constant 1.500000e+00 : f32
    %sub3A_2475 = vector.broadcast %sub3A_2474 : f32 to vector<16xf32>
    %sub3A_2476 = arith.subf %sub3A_2475, %mul3A_2473 : vector<16xf32>
    %mul3A_2477 = arith.mulf %mul3A_2471, %sub3A_2476 : vector<16xf32>
    %mul3A_2478 = arith.mulf %mul3A_2465, %mul3A_2477 : vector<16xf32>
    %mul3A_2479 = arith.mulf %mul3A_2478, %mul3A_2477 : vector<16xf32>
    %sub3A_2480 = arith.constant 1.500000e+00 : f32
    %sub3A_2481 = vector.broadcast %sub3A_2480 : f32 to vector<16xf32>
    %sub3A_2482 = arith.subf %sub3A_2481, %mul3A_2479 : vector<16xf32>
    %mul3A_2483 = arith.mulf %mul3A_2477, %sub3A_2482 : vector<16xf32>
    %mul3A_2484 = arith.mulf %mul3A_2465, %mul3A_2483 : vector<16xf32>
    %mul3A_2485 = arith.mulf %mul3A_2484, %mul3A_2483 : vector<16xf32>
    %sub3A_2486 = arith.constant 1.500000e+00 : f32
    %sub3A_2487 = vector.broadcast %sub3A_2486 : f32 to vector<16xf32>
    %sub3A_2488 = arith.subf %sub3A_2487, %mul3A_2485 : vector<16xf32>
    %mul3A_2489 = arith.mulf %mul3A_2483, %sub3A_2488 : vector<16xf32>
    %mul3A_2490 = arith.mulf %select_n3A_2447, %mul3A_2489 : vector<16xf32>
    %bitcast3A_2491 = vector.bitcast %gather3A_2277 : vector<16xf32> to vector<16xi32>
    %shift_right_arithmetic3A_2492 = arith.constant 1 : i32
    %shift_right_arithmetic3A_2493 = vector.broadcast %shift_right_arithmetic3A_2492 : i32 to vector<16xi32>
    %shift_right_arithmetic3A_2494 = arith.shrsi %bitcast3A_2491, %shift_right_arithmetic3A_2493 : vector<16xi32>
    %sub3A_2495 = arith.constant 1597463007 : i32
    %sub3A_2496 = vector.broadcast %sub3A_2495 : i32 to vector<16xi32>
    %sub3A_2497 = arith.subi %sub3A_2496, %shift_right_arithmetic3A_2494 : vector<16xi32>
    %bitcast3A_2498 = vector.bitcast %sub3A_2497 : vector<16xi32> to vector<16xf32>
    %mul3A_2499 = arith.constant 5.000000e-01 : f32
    %mul3A_2500 = vector.broadcast %mul3A_2499 : f32 to vector<16xf32>
    %mul3A_2501 = arith.mulf %mul3A_2500, %gather3A_2277 : vector<16xf32>
    %mul3A_2502 = arith.mulf %mul3A_2501, %bitcast3A_2498 : vector<16xf32>
    %mul3A_2503 = arith.mulf %mul3A_2502, %bitcast3A_2498 : vector<16xf32>
    %sub3A_2504 = arith.constant 1.500000e+00 : f32
    %sub3A_2505 = vector.broadcast %sub3A_2504 : f32 to vector<16xf32>
    %sub3A_2506 = arith.subf %sub3A_2505, %mul3A_2503 : vector<16xf32>
    %mul3A_2507 = arith.mulf %bitcast3A_2498, %sub3A_2506 : vector<16xf32>
    %mul3A_2508 = arith.mulf %mul3A_2501, %mul3A_2507 : vector<16xf32>
    %mul3A_2509 = arith.mulf %mul3A_2508, %mul3A_2507 : vector<16xf32>
    %sub3A_2510 = arith.constant 1.500000e+00 : f32
    %sub3A_2511 = vector.broadcast %sub3A_2510 : f32 to vector<16xf32>
    %sub3A_2512 = arith.subf %sub3A_2511, %mul3A_2509 : vector<16xf32>
    %mul3A_2513 = arith.mulf %mul3A_2507, %sub3A_2512 : vector<16xf32>
    %mul3A_2514 = arith.mulf %mul3A_2501, %mul3A_2513 : vector<16xf32>
    %mul3A_2515 = arith.mulf %mul3A_2514, %mul3A_2513 : vector<16xf32>
    %sub3A_2516 = arith.constant 1.500000e+00 : f32
    %sub3A_2517 = vector.broadcast %sub3A_2516 : f32 to vector<16xf32>
    %sub3A_2518 = arith.subf %sub3A_2517, %mul3A_2515 : vector<16xf32>
    %mul3A_2519 = arith.mulf %mul3A_2513, %sub3A_2518 : vector<16xf32>
    %mul3A_2520 = arith.mulf %mul3A_2501, %mul3A_2519 : vector<16xf32>
    %mul3A_2521 = arith.mulf %mul3A_2520, %mul3A_2519 : vector<16xf32>
    %sub3A_2522 = arith.constant 1.500000e+00 : f32
    %sub3A_2523 = vector.broadcast %sub3A_2522 : f32 to vector<16xf32>
    %sub3A_2524 = arith.subf %sub3A_2523, %mul3A_2521 : vector<16xf32>
    %mul3A_2525 = arith.mulf %mul3A_2519, %sub3A_2524 : vector<16xf32>
    %mul3A_2526 = arith.mulf %gather3A_2277, %mul3A_2525 : vector<16xf32>
    %sub3A_2527 = arith.subf %mul3A_2490, %mul3A_2526 : vector<16xf32>
    %bitcast3A_2528 = vector.bitcast %select_n3A_2448 : vector<16xf32> to vector<16xi32>
    %shift_right_arithmetic3A_2529 = arith.constant 1 : i32
    %shift_right_arithmetic3A_2530 = vector.broadcast %shift_right_arithmetic3A_2529 : i32 to vector<16xi32>
    %shift_right_arithmetic3A_2531 = arith.shrsi %bitcast3A_2528, %shift_right_arithmetic3A_2530 : vector<16xi32>
    %sub3A_2532 = arith.constant 1597463007 : i32
    %sub3A_2533 = vector.broadcast %sub3A_2532 : i32 to vector<16xi32>
    %sub3A_2534 = arith.subi %sub3A_2533, %shift_right_arithmetic3A_2531 : vector<16xi32>
    %bitcast3A_2535 = vector.bitcast %sub3A_2534 : vector<16xi32> to vector<16xf32>
    %mul3A_2536 = arith.constant 5.000000e-01 : f32
    %mul3A_2537 = vector.broadcast %mul3A_2536 : f32 to vector<16xf32>
    %mul3A_2538 = arith.mulf %mul3A_2537, %select_n3A_2448 : vector<16xf32>
    %mul3A_2539 = arith.mulf %mul3A_2538, %bitcast3A_2535 : vector<16xf32>
    %mul3A_2540 = arith.mulf %mul3A_2539, %bitcast3A_2535 : vector<16xf32>
    %sub3A_2541 = arith.constant 1.500000e+00 : f32
    %sub3A_2542 = vector.broadcast %sub3A_2541 : f32 to vector<16xf32>
    %sub3A_2543 = arith.subf %sub3A_2542, %mul3A_2540 : vector<16xf32>
    %mul3A_2544 = arith.mulf %bitcast3A_2535, %sub3A_2543 : vector<16xf32>
    %mul3A_2545 = arith.mulf %mul3A_2538, %mul3A_2544 : vector<16xf32>
    %mul3A_2546 = arith.mulf %mul3A_2545, %mul3A_2544 : vector<16xf32>
    %sub3A_2547 = arith.constant 1.500000e+00 : f32
    %sub3A_2548 = vector.broadcast %sub3A_2547 : f32 to vector<16xf32>
    %sub3A_2549 = arith.subf %sub3A_2548, %mul3A_2546 : vector<16xf32>
    %mul3A_2550 = arith.mulf %mul3A_2544, %sub3A_2549 : vector<16xf32>
    %mul3A_2551 = arith.mulf %mul3A_2538, %mul3A_2550 : vector<16xf32>
    %mul3A_2552 = arith.mulf %mul3A_2551, %mul3A_2550 : vector<16xf32>
    %sub3A_2553 = arith.constant 1.500000e+00 : f32
    %sub3A_2554 = vector.broadcast %sub3A_2553 : f32 to vector<16xf32>
    %sub3A_2555 = arith.subf %sub3A_2554, %mul3A_2552 : vector<16xf32>
    %mul3A_2556 = arith.mulf %mul3A_2550, %sub3A_2555 : vector<16xf32>
    %mul3A_2557 = arith.mulf %mul3A_2538, %mul3A_2556 : vector<16xf32>
    %mul3A_2558 = arith.mulf %mul3A_2557, %mul3A_2556 : vector<16xf32>
    %sub3A_2559 = arith.constant 1.500000e+00 : f32
    %sub3A_2560 = vector.broadcast %sub3A_2559 : f32 to vector<16xf32>
    %sub3A_2561 = arith.subf %sub3A_2560, %mul3A_2558 : vector<16xf32>
    %mul3A_2562 = arith.mulf %mul3A_2556, %sub3A_2561 : vector<16xf32>
    %mul3A_2563 = arith.mulf %select_n3A_2448, %mul3A_2562 : vector<16xf32>
    %bitcast3A_2564 = vector.bitcast %gather3A_2278 : vector<16xf32> to vector<16xi32>
    %shift_right_arithmetic3A_2565 = arith.constant 1 : i32
    %shift_right_arithmetic3A_2566 = vector.broadcast %shift_right_arithmetic3A_2565 : i32 to vector<16xi32>
    %shift_right_arithmetic3A_2567 = arith.shrsi %bitcast3A_2564, %shift_right_arithmetic3A_2566 : vector<16xi32>
    %sub3A_2568 = arith.constant 1597463007 : i32
    %sub3A_2569 = vector.broadcast %sub3A_2568 : i32 to vector<16xi32>
    %sub3A_2570 = arith.subi %sub3A_2569, %shift_right_arithmetic3A_2567 : vector<16xi32>
    %bitcast3A_2571 = vector.bitcast %sub3A_2570 : vector<16xi32> to vector<16xf32>
    %mul3A_2572 = arith.constant 5.000000e-01 : f32
    %mul3A_2573 = vector.broadcast %mul3A_2572 : f32 to vector<16xf32>
    %mul3A_2574 = arith.mulf %mul3A_2573, %gather3A_2278 : vector<16xf32>
    %mul3A_2575 = arith.mulf %mul3A_2574, %bitcast3A_2571 : vector<16xf32>
    %mul3A_2576 = arith.mulf %mul3A_2575, %bitcast3A_2571 : vector<16xf32>
    %sub3A_2577 = arith.constant 1.500000e+00 : f32
    %sub3A_2578 = vector.broadcast %sub3A_2577 : f32 to vector<16xf32>
    %sub3A_2579 = arith.subf %sub3A_2578, %mul3A_2576 : vector<16xf32>
    %mul3A_2580 = arith.mulf %bitcast3A_2571, %sub3A_2579 : vector<16xf32>
    %mul3A_2581 = arith.mulf %mul3A_2574, %mul3A_2580 : vector<16xf32>
    %mul3A_2582 = arith.mulf %mul3A_2581, %mul3A_2580 : vector<16xf32>
    %sub3A_2583 = arith.constant 1.500000e+00 : f32
    %sub3A_2584 = vector.broadcast %sub3A_2583 : f32 to vector<16xf32>
    %sub3A_2585 = arith.subf %sub3A_2584, %mul3A_2582 : vector<16xf32>
    %mul3A_2586 = arith.mulf %mul3A_2580, %sub3A_2585 : vector<16xf32>
    %mul3A_2587 = arith.mulf %mul3A_2574, %mul3A_2586 : vector<16xf32>
    %mul3A_2588 = arith.mulf %mul3A_2587, %mul3A_2586 : vector<16xf32>
    %sub3A_2589 = arith.constant 1.500000e+00 : f32
    %sub3A_2590 = vector.broadcast %sub3A_2589 : f32 to vector<16xf32>
    %sub3A_2591 = arith.subf %sub3A_2590, %mul3A_2588 : vector<16xf32>
    %mul3A_2592 = arith.mulf %mul3A_2586, %sub3A_2591 : vector<16xf32>
    %mul3A_2593 = arith.mulf %mul3A_2574, %mul3A_2592 : vector<16xf32>
    %mul3A_2594 = arith.mulf %mul3A_2593, %mul3A_2592 : vector<16xf32>
    %sub3A_2595 = arith.constant 1.500000e+00 : f32
    %sub3A_2596 = vector.broadcast %sub3A_2595 : f32 to vector<16xf32>
    %sub3A_2597 = arith.subf %sub3A_2596, %mul3A_2594 : vector<16xf32>
    %mul3A_2598 = arith.mulf %mul3A_2592, %sub3A_2597 : vector<16xf32>
    %mul3A_2599 = arith.mulf %gather3A_2278, %mul3A_2598 : vector<16xf32>
    %sub3A_2600 = arith.subf %mul3A_2563, %mul3A_2599 : vector<16xf32>
    %mul3A_2601 = arith.mulf %sub3A_2527, %sub3A_2527 : vector<16xf32>
    %mul3A_2602 = arith.mulf %sub3A_2600, %sub3A_2600 : vector<16xf32>
    %add3A_2603 = arith.addf %mul3A_2601, %mul3A_2602 : vector<16xf32>
    %sub3A_2604 = arith.subf %select_n3A_2449, %select_n3A_2444 : vector<16xf32>
    %mul3A_2605 = arith.mulf %sub3A_2604, %sub3A_2604 : vector<16xf32>
    %broadcast_in_dim3A_2606 = arith.constant 0.000000e+00 : f32
    %broadcast_in_dim3A_2607 = vector.broadcast %broadcast_in_dim3A_2606 : f32 to vector<16xf32>
    %mul3A_2608 = arith.mulf %get3A_2301, %get3A_2301 : vector<16xf32>
    %add3A_2609 = arith.addf %broadcast_in_dim3A_2607, %mul3A_2608 : vector<16xf32>
    %mul3A_2610 = arith.mulf %get3A_2303, %get3A_2303 : vector<16xf32>
    %add3A_2611 = arith.addf %add3A_2609, %mul3A_2610 : vector<16xf32>
    %mul3A_2612 = arith.mulf %get3A_2305, %get3A_2305 : vector<16xf32>
    %add3A_2613 = arith.addf %add3A_2611, %mul3A_2612 : vector<16xf32>
    %mul3A_2614 = arith.mulf %get3A_2307, %get3A_2307 : vector<16xf32>
    %add3A_2615 = arith.addf %add3A_2613, %mul3A_2614 : vector<16xf32>
    %mul3A_2616 = arith.mulf %get3A_2309, %get3A_2309 : vector<16xf32>
    %add3A_2617 = arith.addf %add3A_2615, %mul3A_2616 : vector<16xf32>
    %mul3A_2618 = arith.mulf %get3A_2311, %get3A_2311 : vector<16xf32>
    %add3A_2619 = arith.addf %add3A_2617, %mul3A_2618 : vector<16xf32>
    %mul3A_2620 = arith.mulf %get3A_2313, %get3A_2313 : vector<16xf32>
    %add3A_2621 = arith.addf %add3A_2619, %mul3A_2620 : vector<16xf32>
    %mul3A_2622 = arith.mulf %get3A_2315, %get3A_2315 : vector<16xf32>
    %add3A_2623 = arith.addf %add3A_2621, %mul3A_2622 : vector<16xf32>
    %mul3A_2624 = arith.mulf %get3A_2317, %get3A_2317 : vector<16xf32>
    %add3A_2625 = arith.addf %add3A_2623, %mul3A_2624 : vector<16xf32>
    %mul3A_2626 = arith.mulf %get3A_2319, %get3A_2319 : vector<16xf32>
    %add3A_2627 = arith.addf %add3A_2625, %mul3A_2626 : vector<16xf32>
    %mul3A_2628 = arith.mulf %get3A_2321, %get3A_2321 : vector<16xf32>
    %add3A_2629 = arith.addf %add3A_2627, %mul3A_2628 : vector<16xf32>
    %mul3A_2630 = arith.mulf %get3A_2323, %get3A_2323 : vector<16xf32>
    %add3A_2631 = arith.addf %add3A_2629, %mul3A_2630 : vector<16xf32>
    %mul3A_2632 = arith.mulf %get3A_2325, %get3A_2325 : vector<16xf32>
    %add3A_2633 = arith.addf %add3A_2631, %mul3A_2632 : vector<16xf32>
    %mul3A_2634 = arith.mulf %get3A_2327, %get3A_2327 : vector<16xf32>
    %add3A_2635 = arith.addf %add3A_2633, %mul3A_2634 : vector<16xf32>
    %mul3A_2636 = arith.mulf %get3A_2329, %get3A_2329 : vector<16xf32>
    %add3A_2637 = arith.addf %add3A_2635, %mul3A_2636 : vector<16xf32>
    %mul3A_2638 = arith.mulf %get3A_2331, %get3A_2331 : vector<16xf32>
    %add3A_2639 = arith.addf %add3A_2637, %mul3A_2638 : vector<16xf32>
    %mul3A_2640 = arith.mulf %get3A_2333, %get3A_2333 : vector<16xf32>
    %add3A_2641 = arith.addf %add3A_2639, %mul3A_2640 : vector<16xf32>
    %mul3A_2642 = arith.mulf %get3A_2335, %get3A_2335 : vector<16xf32>
    %add3A_2643 = arith.addf %add3A_2641, %mul3A_2642 : vector<16xf32>
    %mul3A_2644 = arith.mulf %get3A_2337, %get3A_2337 : vector<16xf32>
    %add3A_2645 = arith.addf %add3A_2643, %mul3A_2644 : vector<16xf32>
    %mul3A_2646 = arith.mulf %get3A_2339, %get3A_2339 : vector<16xf32>
    %add3A_2647 = arith.addf %add3A_2645, %mul3A_2646 : vector<16xf32>
    %add3A_2648 = arith.constant 10 : i32
    %add3A_2649 = vector.broadcast %add3A_2648 : i32 to vector<16xi32>
    %add3A_2650 = arith.addi %add3A_2649, %gather3A_2279 : vector<16xi32>
    %mul3A_2651 = arith.constant 64 : i32
    %mul3A_2652 = vector.broadcast %mul3A_2651 : i32 to vector<16xi32>
    %mul3A_2653 = arith.muli %add3A_2650, %mul3A_2652 : vector<16xi32>
    %add3A_2654 = arith.constant 32 : i32
    %add3A_2655 = vector.broadcast %add3A_2654 : i32 to vector<16xi32>
    %add3A_2656 = arith.addi %mul3A_2653, %add3A_2655 : vector<16xi32>
    %add3A_2657 = arith.addi %add3A_2656, %iota3A : vector<16xi32>
    %gather3A_2658 = tpu.vector_load_idx %arg6[%add3A_2657] : memref<1920xf32, #tpu.memory_space<vmem>>[vector<16xi32>], vector<16xf32>,
    %mul3A_2659 = arith.constant 2.000000e+00 : f32
    %mul3A_2660 = vector.broadcast %mul3A_2659 : f32 to vector<16xf32>
    %mul3A_2661 = arith.mulf %mul3A_2660, %gather3A_2658 : vector<16xf32>
    %sub3A_2662 = arith.subf %add3A_2647, %mul3A_2661 : vector<16xf32>
    %add3A_2663 = arith.constant 1.000000e+00 : f32
    %add3A_2664 = vector.broadcast %add3A_2663 : f32 to vector<16xf32>
    %add3A_2665 = arith.addf %sub3A_2662, %add3A_2664 : vector<16xf32>
    %and3A_2666 = arith.andi %ge3A_2267, %ge3A_2271 : vector<16xi1>
    %add3A_2667 = arith.addf %add3A_2454, %add3A_2603 : vector<16xf32>
    %jit3A_2668 = arith.constant 0.000000e+00 : f32
    %broadcast_in_dim3A_2669 = vector.broadcast %jit3A_2668 : f32 to vector<16xf32>
    %select_n3A_2670 = arith.select %and3A_2666, %add3A_2667, %broadcast_in_dim3A_2669 : vector<16xi1>, vector<16xf32>
    %add3A_2671 = arith.addf %add3A_2240, %select_n3A_2670 : vector<16xf32>
    %jit3A_2672 = arith.constant 0.000000e+00 : f32
    %broadcast_in_dim3A_2673 = vector.broadcast %jit3A_2672 : f32 to vector<16xf32>
    %select_n3A_2674 = arith.select %and3A_2666, %mul3A_2605, %broadcast_in_dim3A_2673 : vector<16xi1>, vector<16xf32>
    %add3A_2675 = arith.addf %add3A_2244, %select_n3A_2674 : vector<16xf32>
    %jit3A_2676 = arith.constant 0.000000e+00 : f32
    %broadcast_in_dim3A_2677 = vector.broadcast %jit3A_2676 : f32 to vector<16xf32>
    %select_n3A_2678 = arith.select %and3A_2666, %add3A_2665, %broadcast_in_dim3A_2677 : vector<16xi1>, vector<16xf32>
    %add3A_2679 = arith.addf %add3A_2248, %select_n3A_2678 : vector<16xf32>
    %not3A_2680 = arith.constant dense<true> : vector<16xi1>
    %not3A_2681 = arith.xori %ge3A_2271, %not3A_2680 : vector<16xi1>
    %and3A_2682 = arith.andi %ge3A_2267, %not3A_2681 : vector<16xi1>
    %mul3A_2683 = arith.mulf %get3A_2289, %get3A_2289 : vector<16xf32>
    %mul3A_2684 = arith.mulf %get3A_2299, %get3A_2299 : vector<16xf32>
    %add3A_2685 = arith.addf %mul3A_2683, %mul3A_2684 : vector<16xf32>
    %jit3A_2686 = arith.constant 0.000000e+00 : f32
    %broadcast_in_dim3A_2687 = vector.broadcast %jit3A_2686 : f32 to vector<16xf32>
    %select_n3A_2688 = arith.select %and3A_2682, %add3A_2685, %broadcast_in_dim3A_2687 : vector<16xi1>, vector<16xf32>
    %add3A_2689 = arith.addf %add3A_2258, %select_n3A_2688 : vector<16xf32>
    %add3A_2690 = arith.constant 3 : i32
    %add3A_2691 = arith.addi %mul3A_0, %add3A_2690 : i32
    %mul3A_2692 = arith.constant 16 : i32
    %mul3A_2693 = arith.muli %add3A_2691, %mul3A_2692 : i32
    %add3A_2694 = vector.broadcast %mul3A_2693 : i32 to vector<16xi32>
    %add3A_2695 = arith.addi %add3A_2694, %iota3A : vector<16xi32>
    %ge3A_2696 = arith.constant 0 : i32
    %ge3A_2697 = vector.broadcast %ge3A_2696 : i32 to vector<16xi32>
    %ge3A_2698 = arith.cmpi sge, %iota3A, %ge3A_2697 : vector<16xi32>
    %eq3A = arith.constant 15 : i32
    %eq3A_2699 = arith.cmpi eq, %arg1, %eq3A : i32
    %and3A_2700 = vector.broadcast %eq3A_2699 : i1 to vector<16xi1>
    %and3A_2701 = arith.andi %ge3A_2698, %and3A_2700 : vector<16xi1>
    %gather3A_2702 = tpu.vector_load_idx %arg14[%add3A_2695] : memref<784xi32, #tpu.memory_space<vmem>>[vector<16xi32>], vector<16xi32>,
    %ge3A_2703 = arith.constant 0 : i32
    %ge3A_2704 = vector.broadcast %ge3A_2703 : i32 to vector<16xi32>
    %ge3A_2705 = arith.cmpi sge, %gather3A_2702, %ge3A_2704 : vector<16xi32>
    %max3A_2706 = arith.constant 0 : i32
    %max3A_2707 = vector.broadcast %max3A_2706 : i32 to vector<16xi32>
    %max3A_2708 = arith.maxsi %gather3A_2702, %max3A_2707 : vector<16xi32>
    %gather3A_2709 = tpu.vector_load_idx %arg9[%max3A_2708] : memref<128xf32, #tpu.memory_space<vmem>>[vector<16xi32>], vector<16xf32>,
    %gather3A_2710 = tpu.vector_load_idx %arg10[%max3A_2708] : memref<128xf32, #tpu.memory_space<vmem>>[vector<16xi32>], vector<16xf32>,
    %gather3A_2711 = tpu.vector_load_idx %arg11[%max3A_2708] : memref<128xf32, #tpu.memory_space<vmem>>[vector<16xi32>], vector<16xf32>,
    %gather3A_2712 = tpu.vector_load_idx %arg12[%max3A_2708] : memref<128xf32, #tpu.memory_space<vmem>>[vector<16xi32>], vector<16xf32>,
    %gather3A_2713 = tpu.vector_load_idx %arg8[%max3A_2708] : memref<128xi32, #tpu.memory_space<vmem>>[vector<16xi32>], vector<16xi32>,
    %get3A_2714 = arith.constant 48 : index
    %get3A_2715 = tpu.vector_load %arg6[%get3A_2714] {strides = array<i32>} : memref<1920xf32, #tpu.memory_space<vmem>>, vector<16xf32>,
    %get3A_2716 = arith.constant 112 : index
    %get3A_2717 = tpu.vector_load %arg6[%get3A_2716] {strides = array<i32>} : memref<1920xf32, #tpu.memory_space<vmem>>, vector<16xf32>,
    %get3A_2718 = arith.constant 176 : index
    %get3A_2719 = tpu.vector_load %arg6[%get3A_2718] {strides = array<i32>} : memref<1920xf32, #tpu.memory_space<vmem>>, vector<16xf32>,
    %get3A_2720 = arith.constant 240 : index
    %get3A_2721 = tpu.vector_load %arg6[%get3A_2720] {strides = array<i32>} : memref<1920xf32, #tpu.memory_space<vmem>>, vector<16xf32>,
    %get3A_2722 = arith.constant 304 : index
    %get3A_2723 = tpu.vector_load %arg6[%get3A_2722] {strides = array<i32>} : memref<1920xf32, #tpu.memory_space<vmem>>, vector<16xf32>,
    %get3A_2724 = arith.constant 368 : index
    %get3A_2725 = tpu.vector_load %arg6[%get3A_2724] {strides = array<i32>} : memref<1920xf32, #tpu.memory_space<vmem>>, vector<16xf32>,
    %get3A_2726 = arith.constant 432 : index
    %get3A_2727 = tpu.vector_load %arg6[%get3A_2726] {strides = array<i32>} : memref<1920xf32, #tpu.memory_space<vmem>>, vector<16xf32>,
    %get3A_2728 = arith.constant 496 : index
    %get3A_2729 = tpu.vector_load %arg6[%get3A_2728] {strides = array<i32>} : memref<1920xf32, #tpu.memory_space<vmem>>, vector<16xf32>,
    %get3A_2730 = arith.constant 560 : index
    %get3A_2731 = tpu.vector_load %arg6[%get3A_2730] {strides = array<i32>} : memref<1920xf32, #tpu.memory_space<vmem>>, vector<16xf32>,
    %get3A_2732 = arith.constant 624 : index
    %get3A_2733 = tpu.vector_load %arg6[%get3A_2732] {strides = array<i32>} : memref<1920xf32, #tpu.memory_space<vmem>>, vector<16xf32>,
    %get3A_2734 = arith.constant 688 : index
    %get3A_2735 = tpu.vector_load %arg6[%get3A_2734] {strides = array<i32>} : memref<1920xf32, #tpu.memory_space<vmem>>, vector<16xf32>,
    %get3A_2736 = arith.constant 752 : index
    %get3A_2737 = tpu.vector_load %arg6[%get3A_2736] {strides = array<i32>} : memref<1920xf32, #tpu.memory_space<vmem>>, vector<16xf32>,
    %get3A_2738 = arith.constant 816 : index
    %get3A_2739 = tpu.vector_load %arg6[%get3A_2738] {strides = array<i32>} : memref<1920xf32, #tpu.memory_space<vmem>>, vector<16xf32>,
    %get3A_2740 = arith.constant 880 : index
    %get3A_2741 = tpu.vector_load %arg6[%get3A_2740] {strides = array<i32>} : memref<1920xf32, #tpu.memory_space<vmem>>, vector<16xf32>,
    %get3A_2742 = arith.constant 944 : index
    %get3A_2743 = tpu.vector_load %arg6[%get3A_2742] {strides = array<i32>} : memref<1920xf32, #tpu.memory_space<vmem>>, vector<16xf32>,
    %get3A_2744 = arith.constant 1008 : index
    %get3A_2745 = tpu.vector_load %arg6[%get3A_2744] {strides = array<i32>} : memref<1920xf32, #tpu.memory_space<vmem>>, vector<16xf32>,
    %get3A_2746 = arith.constant 1072 : index
    %get3A_2747 = tpu.vector_load %arg6[%get3A_2746] {strides = array<i32>} : memref<1920xf32, #tpu.memory_space<vmem>>, vector<16xf32>,
    %get3A_2748 = arith.constant 1136 : index
    %get3A_2749 = tpu.vector_load %arg6[%get3A_2748] {strides = array<i32>} : memref<1920xf32, #tpu.memory_space<vmem>>, vector<16xf32>,
    %get3A_2750 = arith.constant 1200 : index
    %get3A_2751 = tpu.vector_load %arg6[%get3A_2750] {strides = array<i32>} : memref<1920xf32, #tpu.memory_space<vmem>>, vector<16xf32>,
    %get3A_2752 = arith.constant 1264 : index
    %get3A_2753 = tpu.vector_load %arg6[%get3A_2752] {strides = array<i32>} : memref<1920xf32, #tpu.memory_space<vmem>>, vector<16xf32>,
    %get3A_2754 = arith.constant 1328 : index
    %get3A_2755 = tpu.vector_load %arg6[%get3A_2754] {strides = array<i32>} : memref<1920xf32, #tpu.memory_space<vmem>>, vector<16xf32>,
    %get3A_2756 = arith.constant 1392 : index
    %get3A_2757 = tpu.vector_load %arg6[%get3A_2756] {strides = array<i32>} : memref<1920xf32, #tpu.memory_space<vmem>>, vector<16xf32>,
    %get3A_2758 = arith.constant 1456 : index
    %get3A_2759 = tpu.vector_load %arg6[%get3A_2758] {strides = array<i32>} : memref<1920xf32, #tpu.memory_space<vmem>>, vector<16xf32>,
    %get3A_2760 = arith.constant 1520 : index
    %get3A_2761 = tpu.vector_load %arg6[%get3A_2760] {strides = array<i32>} : memref<1920xf32, #tpu.memory_space<vmem>>, vector<16xf32>,
    %get3A_2762 = arith.constant 1584 : index
    %get3A_2763 = tpu.vector_load %arg6[%get3A_2762] {strides = array<i32>} : memref<1920xf32, #tpu.memory_space<vmem>>, vector<16xf32>,
    %get3A_2764 = arith.constant 1648 : index
    %get3A_2765 = tpu.vector_load %arg6[%get3A_2764] {strides = array<i32>} : memref<1920xf32, #tpu.memory_space<vmem>>, vector<16xf32>,
    %get3A_2766 = arith.constant 1712 : index
    %get3A_2767 = tpu.vector_load %arg6[%get3A_2766] {strides = array<i32>} : memref<1920xf32, #tpu.memory_space<vmem>>, vector<16xf32>,
    %get3A_2768 = arith.constant 1776 : index
    %get3A_2769 = tpu.vector_load %arg6[%get3A_2768] {strides = array<i32>} : memref<1920xf32, #tpu.memory_space<vmem>>, vector<16xf32>,
    %get3A_2770 = arith.constant 1840 : index
    %get3A_2771 = tpu.vector_load %arg6[%get3A_2770] {strides = array<i32>} : memref<1920xf32, #tpu.memory_space<vmem>>, vector<16xf32>,
    %get3A_2772 = arith.constant 1904 : index
    %get3A_2773 = tpu.vector_load %arg6[%get3A_2772] {strides = array<i32>} : memref<1920xf32, #tpu.memory_space<vmem>>, vector<16xf32>,
    %mul3A_2774 = arith.constant 5.000000e-01 : f32
    %mul3A_2775 = vector.broadcast %mul3A_2774 : f32 to vector<16xf32>
    %mul3A_2776 = arith.mulf %mul3A_2775, %gather3A_2711 : vector<16xf32>
    %mul3A_2777 = arith.constant 5.000000e-01 : f32
    %mul3A_2778 = vector.broadcast %mul3A_2777 : f32 to vector<16xf32>
    %mul3A_2779 = arith.mulf %mul3A_2778, %gather3A_2712 : vector<16xf32>
    %div3A_2780 = arith.constant 7.000000e+00 : f32
    %div3A_2781 = vector.broadcast %div3A_2780 : f32 to vector<16xf32>
    %div3A_2782 = arith.divf %gather3A_2709, %div3A_2781 : vector<16xf32>
    %div3A_2783 = arith.constant 7.000000e+00 : f32
    %div3A_2784 = vector.broadcast %div3A_2783 : f32 to vector<16xf32>
    %div3A_2785 = arith.divf %gather3A_2710, %div3A_2784 : vector<16xf32>
    %sub3A_2786 = arith.subf %div3A_2782, %mul3A_2776 : vector<16xf32>
    %add3A_2787 = arith.addf %div3A_2782, %mul3A_2776 : vector<16xf32>
    %sub3A_2788 = arith.subf %div3A_2785, %mul3A_2779 : vector<16xf32>
    %add3A_2789 = arith.addf %div3A_2785, %mul3A_2779 : vector<16xf32>
    %sub3A_2790 = arith.subf %add3A_2787, %sub3A_2786 : vector<16xf32>
    %sub3A_2791 = arith.subf %add3A_2789, %sub3A_2788 : vector<16xf32>
    %mul3A_2792 = arith.mulf %sub3A_2790, %sub3A_2791 : vector<16xf32>
    %div3A_2793 = arith.constant 7.000000e+00 : f32
    %div3A_2794 = vector.broadcast %div3A_2793 : f32 to vector<16xf32>
    %div3A_2795 = arith.divf %get3A_2715, %div3A_2794 : vector<16xf32>
    %div3A_2796 = arith.constant 7.000000e+00 : f32
    %div3A_2797 = vector.broadcast %div3A_2796 : f32 to vector<16xf32>
    %div3A_2798 = arith.divf %get3A_2717, %div3A_2797 : vector<16xf32>
    %mul3A_2799 = arith.constant 5.000000e-01 : f32
    %mul3A_2800 = vector.broadcast %mul3A_2799 : f32 to vector<16xf32>
    %mul3A_2801 = arith.mulf %mul3A_2800, %get3A_2719 : vector<16xf32>
    %sub3A_2802 = arith.subf %div3A_2795, %mul3A_2801 : vector<16xf32>
    %mul3A_2803 = arith.constant 5.000000e-01 : f32
    %mul3A_2804 = vector.broadcast %mul3A_2803 : f32 to vector<16xf32>
    %mul3A_2805 = arith.mulf %mul3A_2804, %get3A_2719 : vector<16xf32>
    %add3A_2806 = arith.addf %div3A_2795, %mul3A_2805 : vector<16xf32>
    %mul3A_2807 = arith.constant 5.000000e-01 : f32
    %mul3A_2808 = vector.broadcast %mul3A_2807 : f32 to vector<16xf32>
    %mul3A_2809 = arith.mulf %mul3A_2808, %get3A_2721 : vector<16xf32>
    %sub3A_2810 = arith.subf %div3A_2798, %mul3A_2809 : vector<16xf32>
    %mul3A_2811 = arith.constant 5.000000e-01 : f32
    %mul3A_2812 = vector.broadcast %mul3A_2811 : f32 to vector<16xf32>
    %mul3A_2813 = arith.mulf %mul3A_2812, %get3A_2721 : vector<16xf32>
    %add3A_2814 = arith.addf %div3A_2798, %mul3A_2813 : vector<16xf32>
    %min3A_2815 = arith.minimumf %add3A_2806, %add3A_2787 : vector<16xf32>
    %max3A_2816 = arith.maximumf %sub3A_2802, %sub3A_2786 : vector<16xf32>
    %sub3A_2817 = arith.subf %min3A_2815, %max3A_2816 : vector<16xf32>
    %max3A_2818 = arith.constant 0.000000e+00 : f32
    %max3A_2819 = vector.broadcast %max3A_2818 : f32 to vector<16xf32>
    %max3A_2820 = arith.maximumf %sub3A_2817, %max3A_2819 : vector<16xf32>
    %min3A_2821 = arith.minimumf %add3A_2814, %add3A_2789 : vector<16xf32>
    %max3A_2822 = arith.maximumf %sub3A_2810, %sub3A_2788 : vector<16xf32>
    %sub3A_2823 = arith.subf %min3A_2821, %max3A_2822 : vector<16xf32>
    %max3A_2824 = arith.constant 0.000000e+00 : f32
    %max3A_2825 = vector.broadcast %max3A_2824 : f32 to vector<16xf32>
    %max3A_2826 = arith.maximumf %sub3A_2823, %max3A_2825 : vector<16xf32>
    %mul3A_2827 = arith.mulf %max3A_2820, %max3A_2826 : vector<16xf32>
    %sub3A_2828 = arith.subf %add3A_2806, %sub3A_2802 : vector<16xf32>
    %sub3A_2829 = arith.subf %add3A_2814, %sub3A_2810 : vector<16xf32>
    %mul3A_2830 = arith.mulf %sub3A_2828, %sub3A_2829 : vector<16xf32>
    %add3A_2831 = arith.addf %mul3A_2830, %mul3A_2792 : vector<16xf32>
    %sub3A_2832 = arith.subf %add3A_2831, %mul3A_2827 : vector<16xf32>
    %div3A_2833 = arith.divf %mul3A_2827, %sub3A_2832 : vector<16xf32>
    %div3A_2834 = arith.constant 7.000000e+00 : f32
    %div3A_2835 = vector.broadcast %div3A_2834 : f32 to vector<16xf32>
    %div3A_2836 = arith.divf %get3A_2725, %div3A_2835 : vector<16xf32>
    %div3A_2837 = arith.constant 7.000000e+00 : f32
    %div3A_2838 = vector.broadcast %div3A_2837 : f32 to vector<16xf32>
    %div3A_2839 = arith.divf %get3A_2727, %div3A_2838 : vector<16xf32>
    %mul3A_2840 = arith.constant 5.000000e-01 : f32
    %mul3A_2841 = vector.broadcast %mul3A_2840 : f32 to vector<16xf32>
    %mul3A_2842 = arith.mulf %mul3A_2841, %get3A_2729 : vector<16xf32>
    %sub3A_2843 = arith.subf %div3A_2836, %mul3A_2842 : vector<16xf32>
    %mul3A_2844 = arith.constant 5.000000e-01 : f32
    %mul3A_2845 = vector.broadcast %mul3A_2844 : f32 to vector<16xf32>
    %mul3A_2846 = arith.mulf %mul3A_2845, %get3A_2729 : vector<16xf32>
    %add3A_2847 = arith.addf %div3A_2836, %mul3A_2846 : vector<16xf32>
    %mul3A_2848 = arith.constant 5.000000e-01 : f32
    %mul3A_2849 = vector.broadcast %mul3A_2848 : f32 to vector<16xf32>
    %mul3A_2850 = arith.mulf %mul3A_2849, %get3A_2731 : vector<16xf32>
    %sub3A_2851 = arith.subf %div3A_2839, %mul3A_2850 : vector<16xf32>
    %mul3A_2852 = arith.constant 5.000000e-01 : f32
    %mul3A_2853 = vector.broadcast %mul3A_2852 : f32 to vector<16xf32>
    %mul3A_2854 = arith.mulf %mul3A_2853, %get3A_2731 : vector<16xf32>
    %add3A_2855 = arith.addf %div3A_2839, %mul3A_2854 : vector<16xf32>
    %min3A_2856 = arith.minimumf %add3A_2847, %add3A_2787 : vector<16xf32>
    %max3A_2857 = arith.maximumf %sub3A_2843, %sub3A_2786 : vector<16xf32>
    %sub3A_2858 = arith.subf %min3A_2856, %max3A_2857 : vector<16xf32>
    %max3A_2859 = arith.constant 0.000000e+00 : f32
    %max3A_2860 = vector.broadcast %max3A_2859 : f32 to vector<16xf32>
    %max3A_2861 = arith.maximumf %sub3A_2858, %max3A_2860 : vector<16xf32>
    %min3A_2862 = arith.minimumf %add3A_2855, %add3A_2789 : vector<16xf32>
    %max3A_2863 = arith.maximumf %sub3A_2851, %sub3A_2788 : vector<16xf32>
    %sub3A_2864 = arith.subf %min3A_2862, %max3A_2863 : vector<16xf32>
    %max3A_2865 = arith.constant 0.000000e+00 : f32
    %max3A_2866 = vector.broadcast %max3A_2865 : f32 to vector<16xf32>
    %max3A_2867 = arith.maximumf %sub3A_2864, %max3A_2866 : vector<16xf32>
    %mul3A_2868 = arith.mulf %max3A_2861, %max3A_2867 : vector<16xf32>
    %sub3A_2869 = arith.subf %add3A_2847, %sub3A_2843 : vector<16xf32>
    %sub3A_2870 = arith.subf %add3A_2855, %sub3A_2851 : vector<16xf32>
    %mul3A_2871 = arith.mulf %sub3A_2869, %sub3A_2870 : vector<16xf32>
    %add3A_2872 = arith.addf %mul3A_2871, %mul3A_2792 : vector<16xf32>
    %sub3A_2873 = arith.subf %add3A_2872, %mul3A_2868 : vector<16xf32>
    %div3A_2874 = arith.divf %mul3A_2868, %sub3A_2873 : vector<16xf32>
    %ge3A_2875 = arith.cmpf oge, %div3A_2833, %div3A_2874 : vector<16xf32>
    %ne3A_2876 = arith.cmpf one, %div3A_2833, %div3A_2833 : vector<16xf32>
    %or3A_2877 = arith.ori %ge3A_2875, %ne3A_2876 : vector<16xi1>
    %select_n3A_2878 = arith.select %or3A_2877, %div3A_2833, %div3A_2874 : vector<16xi1>, vector<16xf32>
    %select_n3A_2879 = arith.select %or3A_2877, %get3A_2715, %get3A_2725 : vector<16xi1>, vector<16xf32>
    %select_n3A_2880 = arith.select %or3A_2877, %get3A_2717, %get3A_2727 : vector<16xi1>, vector<16xf32>
    %select_n3A_2881 = arith.select %or3A_2877, %get3A_2719, %get3A_2729 : vector<16xi1>, vector<16xf32>
    %select_n3A_2882 = arith.select %or3A_2877, %get3A_2721, %get3A_2731 : vector<16xi1>, vector<16xf32>
    %select_n3A_2883 = arith.select %or3A_2877, %get3A_2723, %get3A_2733 : vector<16xi1>, vector<16xf32>
    %sub3A_2884 = arith.subf %select_n3A_2879, %gather3A_2709 : vector<16xf32>
    %sub3A_2885 = arith.subf %select_n3A_2880, %gather3A_2710 : vector<16xf32>
    %mul3A_2886 = arith.mulf %sub3A_2884, %sub3A_2884 : vector<16xf32>
    %mul3A_2887 = arith.mulf %sub3A_2885, %sub3A_2885 : vector<16xf32>
    %add3A_2888 = arith.addf %mul3A_2886, %mul3A_2887 : vector<16xf32>
    %bitcast3A_2889 = vector.bitcast %select_n3A_2881 : vector<16xf32> to vector<16xi32>
    %shift_right_arithmetic3A_2890 = arith.constant 1 : i32
    %shift_right_arithmetic3A_2891 = vector.broadcast %shift_right_arithmetic3A_2890 : i32 to vector<16xi32>
    %shift_right_arithmetic3A_2892 = arith.shrsi %bitcast3A_2889, %shift_right_arithmetic3A_2891 : vector<16xi32>
    %sub3A_2893 = arith.constant 1597463007 : i32
    %sub3A_2894 = vector.broadcast %sub3A_2893 : i32 to vector<16xi32>
    %sub3A_2895 = arith.subi %sub3A_2894, %shift_right_arithmetic3A_2892 : vector<16xi32>
    %bitcast3A_2896 = vector.bitcast %sub3A_2895 : vector<16xi32> to vector<16xf32>
    %mul3A_2897 = arith.constant 5.000000e-01 : f32
    %mul3A_2898 = vector.broadcast %mul3A_2897 : f32 to vector<16xf32>
    %mul3A_2899 = arith.mulf %mul3A_2898, %select_n3A_2881 : vector<16xf32>
    %mul3A_2900 = arith.mulf %mul3A_2899, %bitcast3A_2896 : vector<16xf32>
    %mul3A_2901 = arith.mulf %mul3A_2900, %bitcast3A_2896 : vector<16xf32>
    %sub3A_2902 = arith.constant 1.500000e+00 : f32
    %sub3A_2903 = vector.broadcast %sub3A_2902 : f32 to vector<16xf32>
    %sub3A_2904 = arith.subf %sub3A_2903, %mul3A_2901 : vector<16xf32>
    %mul3A_2905 = arith.mulf %bitcast3A_2896, %sub3A_2904 : vector<16xf32>
    %mul3A_2906 = arith.mulf %mul3A_2899, %mul3A_2905 : vector<16xf32>
    %mul3A_2907 = arith.mulf %mul3A_2906, %mul3A_2905 : vector<16xf32>
    %sub3A_2908 = arith.constant 1.500000e+00 : f32
    %sub3A_2909 = vector.broadcast %sub3A_2908 : f32 to vector<16xf32>
    %sub3A_2910 = arith.subf %sub3A_2909, %mul3A_2907 : vector<16xf32>
    %mul3A_2911 = arith.mulf %mul3A_2905, %sub3A_2910 : vector<16xf32>
    %mul3A_2912 = arith.mulf %mul3A_2899, %mul3A_2911 : vector<16xf32>
    %mul3A_2913 = arith.mulf %mul3A_2912, %mul3A_2911 : vector<16xf32>
    %sub3A_2914 = arith.constant 1.500000e+00 : f32
    %sub3A_2915 = vector.broadcast %sub3A_2914 : f32 to vector<16xf32>
    %sub3A_2916 = arith.subf %sub3A_2915, %mul3A_2913 : vector<16xf32>
    %mul3A_2917 = arith.mulf %mul3A_2911, %sub3A_2916 : vector<16xf32>
    %mul3A_2918 = arith.mulf %mul3A_2899, %mul3A_2917 : vector<16xf32>
    %mul3A_2919 = arith.mulf %mul3A_2918, %mul3A_2917 : vector<16xf32>
    %sub3A_2920 = arith.constant 1.500000e+00 : f32
    %sub3A_2921 = vector.broadcast %sub3A_2920 : f32 to vector<16xf32>
    %sub3A_2922 = arith.subf %sub3A_2921, %mul3A_2919 : vector<16xf32>
    %mul3A_2923 = arith.mulf %mul3A_2917, %sub3A_2922 : vector<16xf32>
    %mul3A_2924 = arith.mulf %select_n3A_2881, %mul3A_2923 : vector<16xf32>
    %bitcast3A_2925 = vector.bitcast %gather3A_2711 : vector<16xf32> to vector<16xi32>
    %shift_right_arithmetic3A_2926 = arith.constant 1 : i32
    %shift_right_arithmetic3A_2927 = vector.broadcast %shift_right_arithmetic3A_2926 : i32 to vector<16xi32>
    %shift_right_arithmetic3A_2928 = arith.shrsi %bitcast3A_2925, %shift_right_arithmetic3A_2927 : vector<16xi32>
    %sub3A_2929 = arith.constant 1597463007 : i32
    %sub3A_2930 = vector.broadcast %sub3A_2929 : i32 to vector<16xi32>
    %sub3A_2931 = arith.subi %sub3A_2930, %shift_right_arithmetic3A_2928 : vector<16xi32>
    %bitcast3A_2932 = vector.bitcast %sub3A_2931 : vector<16xi32> to vector<16xf32>
    %mul3A_2933 = arith.constant 5.000000e-01 : f32
    %mul3A_2934 = vector.broadcast %mul3A_2933 : f32 to vector<16xf32>
    %mul3A_2935 = arith.mulf %mul3A_2934, %gather3A_2711 : vector<16xf32>
    %mul3A_2936 = arith.mulf %mul3A_2935, %bitcast3A_2932 : vector<16xf32>
    %mul3A_2937 = arith.mulf %mul3A_2936, %bitcast3A_2932 : vector<16xf32>
    %sub3A_2938 = arith.constant 1.500000e+00 : f32
    %sub3A_2939 = vector.broadcast %sub3A_2938 : f32 to vector<16xf32>
    %sub3A_2940 = arith.subf %sub3A_2939, %mul3A_2937 : vector<16xf32>
    %mul3A_2941 = arith.mulf %bitcast3A_2932, %sub3A_2940 : vector<16xf32>
    %mul3A_2942 = arith.mulf %mul3A_2935, %mul3A_2941 : vector<16xf32>
    %mul3A_2943 = arith.mulf %mul3A_2942, %mul3A_2941 : vector<16xf32>
    %sub3A_2944 = arith.constant 1.500000e+00 : f32
    %sub3A_2945 = vector.broadcast %sub3A_2944 : f32 to vector<16xf32>
    %sub3A_2946 = arith.subf %sub3A_2945, %mul3A_2943 : vector<16xf32>
    %mul3A_2947 = arith.mulf %mul3A_2941, %sub3A_2946 : vector<16xf32>
    %mul3A_2948 = arith.mulf %mul3A_2935, %mul3A_2947 : vector<16xf32>
    %mul3A_2949 = arith.mulf %mul3A_2948, %mul3A_2947 : vector<16xf32>
    %sub3A_2950 = arith.constant 1.500000e+00 : f32
    %sub3A_2951 = vector.broadcast %sub3A_2950 : f32 to vector<16xf32>
    %sub3A_2952 = arith.subf %sub3A_2951, %mul3A_2949 : vector<16xf32>
    %mul3A_2953 = arith.mulf %mul3A_2947, %sub3A_2952 : vector<16xf32>
    %mul3A_2954 = arith.mulf %mul3A_2935, %mul3A_2953 : vector<16xf32>
    %mul3A_2955 = arith.mulf %mul3A_2954, %mul3A_2953 : vector<16xf32>
    %sub3A_2956 = arith.constant 1.500000e+00 : f32
    %sub3A_2957 = vector.broadcast %sub3A_2956 : f32 to vector<16xf32>
    %sub3A_2958 = arith.subf %sub3A_2957, %mul3A_2955 : vector<16xf32>
    %mul3A_2959 = arith.mulf %mul3A_2953, %sub3A_2958 : vector<16xf32>
    %mul3A_2960 = arith.mulf %gather3A_2711, %mul3A_2959 : vector<16xf32>
    %sub3A_2961 = arith.subf %mul3A_2924, %mul3A_2960 : vector<16xf32>
    %bitcast3A_2962 = vector.bitcast %select_n3A_2882 : vector<16xf32> to vector<16xi32>
    %shift_right_arithmetic3A_2963 = arith.constant 1 : i32
    %shift_right_arithmetic3A_2964 = vector.broadcast %shift_right_arithmetic3A_2963 : i32 to vector<16xi32>
    %shift_right_arithmetic3A_2965 = arith.shrsi %bitcast3A_2962, %shift_right_arithmetic3A_2964 : vector<16xi32>
    %sub3A_2966 = arith.constant 1597463007 : i32
    %sub3A_2967 = vector.broadcast %sub3A_2966 : i32 to vector<16xi32>
    %sub3A_2968 = arith.subi %sub3A_2967, %shift_right_arithmetic3A_2965 : vector<16xi32>
    %bitcast3A_2969 = vector.bitcast %sub3A_2968 : vector<16xi32> to vector<16xf32>
    %mul3A_2970 = arith.constant 5.000000e-01 : f32
    %mul3A_2971 = vector.broadcast %mul3A_2970 : f32 to vector<16xf32>
    %mul3A_2972 = arith.mulf %mul3A_2971, %select_n3A_2882 : vector<16xf32>
    %mul3A_2973 = arith.mulf %mul3A_2972, %bitcast3A_2969 : vector<16xf32>
    %mul3A_2974 = arith.mulf %mul3A_2973, %bitcast3A_2969 : vector<16xf32>
    %sub3A_2975 = arith.constant 1.500000e+00 : f32
    %sub3A_2976 = vector.broadcast %sub3A_2975 : f32 to vector<16xf32>
    %sub3A_2977 = arith.subf %sub3A_2976, %mul3A_2974 : vector<16xf32>
    %mul3A_2978 = arith.mulf %bitcast3A_2969, %sub3A_2977 : vector<16xf32>
    %mul3A_2979 = arith.mulf %mul3A_2972, %mul3A_2978 : vector<16xf32>
    %mul3A_2980 = arith.mulf %mul3A_2979, %mul3A_2978 : vector<16xf32>
    %sub3A_2981 = arith.constant 1.500000e+00 : f32
    %sub3A_2982 = vector.broadcast %sub3A_2981 : f32 to vector<16xf32>
    %sub3A_2983 = arith.subf %sub3A_2982, %mul3A_2980 : vector<16xf32>
    %mul3A_2984 = arith.mulf %mul3A_2978, %sub3A_2983 : vector<16xf32>
    %mul3A_2985 = arith.mulf %mul3A_2972, %mul3A_2984 : vector<16xf32>
    %mul3A_2986 = arith.mulf %mul3A_2985, %mul3A_2984 : vector<16xf32>
    %sub3A_2987 = arith.constant 1.500000e+00 : f32
    %sub3A_2988 = vector.broadcast %sub3A_2987 : f32 to vector<16xf32>
    %sub3A_2989 = arith.subf %sub3A_2988, %mul3A_2986 : vector<16xf32>
    %mul3A_2990 = arith.mulf %mul3A_2984, %sub3A_2989 : vector<16xf32>
    %mul3A_2991 = arith.mulf %mul3A_2972, %mul3A_2990 : vector<16xf32>
    %mul3A_2992 = arith.mulf %mul3A_2991, %mul3A_2990 : vector<16xf32>
    %sub3A_2993 = arith.constant 1.500000e+00 : f32
    %sub3A_2994 = vector.broadcast %sub3A_2993 : f32 to vector<16xf32>
    %sub3A_2995 = arith.subf %sub3A_2994, %mul3A_2992 : vector<16xf32>
    %mul3A_2996 = arith.mulf %mul3A_2990, %sub3A_2995 : vector<16xf32>
    %mul3A_2997 = arith.mulf %select_n3A_2882, %mul3A_2996 : vector<16xf32>
    %bitcast3A_2998 = vector.bitcast %gather3A_2712 : vector<16xf32> to vector<16xi32>
    %shift_right_arithmetic3A_2999 = arith.constant 1 : i32
    %shift_right_arithmetic3A_3000 = vector.broadcast %shift_right_arithmetic3A_2999 : i32 to vector<16xi32>
    %shift_right_arithmetic3A_3001 = arith.shrsi %bitcast3A_2998, %shift_right_arithmetic3A_3000 : vector<16xi32>
    %sub3A_3002 = arith.constant 1597463007 : i32
    %sub3A_3003 = vector.broadcast %sub3A_3002 : i32 to vector<16xi32>
    %sub3A_3004 = arith.subi %sub3A_3003, %shift_right_arithmetic3A_3001 : vector<16xi32>
    %bitcast3A_3005 = vector.bitcast %sub3A_3004 : vector<16xi32> to vector<16xf32>
    %mul3A_3006 = arith.constant 5.000000e-01 : f32
    %mul3A_3007 = vector.broadcast %mul3A_3006 : f32 to vector<16xf32>
    %mul3A_3008 = arith.mulf %mul3A_3007, %gather3A_2712 : vector<16xf32>
    %mul3A_3009 = arith.mulf %mul3A_3008, %bitcast3A_3005 : vector<16xf32>
    %mul3A_3010 = arith.mulf %mul3A_3009, %bitcast3A_3005 : vector<16xf32>
    %sub3A_3011 = arith.constant 1.500000e+00 : f32
    %sub3A_3012 = vector.broadcast %sub3A_3011 : f32 to vector<16xf32>
    %sub3A_3013 = arith.subf %sub3A_3012, %mul3A_3010 : vector<16xf32>
    %mul3A_3014 = arith.mulf %bitcast3A_3005, %sub3A_3013 : vector<16xf32>
    %mul3A_3015 = arith.mulf %mul3A_3008, %mul3A_3014 : vector<16xf32>
    %mul3A_3016 = arith.mulf %mul3A_3015, %mul3A_3014 : vector<16xf32>
    %sub3A_3017 = arith.constant 1.500000e+00 : f32
    %sub3A_3018 = vector.broadcast %sub3A_3017 : f32 to vector<16xf32>
    %sub3A_3019 = arith.subf %sub3A_3018, %mul3A_3016 : vector<16xf32>
    %mul3A_3020 = arith.mulf %mul3A_3014, %sub3A_3019 : vector<16xf32>
    %mul3A_3021 = arith.mulf %mul3A_3008, %mul3A_3020 : vector<16xf32>
    %mul3A_3022 = arith.mulf %mul3A_3021, %mul3A_3020 : vector<16xf32>
    %sub3A_3023 = arith.constant 1.500000e+00 : f32
    %sub3A_3024 = vector.broadcast %sub3A_3023 : f32 to vector<16xf32>
    %sub3A_3025 = arith.subf %sub3A_3024, %mul3A_3022 : vector<16xf32>
    %mul3A_3026 = arith.mulf %mul3A_3020, %sub3A_3025 : vector<16xf32>
    %mul3A_3027 = arith.mulf %mul3A_3008, %mul3A_3026 : vector<16xf32>
    %mul3A_3028 = arith.mulf %mul3A_3027, %mul3A_3026 : vector<16xf32>
    %sub3A_3029 = arith.constant 1.500000e+00 : f32
    %sub3A_3030 = vector.broadcast %sub3A_3029 : f32 to vector<16xf32>
    %sub3A_3031 = arith.subf %sub3A_3030, %mul3A_3028 : vector<16xf32>
    %mul3A_3032 = arith.mulf %mul3A_3026, %sub3A_3031 : vector<16xf32>
    %mul3A_3033 = arith.mulf %gather3A_2712, %mul3A_3032 : vector<16xf32>
    %sub3A_3034 = arith.subf %mul3A_2997, %mul3A_3033 : vector<16xf32>
    %mul3A_3035 = arith.mulf %sub3A_2961, %sub3A_2961 : vector<16xf32>
    %mul3A_3036 = arith.mulf %sub3A_3034, %sub3A_3034 : vector<16xf32>
    %add3A_3037 = arith.addf %mul3A_3035, %mul3A_3036 : vector<16xf32>
    %sub3A_3038 = arith.subf %select_n3A_2883, %select_n3A_2878 : vector<16xf32>
    %mul3A_3039 = arith.mulf %sub3A_3038, %sub3A_3038 : vector<16xf32>
    %broadcast_in_dim3A_3040 = arith.constant 0.000000e+00 : f32
    %broadcast_in_dim3A_3041 = vector.broadcast %broadcast_in_dim3A_3040 : f32 to vector<16xf32>
    %mul3A_3042 = arith.mulf %get3A_2735, %get3A_2735 : vector<16xf32>
    %add3A_3043 = arith.addf %broadcast_in_dim3A_3041, %mul3A_3042 : vector<16xf32>
    %mul3A_3044 = arith.mulf %get3A_2737, %get3A_2737 : vector<16xf32>
    %add3A_3045 = arith.addf %add3A_3043, %mul3A_3044 : vector<16xf32>
    %mul3A_3046 = arith.mulf %get3A_2739, %get3A_2739 : vector<16xf32>
    %add3A_3047 = arith.addf %add3A_3045, %mul3A_3046 : vector<16xf32>
    %mul3A_3048 = arith.mulf %get3A_2741, %get3A_2741 : vector<16xf32>
    %add3A_3049 = arith.addf %add3A_3047, %mul3A_3048 : vector<16xf32>
    %mul3A_3050 = arith.mulf %get3A_2743, %get3A_2743 : vector<16xf32>
    %add3A_3051 = arith.addf %add3A_3049, %mul3A_3050 : vector<16xf32>
    %mul3A_3052 = arith.mulf %get3A_2745, %get3A_2745 : vector<16xf32>
    %add3A_3053 = arith.addf %add3A_3051, %mul3A_3052 : vector<16xf32>
    %mul3A_3054 = arith.mulf %get3A_2747, %get3A_2747 : vector<16xf32>
    %add3A_3055 = arith.addf %add3A_3053, %mul3A_3054 : vector<16xf32>
    %mul3A_3056 = arith.mulf %get3A_2749, %get3A_2749 : vector<16xf32>
    %add3A_3057 = arith.addf %add3A_3055, %mul3A_3056 : vector<16xf32>
    %mul3A_3058 = arith.mulf %get3A_2751, %get3A_2751 : vector<16xf32>
    %add3A_3059 = arith.addf %add3A_3057, %mul3A_3058 : vector<16xf32>
    %mul3A_3060 = arith.mulf %get3A_2753, %get3A_2753 : vector<16xf32>
    %add3A_3061 = arith.addf %add3A_3059, %mul3A_3060 : vector<16xf32>
    %mul3A_3062 = arith.mulf %get3A_2755, %get3A_2755 : vector<16xf32>
    %add3A_3063 = arith.addf %add3A_3061, %mul3A_3062 : vector<16xf32>
    %mul3A_3064 = arith.mulf %get3A_2757, %get3A_2757 : vector<16xf32>
    %add3A_3065 = arith.addf %add3A_3063, %mul3A_3064 : vector<16xf32>
    %mul3A_3066 = arith.mulf %get3A_2759, %get3A_2759 : vector<16xf32>
    %add3A_3067 = arith.addf %add3A_3065, %mul3A_3066 : vector<16xf32>
    %mul3A_3068 = arith.mulf %get3A_2761, %get3A_2761 : vector<16xf32>
    %add3A_3069 = arith.addf %add3A_3067, %mul3A_3068 : vector<16xf32>
    %mul3A_3070 = arith.mulf %get3A_2763, %get3A_2763 : vector<16xf32>
    %add3A_3071 = arith.addf %add3A_3069, %mul3A_3070 : vector<16xf32>
    %mul3A_3072 = arith.mulf %get3A_2765, %get3A_2765 : vector<16xf32>
    %add3A_3073 = arith.addf %add3A_3071, %mul3A_3072 : vector<16xf32>
    %mul3A_3074 = arith.mulf %get3A_2767, %get3A_2767 : vector<16xf32>
    %add3A_3075 = arith.addf %add3A_3073, %mul3A_3074 : vector<16xf32>
    %mul3A_3076 = arith.mulf %get3A_2769, %get3A_2769 : vector<16xf32>
    %add3A_3077 = arith.addf %add3A_3075, %mul3A_3076 : vector<16xf32>
    %mul3A_3078 = arith.mulf %get3A_2771, %get3A_2771 : vector<16xf32>
    %add3A_3079 = arith.addf %add3A_3077, %mul3A_3078 : vector<16xf32>
    %mul3A_3080 = arith.mulf %get3A_2773, %get3A_2773 : vector<16xf32>
    %add3A_3081 = arith.addf %add3A_3079, %mul3A_3080 : vector<16xf32>
    %add3A_3082 = arith.constant 10 : i32
    %add3A_3083 = vector.broadcast %add3A_3082 : i32 to vector<16xi32>
    %add3A_3084 = arith.addi %add3A_3083, %gather3A_2713 : vector<16xi32>
    %mul3A_3085 = arith.constant 64 : i32
    %mul3A_3086 = vector.broadcast %mul3A_3085 : i32 to vector<16xi32>
    %mul3A_3087 = arith.muli %add3A_3084, %mul3A_3086 : vector<16xi32>
    %add3A_3088 = arith.constant 48 : i32
    %add3A_3089 = vector.broadcast %add3A_3088 : i32 to vector<16xi32>
    %add3A_3090 = arith.addi %mul3A_3087, %add3A_3089 : vector<16xi32>
    %add3A_3091 = arith.addi %add3A_3090, %iota3A : vector<16xi32>
    %gather3A_3092 = tpu.vector_load_idx %arg6[%add3A_3091] : memref<1920xf32, #tpu.memory_space<vmem>>[vector<16xi32>], vector<16xf32>,
    %mul3A_3093 = arith.constant 2.000000e+00 : f32
    %mul3A_3094 = vector.broadcast %mul3A_3093 : f32 to vector<16xf32>
    %mul3A_3095 = arith.mulf %mul3A_3094, %gather3A_3092 : vector<16xf32>
    %sub3A_3096 = arith.subf %add3A_3081, %mul3A_3095 : vector<16xf32>
    %add3A_3097 = arith.constant 1.000000e+00 : f32
    %add3A_3098 = vector.broadcast %add3A_3097 : f32 to vector<16xf32>
    %add3A_3099 = arith.addf %sub3A_3096, %add3A_3098 : vector<16xf32>
    %and3A_3100 = arith.andi %and3A_2701, %ge3A_2705 : vector<16xi1>
    %add3A_3101 = arith.addf %add3A_2888, %add3A_3037 : vector<16xf32>
    %jit3A_3102 = arith.constant 0.000000e+00 : f32
    %broadcast_in_dim3A_3103 = vector.broadcast %jit3A_3102 : f32 to vector<16xf32>
    %select_n3A_3104 = arith.select %and3A_3100, %add3A_3101, %broadcast_in_dim3A_3103 : vector<16xi1>, vector<16xf32>
    %add3A_3105 = arith.addf %add3A_2671, %select_n3A_3104 : vector<16xf32>
    %jit3A_3106 = arith.constant 0.000000e+00 : f32
    %broadcast_in_dim3A_3107 = vector.broadcast %jit3A_3106 : f32 to vector<16xf32>
    %select_n3A_3108 = arith.select %and3A_3100, %mul3A_3039, %broadcast_in_dim3A_3107 : vector<16xi1>, vector<16xf32>
    %add3A_3109 = arith.addf %add3A_2675, %select_n3A_3108 : vector<16xf32>
    %jit3A_3110 = arith.constant 0.000000e+00 : f32
    %broadcast_in_dim3A_3111 = vector.broadcast %jit3A_3110 : f32 to vector<16xf32>
    %select_n3A_3112 = arith.select %and3A_3100, %add3A_3099, %broadcast_in_dim3A_3111 : vector<16xi1>, vector<16xf32>
    %add3A_3113 = arith.addf %add3A_2679, %select_n3A_3112 : vector<16xf32>
    %not3A_3114 = arith.constant dense<true> : vector<16xi1>
    %not3A_3115 = arith.xori %ge3A_2705, %not3A_3114 : vector<16xi1>
    %and3A_3116 = arith.andi %and3A_2701, %not3A_3115 : vector<16xi1>
    %mul3A_3117 = arith.mulf %get3A_2723, %get3A_2723 : vector<16xf32>
    %mul3A_3118 = arith.mulf %get3A_2733, %get3A_2733 : vector<16xf32>
    %add3A_3119 = arith.addf %mul3A_3117, %mul3A_3118 : vector<16xf32>
    %jit3A_3120 = arith.constant 0.000000e+00 : f32
    %broadcast_in_dim3A_3121 = vector.broadcast %jit3A_3120 : f32 to vector<16xf32>
    %select_n3A_3122 = arith.select %and3A_3116, %add3A_3119, %broadcast_in_dim3A_3121 : vector<16xi1>, vector<16xf32>
    %add3A_3123 = arith.addf %add3A_2689, %select_n3A_3122 : vector<16xf32>
    %eq3A_3124 = arith.constant 0 : i32
    %eq3A_3125 = vector.broadcast %eq3A_3124 : i32 to vector<16xi32>
    %eq3A_3126 = arith.cmpi eq, %iota3A, %eq3A_3125 : vector<16xi32>
    %reduce_sum3A = arith.constant true
    %reduce_sum3A_3127 = vector.broadcast %reduce_sum3A : i1 to vector<16xi1>
    %reduce_sum3A_3128 = tpu.scan <sum>, %add3A_3105 masked %reduce_sum3A_3127 : vector<16xf32>, vector<16xi1> -> vector<16xf32>
    %reduce_sum3A_3129 = vector.extract %reduce_sum3A_3128[15] : f32 from vector<16xf32>
    %eq3A_3130 = arith.constant 1 : i32
    %eq3A_3131 = vector.broadcast %eq3A_3130 : i32 to vector<16xi32>
    %eq3A_3132 = arith.cmpi eq, %iota3A, %eq3A_3131 : vector<16xi32>
    %reduce_sum3A_3133 = arith.constant true
    %reduce_sum3A_3134 = vector.broadcast %reduce_sum3A_3133 : i1 to vector<16xi1>
    %reduce_sum3A_3135 = tpu.scan <sum>, %add3A_3109 masked %reduce_sum3A_3134 : vector<16xf32>, vector<16xi1> -> vector<16xf32>
    %reduce_sum3A_3136 = vector.extract %reduce_sum3A_3135[15] : f32 from vector<16xf32>
    %eq3A_3137 = arith.constant 2 : i32
    %eq3A_3138 = vector.broadcast %eq3A_3137 : i32 to vector<16xi32>
    %eq3A_3139 = arith.cmpi eq, %iota3A, %eq3A_3138 : vector<16xi32>
    %reduce_sum3A_3140 = arith.constant true
    %reduce_sum3A_3141 = vector.broadcast %reduce_sum3A_3140 : i1 to vector<16xi1>
    %reduce_sum3A_3142 = tpu.scan <sum>, %add3A_3123 masked %reduce_sum3A_3141 : vector<16xf32>, vector<16xi1> -> vector<16xf32>
    %reduce_sum3A_3143 = vector.extract %reduce_sum3A_3142[15] : f32 from vector<16xf32>
    %eq3A_3144 = arith.constant 3 : i32
    %eq3A_3145 = vector.broadcast %eq3A_3144 : i32 to vector<16xi32>
    %eq3A_3146 = arith.cmpi eq, %iota3A, %eq3A_3145 : vector<16xi32>
    %reduce_sum3A_3147 = arith.constant true
    %reduce_sum3A_3148 = vector.broadcast %reduce_sum3A_3147 : i1 to vector<16xi1>
    %reduce_sum3A_3149 = tpu.scan <sum>, %add3A_3113 masked %reduce_sum3A_3148 : vector<16xf32>, vector<16xi1> -> vector<16xf32>
    %reduce_sum3A_3150 = vector.extract %reduce_sum3A_3149[15] : f32 from vector<16xf32>
    %jit3A_3151 = arith.constant 0.000000e+00 : f32
    %broadcast_in_dim3A_3152 = vector.broadcast %reduce_sum3A_3150 : f32 to vector<16xf32>
    %broadcast_in_dim3A_3153 = vector.broadcast %jit3A_3151 : f32 to vector<16xf32>
    %select_n3A_3154 = arith.select %eq3A_3146, %broadcast_in_dim3A_3152, %broadcast_in_dim3A_3153 : vector<16xi1>, vector<16xf32>
    %broadcast_in_dim3A_3155 = vector.broadcast %reduce_sum3A_3143 : f32 to vector<16xf32>
    %select_n3A_3156 = arith.select %eq3A_3139, %broadcast_in_dim3A_3155, %select_n3A_3154 : vector<16xi1>, vector<16xf32>
    %broadcast_in_dim3A_3157 = vector.broadcast %reduce_sum3A_3136 : f32 to vector<16xf32>
    %select_n3A_3158 = arith.select %eq3A_3132, %broadcast_in_dim3A_3157, %select_n3A_3156 : vector<16xi1>, vector<16xf32>
    %broadcast_in_dim3A_3159 = vector.broadcast %reduce_sum3A_3129 : f32 to vector<16xf32>
    %select_n3A_3160 = arith.select %eq3A_3126, %broadcast_in_dim3A_3159, %select_n3A_3158 : vector<16xi1>, vector<16xf32>
    %swap3A_3161 = arith.constant 0 : index
    %swap3A_3162 = tpu.vector_load %arg15[%swap3A_3161] {strides = array<i32>} : memref<16xf32, #tpu.memory_space<vmem>>, vector<16xf32>,
    tpu.vector_store %arg15[%swap3A_3161], %select_n3A_3160 {strides = array<i32>} : memref<16xf32, #tpu.memory_space<vmem>>, vector<16xf32>,
    %mul3A_3163 = arith.constant 16 : i32
    %mul3A_3164 = arith.muli %arg1, %mul3A_3163 : i32
    "tpu.region"() ({
      %run_scoped3A = tpu.sem_alloc : memref<!tpu.dma_semaphore, #tpu.memory_space<semaphore_mem>>
      %dma_start3A_3172 = tpu.memref_slice %arg16[%mul3A_3164] : memref<256xf32, #tpu.memory_space<vmem_shared>> -> memref<16xf32, #tpu.memory_space<vmem_shared>>
      %dma_start3A_3173 = tpu.memref_slice %arg16[%mul3A_3164] : memref<256xf32, #tpu.memory_space<vmem_shared>> -> memref<16xf32, #tpu.memory_space<vmem_shared>>
      tpu.enqueue_dma source(%arg15 : memref<16xf32, #tpu.memory_space<vmem>>) target(%dma_start3A_3173 : memref<16xf32, #tpu.memory_space<vmem_shared>>) target_semaphore(%run_scoped3A : memref<!tpu.dma_semaphore, #tpu.memory_space<semaphore_mem>>)
      %dma_wait3A_3174 = tpu.memref_slice %arg16[%mul3A_3164] : memref<256xf32, #tpu.memory_space<vmem_shared>> -> memref<16xf32, #tpu.memory_space<vmem_shared>>
      %dma_wait3A_3175 = tpu.memref_slice %arg16[%mul3A_3164] : memref<256xf32, #tpu.memory_space<vmem_shared>> -> memref<16xf32, #tpu.memory_space<vmem_shared>>
      tpu.wait_dma2 semaphore(%run_scoped3A : memref<!tpu.dma_semaphore, #tpu.memory_space<semaphore_mem>>) src(%arg15 : memref<16xf32, #tpu.memory_space<vmem>>) dst(%dma_wait3A_3175 : memref<16xf32, #tpu.memory_space<vmem_shared>>)
      tpu.yield
    }) : () -> ()
    %barrier3A = arith.constant 0 : index
    tpu.barrier barrier_id(%barrier3A)
    %eq3A_3165 = arith.constant 0 : i32
    %eq3A_3166 = arith.cmpi eq, %arg0, %eq3A_3165 : i32
    %eq3A_3167 = arith.constant 0 : i32
    %eq3A_3168 = arith.cmpi eq, %arg1, %eq3A_3167 : i32
    %and3A_3169 = arith.andi %eq3A_3166, %eq3A_3168 : i1
    %convert_element_type3A_3170 = arith.extui %and3A_3169 : i1 to i32
    %cond3A = arith.constant 0 : i32
    %cond3A_3171 = arith.cmpi ne, %convert_element_type3A_3170, %cond3A : i32
    scf.if %cond3A_3171 {
      "tpu.region"() ({
        %run_scoped3A = tpu.sem_alloc : memref<!tpu.dma_semaphore, #tpu.memory_space<semaphore_mem>>
        tpu.enqueue_dma source(%arg16 : memref<256xf32, #tpu.memory_space<vmem_shared>>) target(%arg17 : memref<256xf32, #tpu.memory_space<vmem>>) target_semaphore(%run_scoped3A : memref<!tpu.dma_semaphore, #tpu.memory_space<semaphore_mem>>)
        tpu.wait_dma2 semaphore(%run_scoped3A : memref<!tpu.dma_semaphore, #tpu.memory_space<semaphore_mem>>) src(%arg16 : memref<256xf32, #tpu.memory_space<vmem_shared>>) dst(%arg17 : memref<256xf32, #tpu.memory_space<vmem>>)
        tpu.yield
      }) : () -> ()
      %broadcast_in_dim3A_3172 = arith.constant 0.000000e+00 : f32
      %broadcast_in_dim3A_3173 = vector.broadcast %broadcast_in_dim3A_3172 : f32 to vector<16xf32>
      %get3A_3174 = arith.constant 0 : index
      %get3A_3175 = tpu.vector_load %arg17[%get3A_3174] {strides = array<i32>} : memref<256xf32, #tpu.memory_space<vmem>>, vector<16xf32>,
      %add3A_3176 = arith.addf %broadcast_in_dim3A_3173, %get3A_3175 : vector<16xf32>
      %get3A_3177 = arith.constant 16 : index
      %get3A_3178 = tpu.vector_load %arg17[%get3A_3177] {strides = array<i32>} : memref<256xf32, #tpu.memory_space<vmem>>, vector<16xf32>,
      %add3A_3179 = arith.addf %add3A_3176, %get3A_3178 : vector<16xf32>
      %get3A_3180 = arith.constant 32 : index
      %get3A_3181 = tpu.vector_load %arg17[%get3A_3180] {strides = array<i32>} : memref<256xf32, #tpu.memory_space<vmem>>, vector<16xf32>,
      %add3A_3182 = arith.addf %add3A_3179, %get3A_3181 : vector<16xf32>
      %get3A_3183 = arith.constant 48 : index
      %get3A_3184 = tpu.vector_load %arg17[%get3A_3183] {strides = array<i32>} : memref<256xf32, #tpu.memory_space<vmem>>, vector<16xf32>,
      %add3A_3185 = arith.addf %add3A_3182, %get3A_3184 : vector<16xf32>
      %get3A_3186 = arith.constant 64 : index
      %get3A_3187 = tpu.vector_load %arg17[%get3A_3186] {strides = array<i32>} : memref<256xf32, #tpu.memory_space<vmem>>, vector<16xf32>,
      %add3A_3188 = arith.addf %add3A_3185, %get3A_3187 : vector<16xf32>
      %get3A_3189 = arith.constant 80 : index
      %get3A_3190 = tpu.vector_load %arg17[%get3A_3189] {strides = array<i32>} : memref<256xf32, #tpu.memory_space<vmem>>, vector<16xf32>,
      %add3A_3191 = arith.addf %add3A_3188, %get3A_3190 : vector<16xf32>
      %get3A_3192 = arith.constant 96 : index
      %get3A_3193 = tpu.vector_load %arg17[%get3A_3192] {strides = array<i32>} : memref<256xf32, #tpu.memory_space<vmem>>, vector<16xf32>,
      %add3A_3194 = arith.addf %add3A_3191, %get3A_3193 : vector<16xf32>
      %get3A_3195 = arith.constant 112 : index
      %get3A_3196 = tpu.vector_load %arg17[%get3A_3195] {strides = array<i32>} : memref<256xf32, #tpu.memory_space<vmem>>, vector<16xf32>,
      %add3A_3197 = arith.addf %add3A_3194, %get3A_3196 : vector<16xf32>
      %get3A_3198 = arith.constant 128 : index
      %get3A_3199 = tpu.vector_load %arg17[%get3A_3198] {strides = array<i32>} : memref<256xf32, #tpu.memory_space<vmem>>, vector<16xf32>,
      %add3A_3200 = arith.addf %add3A_3197, %get3A_3199 : vector<16xf32>
      %get3A_3201 = arith.constant 144 : index
      %get3A_3202 = tpu.vector_load %arg17[%get3A_3201] {strides = array<i32>} : memref<256xf32, #tpu.memory_space<vmem>>, vector<16xf32>,
      %add3A_3203 = arith.addf %add3A_3200, %get3A_3202 : vector<16xf32>
      %get3A_3204 = arith.constant 160 : index
      %get3A_3205 = tpu.vector_load %arg17[%get3A_3204] {strides = array<i32>} : memref<256xf32, #tpu.memory_space<vmem>>, vector<16xf32>,
      %add3A_3206 = arith.addf %add3A_3203, %get3A_3205 : vector<16xf32>
      %get3A_3207 = arith.constant 176 : index
      %get3A_3208 = tpu.vector_load %arg17[%get3A_3207] {strides = array<i32>} : memref<256xf32, #tpu.memory_space<vmem>>, vector<16xf32>,
      %add3A_3209 = arith.addf %add3A_3206, %get3A_3208 : vector<16xf32>
      %get3A_3210 = arith.constant 192 : index
      %get3A_3211 = tpu.vector_load %arg17[%get3A_3210] {strides = array<i32>} : memref<256xf32, #tpu.memory_space<vmem>>, vector<16xf32>,
      %add3A_3212 = arith.addf %add3A_3209, %get3A_3211 : vector<16xf32>
      %get3A_3213 = arith.constant 208 : index
      %get3A_3214 = tpu.vector_load %arg17[%get3A_3213] {strides = array<i32>} : memref<256xf32, #tpu.memory_space<vmem>>, vector<16xf32>,
      %add3A_3215 = arith.addf %add3A_3212, %get3A_3214 : vector<16xf32>
      %get3A_3216 = arith.constant 224 : index
      %get3A_3217 = tpu.vector_load %arg17[%get3A_3216] {strides = array<i32>} : memref<256xf32, #tpu.memory_space<vmem>>, vector<16xf32>,
      %add3A_3218 = arith.addf %add3A_3215, %get3A_3217 : vector<16xf32>
      %get3A_3219 = arith.constant 240 : index
      %get3A_3220 = tpu.vector_load %arg17[%get3A_3219] {strides = array<i32>} : memref<256xf32, #tpu.memory_space<vmem>>, vector<16xf32>,
      %add3A_3221 = arith.addf %add3A_3218, %get3A_3220 : vector<16xf32>
      %eq3A_3222 = arith.constant 0 : i32
      %eq3A_3223 = vector.broadcast %eq3A_3222 : i32 to vector<16xi32>
      %eq3A_3224 = arith.cmpi eq, %iota3A, %eq3A_3223 : vector<16xi32>
      %jit3A_3225 = arith.constant 0.000000e+00 : f32
      %broadcast_in_dim3A_3226 = vector.broadcast %jit3A_3225 : f32 to vector<16xf32>
      %select_n3A_3227 = arith.select %eq3A_3224, %add3A_3221, %broadcast_in_dim3A_3226 : vector<16xi1>, vector<16xf32>
      %reduce_sum3A_3228 = arith.constant true
      %reduce_sum3A_3229 = vector.broadcast %reduce_sum3A_3228 : i1 to vector<16xi1>
      %reduce_sum3A_3230 = tpu.scan <sum>, %select_n3A_3227 masked %reduce_sum3A_3229 : vector<16xf32>, vector<16xi1> -> vector<16xf32>
      %reduce_sum3A_3231 = vector.extract %reduce_sum3A_3230[15] : f32 from vector<16xf32>
      %eq3A_3232 = arith.constant 1 : i32
      %eq3A_3233 = vector.broadcast %eq3A_3232 : i32 to vector<16xi32>
      %eq3A_3234 = arith.cmpi eq, %iota3A, %eq3A_3233 : vector<16xi32>
      %jit3A_3235 = arith.constant 0.000000e+00 : f32
      %broadcast_in_dim3A_3236 = vector.broadcast %jit3A_3235 : f32 to vector<16xf32>
      %select_n3A_3237 = arith.select %eq3A_3234, %add3A_3221, %broadcast_in_dim3A_3236 : vector<16xi1>, vector<16xf32>
      %reduce_sum3A_3238 = arith.constant true
      %reduce_sum3A_3239 = vector.broadcast %reduce_sum3A_3238 : i1 to vector<16xi1>
      %reduce_sum3A_3240 = tpu.scan <sum>, %select_n3A_3237 masked %reduce_sum3A_3239 : vector<16xf32>, vector<16xi1> -> vector<16xf32>
      %reduce_sum3A_3241 = vector.extract %reduce_sum3A_3240[15] : f32 from vector<16xf32>
      %eq3A_3242 = arith.constant 2 : i32
      %eq3A_3243 = vector.broadcast %eq3A_3242 : i32 to vector<16xi32>
      %eq3A_3244 = arith.cmpi eq, %iota3A, %eq3A_3243 : vector<16xi32>
      %jit3A_3245 = arith.constant 0.000000e+00 : f32
      %broadcast_in_dim3A_3246 = vector.broadcast %jit3A_3245 : f32 to vector<16xf32>
      %select_n3A_3247 = arith.select %eq3A_3244, %add3A_3221, %broadcast_in_dim3A_3246 : vector<16xi1>, vector<16xf32>
      %reduce_sum3A_3248 = arith.constant true
      %reduce_sum3A_3249 = vector.broadcast %reduce_sum3A_3248 : i1 to vector<16xi1>
      %reduce_sum3A_3250 = tpu.scan <sum>, %select_n3A_3247 masked %reduce_sum3A_3249 : vector<16xf32>, vector<16xi1> -> vector<16xf32>
      %reduce_sum3A_3251 = vector.extract %reduce_sum3A_3250[15] : f32 from vector<16xf32>
      %eq3A_3252 = arith.constant 3 : i32
      %eq3A_3253 = vector.broadcast %eq3A_3252 : i32 to vector<16xi32>
      %eq3A_3254 = arith.cmpi eq, %iota3A, %eq3A_3253 : vector<16xi32>
      %jit3A_3255 = arith.constant 0.000000e+00 : f32
      %broadcast_in_dim3A_3256 = vector.broadcast %jit3A_3255 : f32 to vector<16xf32>
      %select_n3A_3257 = arith.select %eq3A_3254, %add3A_3221, %broadcast_in_dim3A_3256 : vector<16xi1>, vector<16xf32>
      %reduce_sum3A_3258 = arith.constant true
      %reduce_sum3A_3259 = vector.broadcast %reduce_sum3A_3258 : i1 to vector<16xi1>
      %reduce_sum3A_3260 = tpu.scan <sum>, %select_n3A_3257 masked %reduce_sum3A_3259 : vector<16xf32>, vector<16xi1> -> vector<16xf32>
      %reduce_sum3A_3261 = vector.extract %reduce_sum3A_3260[15] : f32 from vector<16xf32>
      %mul3A_3262 = arith.constant 5.000000e+00 : f32
      %mul3A_3263 = arith.mulf %mul3A_3262, %reduce_sum3A_3231 : f32
      %mul3A_3264 = arith.constant 6.250000e-02 : f32
      %mul3A_3265 = arith.mulf %mul3A_3263, %mul3A_3264 : f32
      %mul3A_3266 = arith.constant 5.000000e-01 : f32
      %mul3A_3267 = arith.mulf %mul3A_3266, %reduce_sum3A_3251 : f32
      %add3A_3268 = arith.addf %reduce_sum3A_3241, %mul3A_3267 : f32
      %mul3A_3269 = arith.constant 6.250000e-02 : f32
      %mul3A_3270 = arith.mulf %add3A_3268, %mul3A_3269 : f32
      %mul3A_3271 = arith.constant 6.250000e-02 : f32
      %mul3A_3272 = arith.mulf %reduce_sum3A_3261, %mul3A_3271 : f32
      %eq3A_3273 = arith.constant 0 : i32
      %eq3A_3274 = vector.broadcast %eq3A_3273 : i32 to vector<16xi32>
      %eq3A_3275 = arith.cmpi eq, %iota3A, %eq3A_3274 : vector<16xi32>
      %eq3A_3276 = arith.constant 1 : i32
      %eq3A_3277 = vector.broadcast %eq3A_3276 : i32 to vector<16xi32>
      %eq3A_3278 = arith.cmpi eq, %iota3A, %eq3A_3277 : vector<16xi32>
      %eq3A_3279 = arith.constant 2 : i32
      %eq3A_3280 = vector.broadcast %eq3A_3279 : i32 to vector<16xi32>
      %eq3A_3281 = arith.cmpi eq, %iota3A, %eq3A_3280 : vector<16xi32>
      %jit3A_3282 = arith.constant 0.000000e+00 : f32
      %broadcast_in_dim3A_3283 = vector.broadcast %mul3A_3272 : f32 to vector<16xf32>
      %broadcast_in_dim3A_3284 = vector.broadcast %jit3A_3282 : f32 to vector<16xf32>
      %select_n3A_3285 = arith.select %eq3A_3281, %broadcast_in_dim3A_3283, %broadcast_in_dim3A_3284 : vector<16xi1>, vector<16xf32>
      %broadcast_in_dim3A_3286 = vector.broadcast %mul3A_3270 : f32 to vector<16xf32>
      %select_n3A_3287 = arith.select %eq3A_3278, %broadcast_in_dim3A_3286, %select_n3A_3285 : vector<16xi1>, vector<16xf32>
      %broadcast_in_dim3A_3288 = vector.broadcast %mul3A_3265 : f32 to vector<16xf32>
      %select_n3A_3289 = arith.select %eq3A_3275, %broadcast_in_dim3A_3288, %select_n3A_3287 : vector<16xi1>, vector<16xf32>
      %swap3A_3290 = arith.constant 0 : index
      %swap3A_3291 = tpu.vector_load %arg18[%swap3A_3290] {strides = array<i32>} : memref<16xf32, #tpu.memory_space<vmem>>, vector<16xf32>,
      tpu.vector_store %arg18[%swap3A_3290], %select_n3A_3289 {strides = array<i32>} : memref<16xf32, #tpu.memory_space<vmem>>, vector<16xf32>,
      "tpu.region"() ({
        %run_scoped3A = tpu.sem_alloc : memref<!tpu.dma_semaphore, #tpu.memory_space<semaphore_mem>>
        tpu.enqueue_dma source(%arg18 : memref<16xf32, #tpu.memory_space<vmem>>) target(%arg5 : memref<16xf32, #tpu.memory_space<hbm>>) target_semaphore(%run_scoped3A : memref<!tpu.dma_semaphore, #tpu.memory_space<semaphore_mem>>)
        tpu.wait_dma2 semaphore(%run_scoped3A : memref<!tpu.dma_semaphore, #tpu.memory_space<semaphore_mem>>) src(%arg18 : memref<16xf32, #tpu.memory_space<vmem>>) dst(%arg5 : memref<16xf32, #tpu.memory_space<hbm>>)
        tpu.yield
      }) : () -> ()
    } else {
    }
    return
  }
}

</mosaic_0001>

<sc_bundles>
// kernel: kernel.3.cloned.1.call-start
scs
__scs_entry_jumppad:
0x0: {  	(pc) =	sbr.rel $0x88, $3  }
0x1: {  	(tag) =	ssettag $0x0;
	lr =	simm.s32 $0x1  }
0x2: {  	[smem:$0x3F9E] =	sst lr;
	_ =	strace $0xD0000000  }
0x3: {  	_ = 	snop  }
0x4: {  	_ = 	snop  }
0x5: {  	_ = 	snop  }
0x6: {  	_ = 	snop  }
0x7: {  	_ = 	snop  }
__scs_overlays_trampoline_lowered:
0x8: {  	[smem:$0x3FAD] =	sst s0  }
0x9: {  	[smem:$0x3FAE] =	sst s1  }
0xa: {  	[smem:$0x3FAF] =	sst s2  }
0xb: {  	[smem:$0x3FB0] =	sst s3  }
0xc: {  	[smem:$0x3FB1] =	sst s4  }
0xd: {  	[smem:$0x3FB2] =	sst s5  }
0xe: {  	[smem:$0x3FB3] =	sst s6  }
0xf: {  	[smem:$0x3FB4] =	sst s7  }
0x10: {  	[smem:$0x3FB5] =	sst s8  }
0x11: {  	[smem:$0x3FB6] =	sst s9;
	s0 =	simm.s32 @!p0 $0x0  }
0x12: {  	s1 =	sld [smem:$0x3F9C];
	s0 =	simm.s32 @p0 $0x1  }
0x13: {  	[smem:$0x3FB7] =	sst s0;
	s0 =	simm.s32 @!p1 $0x0  }
0x14: {  	s2 =	sld [smem:$0x3F9B];
	s0 =	simm.s32 @p1 $0x1  }
0x15: {  	[smem:$0x3FB8] =	sst s0;
	s0 =	simm.s32 @!p2 $0x0  }
0x16: {  	s3 =	sld [smem:$0x3FDB];
	s0 =	simm.s32 @p2 $0x1  }
0x17: {  	s4 =	simm.s32 $0x1BF5;
	[smem:$0x3FBA] =	sst s0  }
0x18: {  	s0 =	sld [smem:$0x3F9D];
	_ =	swait.ge [sflag:s4], $0x0  }
0x19: {  	s7 =	sld [smem:$0x3F9E]  }
0x1a: {  	s8 =	sadd.s32 $0xFFFFE003, lr  }
0x1b: {  	s9 =	sadd.s32 $0xFFFFFEF7, lr;
	s5 =	simm.s32 $0xFFFFFFFF;
	p2 =	slt.u32 s8, $0xFFFFF086  }
0x1c: {  	p1 =	slt.u32 s9, $0xF7A;
	s5 =	simm.s32 @!p2 $0x0  }
0x1d: {  	s5 =	simm.s32 @p1 $0x1;
	p0 =	seq.s32 s7, s2  }
0x1e: {  	s7 =	smul.u32 @!p0 $0xF7A, s2;
	p2 =	seq.s32 @!p0 s5, $0x0  }
0x1f: {  	s9 =	smul.u32 $0xF7A, s1;
	s8 =	simm.s32 @!p0 $0x1BF5;
	p2 =	por !p2, p0  }
0x20: {  	[sflag:s8] =	ssyncset.s32 @!p0 $0xFFFFF086;
	s6 =	sadd.s32 @!p0 s3, s7;
	s7 =	simm.s32 @!p0 $0x108  }
0x21: {  	s3 =	sadd.s32 s3, s9;
	s6 =	sadd.s32 @!p0 $0x88, s6;
	s7 =	simm.s32 @p2 $0x1082  }
0x22: {  	[simem:s7], [sflag:s8] =	dma.local @!p0 [hbm:s6], $0xF7A  }
0x23: {  	s9 =	sor.u32 $0xD0000000, s2;
	s6 =	simm.s32 $0x108;
	_ =	swait.ge @!p0 [sflag:s8], $0x0  }
0x24: {  	s3 =	sadd.s32 $0x88, s3;
	s6 =	simm.s32 @!p1 $0x1082;
	[sflag:s4] =	ssyncset.s32 $0xFFFFF086  }
0x25: {  	[simem:s6], [sflag:s4] =	dma.local [hbm:s3], $0xF7A  }
0x26: {  	[smem:$0x3F9E] =	sst s1;
	(tag) =	ssettag s2;
	_ =	strace s9  }
0x27: {  	s1 =	sld [smem:$0x3FAE]  }
0x28: {  	s2 =	sld [smem:$0x3FAF]  }
0x29: {  	s4 =	sld [smem:$0x3FB1]  }
0x2a: {  	p0 =	seq.s32 s5, $0x0;
	s5 =	sld [smem:$0x3FB2]  }
0x2b: {  	s6 =	sld [smem:$0x3FB3]  }
0x2c: {  	s7 =	sld [smem:$0x3FB4]  }
0x2d: {  	s3 =	simm.s32 $0x108;
	s8 =	sld [smem:$0x3FB5]  }
0x2e: {  	s3 =	simm.s32 @!p0 $0x1082;
	s9 =	sld [smem:$0x3FB6]  }
0x2f: {  	lr =	sadd.s32 s0, s3;
	s0 =	sld [smem:$0x3FAD]  }
0x30: {  	s3 =	sld [smem:$0x3FB0]  }
0x31: {  	[smem:$0x3FB9] =	sst s10  }
0x32: {  	s10 =	sld [smem:$0x3FB7];
	_ =	sdelay $0x3  }
0x33: {  	p0 =	seq.s32 s10, $0x1;
	s10 =	sld [smem:$0x3FB9];
	_ =	sdelay $0x3  }
0x34: {  	[smem:$0x3FB9] =	sst s10  }
0x35: {  	s10 =	sld [smem:$0x3FB8];
	_ =	sdelay $0x3  }
0x36: {  	p1 =	seq.s32 s10, $0x1;
	s10 =	sld [smem:$0x3FB9];
	_ =	sdelay $0x3  }
0x37: {  	[smem:$0x3FB9] =	sst s10  }
0x38: {  	s10 =	sld [smem:$0x3FBA]  }
0x39: {  	_ = 	snop;
	(pc) =	sbr.ind lr, $3  }
0x3a: {  	_ = 	snop  }
0x3b: {  	_ = 	snop  }
0x3c: {  	p2 =	seq.s32 s10, $0x1;
	s10 =	sld [smem:$0x3FB9]  }
0x3d: {  	_ =	shalt  }
0x3e: {  	_ =	shalt  }
0x3f: {  	_ =	shalt  }
0x40: {  	_ =	shalt  }
0x41: {  	_ =	shalt  }
0x42: {  	_ =	shalt  }
0x43: {  	_ =	shalt  }
0x44: {  	_ =	shalt  }
0x45: {  	_ =	shalt  }
0x46: {  	_ =	shalt  }
0x47: {  	_ =	shalt  }
0x48: {  	_ =	shalt  }
0x49: {  	_ =	shalt  }
0x4a: {  	_ =	shalt  }
0x4b: {  	_ =	shalt  }
0x4c: {  	_ =	shalt  }
0x4d: {  	_ =	shalt  }
0x4e: {  	_ =	shalt  }
0x4f: {  	_ =	shalt  }
0x50: {  	_ =	shalt  }
0x51: {  	_ =	shalt  }
0x52: {  	_ =	shalt  }
0x53: {  	_ =	shalt  }
0x54: {  	_ =	shalt  }
0x55: {  	_ =	shalt  }
0x56: {  	_ =	shalt  }
0x57: {  	_ =	shalt  }
0x58: {  	_ =	shalt  }
0x59: {  	_ =	shalt  }
0x5a: {  	_ =	shalt  }
0x5b: {  	_ =	shalt  }
0x5c: {  	_ =	shalt  }
0x5d: {  	_ =	shalt  }
0x5e: {  	_ =	shalt  }
0x5f: {  	_ =	shalt  }
0x60: {  	_ =	shalt  }
0x61: {  	_ =	shalt  }
0x62: {  	_ =	shalt  }
0x63: {  	_ =	shalt  }
0x64: {  	_ =	shalt  }
0x65: {  	_ =	shalt  }
0x66: {  	_ =	shalt  }
0x67: {  	_ =	shalt  }
0x68: {  	_ =	shalt  }
0x69: {  	_ =	shalt  }
0x6a: {  	_ =	shalt  }
0x6b: {  	_ =	shalt  }
0x6c: {  	_ =	shalt  }
0x6d: {  	_ =	shalt  }
0x6e: {  	_ =	shalt  }
0x6f: {  	_ =	shalt  }
0x70: {  	_ =	shalt  }
0x71: {  	_ =	shalt  }
0x72: {  	_ =	shalt  }
0x73: {  	_ =	shalt  }
0x74: {  	_ =	shalt  }
0x75: {  	_ =	shalt  }
0x76: {  	_ =	shalt  }
0x77: {  	_ =	shalt  }
0x78: {  	_ =	shalt  }
0x79: {  	_ =	shalt  }
0x7a: {  	_ =	shalt  }
0x7b: {  	_ =	shalt  }
0x7c: {  	_ =	shalt  }
0x7d: {  	_ =	shalt  }
0x7e: {  	_ =	shalt  }
0x7f: {  	_ =	shalt  }
0x80: {  	_ =	shalt  }
0x81: {  	_ =	shalt  }
0x82: {  	_ =	shalt  }
0x83: {  	_ =	shalt  }
0x84: {  	_ =	shalt  }
0x85: {  	_ =	shalt  }
0x86: {  	_ =	shalt  }
0x87: {  	_ =	shalt  }
.Lfunc_end0:
.L_simem_size_0:
called_computation_lowered:
.L_overlay_start_0:
0x88: {  	s0 =	sld [smem:$0x3FD9]  }
0x89: {  	s1 =	sld [smem:$0x3FFE];
	_ =	sdelay $0x3  }
0x8a: {  	s0 =	sadd.s32 s1, s0  }
0x8b: {  	[smem:$0x3FC5] =	sst s0  }
0x8c: {  	_ = 	snop  }
0x8d: {  	s0 =	sld [smem:$0x3FD0];
	_ =	sdelay $0x2  }
0x8e: {  	s13 =	simm.s32 $0xA;
	s2 =	simm.s32 $0x10  }
0x8f: {  	[smem:s2], [sflag:s13] =	dma.local [hbm:s0], $0x1  }
0x90: {  	_ =	swait.eq [sflag:s13], $0x1  }
0x91: {  	[sflag:s13] =	ssyncset.done $0x0  }
0x92: {  	[sflag:s13] =	ssyncadd.s32 $0xFFFFFFFF  }
0x93: {  	s14 =	sld [smem:$0x10];
	(tm) =	ssettm $0x1  }
0x94: {  	s15 =	sld [smem:$0x3FFB];
	_ =	sdelay $0x3  }
0x95: {  	_ =	strace s15  }
0x96: {  	s1 =	sld [smem:$0x3FFC];
	_ =	sdelay $0x3  }
0x97: {  	_ =	strace s1  }
0x98: {  	s1 =	sld [smem:$0x3FFD];
	_ =	sdelay $0x3  }
0x99: {  	_ =	strace s1  }
0x9a: {  	_ =	strace $0x8FFFFFFF  }
0x9b: {  	s16 =	sld [smem:$0x3FDB];
	_ =	sdelay $0x1  }
0x9c: {  	s17 =	simm.s32 $_scs_section_size  }
0x9d: {  	s3 =	simm.s32 $_size__tile_overlayer_lowered;
	s4 =	simm.s32 $_tile_overlayer_lowered  }
0x9e: {  	s20 =	simm.s32 $0x1BFF;
	s19 =	sshll.u32 s4, $0x1;
	s1 =	sadd.s32 s17, s16  }
0x9f: {  	s5 =	simm.s32 $0x0;
	s18 =	sshll.u32 s3, $0x1;
	s3 =	sadd.s32 s19, s1  }
0xa0: {  	[timem:s5], [sflag:s20] =	dma.local [hbm:s3], s18  }
0xa1: {  	_ =	swait.ge [sflag:s20], s18  }
0xa2: {  	s2 =	ssub.s32 $0x0, s18;
	[sflag:s20] =	ssyncset.done $0x0  }
0xa3: {  	[sflag:s20] =	ssyncadd.s32 s2;
	_ =	sdelay $0x1  }
0xa4: {  	s21 =	simm.s32 $0x1B8B  }
0xa5: {  	_ =	swait.ge [sflag:s21], $0x1  }
0xa6: {  	[sflag:s21] =	ssyncset.done $0x0  }
0xa7: {  	s23 =	simm.s32 $0x1B8E;
	s22 =	sld [smem:$0x3FFE];
	[sflag:s21] =	ssyncadd.s32 $0xFFFFFFFF  }
0xa8: {  	s24 =	simm.s32 $execute0_lowered;
	[smem:$0x3FD2] =	sst s23  }
0xa9: {  	s3 =	sshll.u32 s24, $0x1;
	_ =	strace $0x80000046;
	[dreg:$0x1] =	wrdreg $0xFFFFFFFF  }
0xaa: {  	s25 =	simm.s32 $_size_execute0_lowered;
	s1 =	sadd.s32 s1, s3;
	[dreg:$0x0] =	wrdreg $0x0  }
0xab: {  	s3 =	sshll.u32 s25, $0x1;
	[dreg:$0x2] =	wrdreg s1  }
0xac: {  	[dreg:$0x3] =	wrdreg s3  }
0xad: {  	[dreg:$0x4] =	wrdreg $0xC0  }
0xae: {  	_ =	task [dreg:s5], $0x5FFFF  }
0xaf: {  	[dreg:$0x1] =	wrdreg $0xFFFFFFFF  }
0xb0: {  	[dreg:$0x0] =	wrdreg $0x60  }
0xb1: {  	[dreg:$0x2] =	wrdreg s22  }
0xb2: {  	[dreg:$0x3] =	wrdreg s14  }
0xb3: {  	[dreg:$0x4] =	wrdreg $0x10800  }
0xb4: {  	[dreg:$0x5] =	wrdreg $0x9  }
0xb5: {  	_ =	task.clear_ibuf [dreg:s5], $0x6FFFF;
	_ =	strace $0x90000046  }
0xb6: {  	s26 =	simm.s32 $0x9;
	_ =	strace $0x80000048  }
0xb7: {  	_ =	swait.ge [sflag:s26], $0x1  }
0xb8: {  	[sflag:s26] =	ssyncadd.s32 $0xFFFFFFFF  }
0xb9: {  	_ =	strace $0x90000048  }
0xba: {  	_ =	sfence  }
0xbb: {  	s28 =	sld [smem:$0x0];
	_ =	sdelay $0x1  }
0xbc: {  	s29 =	srdreg.scid  }
0xbd: {  	s30 =	sshll.u32 s29, $0xD;
	s31 =	sshrl.u32 s29, $0x2  }
0xbe: {  	s2 =	sand.u32 $0x4000, s30;
	s1 =	sand.u32 $0x1, s29;
	s0 =	sadd.s32 s31, s28  }
0xbf: {  	s1 =	sor.u32 s2, s1;
	s0 =	sshll.u32 s0, $0x11  }
0xc0: {  	s0 =	sor.u32 s0, s1  }
0xc1: {  	s0 =	sadd.s32 $0x8F2B, s0  }
0xc2: {  	[sflag:s0] =	ssyncadd.remote.s32 $0x1  }
0xc3: {  	_ =	sfence.sel $0xFFFF  }
0xc4: {  	[dreg:$0x0] =	wrdreg $0xFFFFFFFF;
	(pc) =	sbr.abs _section_cstart, $3  }
0xc5: {  	[dreg:$0x1] =	wrdreg $0xFFFFFFFF  }
0xc6: {  	_ =	task.clear_ibuf [dreg:s5], $0x2FFFF;
	_ =	strace $0x9FFFFFFF  }
0xc7: {  	(tm) =	ssettm $0x7FFFFFFF  }
tec
execute0_lowered:
.L_overlay_start_1:
0x0: {  	(tag) =	ssettag $0x1  }
0x1: {  	s4 =	stileid.u32  }
0x2: {  	s1 =	rddreg [dreg:$0x0];
	s5 =	smul.u32 $0x30, s4  }
0x3: {  	s6 =	rddreg [dreg:$0x1]  }
0x4: {  	s3 =	rddreg [dreg:$0x2];
	s2 =	simm.s32 $0x0;
	s7 =	sshrl.u32 s5, $0x3  }
0x5: {  	[smem:$0x7FF] =	sst s2;
	s7 =	sadd.s32 s7, s1  }
0x6: {  	s0 =	rddreg [dreg:$0x3];
	_ =	strace $0x80000047;
	s8 =	sadd.s32 $0xA00, s7  }
0x7: {  	[tilespmem:s2], [sflag:$0x1] =	stream.linear.gather [hbm4b:s8+s2], $0x40, $0x38;
	[tilespmem:$0x1210] =	vst v63  }
0x8: {  	s9 =	simm.s32 $0x40;
	s26 =	sadd.s32 $0xA62, s7  }
0x9: {  	[tilespmem:s9], [sflag:$0x1] =	stream.linear.gather [hbm4b:s26+s2], $0x40, $0x38;
	[tilespmem:$0x1210] =	vst v63  }
0xa: {  	s29 =	simm.s32 $0x80;
	s28 =	sadd.s32 $0xAC4, s7  }
0xb: {  	[tilespmem:s29], [sflag:$0x1] =	stream.linear.gather [hbm4b:s28+s2], $0x40, $0x38;
	[tilespmem:$0x1210] =	vst v63  }
0xc: {  	s31 =	simm.s32 $0xC0;
	s30 =	sadd.s32 $0xB26, s7  }
0xd: {  	[tilespmem:s31], [sflag:$0x1] =	stream.linear.gather [hbm4b:s30+s2], $0x40, $0x38;
	[tilespmem:$0x1210] =	vst v63  }
0xe: {  	s10 =	simm.s32 $0x100;
	s9 =	sadd.s32 $0xB88, s7  }
0xf: {  	[tilespmem:s10], [sflag:$0x1] =	stream.linear.gather [hbm4b:s9+s2], $0x40, $0x38;
	[tilespmem:$0x1210] =	vst v63  }
0x10: {  	s12 =	simm.s32 $0x140;
	s11 =	sadd.s32 $0xBEA, s7  }
0x11: {  	[tilespmem:s12], [sflag:$0x1] =	stream.linear.gather [hbm4b:s11+s2], $0x40, $0x38;
	[tilespmem:$0x1210] =	vst v63  }
0x12: {  	s14 =	simm.s32 $0x180;
	s13 =	sadd.s32 $0xC4C, s7  }
0x13: {  	[tilespmem:s14], [sflag:$0x1] =	stream.linear.gather [hbm4b:s13+s2], $0x40, $0x38;
	[tilespmem:$0x1210] =	vst v63  }
0x14: {  	s16 =	simm.s32 $0x1C0;
	s15 =	sadd.s32 $0xCAE, s7  }
0x15: {  	[tilespmem:s16], [sflag:$0x1] =	stream.linear.gather [hbm4b:s15+s2], $0x40, $0x38;
	[tilespmem:$0x1210] =	vst v63  }
0x16: {  	s18 =	simm.s32 $0x200;
	s17 =	sadd.s32 $0xD10, s7  }
0x17: {  	[tilespmem:s18], [sflag:$0x1] =	stream.linear.gather [hbm4b:s17+s2], $0x40, $0x38;
	[tilespmem:$0x1210] =	vst v63  }
0x18: {  	s20 =	simm.s32 $0x240;
	s19 =	sadd.s32 $0xD72, s7  }
0x19: {  	[tilespmem:s20], [sflag:$0x1] =	stream.linear.gather [hbm4b:s19+s2], $0x40, $0x38;
	[tilespmem:$0x1210] =	vst v63  }
0x1a: {  	s22 =	simm.s32 $0x280;
	s21 =	sadd.s32 $0xDD4, s7  }
0x1b: {  	[tilespmem:s22], [sflag:$0x1] =	stream.linear.gather [hbm4b:s21+s2], $0x40, $0x38;
	[tilespmem:$0x1210] =	vst v63  }
0x1c: {  	s24 =	simm.s32 $0x2C0;
	s23 =	sadd.s32 $0xE36, s7  }
0x1d: {  	[tilespmem:s24], [sflag:$0x1] =	stream.linear.gather [hbm4b:s23+s2], $0x40, $0x38;
	[tilespmem:$0x1210] =	vst v63  }
0x1e: {  	s25 =	sadd.s32 $0xE98, s7;
	s26 =	simm.s32 $0x300  }
0x1f: {  	[tilespmem:s26], [sflag:$0x1] =	stream.linear.gather [hbm4b:s25+s2], $0x40, $0x38;
	[tilespmem:$0x1210] =	vst v63  }
0x20: {  	s28 =	sadd.s32 $0xEFA, s7;
	s29 =	simm.s32 $0x340  }
0x21: {  	[tilespmem:s29], [sflag:$0x1] =	stream.linear.gather [hbm4b:s28+s2], $0x40, $0x38;
	[tilespmem:$0x1210] =	vst v63  }
0x22: {  	s30 =	sadd.s32 $0xF5C, s7;
	s31 =	simm.s32 $0x380  }
0x23: {  	[tilespmem:s31], [sflag:$0x1] =	stream.linear.gather [hbm4b:s30+s2], $0x40, $0x38;
	[tilespmem:$0x1210] =	vst v63  }
0x24: {  	s9 =	sadd.s32 $0xFBE, s7;
	s10 =	simm.s32 $0x3C0  }
0x25: {  	[tilespmem:s10], [sflag:$0x1] =	stream.linear.gather [hbm4b:s9+s2], $0x40, $0x38;
	[tilespmem:$0x1210] =	vst v63  }
0x26: {  	s11 =	sadd.s32 $0x1020, s7;
	s12 =	simm.s32 $0x400  }
0x27: {  	[tilespmem:s12], [sflag:$0x1] =	stream.linear.gather [hbm4b:s11+s2], $0x40, $0x38;
	[tilespmem:$0x1210] =	vst v63  }
0x28: {  	s13 =	sadd.s32 $0x1082, s7;
	s14 =	simm.s32 $0x440  }
0x29: {  	[tilespmem:s14], [sflag:$0x1] =	stream.linear.gather [hbm4b:s13+s2], $0x40, $0x38;
	[tilespmem:$0x1210] =	vst v63  }
0x2a: {  	s15 =	sadd.s32 $0x10E4, s7;
	s16 =	simm.s32 $0x480  }
0x2b: {  	[tilespmem:s16], [sflag:$0x1] =	stream.linear.gather [hbm4b:s15+s2], $0x40, $0x38;
	[tilespmem:$0x1210] =	vst v63  }
0x2c: {  	s17 =	sadd.s32 $0x1146, s7;
	s18 =	simm.s32 $0x4C0  }
0x2d: {  	[tilespmem:s18], [sflag:$0x1] =	stream.linear.gather [hbm4b:s17+s2], $0x40, $0x38;
	[tilespmem:$0x1210] =	vst v63  }
0x2e: {  	s19 =	sadd.s32 $0x11A8, s7;
	s20 =	simm.s32 $0x500  }
0x2f: {  	[tilespmem:s20], [sflag:$0x1] =	stream.linear.gather [hbm4b:s19+s2], $0x40, $0x38;
	[tilespmem:$0x1210] =	vst v63  }
0x30: {  	s21 =	sadd.s32 $0x120A, s7;
	s22 =	simm.s32 $0x540  }
0x31: {  	[tilespmem:s22], [sflag:$0x1] =	stream.linear.gather [hbm4b:s21+s2], $0x40, $0x38;
	[tilespmem:$0x1210] =	vst v63  }
0x32: {  	s23 =	sadd.s32 $0x126C, s7;
	s24 =	simm.s32 $0x580  }
0x33: {  	[tilespmem:s24], [sflag:$0x1] =	stream.linear.gather [hbm4b:s23+s2], $0x40, $0x38;
	[tilespmem:$0x1210] =	vst v63  }
0x34: {  	s25 =	sadd.s32 $0x12CE, s7;
	s26 =	simm.s32 $0x5C0  }
0x35: {  	[tilespmem:s26], [sflag:$0x1] =	stream.linear.gather [hbm4b:s25+s2], $0x40, $0x38;
	[tilespmem:$0x1210] =	vst v63  }
0x36: {  	s28 =	sadd.s32 $0x1330, s7;
	s29 =	simm.s32 $0x600  }
0x37: {  	[tilespmem:s29], [sflag:$0x1] =	stream.linear.gather [hbm4b:s28+s2], $0x40, $0x38;
	[tilespmem:$0x1210] =	vst v63  }
0x38: {  	s30 =	sadd.s32 $0x1392, s7;
	s31 =	simm.s32 $0x640  }
0x39: {  	[tilespmem:s31], [sflag:$0x1] =	stream.linear.gather [hbm4b:s30+s2], $0x40, $0x38;
	[tilespmem:$0x1210] =	vst v63  }
0x3a: {  	s9 =	sadd.s32 $0x13F4, s7;
	s10 =	simm.s32 $0x680  }
0x3b: {  	[tilespmem:s10], [sflag:$0x1] =	stream.linear.gather [hbm4b:s9+s2], $0x40, $0x38;
	[tilespmem:$0x1210] =	vst v63  }
0x3c: {  	s11 =	sadd.s32 $0x1456, s7;
	s12 =	simm.s32 $0x6C0  }
0x3d: {  	v0 =	vimm.f32 $4.480000000e+02;
	[tilespmem:s12], [sflag:$0x1] =	stream.linear.gather [hbm4b:s11+s2], $0x40, $0x38;
	[tilespmem:$0x1210] =	vst v63  }
0x3e: {  	v27 =	vimm.f32 $1.428571490e-01;
	(erf) = vrcp.f32 v0;
	s13 =	sadd.s32 $0x14B8, s7;
	s14 =	simm.s32 $0x700;
	s7 =	sadd.s32 $0x151A, s7  }
0x3f: {  	v1 =	vimm.f32 $7.000000000e+00;
	(erf) = vrcp.f32 v27;
	[tilespmem:s14], [sflag:$0x1] =	stream.linear.gather [hbm4b:s13+s2], $0x40, $0x38;
	[tilespmem:$0x1210] =	vst v63  }
0x40: {  	v0 =	vlaneseq.u32;
	(erf) = vrcp.f32 v1;
	s15 =	sadd.s32 $0x1600, s1;
	s16 =	simm.s32 $0x740;
	s17 =	sadd.s32 $0x10, s5  }
0x41: {  	v5 =	vor.u32 s5, v0;
	[tilespmem:s16], [sflag:$0x1] =	stream.linear.gather [hbm4b:s7+s2], $0x40, $0x38;
	[tilespmem:$0x1210] =	vst v63  }
0x42: {  	s18 =	sadd.s32 $0x20, s5;
	v4 =	vor.u32 s17, v0;
	s19 =	sadd.s32 $0x30, s5;
	s10 =	simm.s32 $0x780  }
0x43: {  	v3 =	vor.u32 s18, v0;
	[tilespmem:s10], [sflag:$0x2] =	stream.linear.gather [hbm4b:s15+s2], $0x200, $0x38;
	[tilespmem:$0x1210] =	vst v63  }
0x44: {  	s20 =	simm.s32 $0x980;
	v2 =	vor.u32 s19, v0;
	s21 =	simm.s32 $0xC80  }
0x45: {  	v6 =	vimm.s32 $0xFFFFFFFF;
	[tilespmem:s20], [sflag:$0x2] =	stream.linear.gather [hbm4b:s6+s2], $0x80, $0x38;
	[tilespmem:$0x1210] =	vst v63  }
0x46: {  	[tilespmem:v5+s21+$0x0] =	vst.idx.msk $0xffff, v6  }
0x47: {  	v9 =	vpop (erf);
	[tilespmem:v4+s21+$0x0] =	vst.idx.msk $0xffff, v6  }
0x48: {  	v7 =	vpop (erf);
	[tilespmem:v3+s21+$0x0] =	vst.idx.msk $0xffff, v6  }
0x49: {  	v1 =	vpop (erf);
	s22 =	simm.s32 $0x2;
	[tilespmem:v2+s21+$0x0] =	vst.idx.msk $0xffff, v6  }
0x4a: {  	_ =	swait.ge [sflag:s22], $0x200  }
0x4b: {  	[sflag:s22] =	ssyncset.done $0x0  }
0x4c: {  	[sflag:s22] =	ssyncadd.s32 $0xFFFFFE00  }
0x4d: {  	_ =	swait.ge [sflag:s22], $0x80  }
0x4e: {  	[sflag:s22] =	ssyncset.done $0x0  }
0x4f: {  	[sflag:s22] =	ssyncadd.s32 $0xFFFFFF80  }
0x50: {  	v28 =	vld [tilespmem:$0x780]  }
0x51: {  	v8 =	vld [tilespmem:$0x880]  }
0x52: {  	v10 =	vld [tilespmem:$0x800]  }
0x53: {  	v29 =	vld [tilespmem:$0x900];
	_ =	sdelay $0x3  }
0x54: {  	v19 =	vld [tilespmem:$0x810];
	v12 =	vmul.f32 v28, v9;
	v13 =	vmul.f32 v8, v9  }
0x55: {  	v36 =	vld [tilespmem:$0x910];
	v25 =	vmul.f32 v10, v9;
	v26 =	vmul.f32 v29, v9;
	_ =	sdelay $0x1  }
0x56: {  	v8 =	vadd.f32 v13, v12;
	v10 =	vadd.f32 v26, v25;
	_ =	sdelay $0x1  }
0x57: {  	v8 =	vmul.f32 $5.000000000e-01, v8;
	v14 =	vmul.f32 $5.000000000e-01, v10  }
0x58: {  	v23 =	vmul.f32 v19, v9;
	v24 =	vmul.f32 v36, v9  }
0x59: {  	v30 =	vmul.f32 v8, v7;
	v32 =	vmul.f32 v14, v7  }
0x5a: {  	v17 =	vld [tilespmem:$0x790]  }
0x5b: {  	v33 =	vld [tilespmem:$0x890];
	v27 =	vadd.f32 v24, v23;
	v11 =	vtrunc.f32 v30;
	v15 =	vtrunc.f32 v32  }
0x5c: {  	v41 =	vld [tilespmem:$0x820];
	v31 =	vcvt.f32.s32 v11;
	v15 =	vcvt.f32.s32 v15  }
0x5d: {  	v28 =	vld [tilespmem:$0x920];
	v27 =	vmul.f32 $5.000000000e-01, v27  }
0x5e: {  	v10 =	vcvt.s32.f32 v31;
	v15 =	vcvt.s32.f32 v15  }
0x5f: {  	v6 =	vimm.f32 $0.0e+00;
	v40 =	vld [tilespmem:$0x8A0];
	v21 =	vmul.f32 v17, v9  }
0x60: {  	vm0 =	vgt.f32 v30, v10;
	vm12 =	vgt.f32 v32, v15;
	v32 =	vmul.f32 v27, v7  }
0x61: {  	v22 =	vmul.f32 v33, v9;
	v17 =	vmul.f32 v41, v9;
	v16 =	vsel vm0, $0x3F800000, v6  }
0x62: {  	v19 =	vmul.f32 v28, v9;
	v10 =	vadd.f32 v10, v16;
	v45 =	vtrunc.f32 v32  }
0x63: {  	v34 =	vsel vm12, $0x3F800000, v6;
	v16 =	vadd.f32 v22, v21;
	v48 =	vcvt.f32.s32 v45  }
0x64: {  	v30 =	vmul.f32 v40, v9;
	v18 =	vadd.f32 $-1.000000000e+00, v10;
	v10 =	vadd.f32 v15, v34  }
0x65: {  	v44 =	vshrl.u32 v0, $0x3;
	v16 =	vmul.f32 $5.000000000e-01, v16;
	v50 =	vcvt.s32.f32 v48  }
0x66: {  	v39 =	vld [tilespmem:$0x7A0];
	v35 =	vmul.f32 $1.428571490e-01, v18;
	v37 =	vadd.f32 $-1.000000000e+00, v10;
	v18 =	vtrunc.f32 v18  }
0x67: {  	v47 =	vadd.f32 v19, v17;
	v20 =	vmul.f32 v16, v7;
	v18 =	vcvt.f32.s32 v18  }
0x68: {  	v17 =	vsub.f32 v19, v17;
	v38 =	vmul.f32 $1.428571490e-01, v37;
	v11 =	vtrunc.f32 v37  }
0x69: {  	v8 =	vsub.f32 v8, v35;
	v29 =	vtrunc.f32 v20;
	v35 =	vmul.f32 $5.000000000e-01, v47  }
0x6a: {  	vm14 =	vgt.f32 v32, v50;
	v11 =	vcvt.f32.s32 v11;
	v31 =	vcvt.f32.s32 v29  }
0x6b: {  	v36 =	vld [tilespmem:$0x830];
	v53 =	vsel vm14, $0x3F800000, v6;
	v29 =	vmul.f32 v39, v9;
	v10 =	vmul.f32 $7.000000000e+00, v8  }
0x6c: {  	v51 =	vld [tilespmem:$0x8B0];
	v14 =	vsub.f32 v14, v38;
	v8 =	vmul.u32 $0x31, v44;
	v37 =	vmul.f32 v35, v7  }
0x6d: {  	v33 =	vld [tilespmem:$0x7B0];
	v42 =	vmul.u32 $0x7, v11;
	v43 =	vcvt.s32.f32 v31;
	v15 =	vadd.f32 v30, v29  }
0x6e: {  	v39 =	vld [tilespmem:$0x930];
	v29 =	vsub.f32 v30, v29;
	v14 =	vmul.f32 $7.000000000e+00, v14;
	v55 =	vtrunc.f32 v37  }
0x6f: {  	v18 =	vadd.s32 v42, v18;
	vm13 =	vgt.f32 v20, v43;
	v46 =	vmul.f32 $5.000000000e-01, v15  }
0x70: {  	v15 =	vsub.f32 v13, v12;
	v13 =	vadd.f32 v50, v53;
	v12 =	vmul.f32 v36, v9  }
0x71: {  	v20 =	vmul.f32 v51, v9;
	v49 =	vsel vm13, $0x3F800000, v6;
	v11 =	vadd.s32 v8, v18  }
0x72: {  	v18 =	vmul.f32 v33, v9;
	v34 =	vmul.f32 v46, v7;
	v56 =	vadd.f32 $-1.000000000e+00, v13  }
0x73: {  	v33 =	vsub.f32 v26, v25;
	v28 =	vadd.f32 v43, v49;
	v13 =	vmul.f32 v39, v9  }
0x74: {  	v58 =	vadd.f32 v20, v18;
	v38 =	vtrunc.f32 v34;
	v60 =	vmul.f32 $1.428571490e-01, v56  }
0x75: {  	v43 =	vld [tilespmem:$0x7C0];
	v28 =	vadd.f32 $-1.000000000e+00, v28;
	v32 =	vtrunc.f32 v56;
	v52 =	vcvt.f32.s32 v38  }
0x76: {  	v18 =	vsub.f32 v20, v18;
	v38 =	vcvt.f32.s32 v55;
	v36 =	vmul.f32 $5.000000000e-01, v58  }
0x77: {  	v59 =	vadd.f32 v13, v12;
	v47 =	vcvt.f32.s32 v32;
	v54 =	vmul.f32 $1.428571490e-01, v28  }
0x78: {  	v56 =	vld [tilespmem:$0x940];
	v12 =	vsub.f32 v13, v12;
	v28 =	vtrunc.f32 v28;
	v40 =	vcvt.s32.f32 v52  }
0x79: {  	v27 =	vsub.f32 v27, v60;
	v57 =	vcvt.s32.f32 v38;
	v63 =	vmul.f32 v36, v7  }
0x7a: {  	v28 =	vcvt.f32.s32 v28;
	v25 =	vmul.u32 $0x7, v47;
	v31 =	vmul.f32 v43, v9  }
0x7b: {  	v16 =	vsub.f32 v16, v54;
	vm15 =	vgt.f32 v34, v40;
	vm4 =	vgt.f32 v37, v57  }
0x7c: {  	v44 =	vld [tilespmem:$0x8C0];
	v37 =	vmul.f32 $5.000000000e-01, v59;
	v49 =	vtrunc.f32 v63;
	v45 =	vadd.s32 v25, v28  }
0x7d: {  	v59 =	vadd.s32 $0x62, v8;
	v28 =	vmul.f32 v56, v9;
	v34 =	vsel vm15, $0x3F800000, v6  }
0x7e: {  	v16 =	vmul.f32 $7.000000000e+00, v16;
	v32 =	vcvt.f32.s32 v49;
	v34 =	vadd.f32 v40, v34  }
0x7f: {  	v62 =	vsel vm4, $0x3F800000, v6;
	v41 =	vmul.f32 v37, v7;
	v40 =	vadd.s32 v59, v45  }
0x80: {  	v52 =	vcvt.s32.f32 v32;
	v61 =	vadd.f32 $-1.000000000e+00, v34;
	v34 =	vadd.f32 v57, v62  }
0x81: {  	v45 =	vsub.f32 v22, v21;
	v32 =	vmul.f32 v44, v9;
	v50 =	vtrunc.f32 v41  }
0x82: {  	v55 =	vld [tilespmem:$0x840];
	vm5 =	vgt.f32 v63, v52;
	v48 =	vmul.f32 $1.428571490e-01, v61;
	v42 =	vadd.f32 $-1.000000000e+00, v34  }
0x83: {  	v62 =	vld [tilespmem:$0x7D0];
	v34 =	vcvt.f32.s32 v50;
	v57 =	vsel vm5, $0x3F800000, v6;
	v38 =	vtrunc.f32 v61  }
0x84: {  	v61 =	vadd.f32 v32, v31;
	v38 =	vcvt.f32.s32 v38;
	v51 =	vmul.f32 $1.428571490e-01, v42  }
0x85: {  	v25 =	vadd.f32 v52, v57;
	v53 =	vcvt.s32.f32 v34;
	v34 =	vmul.f32 $7.000000000e+00, v27  }
0x86: {  	v26 =	vsub.f32 v46, v48;
	v42 =	vtrunc.f32 v42;
	v47 =	vmul.f32 $5.000000000e-01, v61  }
0x87: {  	v60 =	vadd.f32 $-1.000000000e+00, v25;
	v25 =	vmul.f32 v55, v9;
	vm1 =	vgt.f32 v41, v53  }
0x88: {  	v42 =	vcvt.f32.s32 v42;
	v22 =	vmul.f32 v62, v9;
	v58 =	vsel vm1, $0x3F800000, v6  }
0x89: {  	v26 =	vmul.f32 $7.000000000e+00, v26;
	v39 =	vadd.f32 v53, v58;
	v53 =	vadd.f32 v28, v25  }
0x8a: {  	v46 =	vld [tilespmem:$0x850];
	v54 =	vsub.f32 v35, v51;
	v50 =	vmul.f32 v47, v7;
	v63 =	vmul.f32 $1.428571490e-01, v60  }
0x8b: {  	v41 =	vtrunc.f32 v60;
	v39 =	vadd.f32 $-1.000000000e+00, v39;
	v49 =	vmul.f32 $5.000000000e-01, v53  }
0x8c: {  	v57 =	vadd.s32 $0xC4, v8;
	v48 =	vld [tilespmem:$0x8D0];
	v27 =	vmul.f32 $7.000000000e+00, v54;
	v51 =	vtrunc.f32 v50  }
0x8d: {  	v55 =	vmul.u32 $0x7, v42;
	v54 =	vld [tilespmem:$0x950];
	v52 =	vmul.f32 $1.428571490e-01, v39;
	v56 =	vmul.f32 v49, v7  }
0x8e: {  	v41 =	vcvt.f32.s32 v41;
	v25 =	vsub.f32 v28, v25;
	v58 =	vcvt.f32.s32 v51  }
0x8f: {  	v21 =	vmul.f32 v46, v9;
	v37 =	vsub.f32 v37, v52;
	v59 =	vtrunc.f32 v56  }
0x90: {  	v36 =	vsub.f32 v36, v63;
	v61 =	vcvt.s32.f32 v58;
	v46 =	vcvt.f32.s32 v59  }
0x91: {  	v35 =	vmul.f32 $7.000000000e+00, v37;
	v37 =	vsub.f32 v24, v23;
	v24 =	vmul.f32 v48, v9  }
0x92: {  	v38 =	vadd.s32 v55, v38;
	vm6 =	vgt.f32 v50, v61;
	v23 =	vmul.f32 v54, v9  }
0x93: {  	v50 =	vsel vm6, $0x3F800000, v6;
	v62 =	vcvt.s32.f32 v46;
	v48 =	vadd.f32 v24, v22  }
0x94: {  	v36 =	vmul.f32 $7.000000000e+00, v36;
	v43 =	vadd.f32 v61, v50;
	v60 =	vadd.f32 v23, v21  }
0x95: {  	v39 =	vtrunc.f32 v39;
	vm7 =	vgt.f32 v56, v62;
	v44 =	vmul.f32 $5.000000000e-01, v48  }
0x96: {  	v43 =	vadd.f32 $-1.000000000e+00, v43;
	v46 =	vmul.f32 $5.000000000e-01, v60;
	v54 =	vsel vm7, $0x3F800000, v6  }
0x97: {  	v39 =	vcvt.f32.s32 v39;
	v30 =	vadd.f32 v62, v54;
	v48 =	vmul.f32 v44, v7  }
0x98: {  	v38 =	vadd.s32 v57, v38;
	v58 =	vmul.f32 $1.428571490e-01, v43;
	v63 =	vmul.f32 v46, v7  }
0x99: {  	v39 =	vmul.u32 $0x7, v39;
	v30 =	vadd.f32 $-1.000000000e+00, v30;
	v55 =	vtrunc.f32 v48  }
0x9a: {  	v19 =	vsub.f32 v47, v58;
	v57 =	vtrunc.f32 v63;
	v56 =	vcvt.f32.s32 v55  }
0x9b: {  	[tilespmem:$0xAA0] =	vst v27;
	v27 =	vadd.s32 $0x24C, v8;
	v59 =	vld [tilespmem:$0x8E0];
	v51 =	vcvt.f32.s32 v57;
	v53 =	vmul.f32 $1.428571490e-01, v30  }
0x9c: {  	v39 =	vadd.s32 v39, v41;
	v54 =	vadd.s32 $0x126, v8;
	v19 =	vmul.f32 $7.000000000e+00, v19;
	v55 =	vld [tilespmem:$0x960]  }
0x9d: {  	v50 =	vcvt.s32.f32 v56;
	v51 =	vcvt.s32.f32 v51;
	v61 =	vsub.f32 v49, v53;
	v53 =	vld [tilespmem:$0x8F0]  }
0x9e: {  	[tilespmem:$0xA80] =	vst v14;
	v52 =	vld [tilespmem:$0x7E0];
	v14 =	vadd.s32 v54, v39;
	v30 =	vtrunc.f32 v30;
	v56 =	vtrunc.f32 v43  }
0x9f: {  	vm8 =	vgt.f32 v48, v50;
	vm9 =	vgt.f32 v63, v51;
	v63 =	vld [tilespmem:$0x860];
	v42 =	vmul.f32 $7.000000000e+00, v61  }
0xa0: {  	[tilespmem:$0xC00] =	vst v11;
	v61 =	vcvt.f32.s32 v30;
	v60 =	vsel vm8, $0x3F800000, v6;
	v62 =	vsel vm9, $0x3F800000, v6  }
0xa1: {  	[tilespmem:$0xB80] =	vst v33;
	v48 =	vmul.f32 v59, v9;
	v47 =	vadd.f32 v50, v60;
	v49 =	vadd.f32 v51, v62;
	v60 =	vld [tilespmem:$0x7F0]  }
0xa2: {  	[tilespmem:$0xB90] =	vst v37;
	v33 =	vmul.f32 v55, v9;
	v11 =	vmul.u32 $0x7, v61;
	v37 =	vmul.f32 v53, v9  }
0xa3: {  	[tilespmem:$0xA00] =	vst v10;
	v55 =	vld [tilespmem:$0x970];
	v47 =	vadd.f32 $-1.000000000e+00, v47;
	v10 =	vadd.f32 $-1.000000000e+00, v49;
	v49 =	vmul.f32 v52, v9  }
0xa4: {  	v62 =	vld [tilespmem:$0x870];
	v53 =	vadd.s32 $0x1EA, v8;
	v20 =	vmul.f32 v63, v9;
	v63 =	vcvt.f32.s32 v56  }
0xa5: {  	[tilespmem:$0xBA0] =	vst v17;
	v57 =	vmul.f32 $1.428571490e-01, v47;
	v58 =	vmul.f32 $1.428571490e-01, v10;
	v59 =	vadd.f32 v48, v49  }
0xa6: {  	[tilespmem:$0xA20] =	vst v26;
	v10 =	vtrunc.f32 v10;
	v52 =	vadd.f32 v33, v20;
	v26 =	vmul.f32 v60, v9  }
0xa7: {  	[tilespmem:$0xB20] =	vst v29;
	v11 =	vadd.s32 v11, v63;
	v60 =	vtrunc.f32 v47;
	v10 =	vcvt.f32.s32 v10  }
0xa8: {  	[tilespmem:$0xB00] =	vst v15;
	v15 =	vsub.f32 v44, v57;
	v30 =	vmul.f32 $5.000000000e-01, v59;
	v51 =	vsub.f32 v46, v58  }
0xa9: {  	[tilespmem:$0xB30] =	vst v18;
	v59 =	vsub.f32 v32, v31;
	v31 =	vmul.f32 v62, v9;
	v9 =	vmul.f32 v55, v9  }
0xaa: {  	[tilespmem:$0xBB0] =	vst v12;
	v57 =	vadd.s32 $0x188, v8;
	v39 =	vmul.f32 $5.000000000e-01, v52;
	v61 =	vadd.f32 v37, v26  }
0xab: {  	[tilespmem:$0xA10] =	vst v16;
	v29 =	vcvt.f32.s32 v60;
	v54 =	vmul.f32 v30, v7;
	v63 =	vadd.f32 v9, v31  }
0xac: {  	[tilespmem:$0xC10] =	vst v40;
	v55 =	vsub.f32 v24, v22;
	v58 =	vmul.f32 v39, v7;
	v43 =	vmul.f32 $5.000000000e-01, v61  }
0xad: {  	[tilespmem:$0xB10] =	vst v45;
	v22 =	vsub.f32 v48, v49;
	v56 =	vtrunc.f32 v54;
	v44 =	vmul.f32 $5.000000000e-01, v63  }
0xae: {  	[tilespmem:$0xA90] =	vst v34;
	v24 =	vsub.f32 v33, v20;
	v16 =	vcvt.f32.s32 v56;
	v62 =	vtrunc.f32 v58  }
0xaf: {  	[tilespmem:$0xBC0] =	vst v25;
	v11 =	vadd.s32 v57, v11;
	v45 =	vmul.f32 v43, v7;
	v17 =	vcvt.f32.s32 v62  }
0xb0: {  	[tilespmem:$0xC20] =	vst v38;
	v10 =	vmul.u32 $0x7, v10;
	v7 =	vmul.f32 v44, v7;
	v16 =	vcvt.s32.f32 v16  }
0xb1: {  	[tilespmem:$0xA30] =	vst v36;
	v33 =	vsub.f32 v37, v26;
	v15 =	vmul.f32 $7.000000000e+00, v15;
	v13 =	vmul.f32 $7.000000000e+00, v51  }
0xb2: {  	[tilespmem:$0xAB0] =	vst v35;
	v17 =	vcvt.s32.f32 v17;
	v52 =	vtrunc.f32 v7;
	vm10 =	vgt.f32 v54, v16  }
0xb3: {  	[tilespmem:$0xC30] =	vst v14;
	v50 =	vtrunc.f32 v45;
	v54 =	vcvt.f32.s32 v52;
	v46 =	vsel vm10, $0x3F800000, v6  }
0xb4: {  	[tilespmem:$0xA40] =	vst v19;
	vm11 =	vgt.f32 v58, v17;
	v47 =	vadd.f32 v16, v46;
	v16 =	vcvt.f32.s32 v50  }
0xb5: {  	[tilespmem:$0xAC0] =	vst v42;
	v34 =	vsub.f32 v9, v31;
	v10 =	vadd.s32 v10, v29;
	v51 =	vsel vm11, $0x3F800000, v6  }
0xb6: {  	[tilespmem:$0xB40] =	vst v59;
	v14 =	vadd.f32 v17, v51;
	v17 =	vcvt.s32.f32 v54;
	v16 =	vcvt.s32.f32 v16  }
0xb7: {  	[tilespmem:$0xC40] =	vst v11;
	v10 =	vadd.s32 v53, v10;
	v56 =	vsub.f32 v23, v21;
	v12 =	vadd.f32 $-1.000000000e+00, v47  }
0xb8: {  	[tilespmem:$0xB50] =	vst v55;
	v14 =	vadd.f32 $-1.000000000e+00, v14;
	vm13 =	vgt.f32 v7, v17;
	vm12 =	vgt.f32 v45, v16  }
0xb9: {  	[tilespmem:$0xB60] =	vst v22;
	v57 =	vmul.f32 $1.428571490e-01, v12;
	v12 =	vtrunc.f32 v12;
	v59 =	vsel vm12, $0x3F800000, v6  }
0xba: {  	[tilespmem:$0xBE0] =	vst v24;
	v58 =	vmul.f32 $1.428571490e-01, v14;
	v6 =	vsel vm13, $0x3F800000, v6;
	v61 =	vadd.f32 v16, v59  }
0xbb: {  	[tilespmem:$0xB70] =	vst v33;
	v62 =	vtrunc.f32 v14;
	v60 =	vsub.f32 v30, v57;
	v6 =	vadd.f32 v17, v6  }
0xbc: {  	[tilespmem:$0xAD0] =	vst v13;
	v13 =	vcvt.f32.s32 v62;
	v11 =	vsub.f32 v39, v58;
	v63 =	vadd.f32 $-1.000000000e+00, v61  }
0xbd: {  	[tilespmem:$0xA50] =	vst v15;
	v18 =	vcvt.f32.s32 v12;
	v7 =	vmul.f32 $7.000000000e+00, v60;
	v6 =	vadd.f32 $-1.000000000e+00, v6  }
0xbe: {  	[tilespmem:$0xBF0] =	vst v34;
	v19 =	vmul.u32 $0x7, v13;
	v11 =	vmul.f32 $7.000000000e+00, v11;
	v21 =	vmul.f32 $1.428571490e-01, v63  }
0xbf: {  	v32 =	vmul.u32 $0x8, v0;
	[tilespmem:$0xC50] =	vst v10;
	v23 =	vmul.f32 $1.428571490e-01, v6;
	v6 =	vtrunc.f32 v6  }
0xc0: {  	[tilespmem:$0xBD0] =	vst v56;
	v10 =	vadd.s32 v19, v18;
	v6 =	vcvt.f32.s32 v6;
	v25 =	vsub.f32 v43, v21  }
0xc1: {  	[tilespmem:$0xA60] =	vst v7;
	v30 =	vtrunc.f32 v63;
	v10 =	vadd.s32 v27, v10;
	v28 =	vsub.f32 v44, v23  }
0xc2: {  	[tilespmem:$0xC60] =	vst v10;
	v10 =	vcvt.f32.s32 v30;
	v6 =	vmul.u32 $0x7, v6;
	v29 =	vmul.f32 $7.000000000e+00, v25  }
0xc3: {  	[tilespmem:$0xAE0] =	vst v11;
	v7 =	vmul.f32 $7.000000000e+00, v28  }
0xc4: {  	v8 =	vadd.s32 $0x2AE, v8;
	v6 =	vadd.s32 v6, v10;
	[tilespmem:$0xA70] =	vst v29  }
0xc5: {  	[tilespmem:$0xAF0] =	vst v7;
	v6 =	vadd.s32 v8, v6  }
0xc6: {  	s23 =	simm.s32 $0xC00;
	[tilespmem:$0xC70] =	vst v6  }
0xc7: {  	v6 =	vld.idx.msk [tilespmem:v32+s23+$0x0], $0xffff;
	_ =	sdelay $0x3  }
0xc8: {  	v35 =	vor.u32 $0x1, v32;
	_ =	sdelay $0x3  }
0xc9: {  	[tilespmem:v6+s21+$0x0] =	vst.idx.msk $0xffff, v32  }
0xca: {  	v6 =	vld.idx.msk [tilespmem:v35+s23+$0x0], $0xffff;
	_ =	sdelay $0x3  }
0xcb: {  	v36 =	vor.u32 $0x2, v32;
	_ =	sdelay $0x3  }
0xcc: {  	[tilespmem:v6+s21+$0x0] =	vst.idx.msk $0xffff, v35  }
0xcd: {  	v6 =	vld.idx.msk [tilespmem:v36+s23+$0x0], $0xffff;
	_ =	sdelay $0x3  }
0xce: {  	v37 =	vor.u32 $0x3, v32;
	_ =	sdelay $0x3  }
0xcf: {  	[tilespmem:v6+s21+$0x0] =	vst.idx.msk $0xffff, v36  }
0xd0: {  	v6 =	vld.idx.msk [tilespmem:v37+s23+$0x0], $0xffff;
	_ =	sdelay $0x3  }
0xd1: {  	v38 =	vor.u32 $0x4, v32;
	_ =	sdelay $0x3  }
0xd2: {  	[tilespmem:v6+s21+$0x0] =	vst.idx.msk $0xffff, v37  }
0xd3: {  	v6 =	vld.idx.msk [tilespmem:v38+s23+$0x0], $0xffff;
	_ =	sdelay $0x3  }
0xd4: {  	v39 =	vor.u32 $0x5, v32;
	_ =	sdelay $0x3  }
0xd5: {  	[tilespmem:v6+s21+$0x0] =	vst.idx.msk $0xffff, v38  }
0xd6: {  	v6 =	vld.idx.msk [tilespmem:v39+s23+$0x0], $0xffff;
	_ =	sdelay $0x3  }
0xd7: {  	v40 =	vor.u32 $0x6, v32;
	_ =	sdelay $0x3  }
0xd8: {  	[tilespmem:v6+s21+$0x0] =	vst.idx.msk $0xffff, v39  }
0xd9: {  	v6 =	vld.idx.msk [tilespmem:v40+s23+$0x0], $0xffff;
	_ =	sdelay $0x3  }
0xda: {  	v41 =	vor.u32 $0x7, v32;
	_ =	sdelay $0x3  }
0xdb: {  	[tilespmem:v6+s21+$0x0] =	vst.idx.msk $0xffff, v40  }
0xdc: {  	v6 =	vld.idx.msk [tilespmem:v41+s23+$0x0], $0xffff;
	_ =	sdelay $0x7  }
0xdd: {  	s24 =	simm.s32 $0x1;
	[tilespmem:v6+s21+$0x0] =	vst.idx.msk $0xffff, v41  }
0xde: {  	_ =	swait.ge [sflag:s24], $0x40  }
0xdf: {  	[sflag:s24] =	ssyncset.done $0x0  }
0xe0: {  	[sflag:s24] =	ssyncadd.s32 $0xFFFFFFC0  }
0xe1: {  	_ =	swait.ge [sflag:s24], $0x40  }
0xe2: {  	[sflag:s24] =	ssyncset.done $0x0  }
0xe3: {  	[sflag:s24] =	ssyncadd.s32 $0xFFFFFFC0  }
0xe4: {  	_ =	swait.ge [sflag:s24], $0x40  }
0xe5: {  	[sflag:s24] =	ssyncset.done $0x0  }
0xe6: {  	[sflag:s24] =	ssyncadd.s32 $0xFFFFFFC0  }
0xe7: {  	_ =	swait.ge [sflag:s24], $0x40  }
0xe8: {  	[sflag:s24] =	ssyncset.done $0x0  }
0xe9: {  	[sflag:s24] =	ssyncadd.s32 $0xFFFFFFC0  }
0xea: {  	_ =	swait.ge [sflag:s24], $0x40  }
0xeb: {  	[sflag:s24] =	ssyncset.done $0x0  }
0xec: {  	[sflag:s24] =	ssyncadd.s32 $0xFFFFFFC0  }
0xed: {  	_ =	swait.ge [sflag:s24], $0x40  }
0xee: {  	[sflag:s24] =	ssyncset.done $0x0  }
0xef: {  	[sflag:s24] =	ssyncadd.s32 $0xFFFFFFC0  }
0xf0: {  	_ =	swait.ge [sflag:s24], $0x40  }
0xf1: {  	[sflag:s24] =	ssyncset.done $0x0  }
0xf2: {  	[sflag:s24] =	ssyncadd.s32 $0xFFFFFFC0  }
0xf3: {  	_ =	swait.ge [sflag:s24], $0x40  }
0xf4: {  	[sflag:s24] =	ssyncset.done $0x0  }
0xf5: {  	[sflag:s24] =	ssyncadd.s32 $0xFFFFFFC0  }
0xf6: {  	_ =	swait.ge [sflag:s24], $0x40  }
0xf7: {  	[sflag:s24] =	ssyncset.done $0x0  }
0xf8: {  	[sflag:s24] =	ssyncadd.s32 $0xFFFFFFC0  }
0xf9: {  	_ =	swait.ge [sflag:s24], $0x40  }
0xfa: {  	[sflag:s24] =	ssyncset.done $0x0  }
0xfb: {  	[sflag:s24] =	ssyncadd.s32 $0xFFFFFFC0  }
0xfc: {  	_ =	swait.ge [sflag:s24], $0x40  }
0xfd: {  	[sflag:s24] =	ssyncset.done $0x0  }
0xfe: {  	[sflag:s24] =	ssyncadd.s32 $0xFFFFFFC0  }
0xff: {  	_ =	swait.ge [sflag:s24], $0x40  }
0x100: {  	[sflag:s24] =	ssyncset.done $0x0  }
0x101: {  	[sflag:s24] =	ssyncadd.s32 $0xFFFFFFC0  }
0x102: {  	_ =	swait.ge [sflag:s24], $0x40  }
0x103: {  	[sflag:s24] =	ssyncset.done $0x0  }
0x104: {  	[sflag:s24] =	ssyncadd.s32 $0xFFFFFFC0  }
0x105: {  	_ =	swait.ge [sflag:s24], $0x40  }
0x106: {  	[sflag:s24] =	ssyncset.done $0x0  }
0x107: {  	[sflag:s24] =	ssyncadd.s32 $0xFFFFFFC0  }
0x108: {  	_ =	swait.ge [sflag:s24], $0x40  }
0x109: {  	[sflag:s24] =	ssyncset.done $0x0  }
0x10a: {  	[sflag:s24] =	ssyncadd.s32 $0xFFFFFFC0  }
0x10b: {  	_ =	swait.ge [sflag:s24], $0x40  }
0x10c: {  	[sflag:s24] =	ssyncset.done $0x0  }
0x10d: {  	[sflag:s24] =	ssyncadd.s32 $0xFFFFFFC0  }
0x10e: {  	_ =	swait.ge [sflag:s24], $0x40  }
0x10f: {  	[sflag:s24] =	ssyncset.done $0x0  }
0x110: {  	[sflag:s24] =	ssyncadd.s32 $0xFFFFFFC0  }
0x111: {  	_ =	swait.ge [sflag:s24], $0x40  }
0x112: {  	[sflag:s24] =	ssyncset.done $0x0  }
0x113: {  	[sflag:s24] =	ssyncadd.s32 $0xFFFFFFC0  }
0x114: {  	_ =	swait.ge [sflag:s24], $0x40  }
0x115: {  	[sflag:s24] =	ssyncset.done $0x0  }
0x116: {  	[sflag:s24] =	ssyncadd.s32 $0xFFFFFFC0  }
0x117: {  	_ =	swait.ge [sflag:s24], $0x40  }
0x118: {  	[sflag:s24] =	ssyncset.done $0x0  }
0x119: {  	[sflag:s24] =	ssyncadd.s32 $0xFFFFFFC0  }
0x11a: {  	_ =	swait.ge [sflag:s24], $0x40  }
0x11b: {  	[sflag:s24] =	ssyncset.done $0x0  }
0x11c: {  	[sflag:s24] =	ssyncadd.s32 $0xFFFFFFC0  }
0x11d: {  	_ =	swait.ge [sflag:s24], $0x40  }
0x11e: {  	[sflag:s24] =	ssyncset.done $0x0  }
0x11f: {  	[sflag:s24] =	ssyncadd.s32 $0xFFFFFFC0  }
0x120: {  	_ =	swait.ge [sflag:s24], $0x40  }
0x121: {  	[sflag:s24] =	ssyncset.done $0x0  }
0x122: {  	[sflag:s24] =	ssyncadd.s32 $0xFFFFFFC0  }
0x123: {  	_ =	swait.ge [sflag:s24], $0x40  }
0x124: {  	[sflag:s24] =	ssyncset.done $0x0  }
0x125: {  	[sflag:s24] =	ssyncadd.s32 $0xFFFFFFC0  }
0x126: {  	_ =	swait.ge [sflag:s24], $0x40  }
0x127: {  	[sflag:s24] =	ssyncset.done $0x0  }
0x128: {  	[sflag:s24] =	ssyncadd.s32 $0xFFFFFFC0  }
0x129: {  	_ =	swait.ge [sflag:s24], $0x40  }
0x12a: {  	[sflag:s24] =	ssyncset.done $0x0  }
0x12b: {  	[sflag:s24] =	ssyncadd.s32 $0xFFFFFFC0  }
0x12c: {  	_ =	swait.ge [sflag:s24], $0x40  }
0x12d: {  	[sflag:s24] =	ssyncset.done $0x0  }
0x12e: {  	[sflag:s24] =	ssyncadd.s32 $0xFFFFFFC0  }
0x12f: {  	_ =	swait.ge [sflag:s24], $0x40  }
0x130: {  	[sflag:s24] =	ssyncset.done $0x0  }
0x131: {  	[sflag:s24] =	ssyncadd.s32 $0xFFFFFFC0  }
0x132: {  	_ =	swait.ge [sflag:s24], $0x40  }
0x133: {  	[sflag:s24] =	ssyncset.done $0x0  }
0x134: {  	[sflag:s24] =	ssyncadd.s32 $0xFFFFFFC0  }
0x135: {  	_ =	swait.ge [sflag:s24], $0x40  }
0x136: {  	[sflag:s24] =	ssyncset.done $0x0  }
0x137: {  	[sflag:s24] =	ssyncadd.s32 $0xFFFFFFC0  }
0x138: {  	v5 =	vld.idx.msk [tilespmem:v5+s21+$0x0], $0xffff;
	_ =	sdelay $0x2  }
0x139: {  	v10 =	vld [tilespmem:$0x40]  }
0x13a: {  	v6 =	vld [tilespmem:$0x80]  }
0x13b: {  	v20 =	vld [tilespmem:$0x140];
	vm14 =	vlt.s32 v5, $0x0  }
0x13c: {  	v21 =	vld [tilespmem:$0x180];
	v8 =	vsel vm14, $0x0, v5  }
0x13d: {  	v48 =	vld [tilespmem:$0x1C0]  }
0x13e: {  	v27 =	vld [tilespmem:$0x200]  }
0x13f: {  	v11 =	vld [tilespmem:$0xC0]  }
0x140: {  	s25 =	simm.s32 $0xA00;
	v5 =	vld [tilespmem:$0x0]  }
0x141: {  	s26 =	simm.s32 $0xA80;
	v49 =	vmul.f32 v10, v1;
	v13 =	vld.idx.msk [tilespmem:v8+s25+$0x0], $0xffff  }
0x142: {  	s28 =	simm.s32 $0xB00;
	v59 =	vmul.f32 v20, v1;
	v60 =	vmul.f32 $5.000000000e-01, v48;
	v12 =	vld.idx.msk [tilespmem:v8+s26+$0x0], $0xffff  }
0x143: {  	s29 =	simm.s32 $0xB80;
	v61 =	vmul.f32 v21, v1;
	v62 =	vmul.f32 $5.000000000e-01, v27;
	v9 =	vld.idx.msk [tilespmem:v8+s28+$0x0], $0xffff  }
0x144: {  	v50 =	vmul.f32 $5.000000000e-01, v11;
	v63 =	vsub.f32 v59, v60;
	v36 =	vadd.f32 v60, v59;
	v7 =	vld.idx.msk [tilespmem:v8+s29+$0x0], $0xffff  }
0x145: {  	v47 =	vmul.f32 $5.000000000e-01, v6;
	v37 =	vadd.f32 v62, v61;
	v38 =	vsub.f32 v61, v62  }
0x146: {  	v53 =	vadd.f32 v50, v49;
	v25 =	vsub.f32 v49, v50;
	v46 =	vmul.f32 v5, v1  }
0x147: {  	v28 =	vsub.f32 v36, v63;
	v29 =	vsub.f32 v37, v38  }
0x148: {  	v51 =	vsub.f32 v46, v47;
	v16 =	vmul.f32 $5.000000000e-01, v9;
	v42 =	vmul.f32 v13, v1  }
0x149: {  	v22 =	vadd.f32 v47, v46;
	v14 =	vmul.f32 $5.000000000e-01, v7;
	v43 =	vmul.f32 v12, v1  }
0x14a: {  	v44 =	vsub.f32 v42, v16;
	v15 =	vadd.f32 v16, v42  }
0x14b: {  	v40 =	vmul.f32 v29, v28;
	v45 =	vsub.f32 v43, v14;
	v17 =	vadd.f32 v14, v43  }
0x14c: {  	v52 =	vsub.f32 v15, v44;
	v54 =	vmin.f32 v22, v15;
	v55 =	vmax.f32 v51, v44  }
0x14d: {  	v56 =	vsub.f32 v17, v45;
	v57 =	vmin.f32 v53, v17;
	v58 =	vmax.f32 v25, v45  }
0x14e: {  	v22 =	vsub.f32 v22, v51;
	v25 =	vsub.f32 v53, v25;
	v15 =	vmin.f32 v36, v15  }
0x14f: {  	v18 =	vmax.f32 v63, v44;
	v17 =	vmin.f32 v37, v17;
	v26 =	vsub.f32 v54, v55  }
0x150: {  	v19 =	vmax.f32 v38, v45;
	v30 =	vsub.f32 v57, v58;
	v15 =	vsub.f32 v15, v18  }
0x151: {  	v17 =	vsub.f32 v17, v19;
	v23 =	vmul.f32 v56, v52;
	v22 =	vmul.f32 v25, v22  }
0x152: {  	v26 =	vmax.f32 v26, $0.0e+00;
	v30 =	vmax.f32 v30, $0.0e+00;
	v15 =	vmax.f32 v15, $0.0e+00  }
0x153: {  	v17 =	vmax.f32 v17, $0.0e+00;
	v39 =	vmul.f32 v30, v26;
	v22 =	vadd.f32 v22, v23  }
0x154: {  	v15 =	vmul.f32 v17, v15;
	v41 =	vadd.f32 v40, v23  }
0x155: {  	v42 =	vsub.f32 v22, v39  }
0x156: {  	v17 =	vsub.f32 v41, v15  }
0x157: {  	(erf) = vrcp.f32 v42  }
0x158: {  	(erf) = vrcp.f32 v17;
	_ =	sdelay $0x7  }
0x159: {  	v43 =	vpop (erf)  }
0x15a: {  	v44 =	vpop (erf)  }
0x15b: {  	v4 =	vld.idx.msk [tilespmem:v4+s21+$0x0], $0xffff;
	v45 =	vmul.f32 v43, v39;
	v15 =	vmul.f32 v44, v15  }
0x15c: {  	v3 =	vld.idx.msk [tilespmem:v3+s21+$0x0], $0xffff  }
0x15d: {  	v2 =	vld.idx.msk [tilespmem:v2+s21+$0x0], $0xffff;
	vm2 =	vge.f32 v45, v15  }
0x15e: {  	v18 =	vsel vm2, v6, v48  }
0x15f: {  	v8 =	vld.idx.msk [tilespmem:v8+s20+$0x0], $0xffff;
	v6 =	vshra.s32 v18, $0x1;
	v24 =	vmul.f32 $5.000000000e-01, v18  }
0x160: {  	v47 =	vshra.s32 v9, $0x1;
	v57 =	vld [tilespmem:$0x280];
	v6 =	vsub.s32 $0x5F3759DF, v6  }
0x161: {  	vm15 =	vlt.s32 v4, $0x0;
	v58 =	vld [tilespmem:$0x2C0];
	v48 =	vsub.s32 $0x5F3759DF, v47;
	v46 =	vmul.f32 v6, v24  }
0x162: {  	vm6 =	vlt.s32 v3, $0x0;
	vm7 =	vgt.s32 v2, $0x0;
	v30 =	vld [tilespmem:$0x90];
	v19 =	vmul.f32 v48, v16  }
0x163: {  	vm10 =	vgt.s32 v2, $0xFFFFFFFF;
	v4 =	vsel vm15, $0x0, v4;
	v17 =	vmul.f32 v6, v46  }
0x164: {  	v3 =	vsel vm6, $0x0, v3;
	v62 =	vshra.s32 v7, $0x1;
	v19 =	vmul.f32 v48, v19  }
0x165: {  	v8 =	vshll.u32 v8, $0x6;
	v63 =	vsub.s32 $0x5F3759DF, v62;
	v17 =	vsub.f32 $1.500000000e+00, v17  }
0x166: {  	v28 =	vmul.f32 v57, v57;
	v29 =	vmul.f32 v58, v58;
	v19 =	vsub.f32 $1.500000000e+00, v19  }
0x167: {  	v58 =	vmul.f32 $5.000000000e-01, v30;
	v23 =	vsel vm2, v11, v27;
	v6 =	vmul.f32 v6, v17  }
0x168: {  	v32 =	vsel vm2, v5, v20;
	v31 =	vsel vm2, v10, v21;
	v17 =	vmul.f32 v48, v19  }
0x169: {  	v5 =	vld.idx.msk [tilespmem:v4+s29+$0x0], $0xffff;
	v47 =	vmul.f32 v63, v14;
	v52 =	vshra.s32 v23, $0x1;
	v49 =	vmul.f32 v6, v24  }
0x16a: {  	v20 =	vld [tilespmem:$0x10];
	v13 =	vsub.f32 v32, v13;
	v19 =	vmul.f32 $5.000000000e-01, v23;
	v54 =	vmul.f32 v17, v16  }
0x16b: {  	v59 =	vld [tilespmem:$0x300];
	v12 =	vsub.f32 v31, v12;
	v53 =	vsub.s32 $0x5F3759DF, v52;
	v50 =	vmul.f32 v49, v6  }
0x16c: {  	v28 =	vadd.f32 v29, v28;
	v55 =	vmul.f32 v53, v19;
	v25 =	vmul.f32 v54, v17  }
0x16d: {  	v13 =	vmul.f32 v13, v13;
	v12 =	vmul.f32 v12, v12;
	v51 =	vsub.f32 $1.500000000e+00, v50  }
0x16e: {  	v21 =	vld [tilespmem:$0x50];
	v10 =	vmul.f32 $5.000000000e-01, v5;
	v26 =	vmul.f32 v53, v55;
	v25 =	vsub.f32 $1.500000000e+00, v25  }
0x16f: {  	v22 =	vsel vm2, v45, v15;
	v57 =	vmul.f32 v20, v1;
	v6 =	vmul.f32 v51, v6  }
0x170: {  	v60 =	vld [tilespmem:$0x340];
	v48 =	vmul.f32 v59, v59;
	v26 =	vsub.f32 $1.500000000e+00, v26;
	v25 =	vmul.f32 v25, v17  }
0x171: {  	v15 =	vld.idx.msk [tilespmem:v4+s26+$0x0], $0xffff;
	v12 =	vadd.f32 v12, v13;
	v50 =	vmul.f32 v63, v47;
	v56 =	vmul.f32 v6, v24  }
0x172: {  	v42 =	vadd.f32 v58, v57;
	v34 =	vmul.f32 v53, v26;
	v61 =	vmul.f32 v25, v16  }
0x173: {  	v59 =	vmul.f32 v21, v1;
	v17 =	vld.idx.msk [tilespmem:v4+s25+$0x0], $0xffff;
	v54 =	vsub.f32 $1.500000000e+00, v50;
	v27 =	vmul.f32 v56, v6  }
0x174: {  	v52 =	vadd.f32 v48, v28;
	v26 =	vmul.f32 v34, v19;
	v46 =	vmul.f32 v61, v25  }
0x175: {  	v53 =	vmul.f32 v60, v60;
	v43 =	vmul.f32 v63, v54;
	v27 =	vsub.f32 $1.500000000e+00, v27  }
0x176: {  	v54 =	vld [tilespmem:$0x380];
	v26 =	vmul.f32 v26, v34;
	v56 =	vmul.f32 v15, v1;
	v49 =	vsub.f32 $1.500000000e+00, v46  }
0x177: {  	v39 =	vadd.f32 v53, v52;
	v53 =	vmul.f32 v43, v14;
	v35 =	vmul.f32 v27, v6  }
0x178: {  	v61 =	vsub.f32 v57, v58;
	v55 =	vmul.f32 v17, v1;
	v6 =	vld.idx.msk [tilespmem:v4+s28+$0x0], $0xffff;
	v37 =	vmul.f32 v49, v25  }
0x179: {  	v51 =	vsub.f32 $1.500000000e+00, v26;
	v53 =	vmul.f32 v53, v43;
	v36 =	vmul.f32 v35, v24;
	v24 =	vld [tilespmem:$0xD0]  }
0x17a: {  	v29 =	vld [tilespmem:$0x210];
	v41 =	vsub.f32 v56, v10;
	v44 =	vadd.f32 v10, v56;
	v16 =	vmul.f32 v37, v16  }
0x17b: {  	v54 =	vmul.f32 v54, v54;
	v34 =	vmul.f32 v51, v34;
	v53 =	vsub.f32 $1.500000000e+00, v53  }
0x17c: {  	v63 =	vsub.f32 v44, v41;
	v36 =	vmul.f32 v36, v35;
	v16 =	vmul.f32 v16, v37  }
0x17d: {  	v25 =	vld [tilespmem:$0x150];
	v39 =	vadd.f32 v54, v39;
	v43 =	vmul.f32 v53, v43;
	v11 =	vmul.f32 $5.000000000e-01, v6  }
0x17e: {  	v38 =	vld [tilespmem:$0x1D0];
	v36 =	vsub.f32 $1.500000000e+00, v36;
	v16 =	vsub.f32 $1.500000000e+00, v16;
	v60 =	vmul.f32 $5.000000000e-01, v24  }
0x17f: {  	v40 =	vsub.f32 v55, v11;
	v33 =	vadd.f32 v11, v55;
	v55 =	vmul.f32 $5.000000000e-01, v29  }
0x180: {  	v26 =	vld [tilespmem:$0x190];
	v35 =	vmul.f32 v36, v35;
	v16 =	vmul.f32 v16, v37;
	v62 =	vsub.f32 v59, v60  }
0x181: {  	v45 =	vadd.f32 v60, v59;
	v48 =	vsub.f32 v33, v40;
	v56 =	vmin.f32 v42, v33  }
0x182: {  	v57 =	vmax.f32 v61, v40;
	v42 =	vsub.f32 v42, v61;
	v60 =	vmul.f32 v25, v1  }
0x183: {  	v61 =	vmul.f32 $5.000000000e-01, v38;
	v50 =	vsub.f32 v56, v57;
	v35 =	vmul.f32 v35, v18  }
0x184: {  	v9 =	vmul.f32 v16, v9;
	v58 =	vmin.f32 v45, v44;
	v59 =	vmax.f32 v62, v41  }
0x185: {  	v45 =	vsub.f32 v45, v62;
	v62 =	vmul.f32 v26, v1;
	v48 =	vmul.f32 v63, v48  }
0x186: {  	v63 =	vsub.f32 v60, v61;
	v46 =	vadd.f32 v61, v60;
	v61 =	vmul.f32 v34, v19  }
0x187: {  	v60 =	vld [tilespmem:$0x3C0];
	v51 =	vsub.f32 v58, v59;
	v50 =	vmax.f32 v50, $0.0e+00;
	v56 =	vsub.f32 v62, v55  }
0x188: {  	v47 =	vadd.f32 v55, v62;
	v33 =	vmin.f32 v46, v33;
	v40 =	vmax.f32 v63, v40  }
0x189: {  	v46 =	vsub.f32 v46, v63;
	v55 =	vmul.f32 v61, v34;
	v62 =	vld [tilespmem:$0x400];
	v42 =	vmul.f32 v45, v42  }
0x18a: {  	v33 =	vsub.f32 v33, v40;
	v44 =	vmin.f32 v47, v44;
	v41 =	vmax.f32 v56, v41  }
0x18b: {  	v58 =	vld [tilespmem:$0x480];
	v51 =	vmax.f32 v51, $0.0e+00;
	v47 =	vsub.f32 v47, v56;
	v63 =	vsub.f32 v44, v41  }
0x18c: {  	v28 =	vld [tilespmem:$0x100];
	v42 =	vadd.f32 v42, v48;
	v52 =	vmul.f32 v60, v60;
	v44 =	vmul.f32 v51, v50  }
0x18d: {  	v41 =	vld [tilespmem:$0x440];
	v33 =	vmax.f32 v33, $0.0e+00;
	v57 =	vmul.f32 v47, v46;
	v40 =	vmax.f32 v63, $0.0e+00  }
0x18e: {  	v27 =	vld [tilespmem:$0x240];
	v60 =	vmul.f32 v62, v62;
	v42 =	vsub.f32 v42, v44;
	v62 =	vsub.f32 $1.500000000e+00, v55  }
0x18f: {  	v61 =	vld [tilespmem:$0x4C0];
	v63 =	vmul.f32 v43, v14;
	v33 =	vmul.f32 v40, v33;
	v59 =	vadd.f32 v57, v48  }
0x190: {  	v51 =	vld [tilespmem:$0x640];
	v54 =	vmul.f32 v58, v58;
	v39 =	vadd.f32 v52, v39;
	(erf) = vrcp.f32 v42  }
0x191: {  	v58 =	vld [tilespmem:$0x580];
	v53 =	vmul.f32 v63, v43;
	v34 =	vmul.f32 v62, v34;
	v40 =	vsub.f32 v59, v33  }
0x192: {  	v9 =	vsub.f32 v35, v9;
	v52 =	vld [tilespmem:$0x500];
	v39 =	vadd.f32 v60, v39;
	v41 =	vmul.f32 v41, v41  }
0x193: {  	v55 =	vld [tilespmem:$0x540];
	v56 =	vsub.f32 $1.500000000e+00, v53;
	v19 =	vmul.f32 v34, v19;
	(erf) = vrcp.f32 v40  }
0x194: {  	v49 =	vsel vm2, v28, v27;
	v9 =	vmul.f32 v9, v9;
	v46 =	vld [tilespmem:$0x600];
	v39 =	vadd.f32 v41, v39  }
0x195: {  	v22 =	vsub.f32 v49, v22;
	v62 =	vld [tilespmem:$0x5C0];
	v59 =	vmul.f32 v56, v43;
	v19 =	vmul.f32 v19, v34  }
0x196: {  	v57 =	vmul.f32 v61, v61;
	v48 =	vmul.f32 v58, v58;
	v39 =	vadd.f32 v54, v39  }
0x197: {  	v58 =	vmul.f32 v51, v51;
	v54 =	vld [tilespmem:$0x680];
	v14 =	vmul.f32 v59, v14;
	v63 =	vsub.f32 $1.500000000e+00, v19  }
0x198: {  	v61 =	vmul.f32 v52, v52;
	v43 =	vmul.f32 v55, v55;
	v60 =	vadd.f32 v57, v39  }
0x199: {  	v41 =	vshra.s32 v6, $0x1;
	v14 =	vmul.f32 v14, v59;
	v34 =	vmul.f32 v63, v34;
	v63 =	vld [tilespmem:$0x740]  }
0x19a: {  	v55 =	vmul.f32 v46, v46;
	v53 =	vmul.f32 v62, v62;
	v42 =	vadd.f32 v61, v60;
	v47 =	vpop (erf)  }
0x19b: {  	v60 =	vor.u32 $0x280, v0;
	v14 =	vsub.f32 $1.500000000e+00, v14;
	v18 =	vmul.f32 v47, v44  }
0x19c: {  	v56 =	vld [tilespmem:$0x6C0];
	v23 =	vmul.f32 v34, v23;
	v62 =	vmul.f32 v54, v54;
	v36 =	vadd.f32 v43, v42;
	v50 =	vpop (erf)  }
0x19d: {  	v8 =	vadd.s32 v60, v8;
	v14 =	vmul.f32 v14, v59;
	v19 =	vmul.f32 v50, v33  }
0x19e: {  	v54 =	vld [tilespmem:$0x290];
	v43 =	vsub.s32 $0x5F3759DF, v41;
	v52 =	vadd.f32 v48, v36;
	v42 =	vmul.f32 v63, v63  }
0x19f: {  	v59 =	vld [tilespmem:$0x700];
	v33 =	vmul.f32 v28, v28;
	v7 =	vmul.f32 v14, v7;
	vm3 =	vge.f32 v18, v19  }
0x1a0: {  	v31 =	vadd.f32 v53, v52;
	v53 =	vshra.s32 v5, $0x1;
	v16 =	vsel vm3, v30, v38  }
0x1a1: {  	v7 =	vsub.f32 v23, v7;
	v30 =	vmul.f32 v56, v56;
	v24 =	vsel vm3, v24, v29  }
0x1a2: {  	v21 =	vsel vm3, v21, v26;
	v57 =	vshra.s32 v16, $0x1;
	v34 =	vmul.f32 $5.000000000e-01, v16  }
0x1a3: {  	v26 =	vmul.f32 v54, v54;
	v31 =	vadd.f32 v55, v31;
	v14 =	vsub.s32 $0x5F3759DF, v57  }
0x1a4: {  	v20 =	vsel vm3, v20, v25;
	v40 =	vmul.f32 v59, v59;
	v61 =	vmul.f32 v14, v34  }
0x1a5: {  	v29 =	vshra.s32 v24, $0x1;
	v55 =	vsub.s32 $0x5F3759DF, v53;
	v31 =	vadd.f32 v58, v31  }
0x1a6: {  	v8 =	vld.idx.msk [tilespmem:v8+s2+$0x0], $0xffff;
	v15 =	vsub.f32 v21, v15;
	v7 =	vmul.f32 v7, v7;
	v37 =	vmul.f32 v14, v61  }
0x1a7: {  	v29 =	vsub.s32 $0x5F3759DF, v29;
	v38 =	vadd.f32 v62, v31;
	v31 =	vmul.f32 v43, v11  }
0x1a8: {  	v58 =	vmul.f32 v55, v10;
	v28 =	vmul.f32 v15, v15;
	v39 =	vsub.f32 $1.500000000e+00, v37  }
0x1a9: {  	v63 =	vld [tilespmem:$0x350];
	v23 =	vadd.f32 v30, v38;
	v46 =	vmul.f32 v43, v31;
	v31 =	vmul.f32 $5.000000000e-01, v24  }
0x1aa: {  	v7 =	vadd.f32 v7, v9;
	v9 =	vmul.f32 v22, v22;
	v14 =	vmul.f32 v14, v39  }
0x1ab: {  	v56 =	vld [tilespmem:$0x2D0];
	v8 =	vadd.f32 v8, v8;
	v23 =	vadd.f32 v40, v23;
	v47 =	vmul.f32 v29, v31  }
0x1ac: {  	v62 =	vmul.f32 v55, v58;
	v7 =	vadd.f32 v7, v12;
	v44 =	vmul.f32 v14, v34  }
0x1ad: {  	v45 =	vadd.f32 v42, v23;
	v23 =	vsub.f32 $1.500000000e+00, v46;
	v22 =	vmul.f32 v29, v47  }
0x1ae: {  	v12 =	vmul.f32 v63, v63;
	v42 =	vsub.f32 $1.500000000e+00, v62;
	v13 =	vmul.f32 v44, v14  }
0x1af: {  	v8 =	vsub.f32 v45, v8;
	v49 =	vmul.f32 v43, v23;
	v52 =	vsub.f32 $1.500000000e+00, v22;
	v43 =	vld [tilespmem:$0x390]  }
0x1b0: {  	v44 =	vmul.f32 v56, v56;
	v45 =	vld [tilespmem:$0x3D0];
	v47 =	vmul.f32 v55, v42;
	v13 =	vsub.f32 $1.500000000e+00, v13  }
0x1b1: {  	v17 =	vsub.f32 v20, v17;
	v51 =	vmul.f32 v49, v11;
	v57 =	vmul.f32 v29, v52  }
0x1b2: {  	vm11 =	vle.s32 v2, $0xFFFFFFFF;
	v61 =	vld [tilespmem:$0x310];
	v48 =	vmul.f32 v13, v14;
	v14 =	vmul.f32 v27, v27  }
0x1b3: {  	v15 =	vsel vm14, $0x0, v9;
	v9 =	vld.idx.msk [tilespmem:v3+s28+$0x0], $0xffff;
	v25 =	vmul.f32 v51, v49;
	v27 =	vmul.f32 v17, v17  }
0x1b4: {  	v18 =	vsel vm3, v18, v19;
	v29 =	vmul.f32 v57, v31;
	v51 =	vmul.f32 v47, v10  }
0x1b5: {  	v22 =	vsel vm14, $0x0, v7;
	v13 =	vld.idx.msk [tilespmem:v3+s25+$0x0], $0xffff;
	v55 =	vmul.f32 v43, v43;
	v32 =	vmul.f32 v45, v45  }
0x1b6: {  	v26 =	vadd.f32 v44, v26;
	v50 =	vmul.f32 v48, v34;
	v41 =	vmul.f32 v29, v57  }
0x1b7: {  	v60 =	vsub.f32 $1.500000000e+00, v25;
	v25 =	vmul.f32 v61, v61;
	v29 =	vmul.f32 v51, v47  }
0x1b8: {  	v30 =	vld [tilespmem:$0x60];
	v17 =	vadd.f32 v14, v33;
	v14 =	vmul.f32 $5.000000000e-01, v9;
	v23 =	vmul.f32 v50, v48  }
0x1b9: {  	v40 =	vmul.f32 v60, v49;
	v49 =	vsub.f32 $1.500000000e+00, v41;
	v25 =	vadd.f32 v25, v26  }
0x1ba: {  	v7 =	vld.idx.msk [tilespmem:v3+s26+$0x0], $0xffff;
	v56 =	vsub.f32 $1.500000000e+00, v29;
	v17 =	vnsel vm14, $0x0, v17;
	v58 =	vmul.f32 v13, v1  }
0x1bb: {  	v29 =	vld [tilespmem:$0x20];
	v59 =	vsub.f32 $1.500000000e+00, v23;
	v23 =	vadd.f32 $1.000000000e+00, v8;
	v46 =	vmul.f32 v40, v11  }
0x1bc: {  	v21 =	vmul.f32 v49, v57;
	v12 =	vadd.f32 v12, v25;
	v8 =	vld.idx.msk [tilespmem:v3+s29+$0x0], $0xffff;
	v26 =	vmul.f32 v56, v47  }
0x1bd: {  	v25 =	vld [tilespmem:$0xA0];
	v56 =	vmul.f32 v30, v1;
	v42 =	vsub.f32 v58, v14;
	v20 =	vmul.f32 v59, v48  }
0x1be: {  	v3 =	vld.idx.msk [tilespmem:v3+s20+$0x0], $0xffff;
	v36 =	vadd.f32 v14, v58;
	v50 =	vmul.f32 v46, v40;
	v54 =	vmul.f32 v21, v31  }
0x1bf: {  	v12 =	vadd.f32 v55, v12;
	v59 =	vmul.f32 v7, v1;
	v60 =	vmul.f32 v26, v10  }
0x1c0: {  	v48 =	vld [tilespmem:$0x410];
	v61 =	vmul.f32 v29, v1;
	v63 =	vsub.f32 v36, v42;
	v52 =	vmul.f32 v20, v34  }
0x1c1: {  	v46 =	vld [tilespmem:$0x450];
	v53 =	vsub.f32 $1.500000000e+00, v50;
	v34 =	vmul.f32 v54, v21;
	v43 =	vmul.f32 v60, v26  }
0x1c2: {  	v32 =	vadd.f32 v32, v12;
	v12 =	vmul.f32 $5.000000000e-01, v8;
	v62 =	vmul.f32 $5.000000000e-01, v25  }
0x1c3: {  	v33 =	vld [tilespmem:$0xE0];
	v3 =	vshll.u32 v3, $0x6;
	v37 =	vmul.f32 v52, v20;
	v34 =	vsub.f32 $1.500000000e+00, v34  }
0x1c4: {  	v38 =	vmul.f32 v53, v40;
	v53 =	vsub.f32 $1.500000000e+00, v43;
	v44 =	vsub.f32 v59, v12  }
0x1c5: {  	v57 =	vmul.f32 v48, v48;
	v39 =	vadd.f32 v12, v59;
	v45 =	vadd.f32 v62, v61  }
0x1c6: {  	v47 =	vld [tilespmem:$0x1E0];
	v46 =	vmul.f32 v46, v46;
	v21 =	vmul.f32 v34, v21;
	v34 =	vsub.f32 v61, v62  }
0x1c7: {  	v35 =	vld [tilespmem:$0x220];
	v40 =	vmul.f32 v38, v11;
	v37 =	vsub.f32 $1.500000000e+00, v37;
	v41 =	vadd.f32 v57, v32  }
0x1c8: {  	v32 =	vld [tilespmem:$0x160];
	v57 =	vmul.f32 $5.000000000e-01, v33;
	v58 =	vsub.f32 v39, v44;
	v59 =	vmin.f32 v45, v36  }
0x1c9: {  	v11 =	vld [tilespmem:$0x1A0];
	v60 =	vmax.f32 v34, v42;
	v34 =	vsub.f32 v45, v34;
	v40 =	vmul.f32 v40, v38  }
0x1ca: {  	v20 =	vmul.f32 v37, v20;
	v52 =	vadd.f32 v57, v56;
	v49 =	vsub.f32 v56, v57  }
0x1cb: {  	v48 =	vmul.f32 v58, v63;
	v50 =	vsub.f32 v59, v60;
	v63 =	vmul.f32 $5.000000000e-01, v47;
	v57 =	vld [tilespmem:$0x490]  }
0x1cc: {  	v58 =	vld [tilespmem:$0x4D0];
	v41 =	vadd.f32 v46, v41;
	v16 =	vmul.f32 v20, v16;
	v61 =	vmin.f32 v52, v39  }
0x1cd: {  	v62 =	vmax.f32 v49, v44;
	v49 =	vsub.f32 v52, v49;
	v54 =	vmul.f32 v32, v1  }
0x1ce: {  	v60 =	vmul.f32 v11, v1;
	v51 =	vsub.f32 v61, v62;
	v61 =	vmul.f32 $5.000000000e-01, v35  }
0x1cf: {  	v50 =	vmax.f32 v50, $0.0e+00;
	v34 =	vmul.f32 v49, v34;
	v62 =	vsub.f32 v54, v63  }
0x1d0: {  	v54 =	vadd.f32 v63, v54;
	v63 =	vadd.f32 v61, v60;
	v51 =	vmax.f32 v51, $0.0e+00  }
0x1d1: {  	v56 =	vsub.f32 v60, v61;
	v61 =	vmul.f32 v57, v57;
	v55 =	vmul.f32 v58, v58  }
0x1d2: {  	v57 =	vmul.f32 v53, v26;
	v34 =	vadd.f32 v34, v48;
	v36 =	vmin.f32 v54, v36  }
0x1d3: {  	v42 =	vmax.f32 v62, v42;
	v39 =	vmin.f32 v63, v39;
	v45 =	vsub.f32 v54, v62  }
0x1d4: {  	v60 =	vld [tilespmem:$0x510];
	v44 =	vmax.f32 v56, v44;
	v52 =	vsub.f32 v63, v56;
	v41 =	vadd.f32 v61, v41  }
0x1d5: {  	v26 =	vld [tilespmem:$0x110];
	v10 =	vmul.f32 v57, v10;
	v36 =	vsub.f32 v36, v42;
	v42 =	vmul.f32 v51, v50  }
0x1d6: {  	v56 =	vld [tilespmem:$0x590];
	v39 =	vsub.f32 v39, v44;
	v59 =	vmul.f32 v52, v45;
	v52 =	vmul.f32 v21, v31  }
0x1d7: {  	v63 =	vld [tilespmem:$0x550];
	v58 =	vadd.f32 v55, v41;
	v45 =	vsub.f32 $1.500000000e+00, v40;
	v10 =	vmul.f32 v10, v57  }
0x1d8: {  	v55 =	vld [tilespmem:$0x690];
	v36 =	vmax.f32 v36, $0.0e+00;
	v39 =	vmax.f32 v39, $0.0e+00;
	v34 =	vsub.f32 v34, v42  }
0x1d9: {  	v44 =	vld [tilespmem:$0x710];
	v36 =	vmul.f32 v39, v36;
	v62 =	vadd.f32 v59, v48;
	v59 =	vmul.f32 v60, v60  }
0x1da: {  	v31 =	vld [tilespmem:$0x250];
	v61 =	vmul.f32 v52, v21;
	v50 =	vmul.f32 v45, v38;
	v10 =	vsub.f32 $1.500000000e+00, v10  }
0x1db: {  	v60 =	vld [tilespmem:$0x5D0];
	(erf) = vrcp.f32 v34;
	v49 =	vmul.f32 v56, v56;
	v39 =	vsub.f32 v62, v36  }
0x1dc: {  	v48 =	vld [tilespmem:$0x650];
	v34 =	vadd.f32 v59, v58;
	v62 =	vmul.f32 v63, v63;
	v53 =	vmul.f32 v50, v6  }
0x1dd: {  	v52 =	vld.idx.msk [tilespmem:v4+s20+$0x0], $0xffff;
	v43 =	vsub.f32 $1.500000000e+00, v61;
	v54 =	vmul.f32 v10, v57;
	v10 =	vmul.f32 v55, v55  }
0x1de: {  	v45 =	vor.u32 $0x290, v0;
	v55 =	vmul.f32 v44, v44;
	(erf) = vrcp.f32 v39  }
0x1df: {  	v63 =	vld [tilespmem:$0x610];
	v34 =	vadd.f32 v62, v34;
	v21 =	vmul.f32 v43, v21;
	v5 =	vmul.f32 v54, v5  }
0x1e0: {  	v39 =	vsel vm3, v26, v31;
	v26 =	vmul.f32 v26, v26;
	v31 =	vmul.f32 v31, v31  }
0x1e1: {  	v4 =	vsub.f32 v16, v53;
	v51 =	vmul.f32 v60, v60;
	v60 =	vmul.f32 v48, v48  }
0x1e2: {  	v43 =	vshll.u32 v52, $0x6;
	v52 =	vshra.s32 v9, $0x1;
	v34 =	vadd.f32 v49, v34  }
0x1e3: {  	v18 =	vsub.f32 v39, v18;
	v56 =	vmul.f32 v21, v24;
	v24 =	vadd.s32 v45, v43  }
0x1e4: {  	v62 =	vld [tilespmem:$0x6D0];
	v54 =	vsub.s32 $0x5F3759DF, v52;
	v58 =	vmul.f32 v63, v63;
	v57 =	vadd.f32 v51, v34  }
0x1e5: {  	v26 =	vadd.f32 v31, v26;
	v5 =	vsub.f32 v56, v5;
	v56 =	vmul.f32 v54, v14  }
0x1e6: {  	v63 =	vmul.f32 v4, v4;
	v18 =	vmul.f32 v18, v18;
	v34 =	vadd.f32 v58, v57  }
0x1e7: {  	v48 =	vld [tilespmem:$0x750];
	v4 =	vnsel vm7, $0x0, v2;
	v5 =	vmul.f32 v5, v5;
	v58 =	vmul.f32 v54, v56  }
0x1e8: {  	v51 =	vadd.f32 v28, v27;
	v27 =	vsel vm14, $0x0, v23;
	v59 =	vpop (erf);
	v24 =	vld.idx.msk [tilespmem:v24+s2+$0x0], $0xffff;
	v6 =	vadd.f32 v60, v34  }
0x1e9: {  	v49 =	vmul.f32 v62, v62;
	v5 =	vadd.f32 v5, v63;
	v60 =	vsub.f32 $1.500000000e+00, v58;
	v61 =	vpop (erf)  }
0x1ea: {  	v20 =	vmul.f32 v59, v42;
	v63 =	vld [tilespmem:$0x2A0];
	v21 =	vmul.f32 v61, v36;
	v6 =	vadd.f32 v10, v6  }
0x1eb: {  	v18 =	vsel vm15, $0x0, v18;
	v5 =	vadd.f32 v5, v51;
	v16 =	vmul.f32 v54, v60  }
0x1ec: {  	v57 =	vmul.f32 v48, v48;
	vm8 =	vge.f32 v20, v21;
	v6 =	vadd.f32 v49, v6  }
0x1ed: {  	v45 =	vld [tilespmem:$0x2E0];
	v24 =	vadd.f32 v24, v24;
	v5 =	vsel vm15, $0x0, v5;
	v62 =	vmul.f32 v16, v14  }
0x1ee: {  	v25 =	vsel vm8, v25, v47;
	v28 =	vsel vm8, v33, v35;
	v23 =	vadd.f32 v5, v22  }
0x1ef: {  	v29 =	vsel vm8, v29, v32;
	v32 =	vsel vm8, v30, v11;
	v22 =	vmul.f32 v63, v63  }
0x1f0: {  	v20 =	vsel vm8, v20, v21;
	v46 =	vshra.s32 v25, $0x1;
	v34 =	vmul.f32 $5.000000000e-01, v25  }
0x1f1: {  	v35 =	vshra.s32 v28, $0x1;
	v33 =	vmul.f32 $5.000000000e-01, v28;
	v47 =	vsub.s32 $0x5F3759DF, v46  }
0x1f2: {  	v6 =	vadd.f32 v55, v6;
	v55 =	vmul.f32 v45, v45;
	v50 =	vmul.f32 v47, v34  }
0x1f3: {  	v41 =	vsub.f32 v29, v13;
	v32 =	vsub.f32 v32, v7;
	v35 =	vsub.s32 $0x5F3759DF, v35  }
0x1f4: {  	v49 =	vld [tilespmem:$0x320];
	v46 =	vshra.s32 v8, $0x1;
	v6 =	vadd.f32 v57, v6;
	v53 =	vmul.f32 v47, v50  }
0x1f5: {  	v52 =	vld [tilespmem:$0x360];
	v59 =	vmul.f32 v35, v33;
	v48 =	vsub.s32 $0x5F3759DF, v46;
	v41 =	vmul.f32 v41, v41  }
0x1f6: {  	v60 =	vld [tilespmem:$0x3E0];
	v37 =	vsub.f32 v6, v24;
	v6 =	vmul.f32 v62, v16;
	v10 =	vsub.f32 $1.500000000e+00, v53  }
0x1f7: {  	vm3 =	vmxor vm8, vm8;
	v32 =	vmul.f32 v32, v32;
	v50 =	vmul.f32 v48, v12  }
0x1f8: {  	v56 =	vld [tilespmem:$0x3A0];
	v19 =	vmul.f32 v35, v59;
	v6 =	vsub.f32 $1.500000000e+00, v6;
	v10 =	vmul.f32 v47, v10  }
0x1f9: {  	v24 =	vadd.f32 v18, v15;
	v15 =	vmul.f32 v49, v49;
	v53 =	vmul.f32 v48, v50  }
0x1fa: {  	v5 =	vld.idx.msk [tilespmem:v4+s25+$0x0], $0xffff;
	v59 =	vadd.f32 v55, v22;
	v16 =	vmul.f32 v6, v16;
	v61 =	vmul.f32 v10, v34  }
0x1fb: {  	v49 =	vmul.f32 v52, v52;
	v18 =	vld [tilespmem:$0x30];
	v55 =	vmul.f32 v60, v60;
	v19 =	vsub.f32 $1.500000000e+00, v19  }
0x1fc: {  	v6 =	vld.idx.msk [tilespmem:v4+s26+$0x0], $0xffff;
	v11 =	vsub.f32 $1.500000000e+00, v53;
	v57 =	vmul.f32 v16, v14;
	v36 =	vmul.f32 v61, v10  }
0x1fd: {  	v13 =	vld [tilespmem:$0x70];
	v15 =	vadd.f32 v15, v59;
	v19 =	vmul.f32 v35, v19;
	v35 =	vmul.f32 v56, v56  }
0x1fe: {  	v38 =	vmul.f32 v48, v11;
	v11 =	vld.idx.msk [tilespmem:v4+s29+$0x0], $0xffff;
	v62 =	vmul.f32 v57, v16;
	v44 =	vsub.f32 $1.500000000e+00, v36  }
0x1ff: {  	v15 =	vadd.f32 v49, v15;
	v56 =	vmul.f32 v5, v1;
	v47 =	vmul.f32 v19, v33  }
0x200: {  	v59 =	vmul.f32 v18, v1;
	v50 =	vsub.f32 $1.500000000e+00, v62;
	v36 =	vmul.f32 v44, v10  }
0x201: {  	v15 =	vadd.f32 v35, v15;
	v35 =	vld [tilespmem:$0xB0];
	v57 =	vmul.f32 v6, v1;
	v10 =	vmul.f32 v47, v19  }
0x202: {  	v63 =	vld [tilespmem:$0x420];
	v37 =	vadd.f32 $1.000000000e+00, v37;
	v43 =	vmul.f32 v50, v16;
	v51 =	vmul.f32 v36, v34  }
0x203: {  	p0 =	seq.s32 s4, $0xF;
	v29 =	vld [tilespmem:$0xF0];
	v62 =	vmul.f32 v13, v1;
	v16 =	vmul.f32 $5.000000000e-01, v11;
	v54 =	vsub.f32 $1.500000000e+00, v10  }
0x204: {  	vm3 =	vmneg @p0 vm3;
	v10 =	vld.idx.msk [tilespmem:v4+s28+$0x0], $0xffff;
	v14 =	vmul.f32 v43, v14;
	v39 =	vmul.f32 v51, v36  }
0x205: {  	v37 =	vsel vm15, $0x0, v37;
	v58 =	vmul.f32 v54, v19;
	v51 =	vmul.f32 v38, v12  }
0x206: {  	v22 =	vld [tilespmem:$0x170];
	v45 =	vadd.f32 v55, v15;
	v60 =	vmul.f32 $5.000000000e-01, v35;
	v14 =	vmul.f32 v14, v43  }
0x207: {  	v15 =	vld [tilespmem:$0x1B0];
	v49 =	vadd.f32 v16, v57;
	v48 =	vmul.f32 v58, v33;
	v53 =	vmul.f32 v51, v38  }
0x208: {  	v61 =	vsub.f32 $1.500000000e+00, v39;
	v39 =	vmul.f32 v63, v63;
	v63 =	vmul.f32 $5.000000000e-01, v29  }
0x209: {  	v51 =	vadd.f32 v60, v59;
	v14 =	vsub.f32 $1.500000000e+00, v14;
	v19 =	vmul.f32 $5.000000000e-01, v10  }
0x20a: {  	v52 =	vmul.f32 v48, v58;
	v44 =	vsub.f32 $1.500000000e+00, v53;
	v48 =	vsub.f32 v57, v16  }
0x20b: {  	v40 =	vmul.f32 v61, v36;
	v57 =	vsub.f32 v59, v60;
	v39 =	vadd.f32 v39, v45  }
0x20c: {  	v50 =	vsub.f32 v62, v63;
	v60 =	vmul.f32 v22, v1;
	v1 =	vmul.f32 v15, v1  }
0x20d: {  	v14 =	vmul.f32 v14, v43;
	v46 =	vsub.f32 v56, v19;
	v47 =	vadd.f32 v19, v56  }
0x20e: {  	v36 =	vld [tilespmem:$0x1F0];
	v54 =	vsub.f32 $1.500000000e+00, v52;
	v61 =	vsub.f32 v49, v48;
	v38 =	vmul.f32 v44, v38  }
0x20f: {  	v52 =	vadd.f32 v63, v62;
	v44 =	vsub.f32 v51, v57;
	v34 =	vmul.f32 v40, v34  }
0x210: {  	v30 =	vld [tilespmem:$0x230];
	v9 =	vmul.f32 v14, v9;
	v42 =	vmul.f32 v54, v58;
	v58 =	vsub.f32 v47, v46  }
0x211: {  	v62 =	vsub.f32 v52, v50;
	v52 =	vmin.f32 v52, v49;
	v50 =	vmax.f32 v50, v48  }
0x212: {  	v59 =	vmax.f32 v57, v46;
	v34 =	vmul.f32 v34, v40;
	v50 =	vsub.f32 v52, v50  }
0x213: {  	v45 =	vmul.f32 v61, v58;
	v58 =	vmin.f32 v51, v47;
	v61 =	vmul.f32 $5.000000000e-01, v36  }
0x214: {  	v44 =	vmul.f32 v62, v44;
	v33 =	vmul.f32 v42, v33;
	v34 =	vsub.f32 $1.500000000e+00, v34  }
0x215: {  	v53 =	vsub.f32 v58, v59;
	v59 =	vmul.f32 $5.000000000e-01, v30;
	v63 =	vsub.f32 v60, v61  }
0x216: {  	v62 =	vld [tilespmem:$0x4A0];
	v50 =	vmax.f32 v50, $0.0e+00;
	v54 =	vadd.f32 v61, v60;
	v44 =	vadd.f32 v44, v45  }
0x217: {  	v58 =	vld [tilespmem:$0x520];
	v34 =	vmul.f32 v34, v40;
	v60 =	vsub.f32 v1, v59;
	v1 =	vadd.f32 v59, v1  }
0x218: {  	v61 =	vld [tilespmem:$0x460];
	v53 =	vmax.f32 v53, $0.0e+00;
	v47 =	vmin.f32 v54, v47;
	v46 =	vmax.f32 v63, v46  }
0x219: {  	v54 =	vsub.f32 v54, v63;
	v63 =	vmul.f32 v38, v12;
	v50 =	vmul.f32 v50, v53  }
0x21a: {  	v25 =	vmul.f32 v34, v25;
	v46 =	vsub.f32 v47, v46;
	v49 =	vmin.f32 v1, v49  }
0x21b: {  	v57 =	vld [tilespmem:$0x4E0];
	v48 =	vmax.f32 v60, v48;
	v1 =	vsub.f32 v1, v60;
	v47 =	vmul.f32 v62, v62  }
0x21c: {  	v55 =	vmul.f32 v63, v38;
	v48 =	vsub.f32 v49, v48;
	v63 =	vmul.f32 v58, v58  }
0x21d: {  	v59 =	vld [tilespmem:$0x560];
	v44 =	vsub.f32 v44, v50;
	v49 =	vmul.f32 v33, v42;
	v52 =	vmul.f32 v61, v61  }
0x21e: {  	v62 =	vld [tilespmem:$0x5A0];
	v9 =	vsub.f32 v25, v9;
	v1 =	vmul.f32 v1, v54;
	v46 =	vmax.f32 v46, $0.0e+00  }
0x21f: {  	v53 =	vld [tilespmem:$0x620];
	v48 =	vmax.f32 v48, $0.0e+00;
	v60 =	vsub.f32 $1.500000000e+00, v55;
	v39 =	vadd.f32 v52, v39  }
0x220: {  	v61 =	vmul.f32 v57, v57;
	v55 =	vld [tilespmem:$0x660];
	v46 =	vmul.f32 v48, v46;
	v1 =	vadd.f32 v1, v45  }
0x221: {  	(erf) = vrcp.f32 v44;
	v48 =	vld [tilespmem:$0x5E0];
	v38 =	vmul.f32 v60, v38;
	v39 =	vadd.f32 v47, v39  }
0x222: {  	v9 =	vmul.f32 v9, v9;
	v52 =	vmul.f32 v59, v59;
	v1 =	vsub.f32 v1, v46  }
0x223: {  	v44 =	vld [tilespmem:$0x720];
	v54 =	vmul.f32 v62, v62;
	v12 =	vmul.f32 v38, v12;
	v39 =	vadd.f32 v61, v39  }
0x224: {  	v47 =	vld [tilespmem:$0x760];
	(erf) = vrcp.f32 v1;
	v1 =	vsub.f32 $1.500000000e+00, v49;
	v61 =	vmul.f32 v53, v53  }
0x225: {  	v45 =	vld [tilespmem:$0x120];
	v40 =	vmul.f32 v55, v55;
	v12 =	vmul.f32 v12, v38;
	v51 =	vadd.f32 v63, v39  }
0x226: {  	v53 =	vadd.f32 v32, v41;
	v56 =	vmul.f32 v48, v48;
	v48 =	vld [tilespmem:$0x260];
	v1 =	vmul.f32 v1, v42  }
0x227: {  	v41 =	vshra.s32 v10, $0x1;
	v12 =	vsub.f32 $1.500000000e+00, v12;
	v33 =	vadd.f32 v52, v51  }
0x228: {  	v63 =	vld [tilespmem:$0x6E0];
	v59 =	vmul.f32 v1, v28;
	v1 =	vadd.f32 v37, v27;
	v27 =	vmul.f32 v44, v44  }
0x229: {  	v52 =	vmul.f32 v47, v47;
	v28 =	vsub.s32 $0x5F3759DF, v41;
	v47 =	vshra.s32 v11, $0x1  }
0x22a: {  	v57 =	vld [tilespmem:$0x6A0];
	v62 =	vpop (erf);
	v58 =	vmul.f32 v12, v38;
	v38 =	vor.u32 $0x2A0, v0;
	v33 =	vadd.f32 v54, v33  }
0x22b: {  	v42 =	vadd.s32 v38, v3;
	v3 =	vmul.f32 v62, v50;
	v55 =	vsel vm8, v45, v48  }
0x22c: {  	v25 =	vmul.f32 v48, v48;
	v8 =	vmul.f32 v58, v8;
	v20 =	vsub.f32 v55, v20  }
0x22d: {  	v60 =	vadd.f32 v56, v33;
	v33 =	vmul.f32 v63, v63;
	v63 =	vmul.f32 v45, v45;
	v43 =	vpop (erf)  }
0x22e: {  	v8 =	vsub.f32 v59, v8;
	v20 =	vmul.f32 v20, v20;
	v7 =	vmul.f32 v43, v46  }
0x22f: {  	v45 =	vld [tilespmem:$0x370];
	v14 =	vadd.f32 v61, v60;
	v46 =	vmul.f32 v57, v57;
	v57 =	vnsel vm15, $0x0, v26  }
0x230: {  	v43 =	vmul.f32 v28, v19;
	v8 =	vmul.f32 v8, v8;
	vm9 =	vge.f32 v3, v7  }
0x231: {  	v60 =	vsel vm6, $0x0, v20;
	v14 =	vadd.f32 v40, v14;
	v12 =	vsel vm9, v35, v36  }
0x232: {  	v49 =	vld.idx.msk [tilespmem:v42+s2+$0x0], $0xffff;
	v20 =	vsel vm9, v29, v30;
	v35 =	vshra.s32 v12, $0x1;
	v36 =	vmul.f32 $5.000000000e-01, v12  }
0x233: {  	v30 =	vmul.f32 v28, v43;
	v14 =	vadd.f32 v46, v14;
	v50 =	vsub.s32 $0x5F3759DF, v35  }
0x234: {  	v40 =	vld [tilespmem:$0x2F0];
	v8 =	vadd.f32 v8, v9;
	v55 =	vmul.f32 v45, v45;
	v51 =	vmul.f32 v50, v36  }
0x235: {  	v44 =	vshra.s32 v20, $0x1;
	v32 =	vmul.f32 $5.000000000e-01, v20;
	v14 =	vadd.f32 v33, v14  }
0x236: {  	v42 =	vld [tilespmem:$0x330];
	v8 =	vadd.f32 v8, v53;
	v31 =	vsub.s32 $0x5F3759DF, v44;
	v54 =	vmul.f32 v50, v51  }
0x237: {  	v35 =	vsub.s32 $0x5F3759DF, v47;
	v56 =	vadd.f32 v49, v49;
	v14 =	vadd.f32 v27, v14  }
0x238: {  	v61 =	vld [tilespmem:$0x2B0];
	v46 =	vmul.f32 v31, v32;
	v49 =	vsub.f32 $1.500000000e+00, v30;
	v9 =	vsub.f32 $1.500000000e+00, v54  }
0x239: {  	v8 =	vsel vm6, $0x0, v8;
	v27 =	vmul.f32 v40, v40;
	v14 =	vadd.f32 v52, v14  }
0x23a: {  	v8 =	vadd.f32 v8, v23;
	v34 =	vmul.f32 v31, v46;
	v58 =	vmul.f32 v50, v9  }
0x23b: {  	v51 =	vmul.f32 v42, v42;
	v40 =	vld [tilespmem:$0x4B0];
	v21 =	vsub.f32 v14, v56;
	v50 =	vmul.f32 v35, v16  }
0x23c: {  	v26 =	vmul.f32 v28, v49;
	v52 =	vld [tilespmem:$0x3F0];
	v54 =	vsub.f32 $1.500000000e+00, v34;
	v62 =	vmul.f32 v58, v36  }
0x23d: {  	v59 =	vadd.f32 $1.000000000e+00, v21;
	v21 =	vmul.f32 v61, v61;
	v53 =	vmul.f32 v35, v50  }
0x23e: {  	v48 =	vld [tilespmem:$0x3B0];
	v14 =	vadd.f32 v57, v17;
	v9 =	vadd.f32 v60, v24;
	v23 =	vmul.f32 v62, v58  }
0x23f: {  	v30 =	vmul.f32 v31, v54;
	v21 =	vadd.f32 v27, v21;
	v28 =	vsub.f32 $1.500000000e+00, v53  }
0x240: {  	v24 =	vadd.f32 v25, v63;
	v47 =	vmul.f32 v40, v40;
	v23 =	vsub.f32 $1.500000000e+00, v23  }
0x241: {  	v56 =	vld [tilespmem:$0x430];
	v63 =	vmul.f32 v52, v52;
	v21 =	vadd.f32 v51, v21;
	v28 =	vmul.f32 v35, v28  }
0x242: {  	v17 =	vsel vm6, $0x0, v59;
	v23 =	vmul.f32 v23, v58;
	v58 =	vmul.f32 v26, v19  }
0x243: {  	v60 =	vld [tilespmem:$0x470];
	v59 =	vmul.f32 v48, v48;
	v62 =	vmul.f32 v30, v32;
	v21 =	vadd.f32 v55, v21  }
0x244: {  	vm0 =	vmand vm3, vm10;
	v41 =	vmul.f32 v28, v16;
	v61 =	vmul.f32 v58, v26  }
0x245: {  	v4 =	vld.idx.msk [tilespmem:v4+s20+$0x0], $0xffff;
	v35 =	vmul.f32 v62, v30;
	v57 =	vmul.f32 v23, v36;
	v21 =	vadd.f32 v59, v21  }
0x246: {  	v42 =	vmul.f32 v56, v56;
	v44 =	vmul.f32 v41, v28;
	v31 =	vsub.f32 $1.500000000e+00, v61  }
0x247: {  	v35 =	vsub.f32 $1.500000000e+00, v35;
	v34 =	vmul.f32 v57, v23;
	v21 =	vadd.f32 v63, v21  }
0x248: {  	v43 =	vld [tilespmem:$0x4F0];
	v25 =	vmul.f32 v60, v60;
	v26 =	vmul.f32 v31, v26;
	v31 =	vsub.f32 $1.500000000e+00, v44  }
0x249: {  	v45 =	vld [tilespmem:$0x530];
	v30 =	vmul.f32 v35, v30;
	v34 =	vsub.f32 $1.500000000e+00, v34;
	v21 =	vadd.f32 v42, v21  }
0x24a: {  	v4 =	vshll.u32 v4, $0x6;
	v48 =	vld [tilespmem:$0x570];
	v46 =	vmul.f32 v26, v19;
	v28 =	vmul.f32 v31, v28  }
0x24b: {  	v62 =	vld [tilespmem:$0x670];
	v49 =	vmul.f32 v30, v32;
	v23 =	vmul.f32 v34, v23;
	v21 =	vadd.f32 v25, v21  }
0x24c: {  	v0 =	vor.u32 $0x2B0, v0;
	v34 =	vmul.f32 v46, v26;
	v53 =	vmul.f32 v28, v16  }
0x24d: {  	v50 =	vmul.f32 v43, v43;
	v51 =	vld [tilespmem:$0x5B0];
	v31 =	vmul.f32 v49, v30;
	v21 =	vadd.f32 v47, v21  }
0x24e: {  	v54 =	vmul.f32 v45, v45;
	v34 =	vsub.f32 $1.500000000e+00, v34;
	v57 =	vmul.f32 v53, v28  }
0x24f: {  	v58 =	vmul.f32 v48, v48;
	v31 =	vsub.f32 $1.500000000e+00, v31;
	v21 =	vadd.f32 v50, v21  }
0x250: {  	v55 =	vld [tilespmem:$0x5F0];
	v39 =	vmul.f32 v62, v62;
	v56 =	vmul.f32 v34, v26;
	v26 =	vsub.f32 $1.500000000e+00, v57  }
0x251: {  	v52 =	vmul.f32 v23, v36;
	v30 =	vmul.f32 v31, v30;
	v21 =	vadd.f32 v54, v21  }
0x252: {  	v0 =	vadd.s32 v0, v4;
	v59 =	vld [tilespmem:$0x630];
	v61 =	vmul.f32 v51, v51;
	v26 =	vmul.f32 v26, v28  }
0x253: {  	v36 =	vld [tilespmem:$0x6B0];
	v60 =	vmul.f32 v52, v23;
	v34 =	vmul.f32 v30, v32;
	v21 =	vadd.f32 v58, v21  }
0x254: {  	v18 =	vsel vm9, v18, v22;
	v19 =	vmul.f32 v56, v19;
	v16 =	vmul.f32 v26, v16  }
0x255: {  	v35 =	vmul.f32 v55, v55;
	v28 =	vmul.f32 v34, v30;
	v21 =	vadd.f32 v61, v21  }
0x256: {  	v63 =	vsub.f32 $1.500000000e+00, v60;
	v19 =	vmul.f32 v19, v56;
	v16 =	vmul.f32 v16, v26  }
0x257: {  	v37 =	vmul.f32 v59, v59;
	v41 =	vsub.f32 $1.500000000e+00, v28;
	v21 =	vadd.f32 v35, v21  }
0x258: {  	v38 =	vld [tilespmem:$0x6F0];
	v42 =	vmul.f32 v36, v36;
	v19 =	vsub.f32 $1.500000000e+00, v19;
	v16 =	vsub.f32 $1.500000000e+00, v16  }
0x259: {  	v0 =	vld.idx.msk [tilespmem:v0+s2+$0x0], $0xffff;
	v23 =	vmul.f32 v63, v23;
	v44 =	vmul.f32 v41, v30;
	v21 =	vadd.f32 v37, v21  }
0x25a: {  	v13 =	vsel vm9, v13, v15;
	v40 =	vld [tilespmem:$0x730];
	v19 =	vmul.f32 v19, v56;
	v16 =	vmul.f32 v16, v26  }
0x25b: {  	v45 =	vld [tilespmem:$0x130];
	v12 =	vmul.f32 v23, v12;
	v15 =	vmul.f32 v44, v20;
	v21 =	vadd.f32 v39, v21  }
0x25c: {  	v5 =	vsub.f32 v18, v5;
	v43 =	vld [tilespmem:$0x770];
	v10 =	vmul.f32 v19, v10;
	v11 =	vmul.f32 v16, v11  }
0x25d: {  	v6 =	vsub.f32 v13, v6;
	v48 =	vld [tilespmem:$0x270];
	v47 =	vmul.f32 v38, v38;
	v46 =	vadd.f32 v42, v21  }
0x25e: {  	v5 =	vmul.f32 v5, v5;
	v10 =	vsub.f32 v12, v10;
	v11 =	vsub.f32 v15, v11  }
0x25f: {  	v6 =	vmul.f32 v6, v6;
	v4 =	vmul.f32 v40, v40;
	v49 =	vadd.f32 v47, v46  }
0x260: {  	v3 =	vsel vm9, v3, v7;
	v10 =	vmul.f32 v10, v10;
	v11 =	vmul.f32 v11, v11  }
0x261: {  	v0 =	vadd.f32 v0, v0;
	v50 =	vmul.f32 v43, v43;
	v4 =	vadd.f32 v4, v49  }
0x262: {  	v5 =	vadd.f32 v6, v5;
	v52 =	vsel vm9, v45, v48;
	v53 =	vadd.f32 v11, v10  }
0x263: {  	vm1 =	vmand vm3, vm11;
	v3 =	vsub.f32 v52, v3;
	v4 =	vadd.f32 v50, v4  }
0x264: {  	v55 =	vmul.f32 v45, v45;
	v56 =	vmul.f32 v48, v48;
	v54 =	vadd.f32 v53, v5  }
0x265: {  	v24 =	vnsel vm6, $0x0, v24;
	v57 =	vmul.f32 v3, v3;
	v0 =	vsub.f32 v4, v0  }
0x266: {  	v51 =	vadd.f32 v24, v14;
	v59 =	vadd.f32 v56, v55;
	v58 =	vnsel vm0, $0x0, v54  }
0x267: {  	v2 =	vnsel vm0, $0x0, v57;
	v0 =	vadd.f32 $1.000000000e+00, v0;
	v3 =	vadd.f32 v58, v8  }
0x268: {  	v1 =	vadd.f32 v17, v1;
	v2 =	vadd.f32 v2, v9;
	v4 =	vnsel vm1, $0x0, v59  }
0x269: {  	v4 =	vadd.f32 v4, v51;
	v0 =	vnsel vm0, $0x0, v0;
	(xrf2) =	vadd.scan.msk.f32 $0xffff, v3  }
0x26a: {  	v0 =	vadd.f32 v0, v1;
	(xrf2) =	vadd.scan.msk.f32 $0xffff, v2  }
0x26b: {  	(xrf2) =	vadd.scan.msk.f32 $0xffff, v4  }
0x26c: {  	(xrf2) =	vadd.scan.msk.f32 $0xffff, v0;
	_ =	sdelay $0x6  }
0x26d: {  	v60, _, _ =	vpop (xrf2)  }
0x26e: {  	v61, _, _ =	vpop (xrf2)  }
0x26f: {  	v62, _, _ =	vpop (xrf2)  }
0x270: {  	v63, _, _ =	vpop (xrf2)  }
0x271: {  	v3 =	vbroadcast v63, $0xF  }
0x272: {  	vm12 =	vcmask $0xF0C;
	v2 =	vbroadcast v62, $0xF  }
0x273: {  	vm13 =	vcmask $0x3F0C;
	v1 =	vbroadcast v61, $0xF;
	v3 =	vnsel vm12, $0x0, v3  }
0x274: {  	vm14 =	vcmask $0x3F08;
	v0 =	vbroadcast v60, $0xF;
	v2 =	vsel vm13, v3, v2  }
0x275: {  	vm15 =	vcmask $0x3F04;
	v1 =	vsel vm14, v2, v1  }
0x276: {  	s30 =	sshll.u32 s4, $0x4;
	v0 =	vsel vm15, v1, v0  }
0x277: {  	s31 =	simm.s32 $0x1000;
	s5 =	sadd.s32 s30, s3;
	[tilespmem:$0x1000] =	vst v0  }
0x278: {  	[spmem:s5] =	stream.linear.scatter [tilespmem:s31], [sflag:$0x3], $0x10, $0x38;
	[tilespmem:$0x1210] =	vst v63  }
0x279: {  	s5 =	simm.s32 $0x3  }
0x27a: {  	_ =	swait.ge [sflag:s5], $0x10  }
0x27b: {  	[sflag:s5] =	ssyncset.done $0x0  }
0x27c: {  	[sflag:s5] =	ssyncadd.s32 $0xFFFFFFF0  }
0x27d: {  	p0 =	sne.s32 s4, $0x0;
	[bflag:$0x0] =	sbarrier.arrive $0xFFFF  }
0x27e: {  	_ =	sfence.sel @p0 $0x180000  }
0x27f: {  	[bflag:$0x0] =	sbarrier.arrive @p0 $0xFFFF  }
0x280: {  	_ =	strace @p0 $0x90000047  }
0x281: {  	[bflag:$0x2] =	sbarrier.arrive @p0 $0xFFFF  }
0x282: {  	_ =	shalt @p0  }
.LBB2_1:
0x283: {  	s4 =	simm.s32 $0x1090  }
0x284: {  	[tilespmem:s4], [sflag:$0x3] =	stream.linear.gather [spmem:s3], $0x100, $0x38;
	[tilespmem:$0x1210] =	vst v63  }
0x285: {  	_ =	swait.ge [sflag:s5], $0x100  }
0x286: {  	[sflag:s5] =	ssyncset.done $0x0  }
0x287: {  	[sflag:s5] =	ssyncadd.s32 $0xFFFFFF00  }
0x288: {  	v0 =	vld [tilespmem:$0x1090];
	_ =	sdelay $0x1  }
0x289: {  	v1 =	vld [tilespmem:$0x10A0];
	_ =	sdelay $0x1  }
0x28a: {  	v2 =	vld [tilespmem:$0x10B0]  }
0x28b: {  	v0 =	vadd.f32 $0.0e+00, v0  }
0x28c: {  	v3 =	vld [tilespmem:$0x10C0]  }
0x28d: {  	v0 =	vadd.f32 v1, v0  }
0x28e: {  	v44 =	vld [tilespmem:$0x10D0]  }
0x28f: {  	v0 =	vadd.f32 v2, v0  }
0x290: {  	v45 =	vld [tilespmem:$0x10E0]  }
0x291: {  	v0 =	vadd.f32 v3, v0  }
0x292: {  	v46 =	vld [tilespmem:$0x10F0]  }
0x293: {  	v0 =	vadd.f32 v44, v0  }
0x294: {  	v47 =	vld [tilespmem:$0x1100]  }
0x295: {  	v0 =	vadd.f32 v45, v0  }
0x296: {  	v48 =	vld [tilespmem:$0x1110]  }
0x297: {  	v0 =	vadd.f32 v46, v0  }
0x298: {  	v49 =	vld [tilespmem:$0x1120]  }
0x299: {  	v0 =	vadd.f32 v47, v0  }
0x29a: {  	v50 =	vld [tilespmem:$0x1130]  }
0x29b: {  	v0 =	vadd.f32 v48, v0  }
0x29c: {  	v51 =	vld [tilespmem:$0x1140]  }
0x29d: {  	v0 =	vadd.f32 v49, v0  }
0x29e: {  	v52 =	vld [tilespmem:$0x1150]  }
0x29f: {  	v0 =	vadd.f32 v50, v0  }
0x2a0: {  	v53 =	vld [tilespmem:$0x1160]  }
0x2a1: {  	v0 =	vadd.f32 v51, v0  }
0x2a2: {  	v54 =	vld [tilespmem:$0x1170]  }
0x2a3: {  	v0 =	vadd.f32 v52, v0  }
0x2a4: {  	v55 =	vld [tilespmem:$0x1180]  }
0x2a5: {  	v0 =	vadd.f32 v53, v0;
	_ =	sdelay $0x1  }
0x2a6: {  	v0 =	vadd.f32 v54, v0;
	_ =	sdelay $0x1  }
0x2a7: {  	v0 =	vadd.f32 v55, v0  }
0x2a8: {  	vm0 =	vmmov $0x1  }
0x2a9: {  	vm10 =	vcmask $0x308;
	v56 =	vnsel vm0, $0x0, v0  }
0x2aa: {  	vm11 =	vcmask $0x70C;
	v57 =	vsel vm10, $0x0, v0;
	(xrf2) =	vadd.scan.msk.f32 $0xffff, v56  }
0x2ab: {  	v58 =	vsel vm11, $0x0, v0;
	(xrf2) =	vadd.scan.msk.f32 $0xffff, v57  }
0x2ac: {  	(xrf2) =	vadd.scan.msk.f32 $0xffff, v58;
	_ =	sdelay $0x2  }
0x2ad: {  	vm12 =	vcmask $0xB10  }
0x2ae: {  	v0 =	vsel vm12, $0x0, v0  }
0x2af: {  	(xrf2) =	vadd.scan.msk.f32 $0xffff, v0;
	_ =	sdelay $0x2  }
0x2b0: {  	v59, _, _ =	vpop (xrf2)  }
0x2b1: {  	v60, _, _ =	vpop (xrf2);
	(v2sf) =	vpush v59, $0xF  }
0x2b2: {  	v61, _, _ =	vpop (xrf2);
	(v2sf) =	vpush v60, $0xF  }
0x2b3: {  	(v2sf) =	vpush v61, $0xF;
	_ =	sdelay $0x3  }
0x2b4: {  	v62, _, _ =	vpop (xrf2)  }
0x2b5: {  	(v2sf) =	vpush v62, $0xF;
	_ =	sdelay $0x7  }
0x2b6: {  	s26 =	spop (v2sf)  }
0x2b7: {  	s28 =	spop (v2sf)  }
0x2b8: {  	s3 =	smul.f32 $5.000000000e+00, s26;
	s6 =	spop (v2sf)  }
0x2b9: {  	s6 =	smul.f32 $5.000000000e-01, s6;
	_ =	sdelay $0x1  }
0x2ba: {  	s3 =	smul.f32 $6.250000000e-02, s3;
	s4 =	sadd.f32 s6, s28  }
0x2bb: {  	_ = 	snop  }
0x2bc: {  	vm13 =	vcmask $0x300;
	s29 =	spop (v2sf);
	v63 =	vmov s3;
	s4 =	smul.f32 $6.250000000e-02, s4  }
0x2bd: {  	vm14 =	vcmask $0x704;
	s30 =	smul.f32 $6.250000000e-02, s29;
	v0 =	vnsel vm13, $0x0, v63  }
0x2be: {  	vm15 =	vcmask $0xB08;
	v0 =	vsel vm14, s4, v0  }
0x2bf: {  	v0 =	vsel vm15, s30, v0  }
0x2c0: {  	s1 =	sadd.s32 $0x1800, s1;
	s31 =	simm.s32 $0x1190;
	[tilespmem:$0x1190] =	vst v0  }
0x2c1: {  	[hbm4b:s1+s2] =	stream.linear.scatter [tilespmem:s31], [sflag:$0x3], $0x80, $0x38;
	[tilespmem:$0x1210] =	vst v63  }
0x2c2: {  	_ =	swait.ge [sflag:s5], $0x80  }
0x2c3: {  	[sflag:s5] =	ssyncset.done $0x0  }
0x2c4: {  	[sflag:s5] =	ssyncadd.s32 $0xFFFFFF80  }
0x2c5: {  	_ =	sfence.sel $0x180000  }
0x2c6: {  	[bflag:$0x0] =	sbarrier.arrive $0xFFFF  }
0x2c7: {  	_ =	strace $0x90000047  }
0x2c8: {  	s0 =	sadd.s32 $0x100000, s0;
	[bflag:$0x2] =	sbarrier.arrive $0xFFFF  }
0x2c9: {  	[sflag:s0] =	ssyncadd.tile.s32 $0x1;
	_ =	shalt  }
.Lfunc_end2:
_tile_overlayer_lowered:
.L_overlay_start_2:
0x2ca: {  	(tag) =	ssettag $0x2  }
0x2cb: {  	s0 =	rddreg [dreg:$0x0];
	s2 =	stileid.u32  }
0x2cc: {  	s1 =	rddreg [dreg:$0x1];
	p0 =	sne.s32 s2, $0x0  }
0x2cd: {  	s3 =	rddreg [dreg:$0x2];
	[bflag:$0x3] =	sbarrier.arrive $0xFFFF;
	s2 =	simm.s32 @!p0 $0x1C03  }
0x2ce: {  	[timem:s3], [sflag:s2] =	dma.local @!p0 [hbm:s0], s1  }
0x2cf: {  	s0 =	simm.s32 @!p0 $0x3  }
0x2d0: {  	_ =	swait.ge @!p0 [sflag:s0], s1  }
0x2d1: {  	s1 =	ssub.s32 @!p0 $0x0, s1;
	[sflag:s0] =	ssyncset.done @!p0 $0x0  }
0x2d2: {  	[sflag:s0] =	ssyncadd.s32 @!p0 s1  }
0x2d3: {  	[bflag:$0x3] =	sbarrier.arrive $0xFFFF  }
0x2d4: {  	_ =	shalt  }

</sc_bundles>
